<compile_context>
chip_gen: v7x
topology: tpu7x:2x2x1
jax: 0.10.2.dev20260603
libtpu: 0.0.44.dev20260713+nightly
codegen_flags: <defaults>
</compile_context>

<pallas_src>
import functools

import jax
import jax.numpy as jnp
from jax import lax
from jax.experimental import pallas as pl
from jax.experimental.pallas import tpu as pltpu
from jax.experimental.pallas import tpu_sc as plsc

N_NODES = 10000
N_EDGES = 320000
D_FEAT = 128
D_EDGE = 16

_NC = 2
_NS = 16
_NW = _NC * _NS
_PER_W = N_EDGES // _NW
_CH = 80
_ROWS_W = _PER_W // _CH
_SA = 43
_SB = 41
_CP = _CH // 2
_NP = N_EDGES // 2


def _tables_body(x_ref, ws_ref, wd_ref, b_ref, xs_ref, xd_ref):
    x = x_ref[...]
    xs_ref[...] = (
        jnp.dot(x, ws_ref[...], preferred_element_type=jnp.float32) + b_ref[...]
    )
    xd_ref[...] = jnp.dot(x, wd_ref[...], preferred_element_type=jnp.float32)


def _node_tables(x, ws, wd, b2d):
    return pl.pallas_call(
        _tables_body,
        out_shape=(
            jax.ShapeDtypeStruct((N_NODES, D_FEAT), jnp.float32),
            jax.ShapeDtypeStruct((N_NODES, D_FEAT), jnp.float32),
        ),
    )(x, ws, wd, b2d)


def _gather_add_body(
    xs_hbm, xd_hbm, src2_hbm, dst2_hbm, out_hbm,
    idx_s, idx_d,
    rsa, rda, oa, rsb, rdb, ob, rsc, rdc, oc,
    gsem_a, gsem_b, gsem_c,
    ssem_a, ssem_b, ssem_c,
):
    wid = lax.axis_index("s") * _NC + lax.axis_index("c")
    ebase = wid * _PER_W

    pltpu.sync_copy(src2_hbm.at[wid], idx_s)
    pltpu.sync_copy(dst2_hbm.at[wid], idx_d)

    def issue(r, rs, rd, gsem):
        pltpu.async_copy(xs_hbm.at[idx_s.at[r]], rs, gsem)
        pltpu.async_copy(xd_hbm.at[idx_d.at[r]], rd, gsem)

    def wait_gathers(rs, rd, gsem):
        pltpu.make_async_copy(xs_hbm.at[pl.ds(0, _CH)], rs, gsem).wait()
        pltpu.make_async_copy(xd_hbm.at[pl.ds(0, _CH)], rd, gsem).wait()

    def drain_store(o, ssem):
        pltpu.make_async_copy(o, out_hbm.at[pl.ds(0, _CP)], ssem).wait()

    u32 = jnp.uint32
    f32 = jnp.float32

    def rne_pack(a, b):
        ua = plsc.bitcast(a, u32)
        ub = plsc.bitcast(b, u32)
        blo = (ua + u32(0x7FFF) + ((ua >> 16) & u32(1))) >> 16
        bhi = (ub + u32(0x7FFF) + ((ub >> 16) & u32(1))) & u32(0xFFFF0000)
        return plsc.bitcast(blo | bhi, f32)

    def add_store(r, rs, rd, o, ssem):
        @plsc.parallel_loop(0, _CP, unroll=2)
        def _(q):
            for e in range(2):
                row = 2 * q + e
                for j in range(D_FEAT // 32):
                    sl = pl.ds(j * 16, 16)
                    sh = pl.ds(64 + j * 16, 16)
                    a = rs[row, sl] + rd[row, sl]
                    b = rs[row, sh] + rd[row, sh]
                    o[q, pl.ds(e * 64 + j * 16, 16)] = rne_pack(a, b)

        off = pl.multiple_of((ebase + r * _CH) // 2, 8)
        pltpu.async_copy(o, out_hbm.at[pl.ds(off, _CP)], ssem)

    streams = (
        (0, _SA, rsa, rda, oa, gsem_a, ssem_a),
        (_SA, _SB, rsb, rdb, ob, gsem_b, ssem_b),
        (_SA + _SB, _SB, rsc, rdc, oc, gsem_c, ssem_c),
    )

    for start, _, rs, rd, _, gsem, _ in streams:
        issue(start, rs, rd, gsem)

    def body(i, carry):
        for start, size, rs, rd, o, gsem, ssem in streams:
            wait_gathers(rs, rd, gsem)

            @pl.when(i > 0)
            def _():
                drain_store(o, ssem)

            add_store(start + i, rs, rd, o, ssem)
            issue(jnp.minimum(start + i + 1, start + size - 1), rs, rd, gsem)
        return carry

    lax.fori_loop(0, _SB, body, 0)

    wait_gathers(rsa, rda, gsem_a)
    drain_store(oa, ssem_a)
    add_store(_SB, rsa, rda, oa, ssem_a)
    issue(_SA - 1, rsa, rda, gsem_a)
    wait_gathers(rsa, rda, gsem_a)
    drain_store(oa, ssem_a)
    add_store(_SA - 1, rsa, rda, oa, ssem_a)
    drain_store(oa, ssem_a)
    for _, _, rs, rd, o, gsem, ssem in streams[1:]:
        wait_gathers(rs, rd, gsem)
        drain_store(o, ssem)


def _gather_add(xs, xd, src2, dst2):
    mesh = plsc.VectorSubcoreMesh(core_axis_name="c", subcore_axis_name="s")
    fn = functools.partial(
        pl.kernel,
        out_type=jax.ShapeDtypeStruct((_NP, D_FEAT), jnp.float32),
        mesh=mesh,
        compiler_params=pltpu.CompilerParams(needs_layout_passes=False),
        scratch_types=[
            pltpu.VMEM((_ROWS_W, _CH), jnp.int32),
            pltpu.VMEM((_ROWS_W, _CH), jnp.int32),
            pltpu.VMEM((_CH, D_FEAT), jnp.float32),
            pltpu.VMEM((_CH, D_FEAT), jnp.float32),
            pltpu.VMEM((_CP, D_FEAT), jnp.float32),
            pltpu.VMEM((_CH, D_FEAT), jnp.float32),
            pltpu.VMEM((_CH, D_FEAT), jnp.float32),
            pltpu.VMEM((_CP, D_FEAT), jnp.float32),
            pltpu.VMEM((_CH, D_FEAT), jnp.float32),
            pltpu.VMEM((_CH, D_FEAT), jnp.float32),
            pltpu.VMEM((_CP, D_FEAT), jnp.float32),
            pltpu.SemaphoreType.DMA,
            pltpu.SemaphoreType.DMA,
            pltpu.SemaphoreType.DMA,
            pltpu.SemaphoreType.DMA,
            pltpu.SemaphoreType.DMA,
            pltpu.SemaphoreType.DMA,
        ],
    )(_gather_add_body)
    return fn(xs, xd, src2, dst2)


_EBLK = 6400
_HBLK = _EBLK // 2


def _final_body(g_ref, ea_ref, we_ref, o_ref):
    acc = jnp.dot(ea_ref[...], we_ref[...], preferred_element_type=jnp.float32)
    w = lax.bitcast_convert_type(g_ref[...], jnp.uint32)
    lo = lax.bitcast_convert_type(w << 16, jnp.float32)
    hi = lax.bitcast_convert_type(w & jnp.uint32(0xFFFF0000), jnp.float32)
    e0 = jnp.concatenate([lo[:, :64], hi[:, :64]], axis=1)
    e1 = jnp.concatenate([lo[:, 64:], hi[:, 64:]], axis=1)
    g = jnp.stack([e0, e1], axis=1).reshape(_EBLK, D_FEAT)
    o_ref[...] = jnp.maximum(acc + g, 0.0)


def _final(g, edge_attr, we):
    grid = (N_EDGES // _EBLK,)
    return pl.pallas_call(
        _final_body,
        grid=grid,
        in_specs=[
            pl.BlockSpec((_HBLK, D_FEAT), lambda i: (i, 0)),
            pl.BlockSpec((_EBLK, D_EDGE), lambda i: (i, 0)),
            pl.BlockSpec((D_EDGE, D_FEAT), lambda i: (0, 0)),
        ],
        out_specs=pl.BlockSpec((_EBLK, D_FEAT), lambda i: (i, 0)),
        out_shape=jax.ShapeDtypeStruct((N_EDGES, D_FEAT), jnp.float32),
    )(g, edge_attr, we)


def kernel(x, edge_index, edge_attr, W, b):
    we = W[:D_EDGE]
    ws = W[D_EDGE : D_EDGE + D_FEAT]
    wd = W[D_EDGE + D_FEAT :]
    b2d = b.reshape(1, D_FEAT)
    src2 = edge_index[0].reshape(_NW, _ROWS_W, _CH)
    dst2 = edge_index[1].reshape(_NW, _ROWS_W, _CH)

    xs, xd = _node_tables(x, ws, wd, b2d)
    g = _gather_add(xs, xd, src2, dst2)
    return _final(g, edge_attr, we)

# --- scband reference (transcript-rebuilt; emitter-appended) ---
"""Pipeline reference for scband-edge-set-update-56186762167005 (READ-ONLY COPY).

The authoritative reference and input builder live on the scoring server;
editing this copy changes nothing except your own understanding.
"""

import jax, jax.numpy as jnp
import numpy as np

N_NODES = 10000
N_EDGES = 320000
D_FEAT = 128
D_EDGE = 16
UNITS = 128


def setup_inputs(seed: int = 0) -> dict:
    key = jax.random.key(seed)
    k1, k2, k3, k4 = jax.random.split(key, 4)
    x = jax.random.normal(k1, (N_NODES, D_FEAT), dtype=jnp.float32)
    edge_index = jax.random.randint(k2, (2, N_EDGES), 0, N_NODES, dtype=jnp.int32)
    edge_attr = jax.random.normal(k3, (N_EDGES, D_EDGE), dtype=jnp.float32)
    # NextStateFromConcat's inner Dense layer params:
    # input = concat([edge_state, source_node_state, target_node_state]) -> D_EDGE + 2*D_FEAT
    fan_in = D_EDGE + 2 * D_FEAT
    W = jax.random.normal(k4, (fan_in, UNITS), dtype=jnp.float32) * (1.0 / np.sqrt(fan_in))
    b = jnp.zeros((UNITS,), dtype=jnp.float32)
    return {"x": x, "edge_index": edge_index, "edge_attr": edge_attr, "W": W, "b": b}


def reference(x, edge_index, edge_attr, W, b):
    # EdgeSetUpdate.call:
    # 1) edge_input_feature -> edge_attr (the edge set's own state)
    # 2) broadcast_node_to_edges for SOURCE and TARGET tags -> gathers of node states
    # 3) context inputs -> empty dict (context_input_feature=None)
    # next_state = NextStateFromConcat(Dense(UNITS, relu)): concat all inputs, apply dense.
    src = edge_index[0]
    dst = edge_index[1]
    x_src = jnp.take(x, src, axis=0)   # broadcast_node_to_edges(graph, es, SOURCE)
    x_dst = jnp.take(x, dst, axis=0)   # broadcast_node_to_edges(graph, es, TARGET)
    feats = jnp.concatenate([edge_attr, x_src, x_dst], axis=-1)
    return jax.nn.relu(feats @ W + b)

if __name__ == "__main__":
    import jax
    _d = setup_inputs()
    print(jax.jit(kernel)(*tuple(_d.values())))

</pallas_src>

<mosaic_0001>
#map = affine_map<(d0, d1) -> (0, 0)>
#map1 = affine_map<(d0, d1) -> (0, 0, 0)>
module attributes {stable_mosaic.version = 14 : i64} {
  func.func @_gather_add_body(%arg0: i32, %arg1: i32, %arg2: memref<10000x128xf32, #tpu.memory_space<hbm>>, %arg3: memref<10000x128xf32, #tpu.memory_space<hbm>>, %arg4: memref<32x125x80xi32, #tpu.memory_space<hbm>>, %arg5: memref<32x125x80xi32, #tpu.memory_space<hbm>>, %arg6: memref<160000x128xf32, #tpu.memory_space<hbm>>, %arg7: memref<125x80xi32, #tpu.memory_space<vmem>>, %arg8: memref<125x80xi32, #tpu.memory_space<vmem>>, %arg9: memref<80x128xf32, #tpu.memory_space<vmem>>, %arg10: memref<80x128xf32, #tpu.memory_space<vmem>>, %arg11: memref<40x128xf32, #tpu.memory_space<vmem>>, %arg12: memref<80x128xf32, #tpu.memory_space<vmem>>, %arg13: memref<80x128xf32, #tpu.memory_space<vmem>>, %arg14: memref<40x128xf32, #tpu.memory_space<vmem>>, %arg15: memref<80x128xf32, #tpu.memory_space<vmem>>, %arg16: memref<80x128xf32, #tpu.memory_space<vmem>>, %arg17: memref<40x128xf32, #tpu.memory_space<vmem>>, %arg18: memref<!tpu.dma_semaphore, #tpu.memory_space<semaphore_mem>>, %arg19: memref<!tpu.dma_semaphore, #tpu.memory_space<semaphore_mem>>, %arg20: memref<!tpu.dma_semaphore, #tpu.memory_space<semaphore_mem>>, %arg21: memref<!tpu.dma_semaphore, #tpu.memory_space<semaphore_mem>>, %arg22: memref<!tpu.dma_semaphore, #tpu.memory_space<semaphore_mem>>, %arg23: memref<!tpu.dma_semaphore, #tpu.memory_space<semaphore_mem>>) attributes {dimension_semantics = [#tpu.dimension_semantics<core_parallel>, #tpu.dimension_semantics<subcore_parallel>], iteration_bounds = array<i64: 2, 16>, scalar_prefetch = 0 : i64, scratch_operands = 17 : i64, tpu.core_type = #tpu.core_type<sc_vector_subcore>, window_params = [{transform_indices = #map}, {transform_indices = #map}, {transform_indices = #map1}, {transform_indices = #map1}, {transform_indices = #map}]} {
    %mul3A = arith.constant 2 : i32
    %mul3A_0 = arith.muli %arg1, %mul3A : i32
    %add3A = arith.addi %mul3A_0, %arg0 : i32
    %mul3A_1 = arith.constant 10000 : i32
    %mul3A_2 = arith.muli %add3A, %mul3A_1 : i32
    "tpu.region"() ({
      %run_scoped3A = tpu.sem_alloc : memref<!tpu.dma_semaphore, #tpu.memory_space<semaphore_mem>>
      %dma_start3A_198 = arith.constant 0 : i32
      %dma_start3A_199 = arith.constant 0 : i32
      %dma_start3A_200 = tpu.memref_slice %arg4[%add3A, %dma_start3A_198, %dma_start3A_199] : memref<32x125x80xi32, #tpu.memory_space<hbm>> -> memref<1x125x80xi32, #tpu.memory_space<hbm>>
      %dma_start3A_201 = tpu.memref_squeeze %dma_start3A_200 : memref<1x125x80xi32, #tpu.memory_space<hbm>> -> memref<125x80xi32, #tpu.memory_space<hbm>>
      %dma_start3A_202 = arith.constant 0 : i32
      %dma_start3A_203 = arith.constant 0 : i32
      %dma_start3A_204 = tpu.memref_slice %arg4[%add3A, %dma_start3A_202, %dma_start3A_203] : memref<32x125x80xi32, #tpu.memory_space<hbm>> -> memref<1x125x80xi32, #tpu.memory_space<hbm>>
      %dma_start3A_205 = tpu.memref_squeeze %dma_start3A_204 : memref<1x125x80xi32, #tpu.memory_space<hbm>> -> memref<125x80xi32, #tpu.memory_space<hbm>>
      tpu.enqueue_dma source(%dma_start3A_205 : memref<125x80xi32, #tpu.memory_space<hbm>>) target(%arg7 : memref<125x80xi32, #tpu.memory_space<vmem>>) target_semaphore(%run_scoped3A : memref<!tpu.dma_semaphore, #tpu.memory_space<semaphore_mem>>)
      %dma_wait3A_206 = arith.constant 0 : i32
      %dma_wait3A_207 = arith.constant 0 : i32
      %dma_wait3A_208 = tpu.memref_slice %arg4[%add3A, %dma_wait3A_206, %dma_wait3A_207] : memref<32x125x80xi32, #tpu.memory_space<hbm>> -> memref<1x125x80xi32, #tpu.memory_space<hbm>>
      %dma_wait3A_209 = tpu.memref_squeeze %dma_wait3A_208 : memref<1x125x80xi32, #tpu.memory_space<hbm>> -> memref<125x80xi32, #tpu.memory_space<hbm>>
      %dma_wait3A_210 = arith.constant 0 : i32
      %dma_wait3A_211 = arith.constant 0 : i32
      %dma_wait3A_212 = tpu.memref_slice %arg4[%add3A, %dma_wait3A_210, %dma_wait3A_211] : memref<32x125x80xi32, #tpu.memory_space<hbm>> -> memref<1x125x80xi32, #tpu.memory_space<hbm>>
      %dma_wait3A_213 = tpu.memref_squeeze %dma_wait3A_212 : memref<1x125x80xi32, #tpu.memory_space<hbm>> -> memref<125x80xi32, #tpu.memory_space<hbm>>
      tpu.wait_dma2 semaphore(%run_scoped3A : memref<!tpu.dma_semaphore, #tpu.memory_space<semaphore_mem>>) src(%dma_wait3A_213 : memref<125x80xi32, #tpu.memory_space<hbm>>) dst(%arg7 : memref<125x80xi32, #tpu.memory_space<vmem>>)
      tpu.yield
    }) : () -> ()
    "tpu.region"() ({
      %run_scoped3A = tpu.sem_alloc : memref<!tpu.dma_semaphore, #tpu.memory_space<semaphore_mem>>
      %dma_start3A_198 = arith.constant 0 : i32
      %dma_start3A_199 = arith.constant 0 : i32
      %dma_start3A_200 = tpu.memref_slice %arg5[%add3A, %dma_start3A_198, %dma_start3A_199] : memref<32x125x80xi32, #tpu.memory_space<hbm>> -> memref<1x125x80xi32, #tpu.memory_space<hbm>>
      %dma_start3A_201 = tpu.memref_squeeze %dma_start3A_200 : memref<1x125x80xi32, #tpu.memory_space<hbm>> -> memref<125x80xi32, #tpu.memory_space<hbm>>
      %dma_start3A_202 = arith.constant 0 : i32
      %dma_start3A_203 = arith.constant 0 : i32
      %dma_start3A_204 = tpu.memref_slice %arg5[%add3A, %dma_start3A_202, %dma_start3A_203] : memref<32x125x80xi32, #tpu.memory_space<hbm>> -> memref<1x125x80xi32, #tpu.memory_space<hbm>>
      %dma_start3A_205 = tpu.memref_squeeze %dma_start3A_204 : memref<1x125x80xi32, #tpu.memory_space<hbm>> -> memref<125x80xi32, #tpu.memory_space<hbm>>
      tpu.enqueue_dma source(%dma_start3A_205 : memref<125x80xi32, #tpu.memory_space<hbm>>) target(%arg8 : memref<125x80xi32, #tpu.memory_space<vmem>>) target_semaphore(%run_scoped3A : memref<!tpu.dma_semaphore, #tpu.memory_space<semaphore_mem>>)
      %dma_wait3A_206 = arith.constant 0 : i32
      %dma_wait3A_207 = arith.constant 0 : i32
      %dma_wait3A_208 = tpu.memref_slice %arg5[%add3A, %dma_wait3A_206, %dma_wait3A_207] : memref<32x125x80xi32, #tpu.memory_space<hbm>> -> memref<1x125x80xi32, #tpu.memory_space<hbm>>
      %dma_wait3A_209 = tpu.memref_squeeze %dma_wait3A_208 : memref<1x125x80xi32, #tpu.memory_space<hbm>> -> memref<125x80xi32, #tpu.memory_space<hbm>>
      %dma_wait3A_210 = arith.constant 0 : i32
      %dma_wait3A_211 = arith.constant 0 : i32
      %dma_wait3A_212 = tpu.memref_slice %arg5[%add3A, %dma_wait3A_210, %dma_wait3A_211] : memref<32x125x80xi32, #tpu.memory_space<hbm>> -> memref<1x125x80xi32, #tpu.memory_space<hbm>>
      %dma_wait3A_213 = tpu.memref_squeeze %dma_wait3A_212 : memref<1x125x80xi32, #tpu.memory_space<hbm>> -> memref<125x80xi32, #tpu.memory_space<hbm>>
      tpu.wait_dma2 semaphore(%run_scoped3A : memref<!tpu.dma_semaphore, #tpu.memory_space<semaphore_mem>>) src(%dma_wait3A_213 : memref<125x80xi32, #tpu.memory_space<hbm>>) dst(%arg8 : memref<125x80xi32, #tpu.memory_space<vmem>>)
      tpu.yield
    }) : () -> ()
    %dma_start3A = arith.constant 0 : i32
    %dma_start3A_3 = arith.constant 0 : i32
    %dma_start3A_4 = tpu.memref_slice %arg7[%dma_start3A, %dma_start3A_3] : memref<125x80xi32, #tpu.memory_space<vmem>> -> memref<1x80xi32, #tpu.memory_space<vmem>>
    %dma_start3A_5 = tpu.memref_squeeze %dma_start3A_4 : memref<1x80xi32, #tpu.memory_space<vmem>> -> memref<80xi32, #tpu.memory_space<vmem>>
    %dma_start3A_6 = arith.constant 0 : i32
    %dma_start3A_7 = arith.constant 0 : i32
    %dma_start3A_8 = tpu.memref_slice %arg2[%dma_start3A_6, %dma_start3A_7] : memref<10000x128xf32, #tpu.memory_space<hbm>> -> memref<10000x128xf32, #tpu.memory_space<hbm>>
    tpu.enqueue_indirect_dma source(%dma_start3A_8 : memref<10000x128xf32, #tpu.memory_space<hbm>>) target(%arg9 : memref<80x128xf32, #tpu.memory_space<vmem>>) offsets(%dma_start3A_5 : memref<80xi32, #tpu.memory_space<vmem>>) semaphore(%arg18 : memref<!tpu.dma_semaphore, #tpu.memory_space<semaphore_mem>>)
    %dma_start3A_9 = arith.constant 0 : i32
    %dma_start3A_10 = arith.constant 0 : i32
    %dma_start3A_11 = tpu.memref_slice %arg8[%dma_start3A_9, %dma_start3A_10] : memref<125x80xi32, #tpu.memory_space<vmem>> -> memref<1x80xi32, #tpu.memory_space<vmem>>
    %dma_start3A_12 = tpu.memref_squeeze %dma_start3A_11 : memref<1x80xi32, #tpu.memory_space<vmem>> -> memref<80xi32, #tpu.memory_space<vmem>>
    %dma_start3A_13 = arith.constant 0 : i32
    %dma_start3A_14 = arith.constant 0 : i32
    %dma_start3A_15 = tpu.memref_slice %arg3[%dma_start3A_13, %dma_start3A_14] : memref<10000x128xf32, #tpu.memory_space<hbm>> -> memref<10000x128xf32, #tpu.memory_space<hbm>>
    tpu.enqueue_indirect_dma source(%dma_start3A_15 : memref<10000x128xf32, #tpu.memory_space<hbm>>) target(%arg10 : memref<80x128xf32, #tpu.memory_space<vmem>>) offsets(%dma_start3A_12 : memref<80xi32, #tpu.memory_space<vmem>>) semaphore(%arg18 : memref<!tpu.dma_semaphore, #tpu.memory_space<semaphore_mem>>)
    %dma_start3A_16 = arith.constant 43 : i32
    %dma_start3A_17 = arith.constant 0 : i32
    %dma_start3A_18 = tpu.memref_slice %arg7[%dma_start3A_16, %dma_start3A_17] : memref<125x80xi32, #tpu.memory_space<vmem>> -> memref<1x80xi32, #tpu.memory_space<vmem>>
    %dma_start3A_19 = tpu.memref_squeeze %dma_start3A_18 : memref<1x80xi32, #tpu.memory_space<vmem>> -> memref<80xi32, #tpu.memory_space<vmem>>
    %dma_start3A_20 = arith.constant 0 : i32
    %dma_start3A_21 = arith.constant 0 : i32
    %dma_start3A_22 = tpu.memref_slice %arg2[%dma_start3A_20, %dma_start3A_21] : memref<10000x128xf32, #tpu.memory_space<hbm>> -> memref<10000x128xf32, #tpu.memory_space<hbm>>
    tpu.enqueue_indirect_dma source(%dma_start3A_22 : memref<10000x128xf32, #tpu.memory_space<hbm>>) target(%arg12 : memref<80x128xf32, #tpu.memory_space<vmem>>) offsets(%dma_start3A_19 : memref<80xi32, #tpu.memory_space<vmem>>) semaphore(%arg19 : memref<!tpu.dma_semaphore, #tpu.memory_space<semaphore_mem>>)
    %dma_start3A_23 = arith.constant 43 : i32
    %dma_start3A_24 = arith.constant 0 : i32
    %dma_start3A_25 = tpu.memref_slice %arg8[%dma_start3A_23, %dma_start3A_24] : memref<125x80xi32, #tpu.memory_space<vmem>> -> memref<1x80xi32, #tpu.memory_space<vmem>>
    %dma_start3A_26 = tpu.memref_squeeze %dma_start3A_25 : memref<1x80xi32, #tpu.memory_space<vmem>> -> memref<80xi32, #tpu.memory_space<vmem>>
    %dma_start3A_27 = arith.constant 0 : i32
    %dma_start3A_28 = arith.constant 0 : i32
    %dma_start3A_29 = tpu.memref_slice %arg3[%dma_start3A_27, %dma_start3A_28] : memref<10000x128xf32, #tpu.memory_space<hbm>> -> memref<10000x128xf32, #tpu.memory_space<hbm>>
    tpu.enqueue_indirect_dma source(%dma_start3A_29 : memref<10000x128xf32, #tpu.memory_space<hbm>>) target(%arg13 : memref<80x128xf32, #tpu.memory_space<vmem>>) offsets(%dma_start3A_26 : memref<80xi32, #tpu.memory_space<vmem>>) semaphore(%arg19 : memref<!tpu.dma_semaphore, #tpu.memory_space<semaphore_mem>>)
    %dma_start3A_30 = arith.constant 84 : i32
    %dma_start3A_31 = arith.constant 0 : i32
    %dma_start3A_32 = tpu.memref_slice %arg7[%dma_start3A_30, %dma_start3A_31] : memref<125x80xi32, #tpu.memory_space<vmem>> -> memref<1x80xi32, #tpu.memory_space<vmem>>
    %dma_start3A_33 = tpu.memref_squeeze %dma_start3A_32 : memref<1x80xi32, #tpu.memory_space<vmem>> -> memref<80xi32, #tpu.memory_space<vmem>>
    %dma_start3A_34 = arith.constant 0 : i32
    %dma_start3A_35 = arith.constant 0 : i32
    %dma_start3A_36 = tpu.memref_slice %arg2[%dma_start3A_34, %dma_start3A_35] : memref<10000x128xf32, #tpu.memory_space<hbm>> -> memref<10000x128xf32, #tpu.memory_space<hbm>>
    tpu.enqueue_indirect_dma source(%dma_start3A_36 : memref<10000x128xf32, #tpu.memory_space<hbm>>) target(%arg15 : memref<80x128xf32, #tpu.memory_space<vmem>>) offsets(%dma_start3A_33 : memref<80xi32, #tpu.memory_space<vmem>>) semaphore(%arg20 : memref<!tpu.dma_semaphore, #tpu.memory_space<semaphore_mem>>)
    %dma_start3A_37 = arith.constant 84 : i32
    %dma_start3A_38 = arith.constant 0 : i32
    %dma_start3A_39 = tpu.memref_slice %arg8[%dma_start3A_37, %dma_start3A_38] : memref<125x80xi32, #tpu.memory_space<vmem>> -> memref<1x80xi32, #tpu.memory_space<vmem>>
    %dma_start3A_40 = tpu.memref_squeeze %dma_start3A_39 : memref<1x80xi32, #tpu.memory_space<vmem>> -> memref<80xi32, #tpu.memory_space<vmem>>
    %dma_start3A_41 = arith.constant 0 : i32
    %dma_start3A_42 = arith.constant 0 : i32
    %dma_start3A_43 = tpu.memref_slice %arg3[%dma_start3A_41, %dma_start3A_42] : memref<10000x128xf32, #tpu.memory_space<hbm>> -> memref<10000x128xf32, #tpu.memory_space<hbm>>
    tpu.enqueue_indirect_dma source(%dma_start3A_43 : memref<10000x128xf32, #tpu.memory_space<hbm>>) target(%arg16 : memref<80x128xf32, #tpu.memory_space<vmem>>) offsets(%dma_start3A_40 : memref<80xi32, #tpu.memory_space<vmem>>) semaphore(%arg20 : memref<!tpu.dma_semaphore, #tpu.memory_space<semaphore_mem>>)
    %scan3A = arith.constant 0 : i32
    %scan3A_44 = arith.constant 0 : i32
    %scan3A_45 = arith.constant 41 : i32
    %scan3A_46 = arith.addi %scan3A_44, %scan3A_45 : i32
    %scan3A_47 = arith.constant 1 : i32
    scf.for %scan3A_198 = %scan3A_44 to %scan3A_46 step %scan3A_47  : i32 {
      %dma_wait3A_199 = arith.constant 0 : i32
      %dma_wait3A_200 = arith.constant 0 : i32
      %dma_wait3A_201 = tpu.memref_slice %arg2[%dma_wait3A_199, %dma_wait3A_200] : memref<10000x128xf32, #tpu.memory_space<hbm>> -> memref<80x128xf32, #tpu.memory_space<hbm>>
      %dma_wait3A_202 = arith.constant 0 : i32
      %dma_wait3A_203 = arith.constant 0 : i32
      %dma_wait3A_204 = tpu.memref_slice %arg2[%dma_wait3A_202, %dma_wait3A_203] : memref<10000x128xf32, #tpu.memory_space<hbm>> -> memref<80x128xf32, #tpu.memory_space<hbm>>
      tpu.wait_dma2 semaphore(%arg18 : memref<!tpu.dma_semaphore, #tpu.memory_space<semaphore_mem>>) src(%dma_wait3A_204 : memref<80x128xf32, #tpu.memory_space<hbm>>) dst(%arg9 : memref<80x128xf32, #tpu.memory_space<vmem>>)
      %dma_wait3A_205 = arith.constant 0 : i32
      %dma_wait3A_206 = arith.constant 0 : i32
      %dma_wait3A_207 = tpu.memref_slice %arg3[%dma_wait3A_205, %dma_wait3A_206] : memref<10000x128xf32, #tpu.memory_space<hbm>> -> memref<80x128xf32, #tpu.memory_space<hbm>>
      %dma_wait3A_208 = arith.constant 0 : i32
      %dma_wait3A_209 = arith.constant 0 : i32
      %dma_wait3A_210 = tpu.memref_slice %arg3[%dma_wait3A_208, %dma_wait3A_209] : memref<10000x128xf32, #tpu.memory_space<hbm>> -> memref<80x128xf32, #tpu.memory_space<hbm>>
      tpu.wait_dma2 semaphore(%arg18 : memref<!tpu.dma_semaphore, #tpu.memory_space<semaphore_mem>>) src(%dma_wait3A_210 : memref<80x128xf32, #tpu.memory_space<hbm>>) dst(%arg10 : memref<80x128xf32, #tpu.memory_space<vmem>>)
      %gt3A = arith.constant 0 : i32
      %gt3A_211 = arith.cmpi sgt, %scan3A_198, %gt3A : i32
      %convert_element_type3A = arith.extui %gt3A_211 : i1 to i32
      %cond3A = arith.constant 0 : i32
      %cond3A_212 = arith.cmpi ne, %convert_element_type3A, %cond3A : i32
      scf.if %cond3A_212 {
        %dma_wait3A_411 = arith.constant 0 : i32
        %dma_wait3A_412 = arith.constant 0 : i32
        %dma_wait3A_413 = tpu.memref_slice %arg6[%dma_wait3A_411, %dma_wait3A_412] : memref<160000x128xf32, #tpu.memory_space<hbm>> -> memref<40x128xf32, #tpu.memory_space<hbm>>
        %dma_wait3A_414 = arith.constant 0 : i32
        %dma_wait3A_415 = arith.constant 0 : i32
        %dma_wait3A_416 = tpu.memref_slice %arg6[%dma_wait3A_414, %dma_wait3A_415] : memref<160000x128xf32, #tpu.memory_space<hbm>> -> memref<40x128xf32, #tpu.memory_space<hbm>>
        tpu.wait_dma2 semaphore(%arg21 : memref<!tpu.dma_semaphore, #tpu.memory_space<semaphore_mem>>) src(%arg11 : memref<40x128xf32, #tpu.memory_space<vmem>>) dst(%dma_wait3A_416 : memref<40x128xf32, #tpu.memory_space<hbm>>)
      } else {
      }
      %add3A_213 = arith.constant 0 : i32
      %add3A_214 = arith.addi %add3A_213, %scan3A_198 : i32
      %parallel_loop3A_215 = arith.constant 0 : i32
      %parallel_loop3A_216 = arith.constant 40 : i32
      %parallel_loop3A_217 = arith.constant 1 : i32
      scf.for %parallel_loop3A_411 = %parallel_loop3A_215 to %parallel_loop3A_216 step %parallel_loop3A_217  : i32 {
        %parallel_loop3A_412 = arith.constant 2 : i32
        %parallel_loop3A_413 = arith.muli %parallel_loop3A_412, %parallel_loop3A_411 : i32
        %parallel_loop3A_414 = arith.constant 0 : i32
        %parallel_loop3A_415 = arith.addi %parallel_loop3A_413, %parallel_loop3A_414 : i32
        %parallel_loop3A_416 = arith.index_cast %parallel_loop3A_415 : i32 to index
        %parallel_loop3A_417 = arith.constant 0 : index
        %parallel_loop3A_418 = tpu.vector_load %arg9[%parallel_loop3A_416, %parallel_loop3A_417] {strides = array<i32>} : memref<80x128xf32, #tpu.memory_space<vmem>>, vector<16xf32>,
        %parallel_loop3A_419 = arith.index_cast %parallel_loop3A_415 : i32 to index
        %parallel_loop3A_420 = arith.constant 0 : index
        %parallel_loop3A_421 = tpu.vector_load %arg10[%parallel_loop3A_419, %parallel_loop3A_420] {strides = array<i32>} : memref<80x128xf32, #tpu.memory_space<vmem>>, vector<16xf32>,
        %parallel_loop3A_422 = arith.addf %parallel_loop3A_418, %parallel_loop3A_421 : vector<16xf32>
        %parallel_loop3A_423 = arith.index_cast %parallel_loop3A_415 : i32 to index
        %parallel_loop3A_424 = arith.constant 64 : index
        %parallel_loop3A_425 = tpu.vector_load %arg9[%parallel_loop3A_423, %parallel_loop3A_424] {strides = array<i32>} : memref<80x128xf32, #tpu.memory_space<vmem>>, vector<16xf32>,
        %parallel_loop3A_426 = arith.index_cast %parallel_loop3A_415 : i32 to index
        %parallel_loop3A_427 = arith.constant 64 : index
        %parallel_loop3A_428 = tpu.vector_load %arg10[%parallel_loop3A_426, %parallel_loop3A_427] {strides = array<i32>} : memref<80x128xf32, #tpu.memory_space<vmem>>, vector<16xf32>,
        %parallel_loop3A_429 = arith.addf %parallel_loop3A_425, %parallel_loop3A_428 : vector<16xf32>
        %parallel_loop3A_430 = vector.bitcast %parallel_loop3A_422 : vector<16xf32> to vector<16xi32>
        %parallel_loop3A_431 = vector.bitcast %parallel_loop3A_429 : vector<16xf32> to vector<16xi32>
        %parallel_loop3A_432 = arith.constant 32767 : i32
        %parallel_loop3A_433 = vector.broadcast %parallel_loop3A_432 : i32 to vector<16xi32>
        %parallel_loop3A_434 = arith.addi %parallel_loop3A_430, %parallel_loop3A_433 : vector<16xi32>
        %parallel_loop3A_435 = arith.constant 16 : i32
        %parallel_loop3A_436 = vector.broadcast %parallel_loop3A_435 : i32 to vector<16xi32>
        %parallel_loop3A_437 = arith.shrui %parallel_loop3A_430, %parallel_loop3A_436 : vector<16xi32>
        %parallel_loop3A_438 = arith.constant 1 : i32
        %parallel_loop3A_439 = vector.broadcast %parallel_loop3A_438 : i32 to vector<16xi32>
        %parallel_loop3A_440 = arith.andi %parallel_loop3A_437, %parallel_loop3A_439 : vector<16xi32>
        %parallel_loop3A_441 = arith.addi %parallel_loop3A_434, %parallel_loop3A_440 : vector<16xi32>
        %parallel_loop3A_442 = arith.constant 16 : i32
        %parallel_loop3A_443 = vector.broadcast %parallel_loop3A_442 : i32 to vector<16xi32>
        %parallel_loop3A_444 = arith.shrui %parallel_loop3A_441, %parallel_loop3A_443 : vector<16xi32>
        %parallel_loop3A_445 = arith.constant 32767 : i32
        %parallel_loop3A_446 = vector.broadcast %parallel_loop3A_445 : i32 to vector<16xi32>
        %parallel_loop3A_447 = arith.addi %parallel_loop3A_431, %parallel_loop3A_446 : vector<16xi32>
        %parallel_loop3A_448 = arith.constant 16 : i32
        %parallel_loop3A_449 = vector.broadcast %parallel_loop3A_448 : i32 to vector<16xi32>
        %parallel_loop3A_450 = arith.shrui %parallel_loop3A_431, %parallel_loop3A_449 : vector<16xi32>
        %parallel_loop3A_451 = arith.constant 1 : i32
        %parallel_loop3A_452 = vector.broadcast %parallel_loop3A_451 : i32 to vector<16xi32>
        %parallel_loop3A_453 = arith.andi %parallel_loop3A_450, %parallel_loop3A_452 : vector<16xi32>
        %parallel_loop3A_454 = arith.addi %parallel_loop3A_447, %parallel_loop3A_453 : vector<16xi32>
        %parallel_loop3A_455 = arith.constant -65536 : i32
        %parallel_loop3A_456 = vector.broadcast %parallel_loop3A_455 : i32 to vector<16xi32>
        %parallel_loop3A_457 = arith.andi %parallel_loop3A_454, %parallel_loop3A_456 : vector<16xi32>
        %parallel_loop3A_458 = arith.ori %parallel_loop3A_444, %parallel_loop3A_457 : vector<16xi32>
        %parallel_loop3A_459 = vector.bitcast %parallel_loop3A_458 : vector<16xi32> to vector<16xf32>
        %parallel_loop3A_460 = arith.index_cast %parallel_loop3A_411 : i32 to index
        %parallel_loop3A_461 = arith.constant 0 : index
        %parallel_loop3A_462 = tpu.vector_load %arg11[%parallel_loop3A_460, %parallel_loop3A_461] {strides = array<i32>} : memref<40x128xf32, #tpu.memory_space<vmem>>, vector<16xf32>,
        tpu.vector_store %arg11[%parallel_loop3A_460, %parallel_loop3A_461], %parallel_loop3A_459 {strides = array<i32>} : memref<40x128xf32, #tpu.memory_space<vmem>>, vector<16xf32>,
        %parallel_loop3A_463 = arith.index_cast %parallel_loop3A_415 : i32 to index
        %parallel_loop3A_464 = arith.constant 16 : index
        %parallel_loop3A_465 = tpu.vector_load %arg9[%parallel_loop3A_463, %parallel_loop3A_464] {strides = array<i32>} : memref<80x128xf32, #tpu.memory_space<vmem>>, vector<16xf32>,
        %parallel_loop3A_466 = arith.index_cast %parallel_loop3A_415 : i32 to index
        %parallel_loop3A_467 = arith.constant 16 : index
        %parallel_loop3A_468 = tpu.vector_load %arg10[%parallel_loop3A_466, %parallel_loop3A_467] {strides = array<i32>} : memref<80x128xf32, #tpu.memory_space<vmem>>, vector<16xf32>,
        %parallel_loop3A_469 = arith.addf %parallel_loop3A_465, %parallel_loop3A_468 : vector<16xf32>
        %parallel_loop3A_470 = arith.index_cast %parallel_loop3A_415 : i32 to index
        %parallel_loop3A_471 = arith.constant 80 : index
        %parallel_loop3A_472 = tpu.vector_load %arg9[%parallel_loop3A_470, %parallel_loop3A_471] {strides = array<i32>} : memref<80x128xf32, #tpu.memory_space<vmem>>, vector<16xf32>,
        %parallel_loop3A_473 = arith.index_cast %parallel_loop3A_415 : i32 to index
        %parallel_loop3A_474 = arith.constant 80 : index
        %parallel_loop3A_475 = tpu.vector_load %arg10[%parallel_loop3A_473, %parallel_loop3A_474] {strides = array<i32>} : memref<80x128xf32, #tpu.memory_space<vmem>>, vector<16xf32>,
        %parallel_loop3A_476 = arith.addf %parallel_loop3A_472, %parallel_loop3A_475 : vector<16xf32>
        %parallel_loop3A_477 = vector.bitcast %parallel_loop3A_469 : vector<16xf32> to vector<16xi32>
        %parallel_loop3A_478 = vector.bitcast %parallel_loop3A_476 : vector<16xf32> to vector<16xi32>
        %parallel_loop3A_479 = arith.constant 32767 : i32
        %parallel_loop3A_480 = vector.broadcast %parallel_loop3A_479 : i32 to vector<16xi32>
        %parallel_loop3A_481 = arith.addi %parallel_loop3A_477, %parallel_loop3A_480 : vector<16xi32>
        %parallel_loop3A_482 = arith.constant 16 : i32
        %parallel_loop3A_483 = vector.broadcast %parallel_loop3A_482 : i32 to vector<16xi32>
        %parallel_loop3A_484 = arith.shrui %parallel_loop3A_477, %parallel_loop3A_483 : vector<16xi32>
        %parallel_loop3A_485 = arith.constant 1 : i32
        %parallel_loop3A_486 = vector.broadcast %parallel_loop3A_485 : i32 to vector<16xi32>
        %parallel_loop3A_487 = arith.andi %parallel_loop3A_484, %parallel_loop3A_486 : vector<16xi32>
        %parallel_loop3A_488 = arith.addi %parallel_loop3A_481, %parallel_loop3A_487 : vector<16xi32>
        %parallel_loop3A_489 = arith.constant 16 : i32
        %parallel_loop3A_490 = vector.broadcast %parallel_loop3A_489 : i32 to vector<16xi32>
        %parallel_loop3A_491 = arith.shrui %parallel_loop3A_488, %parallel_loop3A_490 : vector<16xi32>
        %parallel_loop3A_492 = arith.constant 32767 : i32
        %parallel_loop3A_493 = vector.broadcast %parallel_loop3A_492 : i32 to vector<16xi32>
        %parallel_loop3A_494 = arith.addi %parallel_loop3A_478, %parallel_loop3A_493 : vector<16xi32>
        %parallel_loop3A_495 = arith.constant 16 : i32
        %parallel_loop3A_496 = vector.broadcast %parallel_loop3A_495 : i32 to vector<16xi32>
        %parallel_loop3A_497 = arith.shrui %parallel_loop3A_478, %parallel_loop3A_496 : vector<16xi32>
        %parallel_loop3A_498 = arith.constant 1 : i32
        %parallel_loop3A_499 = vector.broadcast %parallel_loop3A_498 : i32 to vector<16xi32>
        %parallel_loop3A_500 = arith.andi %parallel_loop3A_497, %parallel_loop3A_499 : vector<16xi32>
        %parallel_loop3A_501 = arith.addi %parallel_loop3A_494, %parallel_loop3A_500 : vector<16xi32>
        %parallel_loop3A_502 = arith.constant -65536 : i32
        %parallel_loop3A_503 = vector.broadcast %parallel_loop3A_502 : i32 to vector<16xi32>
        %parallel_loop3A_504 = arith.andi %parallel_loop3A_501, %parallel_loop3A_503 : vector<16xi32>
        %parallel_loop3A_505 = arith.ori %parallel_loop3A_491, %parallel_loop3A_504 : vector<16xi32>
        %parallel_loop3A_506 = vector.bitcast %parallel_loop3A_505 : vector<16xi32> to vector<16xf32>
        %parallel_loop3A_507 = arith.index_cast %parallel_loop3A_411 : i32 to index
        %parallel_loop3A_508 = arith.constant 16 : index
        %parallel_loop3A_509 = tpu.vector_load %arg11[%parallel_loop3A_507, %parallel_loop3A_508] {strides = array<i32>} : memref<40x128xf32, #tpu.memory_space<vmem>>, vector<16xf32>,
        tpu.vector_store %arg11[%parallel_loop3A_507, %parallel_loop3A_508], %parallel_loop3A_506 {strides = array<i32>} : memref<40x128xf32, #tpu.memory_space<vmem>>, vector<16xf32>,
        %parallel_loop3A_510 = arith.index_cast %parallel_loop3A_415 : i32 to index
        %parallel_loop3A_511 = arith.constant 32 : index
        %parallel_loop3A_512 = tpu.vector_load %arg9[%parallel_loop3A_510, %parallel_loop3A_511] {strides = array<i32>} : memref<80x128xf32, #tpu.memory_space<vmem>>, vector<16xf32>,
        %parallel_loop3A_513 = arith.index_cast %parallel_loop3A_415 : i32 to index
        %parallel_loop3A_514 = arith.constant 32 : index
        %parallel_loop3A_515 = tpu.vector_load %arg10[%parallel_loop3A_513, %parallel_loop3A_514] {strides = array<i32>} : memref<80x128xf32, #tpu.memory_space<vmem>>, vector<16xf32>,
        %parallel_loop3A_516 = arith.addf %parallel_loop3A_512, %parallel_loop3A_515 : vector<16xf32>
        %parallel_loop3A_517 = arith.index_cast %parallel_loop3A_415 : i32 to index
        %parallel_loop3A_518 = arith.constant 96 : index
        %parallel_loop3A_519 = tpu.vector_load %arg9[%parallel_loop3A_517, %parallel_loop3A_518] {strides = array<i32>} : memref<80x128xf32, #tpu.memory_space<vmem>>, vector<16xf32>,
        %parallel_loop3A_520 = arith.index_cast %parallel_loop3A_415 : i32 to index
        %parallel_loop3A_521 = arith.constant 96 : index
        %parallel_loop3A_522 = tpu.vector_load %arg10[%parallel_loop3A_520, %parallel_loop3A_521] {strides = array<i32>} : memref<80x128xf32, #tpu.memory_space<vmem>>, vector<16xf32>,
        %parallel_loop3A_523 = arith.addf %parallel_loop3A_519, %parallel_loop3A_522 : vector<16xf32>
        %parallel_loop3A_524 = vector.bitcast %parallel_loop3A_516 : vector<16xf32> to vector<16xi32>
        %parallel_loop3A_525 = vector.bitcast %parallel_loop3A_523 : vector<16xf32> to vector<16xi32>
        %parallel_loop3A_526 = arith.constant 32767 : i32
        %parallel_loop3A_527 = vector.broadcast %parallel_loop3A_526 : i32 to vector<16xi32>
        %parallel_loop3A_528 = arith.addi %parallel_loop3A_524, %parallel_loop3A_527 : vector<16xi32>
        %parallel_loop3A_529 = arith.constant 16 : i32
        %parallel_loop3A_530 = vector.broadcast %parallel_loop3A_529 : i32 to vector<16xi32>
        %parallel_loop3A_531 = arith.shrui %parallel_loop3A_524, %parallel_loop3A_530 : vector<16xi32>
        %parallel_loop3A_532 = arith.constant 1 : i32
        %parallel_loop3A_533 = vector.broadcast %parallel_loop3A_532 : i32 to vector<16xi32>
        %parallel_loop3A_534 = arith.andi %parallel_loop3A_531, %parallel_loop3A_533 : vector<16xi32>
        %parallel_loop3A_535 = arith.addi %parallel_loop3A_528, %parallel_loop3A_534 : vector<16xi32>
        %parallel_loop3A_536 = arith.constant 16 : i32
        %parallel_loop3A_537 = vector.broadcast %parallel_loop3A_536 : i32 to vector<16xi32>
        %parallel_loop3A_538 = arith.shrui %parallel_loop3A_535, %parallel_loop3A_537 : vector<16xi32>
        %parallel_loop3A_539 = arith.constant 32767 : i32
        %parallel_loop3A_540 = vector.broadcast %parallel_loop3A_539 : i32 to vector<16xi32>
        %parallel_loop3A_541 = arith.addi %parallel_loop3A_525, %parallel_loop3A_540 : vector<16xi32>
        %parallel_loop3A_542 = arith.constant 16 : i32
        %parallel_loop3A_543 = vector.broadcast %parallel_loop3A_542 : i32 to vector<16xi32>
        %parallel_loop3A_544 = arith.shrui %parallel_loop3A_525, %parallel_loop3A_543 : vector<16xi32>
        %parallel_loop3A_545 = arith.constant 1 : i32
        %parallel_loop3A_546 = vector.broadcast %parallel_loop3A_545 : i32 to vector<16xi32>
        %parallel_loop3A_547 = arith.andi %parallel_loop3A_544, %parallel_loop3A_546 : vector<16xi32>
        %parallel_loop3A_548 = arith.addi %parallel_loop3A_541, %parallel_loop3A_547 : vector<16xi32>
        %parallel_loop3A_549 = arith.constant -65536 : i32
        %parallel_loop3A_550 = vector.broadcast %parallel_loop3A_549 : i32 to vector<16xi32>
        %parallel_loop3A_551 = arith.andi %parallel_loop3A_548, %parallel_loop3A_550 : vector<16xi32>
        %parallel_loop3A_552 = arith.ori %parallel_loop3A_538, %parallel_loop3A_551 : vector<16xi32>
        %parallel_loop3A_553 = vector.bitcast %parallel_loop3A_552 : vector<16xi32> to vector<16xf32>
        %parallel_loop3A_554 = arith.index_cast %parallel_loop3A_411 : i32 to index
        %parallel_loop3A_555 = arith.constant 32 : index
        %parallel_loop3A_556 = tpu.vector_load %arg11[%parallel_loop3A_554, %parallel_loop3A_555] {strides = array<i32>} : memref<40x128xf32, #tpu.memory_space<vmem>>, vector<16xf32>,
        tpu.vector_store %arg11[%parallel_loop3A_554, %parallel_loop3A_555], %parallel_loop3A_553 {strides = array<i32>} : memref<40x128xf32, #tpu.memory_space<vmem>>, vector<16xf32>,
        %parallel_loop3A_557 = arith.index_cast %parallel_loop3A_415 : i32 to index
        %parallel_loop3A_558 = arith.constant 48 : index
        %parallel_loop3A_559 = tpu.vector_load %arg9[%parallel_loop3A_557, %parallel_loop3A_558] {strides = array<i32>} : memref<80x128xf32, #tpu.memory_space<vmem>>, vector<16xf32>,
        %parallel_loop3A_560 = arith.index_cast %parallel_loop3A_415 : i32 to index
        %parallel_loop3A_561 = arith.constant 48 : index
        %parallel_loop3A_562 = tpu.vector_load %arg10[%parallel_loop3A_560, %parallel_loop3A_561] {strides = array<i32>} : memref<80x128xf32, #tpu.memory_space<vmem>>, vector<16xf32>,
        %parallel_loop3A_563 = arith.addf %parallel_loop3A_559, %parallel_loop3A_562 : vector<16xf32>
        %parallel_loop3A_564 = arith.index_cast %parallel_loop3A_415 : i32 to index
        %parallel_loop3A_565 = arith.constant 112 : index
        %parallel_loop3A_566 = tpu.vector_load %arg9[%parallel_loop3A_564, %parallel_loop3A_565] {strides = array<i32>} : memref<80x128xf32, #tpu.memory_space<vmem>>, vector<16xf32>,
        %parallel_loop3A_567 = arith.index_cast %parallel_loop3A_415 : i32 to index
        %parallel_loop3A_568 = arith.constant 112 : index
        %parallel_loop3A_569 = tpu.vector_load %arg10[%parallel_loop3A_567, %parallel_loop3A_568] {strides = array<i32>} : memref<80x128xf32, #tpu.memory_space<vmem>>, vector<16xf32>,
        %parallel_loop3A_570 = arith.addf %parallel_loop3A_566, %parallel_loop3A_569 : vector<16xf32>
        %parallel_loop3A_571 = vector.bitcast %parallel_loop3A_563 : vector<16xf32> to vector<16xi32>
        %parallel_loop3A_572 = vector.bitcast %parallel_loop3A_570 : vector<16xf32> to vector<16xi32>
        %parallel_loop3A_573 = arith.constant 32767 : i32
        %parallel_loop3A_574 = vector.broadcast %parallel_loop3A_573 : i32 to vector<16xi32>
        %parallel_loop3A_575 = arith.addi %parallel_loop3A_571, %parallel_loop3A_574 : vector<16xi32>
        %parallel_loop3A_576 = arith.constant 16 : i32
        %parallel_loop3A_577 = vector.broadcast %parallel_loop3A_576 : i32 to vector<16xi32>
        %parallel_loop3A_578 = arith.shrui %parallel_loop3A_571, %parallel_loop3A_577 : vector<16xi32>
        %parallel_loop3A_579 = arith.constant 1 : i32
        %parallel_loop3A_580 = vector.broadcast %parallel_loop3A_579 : i32 to vector<16xi32>
        %parallel_loop3A_581 = arith.andi %parallel_loop3A_578, %parallel_loop3A_580 : vector<16xi32>
        %parallel_loop3A_582 = arith.addi %parallel_loop3A_575, %parallel_loop3A_581 : vector<16xi32>
        %parallel_loop3A_583 = arith.constant 16 : i32
        %parallel_loop3A_584 = vector.broadcast %parallel_loop3A_583 : i32 to vector<16xi32>
        %parallel_loop3A_585 = arith.shrui %parallel_loop3A_582, %parallel_loop3A_584 : vector<16xi32>
        %parallel_loop3A_586 = arith.constant 32767 : i32
        %parallel_loop3A_587 = vector.broadcast %parallel_loop3A_586 : i32 to vector<16xi32>
        %parallel_loop3A_588 = arith.addi %parallel_loop3A_572, %parallel_loop3A_587 : vector<16xi32>
        %parallel_loop3A_589 = arith.constant 16 : i32
        %parallel_loop3A_590 = vector.broadcast %parallel_loop3A_589 : i32 to vector<16xi32>
        %parallel_loop3A_591 = arith.shrui %parallel_loop3A_572, %parallel_loop3A_590 : vector<16xi32>
        %parallel_loop3A_592 = arith.constant 1 : i32
        %parallel_loop3A_593 = vector.broadcast %parallel_loop3A_592 : i32 to vector<16xi32>
        %parallel_loop3A_594 = arith.andi %parallel_loop3A_591, %parallel_loop3A_593 : vector<16xi32>
        %parallel_loop3A_595 = arith.addi %parallel_loop3A_588, %parallel_loop3A_594 : vector<16xi32>
        %parallel_loop3A_596 = arith.constant -65536 : i32
        %parallel_loop3A_597 = vector.broadcast %parallel_loop3A_596 : i32 to vector<16xi32>
        %parallel_loop3A_598 = arith.andi %parallel_loop3A_595, %parallel_loop3A_597 : vector<16xi32>
        %parallel_loop3A_599 = arith.ori %parallel_loop3A_585, %parallel_loop3A_598 : vector<16xi32>
        %parallel_loop3A_600 = vector.bitcast %parallel_loop3A_599 : vector<16xi32> to vector<16xf32>
        %parallel_loop3A_601 = arith.index_cast %parallel_loop3A_411 : i32 to index
        %parallel_loop3A_602 = arith.constant 48 : index
        %parallel_loop3A_603 = tpu.vector_load %arg11[%parallel_loop3A_601, %parallel_loop3A_602] {strides = array<i32>} : memref<40x128xf32, #tpu.memory_space<vmem>>, vector<16xf32>,
        tpu.vector_store %arg11[%parallel_loop3A_601, %parallel_loop3A_602], %parallel_loop3A_600 {strides = array<i32>} : memref<40x128xf32, #tpu.memory_space<vmem>>, vector<16xf32>,
        %parallel_loop3A_604 = arith.constant 2 : i32
        %parallel_loop3A_605 = arith.muli %parallel_loop3A_604, %parallel_loop3A_411 : i32
        %parallel_loop3A_606 = arith.constant 1 : i32
        %parallel_loop3A_607 = arith.addi %parallel_loop3A_605, %parallel_loop3A_606 : i32
        %parallel_loop3A_608 = arith.index_cast %parallel_loop3A_607 : i32 to index
        %parallel_loop3A_609 = arith.constant 0 : index
        %parallel_loop3A_610 = tpu.vector_load %arg9[%parallel_loop3A_608, %parallel_loop3A_609] {strides = array<i32>} : memref<80x128xf32, #tpu.memory_space<vmem>>, vector<16xf32>,
        %parallel_loop3A_611 = arith.index_cast %parallel_loop3A_607 : i32 to index
        %parallel_loop3A_612 = arith.constant 0 : index
        %parallel_loop3A_613 = tpu.vector_load %arg10[%parallel_loop3A_611, %parallel_loop3A_612] {strides = array<i32>} : memref<80x128xf32, #tpu.memory_space<vmem>>, vector<16xf32>,
        %parallel_loop3A_614 = arith.addf %parallel_loop3A_610, %parallel_loop3A_613 : vector<16xf32>
        %parallel_loop3A_615 = arith.index_cast %parallel_loop3A_607 : i32 to index
        %parallel_loop3A_616 = arith.constant 64 : index
        %parallel_loop3A_617 = tpu.vector_load %arg9[%parallel_loop3A_615, %parallel_loop3A_616] {strides = array<i32>} : memref<80x128xf32, #tpu.memory_space<vmem>>, vector<16xf32>,
        %parallel_loop3A_618 = arith.index_cast %parallel_loop3A_607 : i32 to index
        %parallel_loop3A_619 = arith.constant 64 : index
        %parallel_loop3A_620 = tpu.vector_load %arg10[%parallel_loop3A_618, %parallel_loop3A_619] {strides = array<i32>} : memref<80x128xf32, #tpu.memory_space<vmem>>, vector<16xf32>,
        %parallel_loop3A_621 = arith.addf %parallel_loop3A_617, %parallel_loop3A_620 : vector<16xf32>
        %parallel_loop3A_622 = vector.bitcast %parallel_loop3A_614 : vector<16xf32> to vector<16xi32>
        %parallel_loop3A_623 = vector.bitcast %parallel_loop3A_621 : vector<16xf32> to vector<16xi32>
        %parallel_loop3A_624 = arith.constant 32767 : i32
        %parallel_loop3A_625 = vector.broadcast %parallel_loop3A_624 : i32 to vector<16xi32>
        %parallel_loop3A_626 = arith.addi %parallel_loop3A_622, %parallel_loop3A_625 : vector<16xi32>
        %parallel_loop3A_627 = arith.constant 16 : i32
        %parallel_loop3A_628 = vector.broadcast %parallel_loop3A_627 : i32 to vector<16xi32>
        %parallel_loop3A_629 = arith.shrui %parallel_loop3A_622, %parallel_loop3A_628 : vector<16xi32>
        %parallel_loop3A_630 = arith.constant 1 : i32
        %parallel_loop3A_631 = vector.broadcast %parallel_loop3A_630 : i32 to vector<16xi32>
        %parallel_loop3A_632 = arith.andi %parallel_loop3A_629, %parallel_loop3A_631 : vector<16xi32>
        %parallel_loop3A_633 = arith.addi %parallel_loop3A_626, %parallel_loop3A_632 : vector<16xi32>
        %parallel_loop3A_634 = arith.constant 16 : i32
        %parallel_loop3A_635 = vector.broadcast %parallel_loop3A_634 : i32 to vector<16xi32>
        %parallel_loop3A_636 = arith.shrui %parallel_loop3A_633, %parallel_loop3A_635 : vector<16xi32>
        %parallel_loop3A_637 = arith.constant 32767 : i32
        %parallel_loop3A_638 = vector.broadcast %parallel_loop3A_637 : i32 to vector<16xi32>
        %parallel_loop3A_639 = arith.addi %parallel_loop3A_623, %parallel_loop3A_638 : vector<16xi32>
        %parallel_loop3A_640 = arith.constant 16 : i32
        %parallel_loop3A_641 = vector.broadcast %parallel_loop3A_640 : i32 to vector<16xi32>
        %parallel_loop3A_642 = arith.shrui %parallel_loop3A_623, %parallel_loop3A_641 : vector<16xi32>
        %parallel_loop3A_643 = arith.constant 1 : i32
        %parallel_loop3A_644 = vector.broadcast %parallel_loop3A_643 : i32 to vector<16xi32>
        %parallel_loop3A_645 = arith.andi %parallel_loop3A_642, %parallel_loop3A_644 : vector<16xi32>
        %parallel_loop3A_646 = arith.addi %parallel_loop3A_639, %parallel_loop3A_645 : vector<16xi32>
        %parallel_loop3A_647 = arith.constant -65536 : i32
        %parallel_loop3A_648 = vector.broadcast %parallel_loop3A_647 : i32 to vector<16xi32>
        %parallel_loop3A_649 = arith.andi %parallel_loop3A_646, %parallel_loop3A_648 : vector<16xi32>
        %parallel_loop3A_650 = arith.ori %parallel_loop3A_636, %parallel_loop3A_649 : vector<16xi32>
        %parallel_loop3A_651 = vector.bitcast %parallel_loop3A_650 : vector<16xi32> to vector<16xf32>
        %parallel_loop3A_652 = arith.index_cast %parallel_loop3A_411 : i32 to index
        %parallel_loop3A_653 = arith.constant 64 : index
        %parallel_loop3A_654 = tpu.vector_load %arg11[%parallel_loop3A_652, %parallel_loop3A_653] {strides = array<i32>} : memref<40x128xf32, #tpu.memory_space<vmem>>, vector<16xf32>,
        tpu.vector_store %arg11[%parallel_loop3A_652, %parallel_loop3A_653], %parallel_loop3A_651 {strides = array<i32>} : memref<40x128xf32, #tpu.memory_space<vmem>>, vector<16xf32>,
        %parallel_loop3A_655 = arith.index_cast %parallel_loop3A_607 : i32 to index
        %parallel_loop3A_656 = arith.constant 16 : index
        %parallel_loop3A_657 = tpu.vector_load %arg9[%parallel_loop3A_655, %parallel_loop3A_656] {strides = array<i32>} : memref<80x128xf32, #tpu.memory_space<vmem>>, vector<16xf32>,
        %parallel_loop3A_658 = arith.index_cast %parallel_loop3A_607 : i32 to index
        %parallel_loop3A_659 = arith.constant 16 : index
        %parallel_loop3A_660 = tpu.vector_load %arg10[%parallel_loop3A_658, %parallel_loop3A_659] {strides = array<i32>} : memref<80x128xf32, #tpu.memory_space<vmem>>, vector<16xf32>,
        %parallel_loop3A_661 = arith.addf %parallel_loop3A_657, %parallel_loop3A_660 : vector<16xf32>
        %parallel_loop3A_662 = arith.index_cast %parallel_loop3A_607 : i32 to index
        %parallel_loop3A_663 = arith.constant 80 : index
        %parallel_loop3A_664 = tpu.vector_load %arg9[%parallel_loop3A_662, %parallel_loop3A_663] {strides = array<i32>} : memref<80x128xf32, #tpu.memory_space<vmem>>, vector<16xf32>,
        %parallel_loop3A_665 = arith.index_cast %parallel_loop3A_607 : i32 to index
        %parallel_loop3A_666 = arith.constant 80 : index
        %parallel_loop3A_667 = tpu.vector_load %arg10[%parallel_loop3A_665, %parallel_loop3A_666] {strides = array<i32>} : memref<80x128xf32, #tpu.memory_space<vmem>>, vector<16xf32>,
        %parallel_loop3A_668 = arith.addf %parallel_loop3A_664, %parallel_loop3A_667 : vector<16xf32>
        %parallel_loop3A_669 = vector.bitcast %parallel_loop3A_661 : vector<16xf32> to vector<16xi32>
        %parallel_loop3A_670 = vector.bitcast %parallel_loop3A_668 : vector<16xf32> to vector<16xi32>
        %parallel_loop3A_671 = arith.constant 32767 : i32
        %parallel_loop3A_672 = vector.broadcast %parallel_loop3A_671 : i32 to vector<16xi32>
        %parallel_loop3A_673 = arith.addi %parallel_loop3A_669, %parallel_loop3A_672 : vector<16xi32>
        %parallel_loop3A_674 = arith.constant 16 : i32
        %parallel_loop3A_675 = vector.broadcast %parallel_loop3A_674 : i32 to vector<16xi32>
        %parallel_loop3A_676 = arith.shrui %parallel_loop3A_669, %parallel_loop3A_675 : vector<16xi32>
        %parallel_loop3A_677 = arith.constant 1 : i32
        %parallel_loop3A_678 = vector.broadcast %parallel_loop3A_677 : i32 to vector<16xi32>
        %parallel_loop3A_679 = arith.andi %parallel_loop3A_676, %parallel_loop3A_678 : vector<16xi32>
        %parallel_loop3A_680 = arith.addi %parallel_loop3A_673, %parallel_loop3A_679 : vector<16xi32>
        %parallel_loop3A_681 = arith.constant 16 : i32
        %parallel_loop3A_682 = vector.broadcast %parallel_loop3A_681 : i32 to vector<16xi32>
        %parallel_loop3A_683 = arith.shrui %parallel_loop3A_680, %parallel_loop3A_682 : vector<16xi32>
        %parallel_loop3A_684 = arith.constant 32767 : i32
        %parallel_loop3A_685 = vector.broadcast %parallel_loop3A_684 : i32 to vector<16xi32>
        %parallel_loop3A_686 = arith.addi %parallel_loop3A_670, %parallel_loop3A_685 : vector<16xi32>
        %parallel_loop3A_687 = arith.constant 16 : i32
        %parallel_loop3A_688 = vector.broadcast %parallel_loop3A_687 : i32 to vector<16xi32>
        %parallel_loop3A_689 = arith.shrui %parallel_loop3A_670, %parallel_loop3A_688 : vector<16xi32>
        %parallel_loop3A_690 = arith.constant 1 : i32
        %parallel_loop3A_691 = vector.broadcast %parallel_loop3A_690 : i32 to vector<16xi32>
        %parallel_loop3A_692 = arith.andi %parallel_loop3A_689, %parallel_loop3A_691 : vector<16xi32>
        %parallel_loop3A_693 = arith.addi %parallel_loop3A_686, %parallel_loop3A_692 : vector<16xi32>
        %parallel_loop3A_694 = arith.constant -65536 : i32
        %parallel_loop3A_695 = vector.broadcast %parallel_loop3A_694 : i32 to vector<16xi32>
        %parallel_loop3A_696 = arith.andi %parallel_loop3A_693, %parallel_loop3A_695 : vector<16xi32>
        %parallel_loop3A_697 = arith.ori %parallel_loop3A_683, %parallel_loop3A_696 : vector<16xi32>
        %parallel_loop3A_698 = vector.bitcast %parallel_loop3A_697 : vector<16xi32> to vector<16xf32>
        %parallel_loop3A_699 = arith.index_cast %parallel_loop3A_411 : i32 to index
        %parallel_loop3A_700 = arith.constant 80 : index
        %parallel_loop3A_701 = tpu.vector_load %arg11[%parallel_loop3A_699, %parallel_loop3A_700] {strides = array<i32>} : memref<40x128xf32, #tpu.memory_space<vmem>>, vector<16xf32>,
        tpu.vector_store %arg11[%parallel_loop3A_699, %parallel_loop3A_700], %parallel_loop3A_698 {strides = array<i32>} : memref<40x128xf32, #tpu.memory_space<vmem>>, vector<16xf32>,
        %parallel_loop3A_702 = arith.index_cast %parallel_loop3A_607 : i32 to index
        %parallel_loop3A_703 = arith.constant 32 : index
        %parallel_loop3A_704 = tpu.vector_load %arg9[%parallel_loop3A_702, %parallel_loop3A_703] {strides = array<i32>} : memref<80x128xf32, #tpu.memory_space<vmem>>, vector<16xf32>,
        %parallel_loop3A_705 = arith.index_cast %parallel_loop3A_607 : i32 to index
        %parallel_loop3A_706 = arith.constant 32 : index
        %parallel_loop3A_707 = tpu.vector_load %arg10[%parallel_loop3A_705, %parallel_loop3A_706] {strides = array<i32>} : memref<80x128xf32, #tpu.memory_space<vmem>>, vector<16xf32>,
        %parallel_loop3A_708 = arith.addf %parallel_loop3A_704, %parallel_loop3A_707 : vector<16xf32>
        %parallel_loop3A_709 = arith.index_cast %parallel_loop3A_607 : i32 to index
        %parallel_loop3A_710 = arith.constant 96 : index
        %parallel_loop3A_711 = tpu.vector_load %arg9[%parallel_loop3A_709, %parallel_loop3A_710] {strides = array<i32>} : memref<80x128xf32, #tpu.memory_space<vmem>>, vector<16xf32>,
        %parallel_loop3A_712 = arith.index_cast %parallel_loop3A_607 : i32 to index
        %parallel_loop3A_713 = arith.constant 96 : index
        %parallel_loop3A_714 = tpu.vector_load %arg10[%parallel_loop3A_712, %parallel_loop3A_713] {strides = array<i32>} : memref<80x128xf32, #tpu.memory_space<vmem>>, vector<16xf32>,
        %parallel_loop3A_715 = arith.addf %parallel_loop3A_711, %parallel_loop3A_714 : vector<16xf32>
        %parallel_loop3A_716 = vector.bitcast %parallel_loop3A_708 : vector<16xf32> to vector<16xi32>
        %parallel_loop3A_717 = vector.bitcast %parallel_loop3A_715 : vector<16xf32> to vector<16xi32>
        %parallel_loop3A_718 = arith.constant 32767 : i32
        %parallel_loop3A_719 = vector.broadcast %parallel_loop3A_718 : i32 to vector<16xi32>
        %parallel_loop3A_720 = arith.addi %parallel_loop3A_716, %parallel_loop3A_719 : vector<16xi32>
        %parallel_loop3A_721 = arith.constant 16 : i32
        %parallel_loop3A_722 = vector.broadcast %parallel_loop3A_721 : i32 to vector<16xi32>
        %parallel_loop3A_723 = arith.shrui %parallel_loop3A_716, %parallel_loop3A_722 : vector<16xi32>
        %parallel_loop3A_724 = arith.constant 1 : i32
        %parallel_loop3A_725 = vector.broadcast %parallel_loop3A_724 : i32 to vector<16xi32>
        %parallel_loop3A_726 = arith.andi %parallel_loop3A_723, %parallel_loop3A_725 : vector<16xi32>
        %parallel_loop3A_727 = arith.addi %parallel_loop3A_720, %parallel_loop3A_726 : vector<16xi32>
        %parallel_loop3A_728 = arith.constant 16 : i32
        %parallel_loop3A_729 = vector.broadcast %parallel_loop3A_728 : i32 to vector<16xi32>
        %parallel_loop3A_730 = arith.shrui %parallel_loop3A_727, %parallel_loop3A_729 : vector<16xi32>
        %parallel_loop3A_731 = arith.constant 32767 : i32
        %parallel_loop3A_732 = vector.broadcast %parallel_loop3A_731 : i32 to vector<16xi32>
        %parallel_loop3A_733 = arith.addi %parallel_loop3A_717, %parallel_loop3A_732 : vector<16xi32>
        %parallel_loop3A_734 = arith.constant 16 : i32
        %parallel_loop3A_735 = vector.broadcast %parallel_loop3A_734 : i32 to vector<16xi32>
        %parallel_loop3A_736 = arith.shrui %parallel_loop3A_717, %parallel_loop3A_735 : vector<16xi32>
        %parallel_loop3A_737 = arith.constant 1 : i32
        %parallel_loop3A_738 = vector.broadcast %parallel_loop3A_737 : i32 to vector<16xi32>
        %parallel_loop3A_739 = arith.andi %parallel_loop3A_736, %parallel_loop3A_738 : vector<16xi32>
        %parallel_loop3A_740 = arith.addi %parallel_loop3A_733, %parallel_loop3A_739 : vector<16xi32>
        %parallel_loop3A_741 = arith.constant -65536 : i32
        %parallel_loop3A_742 = vector.broadcast %parallel_loop3A_741 : i32 to vector<16xi32>
        %parallel_loop3A_743 = arith.andi %parallel_loop3A_740, %parallel_loop3A_742 : vector<16xi32>
        %parallel_loop3A_744 = arith.ori %parallel_loop3A_730, %parallel_loop3A_743 : vector<16xi32>
        %parallel_loop3A_745 = vector.bitcast %parallel_loop3A_744 : vector<16xi32> to vector<16xf32>
        %parallel_loop3A_746 = arith.index_cast %parallel_loop3A_411 : i32 to index
        %parallel_loop3A_747 = arith.constant 96 : index
        %parallel_loop3A_748 = tpu.vector_load %arg11[%parallel_loop3A_746, %parallel_loop3A_747] {strides = array<i32>} : memref<40x128xf32, #tpu.memory_space<vmem>>, vector<16xf32>,
        tpu.vector_store %arg11[%parallel_loop3A_746, %parallel_loop3A_747], %parallel_loop3A_745 {strides = array<i32>} : memref<40x128xf32, #tpu.memory_space<vmem>>, vector<16xf32>,
        %parallel_loop3A_749 = arith.index_cast %parallel_loop3A_607 : i32 to index
        %parallel_loop3A_750 = arith.constant 48 : index
        %parallel_loop3A_751 = tpu.vector_load %arg9[%parallel_loop3A_749, %parallel_loop3A_750] {strides = array<i32>} : memref<80x128xf32, #tpu.memory_space<vmem>>, vector<16xf32>,
        %parallel_loop3A_752 = arith.index_cast %parallel_loop3A_607 : i32 to index
        %parallel_loop3A_753 = arith.constant 48 : index
        %parallel_loop3A_754 = tpu.vector_load %arg10[%parallel_loop3A_752, %parallel_loop3A_753] {strides = array<i32>} : memref<80x128xf32, #tpu.memory_space<vmem>>, vector<16xf32>,
        %parallel_loop3A_755 = arith.addf %parallel_loop3A_751, %parallel_loop3A_754 : vector<16xf32>
        %parallel_loop3A_756 = arith.index_cast %parallel_loop3A_607 : i32 to index
        %parallel_loop3A_757 = arith.constant 112 : index
        %parallel_loop3A_758 = tpu.vector_load %arg9[%parallel_loop3A_756, %parallel_loop3A_757] {strides = array<i32>} : memref<80x128xf32, #tpu.memory_space<vmem>>, vector<16xf32>,
        %parallel_loop3A_759 = arith.index_cast %parallel_loop3A_607 : i32 to index
        %parallel_loop3A_760 = arith.constant 112 : index
        %parallel_loop3A_761 = tpu.vector_load %arg10[%parallel_loop3A_759, %parallel_loop3A_760] {strides = array<i32>} : memref<80x128xf32, #tpu.memory_space<vmem>>, vector<16xf32>,
        %parallel_loop3A_762 = arith.addf %parallel_loop3A_758, %parallel_loop3A_761 : vector<16xf32>
        %parallel_loop3A_763 = vector.bitcast %parallel_loop3A_755 : vector<16xf32> to vector<16xi32>
        %parallel_loop3A_764 = vector.bitcast %parallel_loop3A_762 : vector<16xf32> to vector<16xi32>
        %parallel_loop3A_765 = arith.constant 32767 : i32
        %parallel_loop3A_766 = vector.broadcast %parallel_loop3A_765 : i32 to vector<16xi32>
        %parallel_loop3A_767 = arith.addi %parallel_loop3A_763, %parallel_loop3A_766 : vector<16xi32>
        %parallel_loop3A_768 = arith.constant 16 : i32
        %parallel_loop3A_769 = vector.broadcast %parallel_loop3A_768 : i32 to vector<16xi32>
        %parallel_loop3A_770 = arith.shrui %parallel_loop3A_763, %parallel_loop3A_769 : vector<16xi32>
        %parallel_loop3A_771 = arith.constant 1 : i32
        %parallel_loop3A_772 = vector.broadcast %parallel_loop3A_771 : i32 to vector<16xi32>
        %parallel_loop3A_773 = arith.andi %parallel_loop3A_770, %parallel_loop3A_772 : vector<16xi32>
        %parallel_loop3A_774 = arith.addi %parallel_loop3A_767, %parallel_loop3A_773 : vector<16xi32>
        %parallel_loop3A_775 = arith.constant 16 : i32
        %parallel_loop3A_776 = vector.broadcast %parallel_loop3A_775 : i32 to vector<16xi32>
        %parallel_loop3A_777 = arith.shrui %parallel_loop3A_774, %parallel_loop3A_776 : vector<16xi32>
        %parallel_loop3A_778 = arith.constant 32767 : i32
        %parallel_loop3A_779 = vector.broadcast %parallel_loop3A_778 : i32 to vector<16xi32>
        %parallel_loop3A_780 = arith.addi %parallel_loop3A_764, %parallel_loop3A_779 : vector<16xi32>
        %parallel_loop3A_781 = arith.constant 16 : i32
        %parallel_loop3A_782 = vector.broadcast %parallel_loop3A_781 : i32 to vector<16xi32>
        %parallel_loop3A_783 = arith.shrui %parallel_loop3A_764, %parallel_loop3A_782 : vector<16xi32>
        %parallel_loop3A_784 = arith.constant 1 : i32
        %parallel_loop3A_785 = vector.broadcast %parallel_loop3A_784 : i32 to vector<16xi32>
        %parallel_loop3A_786 = arith.andi %parallel_loop3A_783, %parallel_loop3A_785 : vector<16xi32>
        %parallel_loop3A_787 = arith.addi %parallel_loop3A_780, %parallel_loop3A_786 : vector<16xi32>
        %parallel_loop3A_788 = arith.constant -65536 : i32
        %parallel_loop3A_789 = vector.broadcast %parallel_loop3A_788 : i32 to vector<16xi32>
        %parallel_loop3A_790 = arith.andi %parallel_loop3A_787, %parallel_loop3A_789 : vector<16xi32>
        %parallel_loop3A_791 = arith.ori %parallel_loop3A_777, %parallel_loop3A_790 : vector<16xi32>
        %parallel_loop3A_792 = vector.bitcast %parallel_loop3A_791 : vector<16xi32> to vector<16xf32>
        %parallel_loop3A_793 = arith.index_cast %parallel_loop3A_411 : i32 to index
        %parallel_loop3A_794 = arith.constant 112 : index
        %parallel_loop3A_795 = tpu.vector_load %arg11[%parallel_loop3A_793, %parallel_loop3A_794] {strides = array<i32>} : memref<40x128xf32, #tpu.memory_space<vmem>>, vector<16xf32>,
        tpu.vector_store %arg11[%parallel_loop3A_793, %parallel_loop3A_794], %parallel_loop3A_792 {strides = array<i32>} : memref<40x128xf32, #tpu.memory_space<vmem>>, vector<16xf32>,
      } {sc.loop_unroll_factor = 2 : i64, sc.parallel_access}
      %mul3A_218 = arith.constant 80 : i32
      %mul3A_219 = arith.muli %add3A_214, %mul3A_218 : i32
      %add3A_220 = arith.addi %mul3A_2, %mul3A_219 : i32
      %jit3A_221 = arith.constant 2 : i32
      %div3A_222 = arith.divsi %add3A_220, %jit3A_221 : i32
      %sign3A_223 = arith.constant 0 : i32
      %sign3A_224 = arith.cmpi sgt, %add3A_220, %sign3A_223 : i32
      %sign3A_225 = arith.extui %sign3A_224 : i1 to i32
      %sign3A_226 = arith.constant 0 : i32
      %sign3A_227 = arith.cmpi slt, %add3A_220, %sign3A_226 : i32
      %sign3A_228 = arith.extui %sign3A_227 : i1 to i32
      %sign3A_229 = arith.subi %sign3A_225, %sign3A_228 : i32
      %sign3A_230 = arith.constant 0 : i32
      %sign3A_231 = arith.cmpi sgt, %jit3A_221, %sign3A_230 : i32
      %sign3A_232 = arith.extui %sign3A_231 : i1 to i32
      %sign3A_233 = arith.constant 0 : i32
      %sign3A_234 = arith.cmpi slt, %jit3A_221, %sign3A_233 : i32
      %sign3A_235 = arith.extui %sign3A_234 : i1 to i32
      %sign3A_236 = arith.subi %sign3A_232, %sign3A_235 : i32
      %ne3A_237 = arith.cmpi ne, %sign3A_229, %sign3A_236 : i32
      %rem3A_238 = arith.remsi %add3A_220, %jit3A_221 : i32
      %ne3A_239 = arith.constant 0 : i32
      %ne3A_240 = arith.cmpi ne, %rem3A_238, %ne3A_239 : i32
      %and3A_241 = arith.andi %ne3A_237, %ne3A_240 : i1
      %sub3A_242 = arith.constant 1 : i32
      %sub3A_243 = arith.subi %div3A_222, %sub3A_242 : i32
      %select_n3A_244 = arith.select %and3A_241, %sub3A_243, %div3A_222 : i32
      %multiple_of3A_245 = tpu.assume_multiple %select_n3A_244, 8 : i32
      %dma_start3A_246 = arith.constant 0 : i32
      %dma_start3A_247 = tpu.memref_slice %arg6[%multiple_of3A_245, %dma_start3A_246] : memref<160000x128xf32, #tpu.memory_space<hbm>> -> memref<40x128xf32, #tpu.memory_space<hbm>>
      %dma_start3A_248 = arith.constant 0 : i32
      %dma_start3A_249 = tpu.memref_slice %arg6[%multiple_of3A_245, %dma_start3A_248] : memref<160000x128xf32, #tpu.memory_space<hbm>> -> memref<40x128xf32, #tpu.memory_space<hbm>>
      tpu.enqueue_dma source(%arg11 : memref<40x128xf32, #tpu.memory_space<vmem>>) target(%dma_start3A_249 : memref<40x128xf32, #tpu.memory_space<hbm>>) target_semaphore(%arg21 : memref<!tpu.dma_semaphore, #tpu.memory_space<semaphore_mem>>)
      %add3A_250 = arith.constant 0 : i32
      %add3A_251 = arith.addi %add3A_250, %scan3A_198 : i32
      %add3A_252 = arith.constant 1 : i32
      %add3A_253 = arith.addi %add3A_251, %add3A_252 : i32
      %min3A = arith.constant 42 : i32
      %min3A_254 = arith.minsi %add3A_253, %min3A : i32
      %dma_start3A_255 = arith.constant 0 : i32
      %dma_start3A_256 = tpu.memref_slice %arg7[%min3A_254, %dma_start3A_255] : memref<125x80xi32, #tpu.memory_space<vmem>> -> memref<1x80xi32, #tpu.memory_space<vmem>>
      %dma_start3A_257 = tpu.memref_squeeze %dma_start3A_256 : memref<1x80xi32, #tpu.memory_space<vmem>> -> memref<80xi32, #tpu.memory_space<vmem>>
      %dma_start3A_258 = arith.constant 0 : i32
      %dma_start3A_259 = arith.constant 0 : i32
      %dma_start3A_260 = tpu.memref_slice %arg2[%dma_start3A_258, %dma_start3A_259] : memref<10000x128xf32, #tpu.memory_space<hbm>> -> memref<10000x128xf32, #tpu.memory_space<hbm>>
      tpu.enqueue_indirect_dma source(%dma_start3A_260 : memref<10000x128xf32, #tpu.memory_space<hbm>>) target(%arg9 : memref<80x128xf32, #tpu.memory_space<vmem>>) offsets(%dma_start3A_257 : memref<80xi32, #tpu.memory_space<vmem>>) semaphore(%arg18 : memref<!tpu.dma_semaphore, #tpu.memory_space<semaphore_mem>>)
      %dma_start3A_261 = arith.constant 0 : i32
      %dma_start3A_262 = tpu.memref_slice %arg8[%min3A_254, %dma_start3A_261] : memref<125x80xi32, #tpu.memory_space<vmem>> -> memref<1x80xi32, #tpu.memory_space<vmem>>
      %dma_start3A_263 = tpu.memref_squeeze %dma_start3A_262 : memref<1x80xi32, #tpu.memory_space<vmem>> -> memref<80xi32, #tpu.memory_space<vmem>>
      %dma_start3A_264 = arith.constant 0 : i32
      %dma_start3A_265 = arith.constant 0 : i32
      %dma_start3A_266 = tpu.memref_slice %arg3[%dma_start3A_264, %dma_start3A_265] : memref<10000x128xf32, #tpu.memory_space<hbm>> -> memref<10000x128xf32, #tpu.memory_space<hbm>>
      tpu.enqueue_indirect_dma source(%dma_start3A_266 : memref<10000x128xf32, #tpu.memory_space<hbm>>) target(%arg10 : memref<80x128xf32, #tpu.memory_space<vmem>>) offsets(%dma_start3A_263 : memref<80xi32, #tpu.memory_space<vmem>>) semaphore(%arg18 : memref<!tpu.dma_semaphore, #tpu.memory_space<semaphore_mem>>)
      %dma_wait3A_267 = arith.constant 0 : i32
      %dma_wait3A_268 = arith.constant 0 : i32
      %dma_wait3A_269 = tpu.memref_slice %arg2[%dma_wait3A_267, %dma_wait3A_268] : memref<10000x128xf32, #tpu.memory_space<hbm>> -> memref<80x128xf32, #tpu.memory_space<hbm>>
      %dma_wait3A_270 = arith.constant 0 : i32
      %dma_wait3A_271 = arith.constant 0 : i32
      %dma_wait3A_272 = tpu.memref_slice %arg2[%dma_wait3A_270, %dma_wait3A_271] : memref<10000x128xf32, #tpu.memory_space<hbm>> -> memref<80x128xf32, #tpu.memory_space<hbm>>
      tpu.wait_dma2 semaphore(%arg19 : memref<!tpu.dma_semaphore, #tpu.memory_space<semaphore_mem>>) src(%dma_wait3A_272 : memref<80x128xf32, #tpu.memory_space<hbm>>) dst(%arg12 : memref<80x128xf32, #tpu.memory_space<vmem>>)
      %dma_wait3A_273 = arith.constant 0 : i32
      %dma_wait3A_274 = arith.constant 0 : i32
      %dma_wait3A_275 = tpu.memref_slice %arg3[%dma_wait3A_273, %dma_wait3A_274] : memref<10000x128xf32, #tpu.memory_space<hbm>> -> memref<80x128xf32, #tpu.memory_space<hbm>>
      %dma_wait3A_276 = arith.constant 0 : i32
      %dma_wait3A_277 = arith.constant 0 : i32
      %dma_wait3A_278 = tpu.memref_slice %arg3[%dma_wait3A_276, %dma_wait3A_277] : memref<10000x128xf32, #tpu.memory_space<hbm>> -> memref<80x128xf32, #tpu.memory_space<hbm>>
      tpu.wait_dma2 semaphore(%arg19 : memref<!tpu.dma_semaphore, #tpu.memory_space<semaphore_mem>>) src(%dma_wait3A_278 : memref<80x128xf32, #tpu.memory_space<hbm>>) dst(%arg13 : memref<80x128xf32, #tpu.memory_space<vmem>>)
      %gt3A_279 = arith.constant 0 : i32
      %gt3A_280 = arith.cmpi sgt, %scan3A_198, %gt3A_279 : i32
      %convert_element_type3A_281 = arith.extui %gt3A_280 : i1 to i32
      %cond3A_282 = arith.constant 0 : i32
      %cond3A_283 = arith.cmpi ne, %convert_element_type3A_281, %cond3A_282 : i32
      scf.if %cond3A_283 {
        %dma_wait3A_411 = arith.constant 0 : i32
        %dma_wait3A_412 = arith.constant 0 : i32
        %dma_wait3A_413 = tpu.memref_slice %arg6[%dma_wait3A_411, %dma_wait3A_412] : memref<160000x128xf32, #tpu.memory_space<hbm>> -> memref<40x128xf32, #tpu.memory_space<hbm>>
        %dma_wait3A_414 = arith.constant 0 : i32
        %dma_wait3A_415 = arith.constant 0 : i32
        %dma_wait3A_416 = tpu.memref_slice %arg6[%dma_wait3A_414, %dma_wait3A_415] : memref<160000x128xf32, #tpu.memory_space<hbm>> -> memref<40x128xf32, #tpu.memory_space<hbm>>
        tpu.wait_dma2 semaphore(%arg22 : memref<!tpu.dma_semaphore, #tpu.memory_space<semaphore_mem>>) src(%arg14 : memref<40x128xf32, #tpu.memory_space<vmem>>) dst(%dma_wait3A_416 : memref<40x128xf32, #tpu.memory_space<hbm>>)
      } else {
      }
      %add3A_284 = arith.constant 43 : i32
      %add3A_285 = arith.addi %add3A_284, %scan3A_198 : i32
      %parallel_loop3A_286 = arith.constant 0 : i32
      %parallel_loop3A_287 = arith.constant 40 : i32
      %parallel_loop3A_288 = arith.constant 1 : i32
      scf.for %parallel_loop3A_411 = %parallel_loop3A_286 to %parallel_loop3A_287 step %parallel_loop3A_288  : i32 {
        %parallel_loop3A_412 = arith.constant 2 : i32
        %parallel_loop3A_413 = arith.muli %parallel_loop3A_412, %parallel_loop3A_411 : i32
        %parallel_loop3A_414 = arith.constant 0 : i32
        %parallel_loop3A_415 = arith.addi %parallel_loop3A_413, %parallel_loop3A_414 : i32
        %parallel_loop3A_416 = arith.index_cast %parallel_loop3A_415 : i32 to index
        %parallel_loop3A_417 = arith.constant 0 : index
        %parallel_loop3A_418 = tpu.vector_load %arg12[%parallel_loop3A_416, %parallel_loop3A_417] {strides = array<i32>} : memref<80x128xf32, #tpu.memory_space<vmem>>, vector<16xf32>,
        %parallel_loop3A_419 = arith.index_cast %parallel_loop3A_415 : i32 to index
        %parallel_loop3A_420 = arith.constant 0 : index
        %parallel_loop3A_421 = tpu.vector_load %arg13[%parallel_loop3A_419, %parallel_loop3A_420] {strides = array<i32>} : memref<80x128xf32, #tpu.memory_space<vmem>>, vector<16xf32>,
        %parallel_loop3A_422 = arith.addf %parallel_loop3A_418, %parallel_loop3A_421 : vector<16xf32>
        %parallel_loop3A_423 = arith.index_cast %parallel_loop3A_415 : i32 to index
        %parallel_loop3A_424 = arith.constant 64 : index
        %parallel_loop3A_425 = tpu.vector_load %arg12[%parallel_loop3A_423, %parallel_loop3A_424] {strides = array<i32>} : memref<80x128xf32, #tpu.memory_space<vmem>>, vector<16xf32>,
        %parallel_loop3A_426 = arith.index_cast %parallel_loop3A_415 : i32 to index
        %parallel_loop3A_427 = arith.constant 64 : index
        %parallel_loop3A_428 = tpu.vector_load %arg13[%parallel_loop3A_426, %parallel_loop3A_427] {strides = array<i32>} : memref<80x128xf32, #tpu.memory_space<vmem>>, vector<16xf32>,
        %parallel_loop3A_429 = arith.addf %parallel_loop3A_425, %parallel_loop3A_428 : vector<16xf32>
        %parallel_loop3A_430 = vector.bitcast %parallel_loop3A_422 : vector<16xf32> to vector<16xi32>
        %parallel_loop3A_431 = vector.bitcast %parallel_loop3A_429 : vector<16xf32> to vector<16xi32>
        %parallel_loop3A_432 = arith.constant 32767 : i32
        %parallel_loop3A_433 = vector.broadcast %parallel_loop3A_432 : i32 to vector<16xi32>
        %parallel_loop3A_434 = arith.addi %parallel_loop3A_430, %parallel_loop3A_433 : vector<16xi32>
        %parallel_loop3A_435 = arith.constant 16 : i32
        %parallel_loop3A_436 = vector.broadcast %parallel_loop3A_435 : i32 to vector<16xi32>
        %parallel_loop3A_437 = arith.shrui %parallel_loop3A_430, %parallel_loop3A_436 : vector<16xi32>
        %parallel_loop3A_438 = arith.constant 1 : i32
        %parallel_loop3A_439 = vector.broadcast %parallel_loop3A_438 : i32 to vector<16xi32>
        %parallel_loop3A_440 = arith.andi %parallel_loop3A_437, %parallel_loop3A_439 : vector<16xi32>
        %parallel_loop3A_441 = arith.addi %parallel_loop3A_434, %parallel_loop3A_440 : vector<16xi32>
        %parallel_loop3A_442 = arith.constant 16 : i32
        %parallel_loop3A_443 = vector.broadcast %parallel_loop3A_442 : i32 to vector<16xi32>
        %parallel_loop3A_444 = arith.shrui %parallel_loop3A_441, %parallel_loop3A_443 : vector<16xi32>
        %parallel_loop3A_445 = arith.constant 32767 : i32
        %parallel_loop3A_446 = vector.broadcast %parallel_loop3A_445 : i32 to vector<16xi32>
        %parallel_loop3A_447 = arith.addi %parallel_loop3A_431, %parallel_loop3A_446 : vector<16xi32>
        %parallel_loop3A_448 = arith.constant 16 : i32
        %parallel_loop3A_449 = vector.broadcast %parallel_loop3A_448 : i32 to vector<16xi32>
        %parallel_loop3A_450 = arith.shrui %parallel_loop3A_431, %parallel_loop3A_449 : vector<16xi32>
        %parallel_loop3A_451 = arith.constant 1 : i32
        %parallel_loop3A_452 = vector.broadcast %parallel_loop3A_451 : i32 to vector<16xi32>
        %parallel_loop3A_453 = arith.andi %parallel_loop3A_450, %parallel_loop3A_452 : vector<16xi32>
        %parallel_loop3A_454 = arith.addi %parallel_loop3A_447, %parallel_loop3A_453 : vector<16xi32>
        %parallel_loop3A_455 = arith.constant -65536 : i32
        %parallel_loop3A_456 = vector.broadcast %parallel_loop3A_455 : i32 to vector<16xi32>
        %parallel_loop3A_457 = arith.andi %parallel_loop3A_454, %parallel_loop3A_456 : vector<16xi32>
        %parallel_loop3A_458 = arith.ori %parallel_loop3A_444, %parallel_loop3A_457 : vector<16xi32>
        %parallel_loop3A_459 = vector.bitcast %parallel_loop3A_458 : vector<16xi32> to vector<16xf32>
        %parallel_loop3A_460 = arith.index_cast %parallel_loop3A_411 : i32 to index
        %parallel_loop3A_461 = arith.constant 0 : index
        %parallel_loop3A_462 = tpu.vector_load %arg14[%parallel_loop3A_460, %parallel_loop3A_461] {strides = array<i32>} : memref<40x128xf32, #tpu.memory_space<vmem>>, vector<16xf32>,
        tpu.vector_store %arg14[%parallel_loop3A_460, %parallel_loop3A_461], %parallel_loop3A_459 {strides = array<i32>} : memref<40x128xf32, #tpu.memory_space<vmem>>, vector<16xf32>,
        %parallel_loop3A_463 = arith.index_cast %parallel_loop3A_415 : i32 to index
        %parallel_loop3A_464 = arith.constant 16 : index
        %parallel_loop3A_465 = tpu.vector_load %arg12[%parallel_loop3A_463, %parallel_loop3A_464] {strides = array<i32>} : memref<80x128xf32, #tpu.memory_space<vmem>>, vector<16xf32>,
        %parallel_loop3A_466 = arith.index_cast %parallel_loop3A_415 : i32 to index
        %parallel_loop3A_467 = arith.constant 16 : index
        %parallel_loop3A_468 = tpu.vector_load %arg13[%parallel_loop3A_466, %parallel_loop3A_467] {strides = array<i32>} : memref<80x128xf32, #tpu.memory_space<vmem>>, vector<16xf32>,
        %parallel_loop3A_469 = arith.addf %parallel_loop3A_465, %parallel_loop3A_468 : vector<16xf32>
        %parallel_loop3A_470 = arith.index_cast %parallel_loop3A_415 : i32 to index
        %parallel_loop3A_471 = arith.constant 80 : index
        %parallel_loop3A_472 = tpu.vector_load %arg12[%parallel_loop3A_470, %parallel_loop3A_471] {strides = array<i32>} : memref<80x128xf32, #tpu.memory_space<vmem>>, vector<16xf32>,
        %parallel_loop3A_473 = arith.index_cast %parallel_loop3A_415 : i32 to index
        %parallel_loop3A_474 = arith.constant 80 : index
        %parallel_loop3A_475 = tpu.vector_load %arg13[%parallel_loop3A_473, %parallel_loop3A_474] {strides = array<i32>} : memref<80x128xf32, #tpu.memory_space<vmem>>, vector<16xf32>,
        %parallel_loop3A_476 = arith.addf %parallel_loop3A_472, %parallel_loop3A_475 : vector<16xf32>
        %parallel_loop3A_477 = vector.bitcast %parallel_loop3A_469 : vector<16xf32> to vector<16xi32>
        %parallel_loop3A_478 = vector.bitcast %parallel_loop3A_476 : vector<16xf32> to vector<16xi32>
        %parallel_loop3A_479 = arith.constant 32767 : i32
        %parallel_loop3A_480 = vector.broadcast %parallel_loop3A_479 : i32 to vector<16xi32>
        %parallel_loop3A_481 = arith.addi %parallel_loop3A_477, %parallel_loop3A_480 : vector<16xi32>
        %parallel_loop3A_482 = arith.constant 16 : i32
        %parallel_loop3A_483 = vector.broadcast %parallel_loop3A_482 : i32 to vector<16xi32>
        %parallel_loop3A_484 = arith.shrui %parallel_loop3A_477, %parallel_loop3A_483 : vector<16xi32>
        %parallel_loop3A_485 = arith.constant 1 : i32
        %parallel_loop3A_486 = vector.broadcast %parallel_loop3A_485 : i32 to vector<16xi32>
        %parallel_loop3A_487 = arith.andi %parallel_loop3A_484, %parallel_loop3A_486 : vector<16xi32>
        %parallel_loop3A_488 = arith.addi %parallel_loop3A_481, %parallel_loop3A_487 : vector<16xi32>
        %parallel_loop3A_489 = arith.constant 16 : i32
        %parallel_loop3A_490 = vector.broadcast %parallel_loop3A_489 : i32 to vector<16xi32>
        %parallel_loop3A_491 = arith.shrui %parallel_loop3A_488, %parallel_loop3A_490 : vector<16xi32>
        %parallel_loop3A_492 = arith.constant 32767 : i32
        %parallel_loop3A_493 = vector.broadcast %parallel_loop3A_492 : i32 to vector<16xi32>
        %parallel_loop3A_494 = arith.addi %parallel_loop3A_478, %parallel_loop3A_493 : vector<16xi32>
        %parallel_loop3A_495 = arith.constant 16 : i32
        %parallel_loop3A_496 = vector.broadcast %parallel_loop3A_495 : i32 to vector<16xi32>
        %parallel_loop3A_497 = arith.shrui %parallel_loop3A_478, %parallel_loop3A_496 : vector<16xi32>
        %parallel_loop3A_498 = arith.constant 1 : i32
        %parallel_loop3A_499 = vector.broadcast %parallel_loop3A_498 : i32 to vector<16xi32>
        %parallel_loop3A_500 = arith.andi %parallel_loop3A_497, %parallel_loop3A_499 : vector<16xi32>
        %parallel_loop3A_501 = arith.addi %parallel_loop3A_494, %parallel_loop3A_500 : vector<16xi32>
        %parallel_loop3A_502 = arith.constant -65536 : i32
        %parallel_loop3A_503 = vector.broadcast %parallel_loop3A_502 : i32 to vector<16xi32>
        %parallel_loop3A_504 = arith.andi %parallel_loop3A_501, %parallel_loop3A_503 : vector<16xi32>
        %parallel_loop3A_505 = arith.ori %parallel_loop3A_491, %parallel_loop3A_504 : vector<16xi32>
        %parallel_loop3A_506 = vector.bitcast %parallel_loop3A_505 : vector<16xi32> to vector<16xf32>
        %parallel_loop3A_507 = arith.index_cast %parallel_loop3A_411 : i32 to index
        %parallel_loop3A_508 = arith.constant 16 : index
        %parallel_loop3A_509 = tpu.vector_load %arg14[%parallel_loop3A_507, %parallel_loop3A_508] {strides = array<i32>} : memref<40x128xf32, #tpu.memory_space<vmem>>, vector<16xf32>,
        tpu.vector_store %arg14[%parallel_loop3A_507, %parallel_loop3A_508], %parallel_loop3A_506 {strides = array<i32>} : memref<40x128xf32, #tpu.memory_space<vmem>>, vector<16xf32>,
        %parallel_loop3A_510 = arith.index_cast %parallel_loop3A_415 : i32 to index
        %parallel_loop3A_511 = arith.constant 32 : index
        %parallel_loop3A_512 = tpu.vector_load %arg12[%parallel_loop3A_510, %parallel_loop3A_511] {strides = array<i32>} : memref<80x128xf32, #tpu.memory_space<vmem>>, vector<16xf32>,
        %parallel_loop3A_513 = arith.index_cast %parallel_loop3A_415 : i32 to index
        %parallel_loop3A_514 = arith.constant 32 : index
        %parallel_loop3A_515 = tpu.vector_load %arg13[%parallel_loop3A_513, %parallel_loop3A_514] {strides = array<i32>} : memref<80x128xf32, #tpu.memory_space<vmem>>, vector<16xf32>,
        %parallel_loop3A_516 = arith.addf %parallel_loop3A_512, %parallel_loop3A_515 : vector<16xf32>
        %parallel_loop3A_517 = arith.index_cast %parallel_loop3A_415 : i32 to index
        %parallel_loop3A_518 = arith.constant 96 : index
        %parallel_loop3A_519 = tpu.vector_load %arg12[%parallel_loop3A_517, %parallel_loop3A_518] {strides = array<i32>} : memref<80x128xf32, #tpu.memory_space<vmem>>, vector<16xf32>,
        %parallel_loop3A_520 = arith.index_cast %parallel_loop3A_415 : i32 to index
        %parallel_loop3A_521 = arith.constant 96 : index
        %parallel_loop3A_522 = tpu.vector_load %arg13[%parallel_loop3A_520, %parallel_loop3A_521] {strides = array<i32>} : memref<80x128xf32, #tpu.memory_space<vmem>>, vector<16xf32>,
        %parallel_loop3A_523 = arith.addf %parallel_loop3A_519, %parallel_loop3A_522 : vector<16xf32>
        %parallel_loop3A_524 = vector.bitcast %parallel_loop3A_516 : vector<16xf32> to vector<16xi32>
        %parallel_loop3A_525 = vector.bitcast %parallel_loop3A_523 : vector<16xf32> to vector<16xi32>
        %parallel_loop3A_526 = arith.constant 32767 : i32
        %parallel_loop3A_527 = vector.broadcast %parallel_loop3A_526 : i32 to vector<16xi32>
        %parallel_loop3A_528 = arith.addi %parallel_loop3A_524, %parallel_loop3A_527 : vector<16xi32>
        %parallel_loop3A_529 = arith.constant 16 : i32
        %parallel_loop3A_530 = vector.broadcast %parallel_loop3A_529 : i32 to vector<16xi32>
        %parallel_loop3A_531 = arith.shrui %parallel_loop3A_524, %parallel_loop3A_530 : vector<16xi32>
        %parallel_loop3A_532 = arith.constant 1 : i32
        %parallel_loop3A_533 = vector.broadcast %parallel_loop3A_532 : i32 to vector<16xi32>
        %parallel_loop3A_534 = arith.andi %parallel_loop3A_531, %parallel_loop3A_533 : vector<16xi32>
        %parallel_loop3A_535 = arith.addi %parallel_loop3A_528, %parallel_loop3A_534 : vector<16xi32>
        %parallel_loop3A_536 = arith.constant 16 : i32
        %parallel_loop3A_537 = vector.broadcast %parallel_loop3A_536 : i32 to vector<16xi32>
        %parallel_loop3A_538 = arith.shrui %parallel_loop3A_535, %parallel_loop3A_537 : vector<16xi32>
        %parallel_loop3A_539 = arith.constant 32767 : i32
        %parallel_loop3A_540 = vector.broadcast %parallel_loop3A_539 : i32 to vector<16xi32>
        %parallel_loop3A_541 = arith.addi %parallel_loop3A_525, %parallel_loop3A_540 : vector<16xi32>
        %parallel_loop3A_542 = arith.constant 16 : i32
        %parallel_loop3A_543 = vector.broadcast %parallel_loop3A_542 : i32 to vector<16xi32>
        %parallel_loop3A_544 = arith.shrui %parallel_loop3A_525, %parallel_loop3A_543 : vector<16xi32>
        %parallel_loop3A_545 = arith.constant 1 : i32
        %parallel_loop3A_546 = vector.broadcast %parallel_loop3A_545 : i32 to vector<16xi32>
        %parallel_loop3A_547 = arith.andi %parallel_loop3A_544, %parallel_loop3A_546 : vector<16xi32>
        %parallel_loop3A_548 = arith.addi %parallel_loop3A_541, %parallel_loop3A_547 : vector<16xi32>
        %parallel_loop3A_549 = arith.constant -65536 : i32
        %parallel_loop3A_550 = vector.broadcast %parallel_loop3A_549 : i32 to vector<16xi32>
        %parallel_loop3A_551 = arith.andi %parallel_loop3A_548, %parallel_loop3A_550 : vector<16xi32>
        %parallel_loop3A_552 = arith.ori %parallel_loop3A_538, %parallel_loop3A_551 : vector<16xi32>
        %parallel_loop3A_553 = vector.bitcast %parallel_loop3A_552 : vector<16xi32> to vector<16xf32>
        %parallel_loop3A_554 = arith.index_cast %parallel_loop3A_411 : i32 to index
        %parallel_loop3A_555 = arith.constant 32 : index
        %parallel_loop3A_556 = tpu.vector_load %arg14[%parallel_loop3A_554, %parallel_loop3A_555] {strides = array<i32>} : memref<40x128xf32, #tpu.memory_space<vmem>>, vector<16xf32>,
        tpu.vector_store %arg14[%parallel_loop3A_554, %parallel_loop3A_555], %parallel_loop3A_553 {strides = array<i32>} : memref<40x128xf32, #tpu.memory_space<vmem>>, vector<16xf32>,
        %parallel_loop3A_557 = arith.index_cast %parallel_loop3A_415 : i32 to index
        %parallel_loop3A_558 = arith.constant 48 : index
        %parallel_loop3A_559 = tpu.vector_load %arg12[%parallel_loop3A_557, %parallel_loop3A_558] {strides = array<i32>} : memref<80x128xf32, #tpu.memory_space<vmem>>, vector<16xf32>,
        %parallel_loop3A_560 = arith.index_cast %parallel_loop3A_415 : i32 to index
        %parallel_loop3A_561 = arith.constant 48 : index
        %parallel_loop3A_562 = tpu.vector_load %arg13[%parallel_loop3A_560, %parallel_loop3A_561] {strides = array<i32>} : memref<80x128xf32, #tpu.memory_space<vmem>>, vector<16xf32>,
        %parallel_loop3A_563 = arith.addf %parallel_loop3A_559, %parallel_loop3A_562 : vector<16xf32>
        %parallel_loop3A_564 = arith.index_cast %parallel_loop3A_415 : i32 to index
        %parallel_loop3A_565 = arith.constant 112 : index
        %parallel_loop3A_566 = tpu.vector_load %arg12[%parallel_loop3A_564, %parallel_loop3A_565] {strides = array<i32>} : memref<80x128xf32, #tpu.memory_space<vmem>>, vector<16xf32>,
        %parallel_loop3A_567 = arith.index_cast %parallel_loop3A_415 : i32 to index
        %parallel_loop3A_568 = arith.constant 112 : index
        %parallel_loop3A_569 = tpu.vector_load %arg13[%parallel_loop3A_567, %parallel_loop3A_568] {strides = array<i32>} : memref<80x128xf32, #tpu.memory_space<vmem>>, vector<16xf32>,
        %parallel_loop3A_570 = arith.addf %parallel_loop3A_566, %parallel_loop3A_569 : vector<16xf32>
        %parallel_loop3A_571 = vector.bitcast %parallel_loop3A_563 : vector<16xf32> to vector<16xi32>
        %parallel_loop3A_572 = vector.bitcast %parallel_loop3A_570 : vector<16xf32> to vector<16xi32>
        %parallel_loop3A_573 = arith.constant 32767 : i32
        %parallel_loop3A_574 = vector.broadcast %parallel_loop3A_573 : i32 to vector<16xi32>
        %parallel_loop3A_575 = arith.addi %parallel_loop3A_571, %parallel_loop3A_574 : vector<16xi32>
        %parallel_loop3A_576 = arith.constant 16 : i32
        %parallel_loop3A_577 = vector.broadcast %parallel_loop3A_576 : i32 to vector<16xi32>
        %parallel_loop3A_578 = arith.shrui %parallel_loop3A_571, %parallel_loop3A_577 : vector<16xi32>
        %parallel_loop3A_579 = arith.constant 1 : i32
        %parallel_loop3A_580 = vector.broadcast %parallel_loop3A_579 : i32 to vector<16xi32>
        %parallel_loop3A_581 = arith.andi %parallel_loop3A_578, %parallel_loop3A_580 : vector<16xi32>
        %parallel_loop3A_582 = arith.addi %parallel_loop3A_575, %parallel_loop3A_581 : vector<16xi32>
        %parallel_loop3A_583 = arith.constant 16 : i32
        %parallel_loop3A_584 = vector.broadcast %parallel_loop3A_583 : i32 to vector<16xi32>
        %parallel_loop3A_585 = arith.shrui %parallel_loop3A_582, %parallel_loop3A_584 : vector<16xi32>
        %parallel_loop3A_586 = arith.constant 32767 : i32
        %parallel_loop3A_587 = vector.broadcast %parallel_loop3A_586 : i32 to vector<16xi32>
        %parallel_loop3A_588 = arith.addi %parallel_loop3A_572, %parallel_loop3A_587 : vector<16xi32>
        %parallel_loop3A_589 = arith.constant 16 : i32
        %parallel_loop3A_590 = vector.broadcast %parallel_loop3A_589 : i32 to vector<16xi32>
        %parallel_loop3A_591 = arith.shrui %parallel_loop3A_572, %parallel_loop3A_590 : vector<16xi32>
        %parallel_loop3A_592 = arith.constant 1 : i32
        %parallel_loop3A_593 = vector.broadcast %parallel_loop3A_592 : i32 to vector<16xi32>
        %parallel_loop3A_594 = arith.andi %parallel_loop3A_591, %parallel_loop3A_593 : vector<16xi32>
        %parallel_loop3A_595 = arith.addi %parallel_loop3A_588, %parallel_loop3A_594 : vector<16xi32>
        %parallel_loop3A_596 = arith.constant -65536 : i32
        %parallel_loop3A_597 = vector.broadcast %parallel_loop3A_596 : i32 to vector<16xi32>
        %parallel_loop3A_598 = arith.andi %parallel_loop3A_595, %parallel_loop3A_597 : vector<16xi32>
        %parallel_loop3A_599 = arith.ori %parallel_loop3A_585, %parallel_loop3A_598 : vector<16xi32>
        %parallel_loop3A_600 = vector.bitcast %parallel_loop3A_599 : vector<16xi32> to vector<16xf32>
        %parallel_loop3A_601 = arith.index_cast %parallel_loop3A_411 : i32 to index
        %parallel_loop3A_602 = arith.constant 48 : index
        %parallel_loop3A_603 = tpu.vector_load %arg14[%parallel_loop3A_601, %parallel_loop3A_602] {strides = array<i32>} : memref<40x128xf32, #tpu.memory_space<vmem>>, vector<16xf32>,
        tpu.vector_store %arg14[%parallel_loop3A_601, %parallel_loop3A_602], %parallel_loop3A_600 {strides = array<i32>} : memref<40x128xf32, #tpu.memory_space<vmem>>, vector<16xf32>,
        %parallel_loop3A_604 = arith.constant 2 : i32
        %parallel_loop3A_605 = arith.muli %parallel_loop3A_604, %parallel_loop3A_411 : i32
        %parallel_loop3A_606 = arith.constant 1 : i32
        %parallel_loop3A_607 = arith.addi %parallel_loop3A_605, %parallel_loop3A_606 : i32
        %parallel_loop3A_608 = arith.index_cast %parallel_loop3A_607 : i32 to index
        %parallel_loop3A_609 = arith.constant 0 : index
        %parallel_loop3A_610 = tpu.vector_load %arg12[%parallel_loop3A_608, %parallel_loop3A_609] {strides = array<i32>} : memref<80x128xf32, #tpu.memory_space<vmem>>, vector<16xf32>,
        %parallel_loop3A_611 = arith.index_cast %parallel_loop3A_607 : i32 to index
        %parallel_loop3A_612 = arith.constant 0 : index
        %parallel_loop3A_613 = tpu.vector_load %arg13[%parallel_loop3A_611, %parallel_loop3A_612] {strides = array<i32>} : memref<80x128xf32, #tpu.memory_space<vmem>>, vector<16xf32>,
        %parallel_loop3A_614 = arith.addf %parallel_loop3A_610, %parallel_loop3A_613 : vector<16xf32>
        %parallel_loop3A_615 = arith.index_cast %parallel_loop3A_607 : i32 to index
        %parallel_loop3A_616 = arith.constant 64 : index
        %parallel_loop3A_617 = tpu.vector_load %arg12[%parallel_loop3A_615, %parallel_loop3A_616] {strides = array<i32>} : memref<80x128xf32, #tpu.memory_space<vmem>>, vector<16xf32>,
        %parallel_loop3A_618 = arith.index_cast %parallel_loop3A_607 : i32 to index
        %parallel_loop3A_619 = arith.constant 64 : index
        %parallel_loop3A_620 = tpu.vector_load %arg13[%parallel_loop3A_618, %parallel_loop3A_619] {strides = array<i32>} : memref<80x128xf32, #tpu.memory_space<vmem>>, vector<16xf32>,
        %parallel_loop3A_621 = arith.addf %parallel_loop3A_617, %parallel_loop3A_620 : vector<16xf32>
        %parallel_loop3A_622 = vector.bitcast %parallel_loop3A_614 : vector<16xf32> to vector<16xi32>
        %parallel_loop3A_623 = vector.bitcast %parallel_loop3A_621 : vector<16xf32> to vector<16xi32>
        %parallel_loop3A_624 = arith.constant 32767 : i32
        %parallel_loop3A_625 = vector.broadcast %parallel_loop3A_624 : i32 to vector<16xi32>
        %parallel_loop3A_626 = arith.addi %parallel_loop3A_622, %parallel_loop3A_625 : vector<16xi32>
        %parallel_loop3A_627 = arith.constant 16 : i32
        %parallel_loop3A_628 = vector.broadcast %parallel_loop3A_627 : i32 to vector<16xi32>
        %parallel_loop3A_629 = arith.shrui %parallel_loop3A_622, %parallel_loop3A_628 : vector<16xi32>
        %parallel_loop3A_630 = arith.constant 1 : i32
        %parallel_loop3A_631 = vector.broadcast %parallel_loop3A_630 : i32 to vector<16xi32>
        %parallel_loop3A_632 = arith.andi %parallel_loop3A_629, %parallel_loop3A_631 : vector<16xi32>
        %parallel_loop3A_633 = arith.addi %parallel_loop3A_626, %parallel_loop3A_632 : vector<16xi32>
        %parallel_loop3A_634 = arith.constant 16 : i32
        %parallel_loop3A_635 = vector.broadcast %parallel_loop3A_634 : i32 to vector<16xi32>
        %parallel_loop3A_636 = arith.shrui %parallel_loop3A_633, %parallel_loop3A_635 : vector<16xi32>
        %parallel_loop3A_637 = arith.constant 32767 : i32
        %parallel_loop3A_638 = vector.broadcast %parallel_loop3A_637 : i32 to vector<16xi32>
        %parallel_loop3A_639 = arith.addi %parallel_loop3A_623, %parallel_loop3A_638 : vector<16xi32>
        %parallel_loop3A_640 = arith.constant 16 : i32
        %parallel_loop3A_641 = vector.broadcast %parallel_loop3A_640 : i32 to vector<16xi32>
        %parallel_loop3A_642 = arith.shrui %parallel_loop3A_623, %parallel_loop3A_641 : vector<16xi32>
        %parallel_loop3A_643 = arith.constant 1 : i32
        %parallel_loop3A_644 = vector.broadcast %parallel_loop3A_643 : i32 to vector<16xi32>
        %parallel_loop3A_645 = arith.andi %parallel_loop3A_642, %parallel_loop3A_644 : vector<16xi32>
        %parallel_loop3A_646 = arith.addi %parallel_loop3A_639, %parallel_loop3A_645 : vector<16xi32>
        %parallel_loop3A_647 = arith.constant -65536 : i32
        %parallel_loop3A_648 = vector.broadcast %parallel_loop3A_647 : i32 to vector<16xi32>
        %parallel_loop3A_649 = arith.andi %parallel_loop3A_646, %parallel_loop3A_648 : vector<16xi32>
        %parallel_loop3A_650 = arith.ori %parallel_loop3A_636, %parallel_loop3A_649 : vector<16xi32>
        %parallel_loop3A_651 = vector.bitcast %parallel_loop3A_650 : vector<16xi32> to vector<16xf32>
        %parallel_loop3A_652 = arith.index_cast %parallel_loop3A_411 : i32 to index
        %parallel_loop3A_653 = arith.constant 64 : index
        %parallel_loop3A_654 = tpu.vector_load %arg14[%parallel_loop3A_652, %parallel_loop3A_653] {strides = array<i32>} : memref<40x128xf32, #tpu.memory_space<vmem>>, vector<16xf32>,
        tpu.vector_store %arg14[%parallel_loop3A_652, %parallel_loop3A_653], %parallel_loop3A_651 {strides = array<i32>} : memref<40x128xf32, #tpu.memory_space<vmem>>, vector<16xf32>,
        %parallel_loop3A_655 = arith.index_cast %parallel_loop3A_607 : i32 to index
        %parallel_loop3A_656 = arith.constant 16 : index
        %parallel_loop3A_657 = tpu.vector_load %arg12[%parallel_loop3A_655, %parallel_loop3A_656] {strides = array<i32>} : memref<80x128xf32, #tpu.memory_space<vmem>>, vector<16xf32>,
        %parallel_loop3A_658 = arith.index_cast %parallel_loop3A_607 : i32 to index
        %parallel_loop3A_659 = arith.constant 16 : index
        %parallel_loop3A_660 = tpu.vector_load %arg13[%parallel_loop3A_658, %parallel_loop3A_659] {strides = array<i32>} : memref<80x128xf32, #tpu.memory_space<vmem>>, vector<16xf32>,
        %parallel_loop3A_661 = arith.addf %parallel_loop3A_657, %parallel_loop3A_660 : vector<16xf32>
        %parallel_loop3A_662 = arith.index_cast %parallel_loop3A_607 : i32 to index
        %parallel_loop3A_663 = arith.constant 80 : index
        %parallel_loop3A_664 = tpu.vector_load %arg12[%parallel_loop3A_662, %parallel_loop3A_663] {strides = array<i32>} : memref<80x128xf32, #tpu.memory_space<vmem>>, vector<16xf32>,
        %parallel_loop3A_665 = arith.index_cast %parallel_loop3A_607 : i32 to index
        %parallel_loop3A_666 = arith.constant 80 : index
        %parallel_loop3A_667 = tpu.vector_load %arg13[%parallel_loop3A_665, %parallel_loop3A_666] {strides = array<i32>} : memref<80x128xf32, #tpu.memory_space<vmem>>, vector<16xf32>,
        %parallel_loop3A_668 = arith.addf %parallel_loop3A_664, %parallel_loop3A_667 : vector<16xf32>
        %parallel_loop3A_669 = vector.bitcast %parallel_loop3A_661 : vector<16xf32> to vector<16xi32>
        %parallel_loop3A_670 = vector.bitcast %parallel_loop3A_668 : vector<16xf32> to vector<16xi32>
        %parallel_loop3A_671 = arith.constant 32767 : i32
        %parallel_loop3A_672 = vector.broadcast %parallel_loop3A_671 : i32 to vector<16xi32>
        %parallel_loop3A_673 = arith.addi %parallel_loop3A_669, %parallel_loop3A_672 : vector<16xi32>
        %parallel_loop3A_674 = arith.constant 16 : i32
        %parallel_loop3A_675 = vector.broadcast %parallel_loop3A_674 : i32 to vector<16xi32>
        %parallel_loop3A_676 = arith.shrui %parallel_loop3A_669, %parallel_loop3A_675 : vector<16xi32>
        %parallel_loop3A_677 = arith.constant 1 : i32
        %parallel_loop3A_678 = vector.broadcast %parallel_loop3A_677 : i32 to vector<16xi32>
        %parallel_loop3A_679 = arith.andi %parallel_loop3A_676, %parallel_loop3A_678 : vector<16xi32>
        %parallel_loop3A_680 = arith.addi %parallel_loop3A_673, %parallel_loop3A_679 : vector<16xi32>
        %parallel_loop3A_681 = arith.constant 16 : i32
        %parallel_loop3A_682 = vector.broadcast %parallel_loop3A_681 : i32 to vector<16xi32>
        %parallel_loop3A_683 = arith.shrui %parallel_loop3A_680, %parallel_loop3A_682 : vector<16xi32>
        %parallel_loop3A_684 = arith.constant 32767 : i32
        %parallel_loop3A_685 = vector.broadcast %parallel_loop3A_684 : i32 to vector<16xi32>
        %parallel_loop3A_686 = arith.addi %parallel_loop3A_670, %parallel_loop3A_685 : vector<16xi32>
        %parallel_loop3A_687 = arith.constant 16 : i32
        %parallel_loop3A_688 = vector.broadcast %parallel_loop3A_687 : i32 to vector<16xi32>
        %parallel_loop3A_689 = arith.shrui %parallel_loop3A_670, %parallel_loop3A_688 : vector<16xi32>
        %parallel_loop3A_690 = arith.constant 1 : i32
        %parallel_loop3A_691 = vector.broadcast %parallel_loop3A_690 : i32 to vector<16xi32>
        %parallel_loop3A_692 = arith.andi %parallel_loop3A_689, %parallel_loop3A_691 : vector<16xi32>
        %parallel_loop3A_693 = arith.addi %parallel_loop3A_686, %parallel_loop3A_692 : vector<16xi32>
        %parallel_loop3A_694 = arith.constant -65536 : i32
        %parallel_loop3A_695 = vector.broadcast %parallel_loop3A_694 : i32 to vector<16xi32>
        %parallel_loop3A_696 = arith.andi %parallel_loop3A_693, %parallel_loop3A_695 : vector<16xi32>
        %parallel_loop3A_697 = arith.ori %parallel_loop3A_683, %parallel_loop3A_696 : vector<16xi32>
        %parallel_loop3A_698 = vector.bitcast %parallel_loop3A_697 : vector<16xi32> to vector<16xf32>
        %parallel_loop3A_699 = arith.index_cast %parallel_loop3A_411 : i32 to index
        %parallel_loop3A_700 = arith.constant 80 : index
        %parallel_loop3A_701 = tpu.vector_load %arg14[%parallel_loop3A_699, %parallel_loop3A_700] {strides = array<i32>} : memref<40x128xf32, #tpu.memory_space<vmem>>, vector<16xf32>,
        tpu.vector_store %arg14[%parallel_loop3A_699, %parallel_loop3A_700], %parallel_loop3A_698 {strides = array<i32>} : memref<40x128xf32, #tpu.memory_space<vmem>>, vector<16xf32>,
        %parallel_loop3A_702 = arith.index_cast %parallel_loop3A_607 : i32 to index
        %parallel_loop3A_703 = arith.constant 32 : index
        %parallel_loop3A_704 = tpu.vector_load %arg12[%parallel_loop3A_702, %parallel_loop3A_703] {strides = array<i32>} : memref<80x128xf32, #tpu.memory_space<vmem>>, vector<16xf32>,
        %parallel_loop3A_705 = arith.index_cast %parallel_loop3A_607 : i32 to index
        %parallel_loop3A_706 = arith.constant 32 : index
        %parallel_loop3A_707 = tpu.vector_load %arg13[%parallel_loop3A_705, %parallel_loop3A_706] {strides = array<i32>} : memref<80x128xf32, #tpu.memory_space<vmem>>, vector<16xf32>,
        %parallel_loop3A_708 = arith.addf %parallel_loop3A_704, %parallel_loop3A_707 : vector<16xf32>
        %parallel_loop3A_709 = arith.index_cast %parallel_loop3A_607 : i32 to index
        %parallel_loop3A_710 = arith.constant 96 : index
        %parallel_loop3A_711 = tpu.vector_load %arg12[%parallel_loop3A_709, %parallel_loop3A_710] {strides = array<i32>} : memref<80x128xf32, #tpu.memory_space<vmem>>, vector<16xf32>,
        %parallel_loop3A_712 = arith.index_cast %parallel_loop3A_607 : i32 to index
        %parallel_loop3A_713 = arith.constant 96 : index
        %parallel_loop3A_714 = tpu.vector_load %arg13[%parallel_loop3A_712, %parallel_loop3A_713] {strides = array<i32>} : memref<80x128xf32, #tpu.memory_space<vmem>>, vector<16xf32>,
        %parallel_loop3A_715 = arith.addf %parallel_loop3A_711, %parallel_loop3A_714 : vector<16xf32>
        %parallel_loop3A_716 = vector.bitcast %parallel_loop3A_708 : vector<16xf32> to vector<16xi32>
        %parallel_loop3A_717 = vector.bitcast %parallel_loop3A_715 : vector<16xf32> to vector<16xi32>
        %parallel_loop3A_718 = arith.constant 32767 : i32
        %parallel_loop3A_719 = vector.broadcast %parallel_loop3A_718 : i32 to vector<16xi32>
        %parallel_loop3A_720 = arith.addi %parallel_loop3A_716, %parallel_loop3A_719 : vector<16xi32>
        %parallel_loop3A_721 = arith.constant 16 : i32
        %parallel_loop3A_722 = vector.broadcast %parallel_loop3A_721 : i32 to vector<16xi32>
        %parallel_loop3A_723 = arith.shrui %parallel_loop3A_716, %parallel_loop3A_722 : vector<16xi32>
        %parallel_loop3A_724 = arith.constant 1 : i32
        %parallel_loop3A_725 = vector.broadcast %parallel_loop3A_724 : i32 to vector<16xi32>
        %parallel_loop3A_726 = arith.andi %parallel_loop3A_723, %parallel_loop3A_725 : vector<16xi32>
        %parallel_loop3A_727 = arith.addi %parallel_loop3A_720, %parallel_loop3A_726 : vector<16xi32>
        %parallel_loop3A_728 = arith.constant 16 : i32
        %parallel_loop3A_729 = vector.broadcast %parallel_loop3A_728 : i32 to vector<16xi32>
        %parallel_loop3A_730 = arith.shrui %parallel_loop3A_727, %parallel_loop3A_729 : vector<16xi32>
        %parallel_loop3A_731 = arith.constant 32767 : i32
        %parallel_loop3A_732 = vector.broadcast %parallel_loop3A_731 : i32 to vector<16xi32>
        %parallel_loop3A_733 = arith.addi %parallel_loop3A_717, %parallel_loop3A_732 : vector<16xi32>
        %parallel_loop3A_734 = arith.constant 16 : i32
        %parallel_loop3A_735 = vector.broadcast %parallel_loop3A_734 : i32 to vector<16xi32>
        %parallel_loop3A_736 = arith.shrui %parallel_loop3A_717, %parallel_loop3A_735 : vector<16xi32>
        %parallel_loop3A_737 = arith.constant 1 : i32
        %parallel_loop3A_738 = vector.broadcast %parallel_loop3A_737 : i32 to vector<16xi32>
        %parallel_loop3A_739 = arith.andi %parallel_loop3A_736, %parallel_loop3A_738 : vector<16xi32>
        %parallel_loop3A_740 = arith.addi %parallel_loop3A_733, %parallel_loop3A_739 : vector<16xi32>
        %parallel_loop3A_741 = arith.constant -65536 : i32
        %parallel_loop3A_742 = vector.broadcast %parallel_loop3A_741 : i32 to vector<16xi32>
        %parallel_loop3A_743 = arith.andi %parallel_loop3A_740, %parallel_loop3A_742 : vector<16xi32>
        %parallel_loop3A_744 = arith.ori %parallel_loop3A_730, %parallel_loop3A_743 : vector<16xi32>
        %parallel_loop3A_745 = vector.bitcast %parallel_loop3A_744 : vector<16xi32> to vector<16xf32>
        %parallel_loop3A_746 = arith.index_cast %parallel_loop3A_411 : i32 to index
        %parallel_loop3A_747 = arith.constant 96 : index
        %parallel_loop3A_748 = tpu.vector_load %arg14[%parallel_loop3A_746, %parallel_loop3A_747] {strides = array<i32>} : memref<40x128xf32, #tpu.memory_space<vmem>>, vector<16xf32>,
        tpu.vector_store %arg14[%parallel_loop3A_746, %parallel_loop3A_747], %parallel_loop3A_745 {strides = array<i32>} : memref<40x128xf32, #tpu.memory_space<vmem>>, vector<16xf32>,
        %parallel_loop3A_749 = arith.index_cast %parallel_loop3A_607 : i32 to index
        %parallel_loop3A_750 = arith.constant 48 : index
        %parallel_loop3A_751 = tpu.vector_load %arg12[%parallel_loop3A_749, %parallel_loop3A_750] {strides = array<i32>} : memref<80x128xf32, #tpu.memory_space<vmem>>, vector<16xf32>,
        %parallel_loop3A_752 = arith.index_cast %parallel_loop3A_607 : i32 to index
        %parallel_loop3A_753 = arith.constant 48 : index
        %parallel_loop3A_754 = tpu.vector_load %arg13[%parallel_loop3A_752, %parallel_loop3A_753] {strides = array<i32>} : memref<80x128xf32, #tpu.memory_space<vmem>>, vector<16xf32>,
        %parallel_loop3A_755 = arith.addf %parallel_loop3A_751, %parallel_loop3A_754 : vector<16xf32>
        %parallel_loop3A_756 = arith.index_cast %parallel_loop3A_607 : i32 to index
        %parallel_loop3A_757 = arith.constant 112 : index
        %parallel_loop3A_758 = tpu.vector_load %arg12[%parallel_loop3A_756, %parallel_loop3A_757] {strides = array<i32>} : memref<80x128xf32, #tpu.memory_space<vmem>>, vector<16xf32>,
        %parallel_loop3A_759 = arith.index_cast %parallel_loop3A_607 : i32 to index
        %parallel_loop3A_760 = arith.constant 112 : index
        %parallel_loop3A_761 = tpu.vector_load %arg13[%parallel_loop3A_759, %parallel_loop3A_760] {strides = array<i32>} : memref<80x128xf32, #tpu.memory_space<vmem>>, vector<16xf32>,
        %parallel_loop3A_762 = arith.addf %parallel_loop3A_758, %parallel_loop3A_761 : vector<16xf32>
        %parallel_loop3A_763 = vector.bitcast %parallel_loop3A_755 : vector<16xf32> to vector<16xi32>
        %parallel_loop3A_764 = vector.bitcast %parallel_loop3A_762 : vector<16xf32> to vector<16xi32>
        %parallel_loop3A_765 = arith.constant 32767 : i32
        %parallel_loop3A_766 = vector.broadcast %parallel_loop3A_765 : i32 to vector<16xi32>
        %parallel_loop3A_767 = arith.addi %parallel_loop3A_763, %parallel_loop3A_766 : vector<16xi32>
        %parallel_loop3A_768 = arith.constant 16 : i32
        %parallel_loop3A_769 = vector.broadcast %parallel_loop3A_768 : i32 to vector<16xi32>
        %parallel_loop3A_770 = arith.shrui %parallel_loop3A_763, %parallel_loop3A_769 : vector<16xi32>
        %parallel_loop3A_771 = arith.constant 1 : i32
        %parallel_loop3A_772 = vector.broadcast %parallel_loop3A_771 : i32 to vector<16xi32>
        %parallel_loop3A_773 = arith.andi %parallel_loop3A_770, %parallel_loop3A_772 : vector<16xi32>
        %parallel_loop3A_774 = arith.addi %parallel_loop3A_767, %parallel_loop3A_773 : vector<16xi32>
        %parallel_loop3A_775 = arith.constant 16 : i32
        %parallel_loop3A_776 = vector.broadcast %parallel_loop3A_775 : i32 to vector<16xi32>
        %parallel_loop3A_777 = arith.shrui %parallel_loop3A_774, %parallel_loop3A_776 : vector<16xi32>
        %parallel_loop3A_778 = arith.constant 32767 : i32
        %parallel_loop3A_779 = vector.broadcast %parallel_loop3A_778 : i32 to vector<16xi32>
        %parallel_loop3A_780 = arith.addi %parallel_loop3A_764, %parallel_loop3A_779 : vector<16xi32>
        %parallel_loop3A_781 = arith.constant 16 : i32
        %parallel_loop3A_782 = vector.broadcast %parallel_loop3A_781 : i32 to vector<16xi32>
        %parallel_loop3A_783 = arith.shrui %parallel_loop3A_764, %parallel_loop3A_782 : vector<16xi32>
        %parallel_loop3A_784 = arith.constant 1 : i32
        %parallel_loop3A_785 = vector.broadcast %parallel_loop3A_784 : i32 to vector<16xi32>
        %parallel_loop3A_786 = arith.andi %parallel_loop3A_783, %parallel_loop3A_785 : vector<16xi32>
        %parallel_loop3A_787 = arith.addi %parallel_loop3A_780, %parallel_loop3A_786 : vector<16xi32>
        %parallel_loop3A_788 = arith.constant -65536 : i32
        %parallel_loop3A_789 = vector.broadcast %parallel_loop3A_788 : i32 to vector<16xi32>
        %parallel_loop3A_790 = arith.andi %parallel_loop3A_787, %parallel_loop3A_789 : vector<16xi32>
        %parallel_loop3A_791 = arith.ori %parallel_loop3A_777, %parallel_loop3A_790 : vector<16xi32>
        %parallel_loop3A_792 = vector.bitcast %parallel_loop3A_791 : vector<16xi32> to vector<16xf32>
        %parallel_loop3A_793 = arith.index_cast %parallel_loop3A_411 : i32 to index
        %parallel_loop3A_794 = arith.constant 112 : index
        %parallel_loop3A_795 = tpu.vector_load %arg14[%parallel_loop3A_793, %parallel_loop3A_794] {strides = array<i32>} : memref<40x128xf32, #tpu.memory_space<vmem>>, vector<16xf32>,
        tpu.vector_store %arg14[%parallel_loop3A_793, %parallel_loop3A_794], %parallel_loop3A_792 {strides = array<i32>} : memref<40x128xf32, #tpu.memory_space<vmem>>, vector<16xf32>,
      } {sc.loop_unroll_factor = 2 : i64, sc.parallel_access}
      %mul3A_289 = arith.constant 80 : i32
      %mul3A_290 = arith.muli %add3A_285, %mul3A_289 : i32
      %add3A_291 = arith.addi %mul3A_2, %mul3A_290 : i32
      %jit3A_292 = arith.constant 2 : i32
      %div3A_293 = arith.divsi %add3A_291, %jit3A_292 : i32
      %sign3A_294 = arith.constant 0 : i32
      %sign3A_295 = arith.cmpi sgt, %add3A_291, %sign3A_294 : i32
      %sign3A_296 = arith.extui %sign3A_295 : i1 to i32
      %sign3A_297 = arith.constant 0 : i32
      %sign3A_298 = arith.cmpi slt, %add3A_291, %sign3A_297 : i32
      %sign3A_299 = arith.extui %sign3A_298 : i1 to i32
      %sign3A_300 = arith.subi %sign3A_296, %sign3A_299 : i32
      %sign3A_301 = arith.constant 0 : i32
      %sign3A_302 = arith.cmpi sgt, %jit3A_292, %sign3A_301 : i32
      %sign3A_303 = arith.extui %sign3A_302 : i1 to i32
      %sign3A_304 = arith.constant 0 : i32
      %sign3A_305 = arith.cmpi slt, %jit3A_292, %sign3A_304 : i32
      %sign3A_306 = arith.extui %sign3A_305 : i1 to i32
      %sign3A_307 = arith.subi %sign3A_303, %sign3A_306 : i32
      %ne3A_308 = arith.cmpi ne, %sign3A_300, %sign3A_307 : i32
      %rem3A_309 = arith.remsi %add3A_291, %jit3A_292 : i32
      %ne3A_310 = arith.constant 0 : i32
      %ne3A_311 = arith.cmpi ne, %rem3A_309, %ne3A_310 : i32
      %and3A_312 = arith.andi %ne3A_308, %ne3A_311 : i1
      %sub3A_313 = arith.constant 1 : i32
      %sub3A_314 = arith.subi %div3A_293, %sub3A_313 : i32
      %select_n3A_315 = arith.select %and3A_312, %sub3A_314, %div3A_293 : i32
      %multiple_of3A_316 = tpu.assume_multiple %select_n3A_315, 8 : i32
      %dma_start3A_317 = arith.constant 0 : i32
      %dma_start3A_318 = tpu.memref_slice %arg6[%multiple_of3A_316, %dma_start3A_317] : memref<160000x128xf32, #tpu.memory_space<hbm>> -> memref<40x128xf32, #tpu.memory_space<hbm>>
      %dma_start3A_319 = arith.constant 0 : i32
      %dma_start3A_320 = tpu.memref_slice %arg6[%multiple_of3A_316, %dma_start3A_319] : memref<160000x128xf32, #tpu.memory_space<hbm>> -> memref<40x128xf32, #tpu.memory_space<hbm>>
      tpu.enqueue_dma source(%arg14 : memref<40x128xf32, #tpu.memory_space<vmem>>) target(%dma_start3A_320 : memref<40x128xf32, #tpu.memory_space<hbm>>) target_semaphore(%arg22 : memref<!tpu.dma_semaphore, #tpu.memory_space<semaphore_mem>>)
      %add3A_321 = arith.constant 43 : i32
      %add3A_322 = arith.addi %add3A_321, %scan3A_198 : i32
      %add3A_323 = arith.constant 1 : i32
      %add3A_324 = arith.addi %add3A_322, %add3A_323 : i32
      %min3A_325 = arith.constant 83 : i32
      %min3A_326 = arith.minsi %add3A_324, %min3A_325 : i32
      %dma_start3A_327 = arith.constant 0 : i32
      %dma_start3A_328 = tpu.memref_slice %arg7[%min3A_326, %dma_start3A_327] : memref<125x80xi32, #tpu.memory_space<vmem>> -> memref<1x80xi32, #tpu.memory_space<vmem>>
      %dma_start3A_329 = tpu.memref_squeeze %dma_start3A_328 : memref<1x80xi32, #tpu.memory_space<vmem>> -> memref<80xi32, #tpu.memory_space<vmem>>
      %dma_start3A_330 = arith.constant 0 : i32
      %dma_start3A_331 = arith.constant 0 : i32
      %dma_start3A_332 = tpu.memref_slice %arg2[%dma_start3A_330, %dma_start3A_331] : memref<10000x128xf32, #tpu.memory_space<hbm>> -> memref<10000x128xf32, #tpu.memory_space<hbm>>
      tpu.enqueue_indirect_dma source(%dma_start3A_332 : memref<10000x128xf32, #tpu.memory_space<hbm>>) target(%arg12 : memref<80x128xf32, #tpu.memory_space<vmem>>) offsets(%dma_start3A_329 : memref<80xi32, #tpu.memory_space<vmem>>) semaphore(%arg19 : memref<!tpu.dma_semaphore, #tpu.memory_space<semaphore_mem>>)
      %dma_start3A_333 = arith.constant 0 : i32
      %dma_start3A_334 = tpu.memref_slice %arg8[%min3A_326, %dma_start3A_333] : memref<125x80xi32, #tpu.memory_space<vmem>> -> memref<1x80xi32, #tpu.memory_space<vmem>>
      %dma_start3A_335 = tpu.memref_squeeze %dma_start3A_334 : memref<1x80xi32, #tpu.memory_space<vmem>> -> memref<80xi32, #tpu.memory_space<vmem>>
      %dma_start3A_336 = arith.constant 0 : i32
      %dma_start3A_337 = arith.constant 0 : i32
      %dma_start3A_338 = tpu.memref_slice %arg3[%dma_start3A_336, %dma_start3A_337] : memref<10000x128xf32, #tpu.memory_space<hbm>> -> memref<10000x128xf32, #tpu.memory_space<hbm>>
      tpu.enqueue_indirect_dma source(%dma_start3A_338 : memref<10000x128xf32, #tpu.memory_space<hbm>>) target(%arg13 : memref<80x128xf32, #tpu.memory_space<vmem>>) offsets(%dma_start3A_335 : memref<80xi32, #tpu.memory_space<vmem>>) semaphore(%arg19 : memref<!tpu.dma_semaphore, #tpu.memory_space<semaphore_mem>>)
      %dma_wait3A_339 = arith.constant 0 : i32
      %dma_wait3A_340 = arith.constant 0 : i32
      %dma_wait3A_341 = tpu.memref_slice %arg2[%dma_wait3A_339, %dma_wait3A_340] : memref<10000x128xf32, #tpu.memory_space<hbm>> -> memref<80x128xf32, #tpu.memory_space<hbm>>
      %dma_wait3A_342 = arith.constant 0 : i32
      %dma_wait3A_343 = arith.constant 0 : i32
      %dma_wait3A_344 = tpu.memref_slice %arg2[%dma_wait3A_342, %dma_wait3A_343] : memref<10000x128xf32, #tpu.memory_space<hbm>> -> memref<80x128xf32, #tpu.memory_space<hbm>>
      tpu.wait_dma2 semaphore(%arg20 : memref<!tpu.dma_semaphore, #tpu.memory_space<semaphore_mem>>) src(%dma_wait3A_344 : memref<80x128xf32, #tpu.memory_space<hbm>>) dst(%arg15 : memref<80x128xf32, #tpu.memory_space<vmem>>)
      %dma_wait3A_345 = arith.constant 0 : i32
      %dma_wait3A_346 = arith.constant 0 : i32
      %dma_wait3A_347 = tpu.memref_slice %arg3[%dma_wait3A_345, %dma_wait3A_346] : memref<10000x128xf32, #tpu.memory_space<hbm>> -> memref<80x128xf32, #tpu.memory_space<hbm>>
      %dma_wait3A_348 = arith.constant 0 : i32
      %dma_wait3A_349 = arith.constant 0 : i32
      %dma_wait3A_350 = tpu.memref_slice %arg3[%dma_wait3A_348, %dma_wait3A_349] : memref<10000x128xf32, #tpu.memory_space<hbm>> -> memref<80x128xf32, #tpu.memory_space<hbm>>
      tpu.wait_dma2 semaphore(%arg20 : memref<!tpu.dma_semaphore, #tpu.memory_space<semaphore_mem>>) src(%dma_wait3A_350 : memref<80x128xf32, #tpu.memory_space<hbm>>) dst(%arg16 : memref<80x128xf32, #tpu.memory_space<vmem>>)
      %gt3A_351 = arith.constant 0 : i32
      %gt3A_352 = arith.cmpi sgt, %scan3A_198, %gt3A_351 : i32
      %convert_element_type3A_353 = arith.extui %gt3A_352 : i1 to i32
      %cond3A_354 = arith.constant 0 : i32
      %cond3A_355 = arith.cmpi ne, %convert_element_type3A_353, %cond3A_354 : i32
      scf.if %cond3A_355 {
        %dma_wait3A_411 = arith.constant 0 : i32
        %dma_wait3A_412 = arith.constant 0 : i32
        %dma_wait3A_413 = tpu.memref_slice %arg6[%dma_wait3A_411, %dma_wait3A_412] : memref<160000x128xf32, #tpu.memory_space<hbm>> -> memref<40x128xf32, #tpu.memory_space<hbm>>
        %dma_wait3A_414 = arith.constant 0 : i32
        %dma_wait3A_415 = arith.constant 0 : i32
        %dma_wait3A_416 = tpu.memref_slice %arg6[%dma_wait3A_414, %dma_wait3A_415] : memref<160000x128xf32, #tpu.memory_space<hbm>> -> memref<40x128xf32, #tpu.memory_space<hbm>>
        tpu.wait_dma2 semaphore(%arg23 : memref<!tpu.dma_semaphore, #tpu.memory_space<semaphore_mem>>) src(%arg17 : memref<40x128xf32, #tpu.memory_space<vmem>>) dst(%dma_wait3A_416 : memref<40x128xf32, #tpu.memory_space<hbm>>)
      } else {
      }
      %add3A_356 = arith.constant 84 : i32
      %add3A_357 = arith.addi %add3A_356, %scan3A_198 : i32
      %parallel_loop3A_358 = arith.constant 0 : i32
      %parallel_loop3A_359 = arith.constant 40 : i32
      %parallel_loop3A_360 = arith.constant 1 : i32
      scf.for %parallel_loop3A_411 = %parallel_loop3A_358 to %parallel_loop3A_359 step %parallel_loop3A_360  : i32 {
        %parallel_loop3A_412 = arith.constant 2 : i32
        %parallel_loop3A_413 = arith.muli %parallel_loop3A_412, %parallel_loop3A_411 : i32
        %parallel_loop3A_414 = arith.constant 0 : i32
        %parallel_loop3A_415 = arith.addi %parallel_loop3A_413, %parallel_loop3A_414 : i32
        %parallel_loop3A_416 = arith.index_cast %parallel_loop3A_415 : i32 to index
        %parallel_loop3A_417 = arith.constant 0 : index
        %parallel_loop3A_418 = tpu.vector_load %arg15[%parallel_loop3A_416, %parallel_loop3A_417] {strides = array<i32>} : memref<80x128xf32, #tpu.memory_space<vmem>>, vector<16xf32>,
        %parallel_loop3A_419 = arith.index_cast %parallel_loop3A_415 : i32 to index
        %parallel_loop3A_420 = arith.constant 0 : index
        %parallel_loop3A_421 = tpu.vector_load %arg16[%parallel_loop3A_419, %parallel_loop3A_420] {strides = array<i32>} : memref<80x128xf32, #tpu.memory_space<vmem>>, vector<16xf32>,
        %parallel_loop3A_422 = arith.addf %parallel_loop3A_418, %parallel_loop3A_421 : vector<16xf32>
        %parallel_loop3A_423 = arith.index_cast %parallel_loop3A_415 : i32 to index
        %parallel_loop3A_424 = arith.constant 64 : index
        %parallel_loop3A_425 = tpu.vector_load %arg15[%parallel_loop3A_423, %parallel_loop3A_424] {strides = array<i32>} : memref<80x128xf32, #tpu.memory_space<vmem>>, vector<16xf32>,
        %parallel_loop3A_426 = arith.index_cast %parallel_loop3A_415 : i32 to index
        %parallel_loop3A_427 = arith.constant 64 : index
        %parallel_loop3A_428 = tpu.vector_load %arg16[%parallel_loop3A_426, %parallel_loop3A_427] {strides = array<i32>} : memref<80x128xf32, #tpu.memory_space<vmem>>, vector<16xf32>,
        %parallel_loop3A_429 = arith.addf %parallel_loop3A_425, %parallel_loop3A_428 : vector<16xf32>
        %parallel_loop3A_430 = vector.bitcast %parallel_loop3A_422 : vector<16xf32> to vector<16xi32>
        %parallel_loop3A_431 = vector.bitcast %parallel_loop3A_429 : vector<16xf32> to vector<16xi32>
        %parallel_loop3A_432 = arith.constant 32767 : i32
        %parallel_loop3A_433 = vector.broadcast %parallel_loop3A_432 : i32 to vector<16xi32>
        %parallel_loop3A_434 = arith.addi %parallel_loop3A_430, %parallel_loop3A_433 : vector<16xi32>
        %parallel_loop3A_435 = arith.constant 16 : i32
        %parallel_loop3A_436 = vector.broadcast %parallel_loop3A_435 : i32 to vector<16xi32>
        %parallel_loop3A_437 = arith.shrui %parallel_loop3A_430, %parallel_loop3A_436 : vector<16xi32>
        %parallel_loop3A_438 = arith.constant 1 : i32
        %parallel_loop3A_439 = vector.broadcast %parallel_loop3A_438 : i32 to vector<16xi32>
        %parallel_loop3A_440 = arith.andi %parallel_loop3A_437, %parallel_loop3A_439 : vector<16xi32>
        %parallel_loop3A_441 = arith.addi %parallel_loop3A_434, %parallel_loop3A_440 : vector<16xi32>
        %parallel_loop3A_442 = arith.constant 16 : i32
        %parallel_loop3A_443 = vector.broadcast %parallel_loop3A_442 : i32 to vector<16xi32>
        %parallel_loop3A_444 = arith.shrui %parallel_loop3A_441, %parallel_loop3A_443 : vector<16xi32>
        %parallel_loop3A_445 = arith.constant 32767 : i32
        %parallel_loop3A_446 = vector.broadcast %parallel_loop3A_445 : i32 to vector<16xi32>
        %parallel_loop3A_447 = arith.addi %parallel_loop3A_431, %parallel_loop3A_446 : vector<16xi32>
        %parallel_loop3A_448 = arith.constant 16 : i32
        %parallel_loop3A_449 = vector.broadcast %parallel_loop3A_448 : i32 to vector<16xi32>
        %parallel_loop3A_450 = arith.shrui %parallel_loop3A_431, %parallel_loop3A_449 : vector<16xi32>
        %parallel_loop3A_451 = arith.constant 1 : i32
        %parallel_loop3A_452 = vector.broadcast %parallel_loop3A_451 : i32 to vector<16xi32>
        %parallel_loop3A_453 = arith.andi %parallel_loop3A_450, %parallel_loop3A_452 : vector<16xi32>
        %parallel_loop3A_454 = arith.addi %parallel_loop3A_447, %parallel_loop3A_453 : vector<16xi32>
        %parallel_loop3A_455 = arith.constant -65536 : i32
        %parallel_loop3A_456 = vector.broadcast %parallel_loop3A_455 : i32 to vector<16xi32>
        %parallel_loop3A_457 = arith.andi %parallel_loop3A_454, %parallel_loop3A_456 : vector<16xi32>
        %parallel_loop3A_458 = arith.ori %parallel_loop3A_444, %parallel_loop3A_457 : vector<16xi32>
        %parallel_loop3A_459 = vector.bitcast %parallel_loop3A_458 : vector<16xi32> to vector<16xf32>
        %parallel_loop3A_460 = arith.index_cast %parallel_loop3A_411 : i32 to index
        %parallel_loop3A_461 = arith.constant 0 : index
        %parallel_loop3A_462 = tpu.vector_load %arg17[%parallel_loop3A_460, %parallel_loop3A_461] {strides = array<i32>} : memref<40x128xf32, #tpu.memory_space<vmem>>, vector<16xf32>,
        tpu.vector_store %arg17[%parallel_loop3A_460, %parallel_loop3A_461], %parallel_loop3A_459 {strides = array<i32>} : memref<40x128xf32, #tpu.memory_space<vmem>>, vector<16xf32>,
        %parallel_loop3A_463 = arith.index_cast %parallel_loop3A_415 : i32 to index
        %parallel_loop3A_464 = arith.constant 16 : index
        %parallel_loop3A_465 = tpu.vector_load %arg15[%parallel_loop3A_463, %parallel_loop3A_464] {strides = array<i32>} : memref<80x128xf32, #tpu.memory_space<vmem>>, vector<16xf32>,
        %parallel_loop3A_466 = arith.index_cast %parallel_loop3A_415 : i32 to index
        %parallel_loop3A_467 = arith.constant 16 : index
        %parallel_loop3A_468 = tpu.vector_load %arg16[%parallel_loop3A_466, %parallel_loop3A_467] {strides = array<i32>} : memref<80x128xf32, #tpu.memory_space<vmem>>, vector<16xf32>,
        %parallel_loop3A_469 = arith.addf %parallel_loop3A_465, %parallel_loop3A_468 : vector<16xf32>
        %parallel_loop3A_470 = arith.index_cast %parallel_loop3A_415 : i32 to index
        %parallel_loop3A_471 = arith.constant 80 : index
        %parallel_loop3A_472 = tpu.vector_load %arg15[%parallel_loop3A_470, %parallel_loop3A_471] {strides = array<i32>} : memref<80x128xf32, #tpu.memory_space<vmem>>, vector<16xf32>,
        %parallel_loop3A_473 = arith.index_cast %parallel_loop3A_415 : i32 to index
        %parallel_loop3A_474 = arith.constant 80 : index
        %parallel_loop3A_475 = tpu.vector_load %arg16[%parallel_loop3A_473, %parallel_loop3A_474] {strides = array<i32>} : memref<80x128xf32, #tpu.memory_space<vmem>>, vector<16xf32>,
        %parallel_loop3A_476 = arith.addf %parallel_loop3A_472, %parallel_loop3A_475 : vector<16xf32>
        %parallel_loop3A_477 = vector.bitcast %parallel_loop3A_469 : vector<16xf32> to vector<16xi32>
        %parallel_loop3A_478 = vector.bitcast %parallel_loop3A_476 : vector<16xf32> to vector<16xi32>
        %parallel_loop3A_479 = arith.constant 32767 : i32
        %parallel_loop3A_480 = vector.broadcast %parallel_loop3A_479 : i32 to vector<16xi32>
        %parallel_loop3A_481 = arith.addi %parallel_loop3A_477, %parallel_loop3A_480 : vector<16xi32>
        %parallel_loop3A_482 = arith.constant 16 : i32
        %parallel_loop3A_483 = vector.broadcast %parallel_loop3A_482 : i32 to vector<16xi32>
        %parallel_loop3A_484 = arith.shrui %parallel_loop3A_477, %parallel_loop3A_483 : vector<16xi32>
        %parallel_loop3A_485 = arith.constant 1 : i32
        %parallel_loop3A_486 = vector.broadcast %parallel_loop3A_485 : i32 to vector<16xi32>
        %parallel_loop3A_487 = arith.andi %parallel_loop3A_484, %parallel_loop3A_486 : vector<16xi32>
        %parallel_loop3A_488 = arith.addi %parallel_loop3A_481, %parallel_loop3A_487 : vector<16xi32>
        %parallel_loop3A_489 = arith.constant 16 : i32
        %parallel_loop3A_490 = vector.broadcast %parallel_loop3A_489 : i32 to vector<16xi32>
        %parallel_loop3A_491 = arith.shrui %parallel_loop3A_488, %parallel_loop3A_490 : vector<16xi32>
        %parallel_loop3A_492 = arith.constant 32767 : i32
        %parallel_loop3A_493 = vector.broadcast %parallel_loop3A_492 : i32 to vector<16xi32>
        %parallel_loop3A_494 = arith.addi %parallel_loop3A_478, %parallel_loop3A_493 : vector<16xi32>
        %parallel_loop3A_495 = arith.constant 16 : i32
        %parallel_loop3A_496 = vector.broadcast %parallel_loop3A_495 : i32 to vector<16xi32>
        %parallel_loop3A_497 = arith.shrui %parallel_loop3A_478, %parallel_loop3A_496 : vector<16xi32>
        %parallel_loop3A_498 = arith.constant 1 : i32
        %parallel_loop3A_499 = vector.broadcast %parallel_loop3A_498 : i32 to vector<16xi32>
        %parallel_loop3A_500 = arith.andi %parallel_loop3A_497, %parallel_loop3A_499 : vector<16xi32>
        %parallel_loop3A_501 = arith.addi %parallel_loop3A_494, %parallel_loop3A_500 : vector<16xi32>
        %parallel_loop3A_502 = arith.constant -65536 : i32
        %parallel_loop3A_503 = vector.broadcast %parallel_loop3A_502 : i32 to vector<16xi32>
        %parallel_loop3A_504 = arith.andi %parallel_loop3A_501, %parallel_loop3A_503 : vector<16xi32>
        %parallel_loop3A_505 = arith.ori %parallel_loop3A_491, %parallel_loop3A_504 : vector<16xi32>
        %parallel_loop3A_506 = vector.bitcast %parallel_loop3A_505 : vector<16xi32> to vector<16xf32>
        %parallel_loop3A_507 = arith.index_cast %parallel_loop3A_411 : i32 to index
        %parallel_loop3A_508 = arith.constant 16 : index
        %parallel_loop3A_509 = tpu.vector_load %arg17[%parallel_loop3A_507, %parallel_loop3A_508] {strides = array<i32>} : memref<40x128xf32, #tpu.memory_space<vmem>>, vector<16xf32>,
        tpu.vector_store %arg17[%parallel_loop3A_507, %parallel_loop3A_508], %parallel_loop3A_506 {strides = array<i32>} : memref<40x128xf32, #tpu.memory_space<vmem>>, vector<16xf32>,
        %parallel_loop3A_510 = arith.index_cast %parallel_loop3A_415 : i32 to index
        %parallel_loop3A_511 = arith.constant 32 : index
        %parallel_loop3A_512 = tpu.vector_load %arg15[%parallel_loop3A_510, %parallel_loop3A_511] {strides = array<i32>} : memref<80x128xf32, #tpu.memory_space<vmem>>, vector<16xf32>,
        %parallel_loop3A_513 = arith.index_cast %parallel_loop3A_415 : i32 to index
        %parallel_loop3A_514 = arith.constant 32 : index
        %parallel_loop3A_515 = tpu.vector_load %arg16[%parallel_loop3A_513, %parallel_loop3A_514] {strides = array<i32>} : memref<80x128xf32, #tpu.memory_space<vmem>>, vector<16xf32>,
        %parallel_loop3A_516 = arith.addf %parallel_loop3A_512, %parallel_loop3A_515 : vector<16xf32>
        %parallel_loop3A_517 = arith.index_cast %parallel_loop3A_415 : i32 to index
        %parallel_loop3A_518 = arith.constant 96 : index
        %parallel_loop3A_519 = tpu.vector_load %arg15[%parallel_loop3A_517, %parallel_loop3A_518] {strides = array<i32>} : memref<80x128xf32, #tpu.memory_space<vmem>>, vector<16xf32>,
        %parallel_loop3A_520 = arith.index_cast %parallel_loop3A_415 : i32 to index
        %parallel_loop3A_521 = arith.constant 96 : index
        %parallel_loop3A_522 = tpu.vector_load %arg16[%parallel_loop3A_520, %parallel_loop3A_521] {strides = array<i32>} : memref<80x128xf32, #tpu.memory_space<vmem>>, vector<16xf32>,
        %parallel_loop3A_523 = arith.addf %parallel_loop3A_519, %parallel_loop3A_522 : vector<16xf32>
        %parallel_loop3A_524 = vector.bitcast %parallel_loop3A_516 : vector<16xf32> to vector<16xi32>
        %parallel_loop3A_525 = vector.bitcast %parallel_loop3A_523 : vector<16xf32> to vector<16xi32>
        %parallel_loop3A_526 = arith.constant 32767 : i32
        %parallel_loop3A_527 = vector.broadcast %parallel_loop3A_526 : i32 to vector<16xi32>
        %parallel_loop3A_528 = arith.addi %parallel_loop3A_524, %parallel_loop3A_527 : vector<16xi32>
        %parallel_loop3A_529 = arith.constant 16 : i32
        %parallel_loop3A_530 = vector.broadcast %parallel_loop3A_529 : i32 to vector<16xi32>
        %parallel_loop3A_531 = arith.shrui %parallel_loop3A_524, %parallel_loop3A_530 : vector<16xi32>
        %parallel_loop3A_532 = arith.constant 1 : i32
        %parallel_loop3A_533 = vector.broadcast %parallel_loop3A_532 : i32 to vector<16xi32>
        %parallel_loop3A_534 = arith.andi %parallel_loop3A_531, %parallel_loop3A_533 : vector<16xi32>
        %parallel_loop3A_535 = arith.addi %parallel_loop3A_528, %parallel_loop3A_534 : vector<16xi32>
        %parallel_loop3A_536 = arith.constant 16 : i32
        %parallel_loop3A_537 = vector.broadcast %parallel_loop3A_536 : i32 to vector<16xi32>
        %parallel_loop3A_538 = arith.shrui %parallel_loop3A_535, %parallel_loop3A_537 : vector<16xi32>
        %parallel_loop3A_539 = arith.constant 32767 : i32
        %parallel_loop3A_540 = vector.broadcast %parallel_loop3A_539 : i32 to vector<16xi32>
        %parallel_loop3A_541 = arith.addi %parallel_loop3A_525, %parallel_loop3A_540 : vector<16xi32>
        %parallel_loop3A_542 = arith.constant 16 : i32
        %parallel_loop3A_543 = vector.broadcast %parallel_loop3A_542 : i32 to vector<16xi32>
        %parallel_loop3A_544 = arith.shrui %parallel_loop3A_525, %parallel_loop3A_543 : vector<16xi32>
        %parallel_loop3A_545 = arith.constant 1 : i32
        %parallel_loop3A_546 = vector.broadcast %parallel_loop3A_545 : i32 to vector<16xi32>
        %parallel_loop3A_547 = arith.andi %parallel_loop3A_544, %parallel_loop3A_546 : vector<16xi32>
        %parallel_loop3A_548 = arith.addi %parallel_loop3A_541, %parallel_loop3A_547 : vector<16xi32>
        %parallel_loop3A_549 = arith.constant -65536 : i32
        %parallel_loop3A_550 = vector.broadcast %parallel_loop3A_549 : i32 to vector<16xi32>
        %parallel_loop3A_551 = arith.andi %parallel_loop3A_548, %parallel_loop3A_550 : vector<16xi32>
        %parallel_loop3A_552 = arith.ori %parallel_loop3A_538, %parallel_loop3A_551 : vector<16xi32>
        %parallel_loop3A_553 = vector.bitcast %parallel_loop3A_552 : vector<16xi32> to vector<16xf32>
        %parallel_loop3A_554 = arith.index_cast %parallel_loop3A_411 : i32 to index
        %parallel_loop3A_555 = arith.constant 32 : index
        %parallel_loop3A_556 = tpu.vector_load %arg17[%parallel_loop3A_554, %parallel_loop3A_555] {strides = array<i32>} : memref<40x128xf32, #tpu.memory_space<vmem>>, vector<16xf32>,
        tpu.vector_store %arg17[%parallel_loop3A_554, %parallel_loop3A_555], %parallel_loop3A_553 {strides = array<i32>} : memref<40x128xf32, #tpu.memory_space<vmem>>, vector<16xf32>,
        %parallel_loop3A_557 = arith.index_cast %parallel_loop3A_415 : i32 to index
        %parallel_loop3A_558 = arith.constant 48 : index
        %parallel_loop3A_559 = tpu.vector_load %arg15[%parallel_loop3A_557, %parallel_loop3A_558] {strides = array<i32>} : memref<80x128xf32, #tpu.memory_space<vmem>>, vector<16xf32>,
        %parallel_loop3A_560 = arith.index_cast %parallel_loop3A_415 : i32 to index
        %parallel_loop3A_561 = arith.constant 48 : index
        %parallel_loop3A_562 = tpu.vector_load %arg16[%parallel_loop3A_560, %parallel_loop3A_561] {strides = array<i32>} : memref<80x128xf32, #tpu.memory_space<vmem>>, vector<16xf32>,
        %parallel_loop3A_563 = arith.addf %parallel_loop3A_559, %parallel_loop3A_562 : vector<16xf32>
        %parallel_loop3A_564 = arith.index_cast %parallel_loop3A_415 : i32 to index
        %parallel_loop3A_565 = arith.constant 112 : index
        %parallel_loop3A_566 = tpu.vector_load %arg15[%parallel_loop3A_564, %parallel_loop3A_565] {strides = array<i32>} : memref<80x128xf32, #tpu.memory_space<vmem>>, vector<16xf32>,
        %parallel_loop3A_567 = arith.index_cast %parallel_loop3A_415 : i32 to index
        %parallel_loop3A_568 = arith.constant 112 : index
        %parallel_loop3A_569 = tpu.vector_load %arg16[%parallel_loop3A_567, %parallel_loop3A_568] {strides = array<i32>} : memref<80x128xf32, #tpu.memory_space<vmem>>, vector<16xf32>,
        %parallel_loop3A_570 = arith.addf %parallel_loop3A_566, %parallel_loop3A_569 : vector<16xf32>
        %parallel_loop3A_571 = vector.bitcast %parallel_loop3A_563 : vector<16xf32> to vector<16xi32>
        %parallel_loop3A_572 = vector.bitcast %parallel_loop3A_570 : vector<16xf32> to vector<16xi32>
        %parallel_loop3A_573 = arith.constant 32767 : i32
        %parallel_loop3A_574 = vector.broadcast %parallel_loop3A_573 : i32 to vector<16xi32>
        %parallel_loop3A_575 = arith.addi %parallel_loop3A_571, %parallel_loop3A_574 : vector<16xi32>
        %parallel_loop3A_576 = arith.constant 16 : i32
        %parallel_loop3A_577 = vector.broadcast %parallel_loop3A_576 : i32 to vector<16xi32>
        %parallel_loop3A_578 = arith.shrui %parallel_loop3A_571, %parallel_loop3A_577 : vector<16xi32>
        %parallel_loop3A_579 = arith.constant 1 : i32
        %parallel_loop3A_580 = vector.broadcast %parallel_loop3A_579 : i32 to vector<16xi32>
        %parallel_loop3A_581 = arith.andi %parallel_loop3A_578, %parallel_loop3A_580 : vector<16xi32>
        %parallel_loop3A_582 = arith.addi %parallel_loop3A_575, %parallel_loop3A_581 : vector<16xi32>
        %parallel_loop3A_583 = arith.constant 16 : i32
        %parallel_loop3A_584 = vector.broadcast %parallel_loop3A_583 : i32 to vector<16xi32>
        %parallel_loop3A_585 = arith.shrui %parallel_loop3A_582, %parallel_loop3A_584 : vector<16xi32>
        %parallel_loop3A_586 = arith.constant 32767 : i32
        %parallel_loop3A_587 = vector.broadcast %parallel_loop3A_586 : i32 to vector<16xi32>
        %parallel_loop3A_588 = arith.addi %parallel_loop3A_572, %parallel_loop3A_587 : vector<16xi32>
        %parallel_loop3A_589 = arith.constant 16 : i32
        %parallel_loop3A_590 = vector.broadcast %parallel_loop3A_589 : i32 to vector<16xi32>
        %parallel_loop3A_591 = arith.shrui %parallel_loop3A_572, %parallel_loop3A_590 : vector<16xi32>
        %parallel_loop3A_592 = arith.constant 1 : i32
        %parallel_loop3A_593 = vector.broadcast %parallel_loop3A_592 : i32 to vector<16xi32>
        %parallel_loop3A_594 = arith.andi %parallel_loop3A_591, %parallel_loop3A_593 : vector<16xi32>
        %parallel_loop3A_595 = arith.addi %parallel_loop3A_588, %parallel_loop3A_594 : vector<16xi32>
        %parallel_loop3A_596 = arith.constant -65536 : i32
        %parallel_loop3A_597 = vector.broadcast %parallel_loop3A_596 : i32 to vector<16xi32>
        %parallel_loop3A_598 = arith.andi %parallel_loop3A_595, %parallel_loop3A_597 : vector<16xi32>
        %parallel_loop3A_599 = arith.ori %parallel_loop3A_585, %parallel_loop3A_598 : vector<16xi32>
        %parallel_loop3A_600 = vector.bitcast %parallel_loop3A_599 : vector<16xi32> to vector<16xf32>
        %parallel_loop3A_601 = arith.index_cast %parallel_loop3A_411 : i32 to index
        %parallel_loop3A_602 = arith.constant 48 : index
        %parallel_loop3A_603 = tpu.vector_load %arg17[%parallel_loop3A_601, %parallel_loop3A_602] {strides = array<i32>} : memref<40x128xf32, #tpu.memory_space<vmem>>, vector<16xf32>,
        tpu.vector_store %arg17[%parallel_loop3A_601, %parallel_loop3A_602], %parallel_loop3A_600 {strides = array<i32>} : memref<40x128xf32, #tpu.memory_space<vmem>>, vector<16xf32>,
        %parallel_loop3A_604 = arith.constant 2 : i32
        %parallel_loop3A_605 = arith.muli %parallel_loop3A_604, %parallel_loop3A_411 : i32
        %parallel_loop3A_606 = arith.constant 1 : i32
        %parallel_loop3A_607 = arith.addi %parallel_loop3A_605, %parallel_loop3A_606 : i32
        %parallel_loop3A_608 = arith.index_cast %parallel_loop3A_607 : i32 to index
        %parallel_loop3A_609 = arith.constant 0 : index
        %parallel_loop3A_610 = tpu.vector_load %arg15[%parallel_loop3A_608, %parallel_loop3A_609] {strides = array<i32>} : memref<80x128xf32, #tpu.memory_space<vmem>>, vector<16xf32>,
        %parallel_loop3A_611 = arith.index_cast %parallel_loop3A_607 : i32 to index
        %parallel_loop3A_612 = arith.constant 0 : index
        %parallel_loop3A_613 = tpu.vector_load %arg16[%parallel_loop3A_611, %parallel_loop3A_612] {strides = array<i32>} : memref<80x128xf32, #tpu.memory_space<vmem>>, vector<16xf32>,
        %parallel_loop3A_614 = arith.addf %parallel_loop3A_610, %parallel_loop3A_613 : vector<16xf32>
        %parallel_loop3A_615 = arith.index_cast %parallel_loop3A_607 : i32 to index
        %parallel_loop3A_616 = arith.constant 64 : index
        %parallel_loop3A_617 = tpu.vector_load %arg15[%parallel_loop3A_615, %parallel_loop3A_616] {strides = array<i32>} : memref<80x128xf32, #tpu.memory_space<vmem>>, vector<16xf32>,
        %parallel_loop3A_618 = arith.index_cast %parallel_loop3A_607 : i32 to index
        %parallel_loop3A_619 = arith.constant 64 : index
        %parallel_loop3A_620 = tpu.vector_load %arg16[%parallel_loop3A_618, %parallel_loop3A_619] {strides = array<i32>} : memref<80x128xf32, #tpu.memory_space<vmem>>, vector<16xf32>,
        %parallel_loop3A_621 = arith.addf %parallel_loop3A_617, %parallel_loop3A_620 : vector<16xf32>
        %parallel_loop3A_622 = vector.bitcast %parallel_loop3A_614 : vector<16xf32> to vector<16xi32>
        %parallel_loop3A_623 = vector.bitcast %parallel_loop3A_621 : vector<16xf32> to vector<16xi32>
        %parallel_loop3A_624 = arith.constant 32767 : i32
        %parallel_loop3A_625 = vector.broadcast %parallel_loop3A_624 : i32 to vector<16xi32>
        %parallel_loop3A_626 = arith.addi %parallel_loop3A_622, %parallel_loop3A_625 : vector<16xi32>
        %parallel_loop3A_627 = arith.constant 16 : i32
        %parallel_loop3A_628 = vector.broadcast %parallel_loop3A_627 : i32 to vector<16xi32>
        %parallel_loop3A_629 = arith.shrui %parallel_loop3A_622, %parallel_loop3A_628 : vector<16xi32>
        %parallel_loop3A_630 = arith.constant 1 : i32
        %parallel_loop3A_631 = vector.broadcast %parallel_loop3A_630 : i32 to vector<16xi32>
        %parallel_loop3A_632 = arith.andi %parallel_loop3A_629, %parallel_loop3A_631 : vector<16xi32>
        %parallel_loop3A_633 = arith.addi %parallel_loop3A_626, %parallel_loop3A_632 : vector<16xi32>
        %parallel_loop3A_634 = arith.constant 16 : i32
        %parallel_loop3A_635 = vector.broadcast %parallel_loop3A_634 : i32 to vector<16xi32>
        %parallel_loop3A_636 = arith.shrui %parallel_loop3A_633, %parallel_loop3A_635 : vector<16xi32>
        %parallel_loop3A_637 = arith.constant 32767 : i32
        %parallel_loop3A_638 = vector.broadcast %parallel_loop3A_637 : i32 to vector<16xi32>
        %parallel_loop3A_639 = arith.addi %parallel_loop3A_623, %parallel_loop3A_638 : vector<16xi32>
        %parallel_loop3A_640 = arith.constant 16 : i32
        %parallel_loop3A_641 = vector.broadcast %parallel_loop3A_640 : i32 to vector<16xi32>
        %parallel_loop3A_642 = arith.shrui %parallel_loop3A_623, %parallel_loop3A_641 : vector<16xi32>
        %parallel_loop3A_643 = arith.constant 1 : i32
        %parallel_loop3A_644 = vector.broadcast %parallel_loop3A_643 : i32 to vector<16xi32>
        %parallel_loop3A_645 = arith.andi %parallel_loop3A_642, %parallel_loop3A_644 : vector<16xi32>
        %parallel_loop3A_646 = arith.addi %parallel_loop3A_639, %parallel_loop3A_645 : vector<16xi32>
        %parallel_loop3A_647 = arith.constant -65536 : i32
        %parallel_loop3A_648 = vector.broadcast %parallel_loop3A_647 : i32 to vector<16xi32>
        %parallel_loop3A_649 = arith.andi %parallel_loop3A_646, %parallel_loop3A_648 : vector<16xi32>
        %parallel_loop3A_650 = arith.ori %parallel_loop3A_636, %parallel_loop3A_649 : vector<16xi32>
        %parallel_loop3A_651 = vector.bitcast %parallel_loop3A_650 : vector<16xi32> to vector<16xf32>
        %parallel_loop3A_652 = arith.index_cast %parallel_loop3A_411 : i32 to index
        %parallel_loop3A_653 = arith.constant 64 : index
        %parallel_loop3A_654 = tpu.vector_load %arg17[%parallel_loop3A_652, %parallel_loop3A_653] {strides = array<i32>} : memref<40x128xf32, #tpu.memory_space<vmem>>, vector<16xf32>,
        tpu.vector_store %arg17[%parallel_loop3A_652, %parallel_loop3A_653], %parallel_loop3A_651 {strides = array<i32>} : memref<40x128xf32, #tpu.memory_space<vmem>>, vector<16xf32>,
        %parallel_loop3A_655 = arith.index_cast %parallel_loop3A_607 : i32 to index
        %parallel_loop3A_656 = arith.constant 16 : index
        %parallel_loop3A_657 = tpu.vector_load %arg15[%parallel_loop3A_655, %parallel_loop3A_656] {strides = array<i32>} : memref<80x128xf32, #tpu.memory_space<vmem>>, vector<16xf32>,
        %parallel_loop3A_658 = arith.index_cast %parallel_loop3A_607 : i32 to index
        %parallel_loop3A_659 = arith.constant 16 : index
        %parallel_loop3A_660 = tpu.vector_load %arg16[%parallel_loop3A_658, %parallel_loop3A_659] {strides = array<i32>} : memref<80x128xf32, #tpu.memory_space<vmem>>, vector<16xf32>,
        %parallel_loop3A_661 = arith.addf %parallel_loop3A_657, %parallel_loop3A_660 : vector<16xf32>
        %parallel_loop3A_662 = arith.index_cast %parallel_loop3A_607 : i32 to index
        %parallel_loop3A_663 = arith.constant 80 : index
        %parallel_loop3A_664 = tpu.vector_load %arg15[%parallel_loop3A_662, %parallel_loop3A_663] {strides = array<i32>} : memref<80x128xf32, #tpu.memory_space<vmem>>, vector<16xf32>,
        %parallel_loop3A_665 = arith.index_cast %parallel_loop3A_607 : i32 to index
        %parallel_loop3A_666 = arith.constant 80 : index
        %parallel_loop3A_667 = tpu.vector_load %arg16[%parallel_loop3A_665, %parallel_loop3A_666] {strides = array<i32>} : memref<80x128xf32, #tpu.memory_space<vmem>>, vector<16xf32>,
        %parallel_loop3A_668 = arith.addf %parallel_loop3A_664, %parallel_loop3A_667 : vector<16xf32>
        %parallel_loop3A_669 = vector.bitcast %parallel_loop3A_661 : vector<16xf32> to vector<16xi32>
        %parallel_loop3A_670 = vector.bitcast %parallel_loop3A_668 : vector<16xf32> to vector<16xi32>
        %parallel_loop3A_671 = arith.constant 32767 : i32
        %parallel_loop3A_672 = vector.broadcast %parallel_loop3A_671 : i32 to vector<16xi32>
        %parallel_loop3A_673 = arith.addi %parallel_loop3A_669, %parallel_loop3A_672 : vector<16xi32>
        %parallel_loop3A_674 = arith.constant 16 : i32
        %parallel_loop3A_675 = vector.broadcast %parallel_loop3A_674 : i32 to vector<16xi32>
        %parallel_loop3A_676 = arith.shrui %parallel_loop3A_669, %parallel_loop3A_675 : vector<16xi32>
        %parallel_loop3A_677 = arith.constant 1 : i32
        %parallel_loop3A_678 = vector.broadcast %parallel_loop3A_677 : i32 to vector<16xi32>
        %parallel_loop3A_679 = arith.andi %parallel_loop3A_676, %parallel_loop3A_678 : vector<16xi32>
        %parallel_loop3A_680 = arith.addi %parallel_loop3A_673, %parallel_loop3A_679 : vector<16xi32>
        %parallel_loop3A_681 = arith.constant 16 : i32
        %parallel_loop3A_682 = vector.broadcast %parallel_loop3A_681 : i32 to vector<16xi32>
        %parallel_loop3A_683 = arith.shrui %parallel_loop3A_680, %parallel_loop3A_682 : vector<16xi32>
        %parallel_loop3A_684 = arith.constant 32767 : i32
        %parallel_loop3A_685 = vector.broadcast %parallel_loop3A_684 : i32 to vector<16xi32>
        %parallel_loop3A_686 = arith.addi %parallel_loop3A_670, %parallel_loop3A_685 : vector<16xi32>
        %parallel_loop3A_687 = arith.constant 16 : i32
        %parallel_loop3A_688 = vector.broadcast %parallel_loop3A_687 : i32 to vector<16xi32>
        %parallel_loop3A_689 = arith.shrui %parallel_loop3A_670, %parallel_loop3A_688 : vector<16xi32>
        %parallel_loop3A_690 = arith.constant 1 : i32
        %parallel_loop3A_691 = vector.broadcast %parallel_loop3A_690 : i32 to vector<16xi32>
        %parallel_loop3A_692 = arith.andi %parallel_loop3A_689, %parallel_loop3A_691 : vector<16xi32>
        %parallel_loop3A_693 = arith.addi %parallel_loop3A_686, %parallel_loop3A_692 : vector<16xi32>
        %parallel_loop3A_694 = arith.constant -65536 : i32
        %parallel_loop3A_695 = vector.broadcast %parallel_loop3A_694 : i32 to vector<16xi32>
        %parallel_loop3A_696 = arith.andi %parallel_loop3A_693, %parallel_loop3A_695 : vector<16xi32>
        %parallel_loop3A_697 = arith.ori %parallel_loop3A_683, %parallel_loop3A_696 : vector<16xi32>
        %parallel_loop3A_698 = vector.bitcast %parallel_loop3A_697 : vector<16xi32> to vector<16xf32>
        %parallel_loop3A_699 = arith.index_cast %parallel_loop3A_411 : i32 to index
        %parallel_loop3A_700 = arith.constant 80 : index
        %parallel_loop3A_701 = tpu.vector_load %arg17[%parallel_loop3A_699, %parallel_loop3A_700] {strides = array<i32>} : memref<40x128xf32, #tpu.memory_space<vmem>>, vector<16xf32>,
        tpu.vector_store %arg17[%parallel_loop3A_699, %parallel_loop3A_700], %parallel_loop3A_698 {strides = array<i32>} : memref<40x128xf32, #tpu.memory_space<vmem>>, vector<16xf32>,
        %parallel_loop3A_702 = arith.index_cast %parallel_loop3A_607 : i32 to index
        %parallel_loop3A_703 = arith.constant 32 : index
        %parallel_loop3A_704 = tpu.vector_load %arg15[%parallel_loop3A_702, %parallel_loop3A_703] {strides = array<i32>} : memref<80x128xf32, #tpu.memory_space<vmem>>, vector<16xf32>,
        %parallel_loop3A_705 = arith.index_cast %parallel_loop3A_607 : i32 to index
        %parallel_loop3A_706 = arith.constant 32 : index
        %parallel_loop3A_707 = tpu.vector_load %arg16[%parallel_loop3A_705, %parallel_loop3A_706] {strides = array<i32>} : memref<80x128xf32, #tpu.memory_space<vmem>>, vector<16xf32>,
        %parallel_loop3A_708 = arith.addf %parallel_loop3A_704, %parallel_loop3A_707 : vector<16xf32>
        %parallel_loop3A_709 = arith.index_cast %parallel_loop3A_607 : i32 to index
        %parallel_loop3A_710 = arith.constant 96 : index
        %parallel_loop3A_711 = tpu.vector_load %arg15[%parallel_loop3A_709, %parallel_loop3A_710] {strides = array<i32>} : memref<80x128xf32, #tpu.memory_space<vmem>>, vector<16xf32>,
        %parallel_loop3A_712 = arith.index_cast %parallel_loop3A_607 : i32 to index
        %parallel_loop3A_713 = arith.constant 96 : index
        %parallel_loop3A_714 = tpu.vector_load %arg16[%parallel_loop3A_712, %parallel_loop3A_713] {strides = array<i32>} : memref<80x128xf32, #tpu.memory_space<vmem>>, vector<16xf32>,
        %parallel_loop3A_715 = arith.addf %parallel_loop3A_711, %parallel_loop3A_714 : vector<16xf32>
        %parallel_loop3A_716 = vector.bitcast %parallel_loop3A_708 : vector<16xf32> to vector<16xi32>
        %parallel_loop3A_717 = vector.bitcast %parallel_loop3A_715 : vector<16xf32> to vector<16xi32>
        %parallel_loop3A_718 = arith.constant 32767 : i32
        %parallel_loop3A_719 = vector.broadcast %parallel_loop3A_718 : i32 to vector<16xi32>
        %parallel_loop3A_720 = arith.addi %parallel_loop3A_716, %parallel_loop3A_719 : vector<16xi32>
        %parallel_loop3A_721 = arith.constant 16 : i32
        %parallel_loop3A_722 = vector.broadcast %parallel_loop3A_721 : i32 to vector<16xi32>
        %parallel_loop3A_723 = arith.shrui %parallel_loop3A_716, %parallel_loop3A_722 : vector<16xi32>
        %parallel_loop3A_724 = arith.constant 1 : i32
        %parallel_loop3A_725 = vector.broadcast %parallel_loop3A_724 : i32 to vector<16xi32>
        %parallel_loop3A_726 = arith.andi %parallel_loop3A_723, %parallel_loop3A_725 : vector<16xi32>
        %parallel_loop3A_727 = arith.addi %parallel_loop3A_720, %parallel_loop3A_726 : vector<16xi32>
        %parallel_loop3A_728 = arith.constant 16 : i32
        %parallel_loop3A_729 = vector.broadcast %parallel_loop3A_728 : i32 to vector<16xi32>
        %parallel_loop3A_730 = arith.shrui %parallel_loop3A_727, %parallel_loop3A_729 : vector<16xi32>
        %parallel_loop3A_731 = arith.constant 32767 : i32
        %parallel_loop3A_732 = vector.broadcast %parallel_loop3A_731 : i32 to vector<16xi32>
        %parallel_loop3A_733 = arith.addi %parallel_loop3A_717, %parallel_loop3A_732 : vector<16xi32>
        %parallel_loop3A_734 = arith.constant 16 : i32
        %parallel_loop3A_735 = vector.broadcast %parallel_loop3A_734 : i32 to vector<16xi32>
        %parallel_loop3A_736 = arith.shrui %parallel_loop3A_717, %parallel_loop3A_735 : vector<16xi32>
        %parallel_loop3A_737 = arith.constant 1 : i32
        %parallel_loop3A_738 = vector.broadcast %parallel_loop3A_737 : i32 to vector<16xi32>
        %parallel_loop3A_739 = arith.andi %parallel_loop3A_736, %parallel_loop3A_738 : vector<16xi32>
        %parallel_loop3A_740 = arith.addi %parallel_loop3A_733, %parallel_loop3A_739 : vector<16xi32>
        %parallel_loop3A_741 = arith.constant -65536 : i32
        %parallel_loop3A_742 = vector.broadcast %parallel_loop3A_741 : i32 to vector<16xi32>
        %parallel_loop3A_743 = arith.andi %parallel_loop3A_740, %parallel_loop3A_742 : vector<16xi32>
        %parallel_loop3A_744 = arith.ori %parallel_loop3A_730, %parallel_loop3A_743 : vector<16xi32>
        %parallel_loop3A_745 = vector.bitcast %parallel_loop3A_744 : vector<16xi32> to vector<16xf32>
        %parallel_loop3A_746 = arith.index_cast %parallel_loop3A_411 : i32 to index
        %parallel_loop3A_747 = arith.constant 96 : index
        %parallel_loop3A_748 = tpu.vector_load %arg17[%parallel_loop3A_746, %parallel_loop3A_747] {strides = array<i32>} : memref<40x128xf32, #tpu.memory_space<vmem>>, vector<16xf32>,
        tpu.vector_store %arg17[%parallel_loop3A_746, %parallel_loop3A_747], %parallel_loop3A_745 {strides = array<i32>} : memref<40x128xf32, #tpu.memory_space<vmem>>, vector<16xf32>,
        %parallel_loop3A_749 = arith.index_cast %parallel_loop3A_607 : i32 to index
        %parallel_loop3A_750 = arith.constant 48 : index
        %parallel_loop3A_751 = tpu.vector_load %arg15[%parallel_loop3A_749, %parallel_loop3A_750] {strides = array<i32>} : memref<80x128xf32, #tpu.memory_space<vmem>>, vector<16xf32>,
        %parallel_loop3A_752 = arith.index_cast %parallel_loop3A_607 : i32 to index
        %parallel_loop3A_753 = arith.constant 48 : index
        %parallel_loop3A_754 = tpu.vector_load %arg16[%parallel_loop3A_752, %parallel_loop3A_753] {strides = array<i32>} : memref<80x128xf32, #tpu.memory_space<vmem>>, vector<16xf32>,
        %parallel_loop3A_755 = arith.addf %parallel_loop3A_751, %parallel_loop3A_754 : vector<16xf32>
        %parallel_loop3A_756 = arith.index_cast %parallel_loop3A_607 : i32 to index
        %parallel_loop3A_757 = arith.constant 112 : index
        %parallel_loop3A_758 = tpu.vector_load %arg15[%parallel_loop3A_756, %parallel_loop3A_757] {strides = array<i32>} : memref<80x128xf32, #tpu.memory_space<vmem>>, vector<16xf32>,
        %parallel_loop3A_759 = arith.index_cast %parallel_loop3A_607 : i32 to index
        %parallel_loop3A_760 = arith.constant 112 : index
        %parallel_loop3A_761 = tpu.vector_load %arg16[%parallel_loop3A_759, %parallel_loop3A_760] {strides = array<i32>} : memref<80x128xf32, #tpu.memory_space<vmem>>, vector<16xf32>,
        %parallel_loop3A_762 = arith.addf %parallel_loop3A_758, %parallel_loop3A_761 : vector<16xf32>
        %parallel_loop3A_763 = vector.bitcast %parallel_loop3A_755 : vector<16xf32> to vector<16xi32>
        %parallel_loop3A_764 = vector.bitcast %parallel_loop3A_762 : vector<16xf32> to vector<16xi32>
        %parallel_loop3A_765 = arith.constant 32767 : i32
        %parallel_loop3A_766 = vector.broadcast %parallel_loop3A_765 : i32 to vector<16xi32>
        %parallel_loop3A_767 = arith.addi %parallel_loop3A_763, %parallel_loop3A_766 : vector<16xi32>
        %parallel_loop3A_768 = arith.constant 16 : i32
        %parallel_loop3A_769 = vector.broadcast %parallel_loop3A_768 : i32 to vector<16xi32>
        %parallel_loop3A_770 = arith.shrui %parallel_loop3A_763, %parallel_loop3A_769 : vector<16xi32>
        %parallel_loop3A_771 = arith.constant 1 : i32
        %parallel_loop3A_772 = vector.broadcast %parallel_loop3A_771 : i32 to vector<16xi32>
        %parallel_loop3A_773 = arith.andi %parallel_loop3A_770, %parallel_loop3A_772 : vector<16xi32>
        %parallel_loop3A_774 = arith.addi %parallel_loop3A_767, %parallel_loop3A_773 : vector<16xi32>
        %parallel_loop3A_775 = arith.constant 16 : i32
        %parallel_loop3A_776 = vector.broadcast %parallel_loop3A_775 : i32 to vector<16xi32>
        %parallel_loop3A_777 = arith.shrui %parallel_loop3A_774, %parallel_loop3A_776 : vector<16xi32>
        %parallel_loop3A_778 = arith.constant 32767 : i32
        %parallel_loop3A_779 = vector.broadcast %parallel_loop3A_778 : i32 to vector<16xi32>
        %parallel_loop3A_780 = arith.addi %parallel_loop3A_764, %parallel_loop3A_779 : vector<16xi32>
        %parallel_loop3A_781 = arith.constant 16 : i32
        %parallel_loop3A_782 = vector.broadcast %parallel_loop3A_781 : i32 to vector<16xi32>
        %parallel_loop3A_783 = arith.shrui %parallel_loop3A_764, %parallel_loop3A_782 : vector<16xi32>
        %parallel_loop3A_784 = arith.constant 1 : i32
        %parallel_loop3A_785 = vector.broadcast %parallel_loop3A_784 : i32 to vector<16xi32>
        %parallel_loop3A_786 = arith.andi %parallel_loop3A_783, %parallel_loop3A_785 : vector<16xi32>
        %parallel_loop3A_787 = arith.addi %parallel_loop3A_780, %parallel_loop3A_786 : vector<16xi32>
        %parallel_loop3A_788 = arith.constant -65536 : i32
        %parallel_loop3A_789 = vector.broadcast %parallel_loop3A_788 : i32 to vector<16xi32>
        %parallel_loop3A_790 = arith.andi %parallel_loop3A_787, %parallel_loop3A_789 : vector<16xi32>
        %parallel_loop3A_791 = arith.ori %parallel_loop3A_777, %parallel_loop3A_790 : vector<16xi32>
        %parallel_loop3A_792 = vector.bitcast %parallel_loop3A_791 : vector<16xi32> to vector<16xf32>
        %parallel_loop3A_793 = arith.index_cast %parallel_loop3A_411 : i32 to index
        %parallel_loop3A_794 = arith.constant 112 : index
        %parallel_loop3A_795 = tpu.vector_load %arg17[%parallel_loop3A_793, %parallel_loop3A_794] {strides = array<i32>} : memref<40x128xf32, #tpu.memory_space<vmem>>, vector<16xf32>,
        tpu.vector_store %arg17[%parallel_loop3A_793, %parallel_loop3A_794], %parallel_loop3A_792 {strides = array<i32>} : memref<40x128xf32, #tpu.memory_space<vmem>>, vector<16xf32>,
      } {sc.loop_unroll_factor = 2 : i64, sc.parallel_access}
      %mul3A_361 = arith.constant 80 : i32
      %mul3A_362 = arith.muli %add3A_357, %mul3A_361 : i32
      %add3A_363 = arith.addi %mul3A_2, %mul3A_362 : i32
      %jit3A_364 = arith.constant 2 : i32
      %div3A_365 = arith.divsi %add3A_363, %jit3A_364 : i32
      %sign3A_366 = arith.constant 0 : i32
      %sign3A_367 = arith.cmpi sgt, %add3A_363, %sign3A_366 : i32
      %sign3A_368 = arith.extui %sign3A_367 : i1 to i32
      %sign3A_369 = arith.constant 0 : i32
      %sign3A_370 = arith.cmpi slt, %add3A_363, %sign3A_369 : i32
      %sign3A_371 = arith.extui %sign3A_370 : i1 to i32
      %sign3A_372 = arith.subi %sign3A_368, %sign3A_371 : i32
      %sign3A_373 = arith.constant 0 : i32
      %sign3A_374 = arith.cmpi sgt, %jit3A_364, %sign3A_373 : i32
      %sign3A_375 = arith.extui %sign3A_374 : i1 to i32
      %sign3A_376 = arith.constant 0 : i32
      %sign3A_377 = arith.cmpi slt, %jit3A_364, %sign3A_376 : i32
      %sign3A_378 = arith.extui %sign3A_377 : i1 to i32
      %sign3A_379 = arith.subi %sign3A_375, %sign3A_378 : i32
      %ne3A_380 = arith.cmpi ne, %sign3A_372, %sign3A_379 : i32
      %rem3A_381 = arith.remsi %add3A_363, %jit3A_364 : i32
      %ne3A_382 = arith.constant 0 : i32
      %ne3A_383 = arith.cmpi ne, %rem3A_381, %ne3A_382 : i32
      %and3A_384 = arith.andi %ne3A_380, %ne3A_383 : i1
      %sub3A_385 = arith.constant 1 : i32
      %sub3A_386 = arith.subi %div3A_365, %sub3A_385 : i32
      %select_n3A_387 = arith.select %and3A_384, %sub3A_386, %div3A_365 : i32
      %multiple_of3A_388 = tpu.assume_multiple %select_n3A_387, 8 : i32
      %dma_start3A_389 = arith.constant 0 : i32
      %dma_start3A_390 = tpu.memref_slice %arg6[%multiple_of3A_388, %dma_start3A_389] : memref<160000x128xf32, #tpu.memory_space<hbm>> -> memref<40x128xf32, #tpu.memory_space<hbm>>
      %dma_start3A_391 = arith.constant 0 : i32
      %dma_start3A_392 = tpu.memref_slice %arg6[%multiple_of3A_388, %dma_start3A_391] : memref<160000x128xf32, #tpu.memory_space<hbm>> -> memref<40x128xf32, #tpu.memory_space<hbm>>
      tpu.enqueue_dma source(%arg17 : memref<40x128xf32, #tpu.memory_space<vmem>>) target(%dma_start3A_392 : memref<40x128xf32, #tpu.memory_space<hbm>>) target_semaphore(%arg23 : memref<!tpu.dma_semaphore, #tpu.memory_space<semaphore_mem>>)
      %add3A_393 = arith.constant 84 : i32
      %add3A_394 = arith.addi %add3A_393, %scan3A_198 : i32
      %add3A_395 = arith.constant 1 : i32
      %add3A_396 = arith.addi %add3A_394, %add3A_395 : i32
      %min3A_397 = arith.constant 124 : i32
      %min3A_398 = arith.minsi %add3A_396, %min3A_397 : i32
      %dma_start3A_399 = arith.constant 0 : i32
      %dma_start3A_400 = tpu.memref_slice %arg7[%min3A_398, %dma_start3A_399] : memref<125x80xi32, #tpu.memory_space<vmem>> -> memref<1x80xi32, #tpu.memory_space<vmem>>
      %dma_start3A_401 = tpu.memref_squeeze %dma_start3A_400 : memref<1x80xi32, #tpu.memory_space<vmem>> -> memref<80xi32, #tpu.memory_space<vmem>>
      %dma_start3A_402 = arith.constant 0 : i32
      %dma_start3A_403 = arith.constant 0 : i32
      %dma_start3A_404 = tpu.memref_slice %arg2[%dma_start3A_402, %dma_start3A_403] : memref<10000x128xf32, #tpu.memory_space<hbm>> -> memref<10000x128xf32, #tpu.memory_space<hbm>>
      tpu.enqueue_indirect_dma source(%dma_start3A_404 : memref<10000x128xf32, #tpu.memory_space<hbm>>) target(%arg15 : memref<80x128xf32, #tpu.memory_space<vmem>>) offsets(%dma_start3A_401 : memref<80xi32, #tpu.memory_space<vmem>>) semaphore(%arg20 : memref<!tpu.dma_semaphore, #tpu.memory_space<semaphore_mem>>)
      %dma_start3A_405 = arith.constant 0 : i32
      %dma_start3A_406 = tpu.memref_slice %arg8[%min3A_398, %dma_start3A_405] : memref<125x80xi32, #tpu.memory_space<vmem>> -> memref<1x80xi32, #tpu.memory_space<vmem>>
      %dma_start3A_407 = tpu.memref_squeeze %dma_start3A_406 : memref<1x80xi32, #tpu.memory_space<vmem>> -> memref<80xi32, #tpu.memory_space<vmem>>
      %dma_start3A_408 = arith.constant 0 : i32
      %dma_start3A_409 = arith.constant 0 : i32
      %dma_start3A_410 = tpu.memref_slice %arg3[%dma_start3A_408, %dma_start3A_409] : memref<10000x128xf32, #tpu.memory_space<hbm>> -> memref<10000x128xf32, #tpu.memory_space<hbm>>
      tpu.enqueue_indirect_dma source(%dma_start3A_410 : memref<10000x128xf32, #tpu.memory_space<hbm>>) target(%arg16 : memref<80x128xf32, #tpu.memory_space<vmem>>) offsets(%dma_start3A_407 : memref<80xi32, #tpu.memory_space<vmem>>) semaphore(%arg20 : memref<!tpu.dma_semaphore, #tpu.memory_space<semaphore_mem>>)
    }
    %scan3A_48 = arith.constant 41 : i32
    %dma_wait3A = arith.constant 0 : i32
    %dma_wait3A_49 = arith.constant 0 : i32
    %dma_wait3A_50 = tpu.memref_slice %arg2[%dma_wait3A, %dma_wait3A_49] : memref<10000x128xf32, #tpu.memory_space<hbm>> -> memref<80x128xf32, #tpu.memory_space<hbm>>
    %dma_wait3A_51 = arith.constant 0 : i32
    %dma_wait3A_52 = arith.constant 0 : i32
    %dma_wait3A_53 = tpu.memref_slice %arg2[%dma_wait3A_51, %dma_wait3A_52] : memref<10000x128xf32, #tpu.memory_space<hbm>> -> memref<80x128xf32, #tpu.memory_space<hbm>>
    tpu.wait_dma2 semaphore(%arg18 : memref<!tpu.dma_semaphore, #tpu.memory_space<semaphore_mem>>) src(%dma_wait3A_53 : memref<80x128xf32, #tpu.memory_space<hbm>>) dst(%arg9 : memref<80x128xf32, #tpu.memory_space<vmem>>)
    %dma_wait3A_54 = arith.constant 0 : i32
    %dma_wait3A_55 = arith.constant 0 : i32
    %dma_wait3A_56 = tpu.memref_slice %arg3[%dma_wait3A_54, %dma_wait3A_55] : memref<10000x128xf32, #tpu.memory_space<hbm>> -> memref<80x128xf32, #tpu.memory_space<hbm>>
    %dma_wait3A_57 = arith.constant 0 : i32
    %dma_wait3A_58 = arith.constant 0 : i32
    %dma_wait3A_59 = tpu.memref_slice %arg3[%dma_wait3A_57, %dma_wait3A_58] : memref<10000x128xf32, #tpu.memory_space<hbm>> -> memref<80x128xf32, #tpu.memory_space<hbm>>
    tpu.wait_dma2 semaphore(%arg18 : memref<!tpu.dma_semaphore, #tpu.memory_space<semaphore_mem>>) src(%dma_wait3A_59 : memref<80x128xf32, #tpu.memory_space<hbm>>) dst(%arg10 : memref<80x128xf32, #tpu.memory_space<vmem>>)
    %dma_wait3A_60 = arith.constant 0 : i32
    %dma_wait3A_61 = arith.constant 0 : i32
    %dma_wait3A_62 = tpu.memref_slice %arg6[%dma_wait3A_60, %dma_wait3A_61] : memref<160000x128xf32, #tpu.memory_space<hbm>> -> memref<40x128xf32, #tpu.memory_space<hbm>>
    %dma_wait3A_63 = arith.constant 0 : i32
    %dma_wait3A_64 = arith.constant 0 : i32
    %dma_wait3A_65 = tpu.memref_slice %arg6[%dma_wait3A_63, %dma_wait3A_64] : memref<160000x128xf32, #tpu.memory_space<hbm>> -> memref<40x128xf32, #tpu.memory_space<hbm>>
    tpu.wait_dma2 semaphore(%arg21 : memref<!tpu.dma_semaphore, #tpu.memory_space<semaphore_mem>>) src(%arg11 : memref<40x128xf32, #tpu.memory_space<vmem>>) dst(%dma_wait3A_65 : memref<40x128xf32, #tpu.memory_space<hbm>>)
    %parallel_loop3A = arith.constant 0 : i32
    %parallel_loop3A_66 = arith.constant 40 : i32
    %parallel_loop3A_67 = arith.constant 1 : i32
    scf.for %parallel_loop3A_198 = %parallel_loop3A to %parallel_loop3A_66 step %parallel_loop3A_67  : i32 {
      %parallel_loop3A_199 = arith.constant 2 : i32
      %parallel_loop3A_200 = arith.muli %parallel_loop3A_199, %parallel_loop3A_198 : i32
      %parallel_loop3A_201 = arith.constant 0 : i32
      %parallel_loop3A_202 = arith.addi %parallel_loop3A_200, %parallel_loop3A_201 : i32
      %parallel_loop3A_203 = arith.index_cast %parallel_loop3A_202 : i32 to index
      %parallel_loop3A_204 = arith.constant 0 : index
      %parallel_loop3A_205 = tpu.vector_load %arg9[%parallel_loop3A_203, %parallel_loop3A_204] {strides = array<i32>} : memref<80x128xf32, #tpu.memory_space<vmem>>, vector<16xf32>,
      %parallel_loop3A_206 = arith.index_cast %parallel_loop3A_202 : i32 to index
      %parallel_loop3A_207 = arith.constant 0 : index
      %parallel_loop3A_208 = tpu.vector_load %arg10[%parallel_loop3A_206, %parallel_loop3A_207] {strides = array<i32>} : memref<80x128xf32, #tpu.memory_space<vmem>>, vector<16xf32>,
      %parallel_loop3A_209 = arith.addf %parallel_loop3A_205, %parallel_loop3A_208 : vector<16xf32>
      %parallel_loop3A_210 = arith.index_cast %parallel_loop3A_202 : i32 to index
      %parallel_loop3A_211 = arith.constant 64 : index
      %parallel_loop3A_212 = tpu.vector_load %arg9[%parallel_loop3A_210, %parallel_loop3A_211] {strides = array<i32>} : memref<80x128xf32, #tpu.memory_space<vmem>>, vector<16xf32>,
      %parallel_loop3A_213 = arith.index_cast %parallel_loop3A_202 : i32 to index
      %parallel_loop3A_214 = arith.constant 64 : index
      %parallel_loop3A_215 = tpu.vector_load %arg10[%parallel_loop3A_213, %parallel_loop3A_214] {strides = array<i32>} : memref<80x128xf32, #tpu.memory_space<vmem>>, vector<16xf32>,
      %parallel_loop3A_216 = arith.addf %parallel_loop3A_212, %parallel_loop3A_215 : vector<16xf32>
      %parallel_loop3A_217 = vector.bitcast %parallel_loop3A_209 : vector<16xf32> to vector<16xi32>
      %parallel_loop3A_218 = vector.bitcast %parallel_loop3A_216 : vector<16xf32> to vector<16xi32>
      %parallel_loop3A_219 = arith.constant 32767 : i32
      %parallel_loop3A_220 = vector.broadcast %parallel_loop3A_219 : i32 to vector<16xi32>
      %parallel_loop3A_221 = arith.addi %parallel_loop3A_217, %parallel_loop3A_220 : vector<16xi32>
      %parallel_loop3A_222 = arith.constant 16 : i32
      %parallel_loop3A_223 = vector.broadcast %parallel_loop3A_222 : i32 to vector<16xi32>
      %parallel_loop3A_224 = arith.shrui %parallel_loop3A_217, %parallel_loop3A_223 : vector<16xi32>
      %parallel_loop3A_225 = arith.constant 1 : i32
      %parallel_loop3A_226 = vector.broadcast %parallel_loop3A_225 : i32 to vector<16xi32>
      %parallel_loop3A_227 = arith.andi %parallel_loop3A_224, %parallel_loop3A_226 : vector<16xi32>
      %parallel_loop3A_228 = arith.addi %parallel_loop3A_221, %parallel_loop3A_227 : vector<16xi32>
      %parallel_loop3A_229 = arith.constant 16 : i32
      %parallel_loop3A_230 = vector.broadcast %parallel_loop3A_229 : i32 to vector<16xi32>
      %parallel_loop3A_231 = arith.shrui %parallel_loop3A_228, %parallel_loop3A_230 : vector<16xi32>
      %parallel_loop3A_232 = arith.constant 32767 : i32
      %parallel_loop3A_233 = vector.broadcast %parallel_loop3A_232 : i32 to vector<16xi32>
      %parallel_loop3A_234 = arith.addi %parallel_loop3A_218, %parallel_loop3A_233 : vector<16xi32>
      %parallel_loop3A_235 = arith.constant 16 : i32
      %parallel_loop3A_236 = vector.broadcast %parallel_loop3A_235 : i32 to vector<16xi32>
      %parallel_loop3A_237 = arith.shrui %parallel_loop3A_218, %parallel_loop3A_236 : vector<16xi32>
      %parallel_loop3A_238 = arith.constant 1 : i32
      %parallel_loop3A_239 = vector.broadcast %parallel_loop3A_238 : i32 to vector<16xi32>
      %parallel_loop3A_240 = arith.andi %parallel_loop3A_237, %parallel_loop3A_239 : vector<16xi32>
      %parallel_loop3A_241 = arith.addi %parallel_loop3A_234, %parallel_loop3A_240 : vector<16xi32>
      %parallel_loop3A_242 = arith.constant -65536 : i32
      %parallel_loop3A_243 = vector.broadcast %parallel_loop3A_242 : i32 to vector<16xi32>
      %parallel_loop3A_244 = arith.andi %parallel_loop3A_241, %parallel_loop3A_243 : vector<16xi32>
      %parallel_loop3A_245 = arith.ori %parallel_loop3A_231, %parallel_loop3A_244 : vector<16xi32>
      %parallel_loop3A_246 = vector.bitcast %parallel_loop3A_245 : vector<16xi32> to vector<16xf32>
      %parallel_loop3A_247 = arith.index_cast %parallel_loop3A_198 : i32 to index
      %parallel_loop3A_248 = arith.constant 0 : index
      %parallel_loop3A_249 = tpu.vector_load %arg11[%parallel_loop3A_247, %parallel_loop3A_248] {strides = array<i32>} : memref<40x128xf32, #tpu.memory_space<vmem>>, vector<16xf32>,
      tpu.vector_store %arg11[%parallel_loop3A_247, %parallel_loop3A_248], %parallel_loop3A_246 {strides = array<i32>} : memref<40x128xf32, #tpu.memory_space<vmem>>, vector<16xf32>,
      %parallel_loop3A_250 = arith.index_cast %parallel_loop3A_202 : i32 to index
      %parallel_loop3A_251 = arith.constant 16 : index
      %parallel_loop3A_252 = tpu.vector_load %arg9[%parallel_loop3A_250, %parallel_loop3A_251] {strides = array<i32>} : memref<80x128xf32, #tpu.memory_space<vmem>>, vector<16xf32>,
      %parallel_loop3A_253 = arith.index_cast %parallel_loop3A_202 : i32 to index
      %parallel_loop3A_254 = arith.constant 16 : index
      %parallel_loop3A_255 = tpu.vector_load %arg10[%parallel_loop3A_253, %parallel_loop3A_254] {strides = array<i32>} : memref<80x128xf32, #tpu.memory_space<vmem>>, vector<16xf32>,
      %parallel_loop3A_256 = arith.addf %parallel_loop3A_252, %parallel_loop3A_255 : vector<16xf32>
      %parallel_loop3A_257 = arith.index_cast %parallel_loop3A_202 : i32 to index
      %parallel_loop3A_258 = arith.constant 80 : index
      %parallel_loop3A_259 = tpu.vector_load %arg9[%parallel_loop3A_257, %parallel_loop3A_258] {strides = array<i32>} : memref<80x128xf32, #tpu.memory_space<vmem>>, vector<16xf32>,
      %parallel_loop3A_260 = arith.index_cast %parallel_loop3A_202 : i32 to index
      %parallel_loop3A_261 = arith.constant 80 : index
      %parallel_loop3A_262 = tpu.vector_load %arg10[%parallel_loop3A_260, %parallel_loop3A_261] {strides = array<i32>} : memref<80x128xf32, #tpu.memory_space<vmem>>, vector<16xf32>,
      %parallel_loop3A_263 = arith.addf %parallel_loop3A_259, %parallel_loop3A_262 : vector<16xf32>
      %parallel_loop3A_264 = vector.bitcast %parallel_loop3A_256 : vector<16xf32> to vector<16xi32>
      %parallel_loop3A_265 = vector.bitcast %parallel_loop3A_263 : vector<16xf32> to vector<16xi32>
      %parallel_loop3A_266 = arith.constant 32767 : i32
      %parallel_loop3A_267 = vector.broadcast %parallel_loop3A_266 : i32 to vector<16xi32>
      %parallel_loop3A_268 = arith.addi %parallel_loop3A_264, %parallel_loop3A_267 : vector<16xi32>
      %parallel_loop3A_269 = arith.constant 16 : i32
      %parallel_loop3A_270 = vector.broadcast %parallel_loop3A_269 : i32 to vector<16xi32>
      %parallel_loop3A_271 = arith.shrui %parallel_loop3A_264, %parallel_loop3A_270 : vector<16xi32>
      %parallel_loop3A_272 = arith.constant 1 : i32
      %parallel_loop3A_273 = vector.broadcast %parallel_loop3A_272 : i32 to vector<16xi32>
      %parallel_loop3A_274 = arith.andi %parallel_loop3A_271, %parallel_loop3A_273 : vector<16xi32>
      %parallel_loop3A_275 = arith.addi %parallel_loop3A_268, %parallel_loop3A_274 : vector<16xi32>
      %parallel_loop3A_276 = arith.constant 16 : i32
      %parallel_loop3A_277 = vector.broadcast %parallel_loop3A_276 : i32 to vector<16xi32>
      %parallel_loop3A_278 = arith.shrui %parallel_loop3A_275, %parallel_loop3A_277 : vector<16xi32>
      %parallel_loop3A_279 = arith.constant 32767 : i32
      %parallel_loop3A_280 = vector.broadcast %parallel_loop3A_279 : i32 to vector<16xi32>
      %parallel_loop3A_281 = arith.addi %parallel_loop3A_265, %parallel_loop3A_280 : vector<16xi32>
      %parallel_loop3A_282 = arith.constant 16 : i32
      %parallel_loop3A_283 = vector.broadcast %parallel_loop3A_282 : i32 to vector<16xi32>
      %parallel_loop3A_284 = arith.shrui %parallel_loop3A_265, %parallel_loop3A_283 : vector<16xi32>
      %parallel_loop3A_285 = arith.constant 1 : i32
      %parallel_loop3A_286 = vector.broadcast %parallel_loop3A_285 : i32 to vector<16xi32>
      %parallel_loop3A_287 = arith.andi %parallel_loop3A_284, %parallel_loop3A_286 : vector<16xi32>
      %parallel_loop3A_288 = arith.addi %parallel_loop3A_281, %parallel_loop3A_287 : vector<16xi32>
      %parallel_loop3A_289 = arith.constant -65536 : i32
      %parallel_loop3A_290 = vector.broadcast %parallel_loop3A_289 : i32 to vector<16xi32>
      %parallel_loop3A_291 = arith.andi %parallel_loop3A_288, %parallel_loop3A_290 : vector<16xi32>
      %parallel_loop3A_292 = arith.ori %parallel_loop3A_278, %parallel_loop3A_291 : vector<16xi32>
      %parallel_loop3A_293 = vector.bitcast %parallel_loop3A_292 : vector<16xi32> to vector<16xf32>
      %parallel_loop3A_294 = arith.index_cast %parallel_loop3A_198 : i32 to index
      %parallel_loop3A_295 = arith.constant 16 : index
      %parallel_loop3A_296 = tpu.vector_load %arg11[%parallel_loop3A_294, %parallel_loop3A_295] {strides = array<i32>} : memref<40x128xf32, #tpu.memory_space<vmem>>, vector<16xf32>,
      tpu.vector_store %arg11[%parallel_loop3A_294, %parallel_loop3A_295], %parallel_loop3A_293 {strides = array<i32>} : memref<40x128xf32, #tpu.memory_space<vmem>>, vector<16xf32>,
      %parallel_loop3A_297 = arith.index_cast %parallel_loop3A_202 : i32 to index
      %parallel_loop3A_298 = arith.constant 32 : index
      %parallel_loop3A_299 = tpu.vector_load %arg9[%parallel_loop3A_297, %parallel_loop3A_298] {strides = array<i32>} : memref<80x128xf32, #tpu.memory_space<vmem>>, vector<16xf32>,
      %parallel_loop3A_300 = arith.index_cast %parallel_loop3A_202 : i32 to index
      %parallel_loop3A_301 = arith.constant 32 : index
      %parallel_loop3A_302 = tpu.vector_load %arg10[%parallel_loop3A_300, %parallel_loop3A_301] {strides = array<i32>} : memref<80x128xf32, #tpu.memory_space<vmem>>, vector<16xf32>,
      %parallel_loop3A_303 = arith.addf %parallel_loop3A_299, %parallel_loop3A_302 : vector<16xf32>
      %parallel_loop3A_304 = arith.index_cast %parallel_loop3A_202 : i32 to index
      %parallel_loop3A_305 = arith.constant 96 : index
      %parallel_loop3A_306 = tpu.vector_load %arg9[%parallel_loop3A_304, %parallel_loop3A_305] {strides = array<i32>} : memref<80x128xf32, #tpu.memory_space<vmem>>, vector<16xf32>,
      %parallel_loop3A_307 = arith.index_cast %parallel_loop3A_202 : i32 to index
      %parallel_loop3A_308 = arith.constant 96 : index
      %parallel_loop3A_309 = tpu.vector_load %arg10[%parallel_loop3A_307, %parallel_loop3A_308] {strides = array<i32>} : memref<80x128xf32, #tpu.memory_space<vmem>>, vector<16xf32>,
      %parallel_loop3A_310 = arith.addf %parallel_loop3A_306, %parallel_loop3A_309 : vector<16xf32>
      %parallel_loop3A_311 = vector.bitcast %parallel_loop3A_303 : vector<16xf32> to vector<16xi32>
      %parallel_loop3A_312 = vector.bitcast %parallel_loop3A_310 : vector<16xf32> to vector<16xi32>
      %parallel_loop3A_313 = arith.constant 32767 : i32
      %parallel_loop3A_314 = vector.broadcast %parallel_loop3A_313 : i32 to vector<16xi32>
      %parallel_loop3A_315 = arith.addi %parallel_loop3A_311, %parallel_loop3A_314 : vector<16xi32>
      %parallel_loop3A_316 = arith.constant 16 : i32
      %parallel_loop3A_317 = vector.broadcast %parallel_loop3A_316 : i32 to vector<16xi32>
      %parallel_loop3A_318 = arith.shrui %parallel_loop3A_311, %parallel_loop3A_317 : vector<16xi32>
      %parallel_loop3A_319 = arith.constant 1 : i32
      %parallel_loop3A_320 = vector.broadcast %parallel_loop3A_319 : i32 to vector<16xi32>
      %parallel_loop3A_321 = arith.andi %parallel_loop3A_318, %parallel_loop3A_320 : vector<16xi32>
      %parallel_loop3A_322 = arith.addi %parallel_loop3A_315, %parallel_loop3A_321 : vector<16xi32>
      %parallel_loop3A_323 = arith.constant 16 : i32
      %parallel_loop3A_324 = vector.broadcast %parallel_loop3A_323 : i32 to vector<16xi32>
      %parallel_loop3A_325 = arith.shrui %parallel_loop3A_322, %parallel_loop3A_324 : vector<16xi32>
      %parallel_loop3A_326 = arith.constant 32767 : i32
      %parallel_loop3A_327 = vector.broadcast %parallel_loop3A_326 : i32 to vector<16xi32>
      %parallel_loop3A_328 = arith.addi %parallel_loop3A_312, %parallel_loop3A_327 : vector<16xi32>
      %parallel_loop3A_329 = arith.constant 16 : i32
      %parallel_loop3A_330 = vector.broadcast %parallel_loop3A_329 : i32 to vector<16xi32>
      %parallel_loop3A_331 = arith.shrui %parallel_loop3A_312, %parallel_loop3A_330 : vector<16xi32>
      %parallel_loop3A_332 = arith.constant 1 : i32
      %parallel_loop3A_333 = vector.broadcast %parallel_loop3A_332 : i32 to vector<16xi32>
      %parallel_loop3A_334 = arith.andi %parallel_loop3A_331, %parallel_loop3A_333 : vector<16xi32>
      %parallel_loop3A_335 = arith.addi %parallel_loop3A_328, %parallel_loop3A_334 : vector<16xi32>
      %parallel_loop3A_336 = arith.constant -65536 : i32
      %parallel_loop3A_337 = vector.broadcast %parallel_loop3A_336 : i32 to vector<16xi32>
      %parallel_loop3A_338 = arith.andi %parallel_loop3A_335, %parallel_loop3A_337 : vector<16xi32>
      %parallel_loop3A_339 = arith.ori %parallel_loop3A_325, %parallel_loop3A_338 : vector<16xi32>
      %parallel_loop3A_340 = vector.bitcast %parallel_loop3A_339 : vector<16xi32> to vector<16xf32>
      %parallel_loop3A_341 = arith.index_cast %parallel_loop3A_198 : i32 to index
      %parallel_loop3A_342 = arith.constant 32 : index
      %parallel_loop3A_343 = tpu.vector_load %arg11[%parallel_loop3A_341, %parallel_loop3A_342] {strides = array<i32>} : memref<40x128xf32, #tpu.memory_space<vmem>>, vector<16xf32>,
      tpu.vector_store %arg11[%parallel_loop3A_341, %parallel_loop3A_342], %parallel_loop3A_340 {strides = array<i32>} : memref<40x128xf32, #tpu.memory_space<vmem>>, vector<16xf32>,
      %parallel_loop3A_344 = arith.index_cast %parallel_loop3A_202 : i32 to index
      %parallel_loop3A_345 = arith.constant 48 : index
      %parallel_loop3A_346 = tpu.vector_load %arg9[%parallel_loop3A_344, %parallel_loop3A_345] {strides = array<i32>} : memref<80x128xf32, #tpu.memory_space<vmem>>, vector<16xf32>,
      %parallel_loop3A_347 = arith.index_cast %parallel_loop3A_202 : i32 to index
      %parallel_loop3A_348 = arith.constant 48 : index
      %parallel_loop3A_349 = tpu.vector_load %arg10[%parallel_loop3A_347, %parallel_loop3A_348] {strides = array<i32>} : memref<80x128xf32, #tpu.memory_space<vmem>>, vector<16xf32>,
      %parallel_loop3A_350 = arith.addf %parallel_loop3A_346, %parallel_loop3A_349 : vector<16xf32>
      %parallel_loop3A_351 = arith.index_cast %parallel_loop3A_202 : i32 to index
      %parallel_loop3A_352 = arith.constant 112 : index
      %parallel_loop3A_353 = tpu.vector_load %arg9[%parallel_loop3A_351, %parallel_loop3A_352] {strides = array<i32>} : memref<80x128xf32, #tpu.memory_space<vmem>>, vector<16xf32>,
      %parallel_loop3A_354 = arith.index_cast %parallel_loop3A_202 : i32 to index
      %parallel_loop3A_355 = arith.constant 112 : index
      %parallel_loop3A_356 = tpu.vector_load %arg10[%parallel_loop3A_354, %parallel_loop3A_355] {strides = array<i32>} : memref<80x128xf32, #tpu.memory_space<vmem>>, vector<16xf32>,
      %parallel_loop3A_357 = arith.addf %parallel_loop3A_353, %parallel_loop3A_356 : vector<16xf32>
      %parallel_loop3A_358 = vector.bitcast %parallel_loop3A_350 : vector<16xf32> to vector<16xi32>
      %parallel_loop3A_359 = vector.bitcast %parallel_loop3A_357 : vector<16xf32> to vector<16xi32>
      %parallel_loop3A_360 = arith.constant 32767 : i32
      %parallel_loop3A_361 = vector.broadcast %parallel_loop3A_360 : i32 to vector<16xi32>
      %parallel_loop3A_362 = arith.addi %parallel_loop3A_358, %parallel_loop3A_361 : vector<16xi32>
      %parallel_loop3A_363 = arith.constant 16 : i32
      %parallel_loop3A_364 = vector.broadcast %parallel_loop3A_363 : i32 to vector<16xi32>
      %parallel_loop3A_365 = arith.shrui %parallel_loop3A_358, %parallel_loop3A_364 : vector<16xi32>
      %parallel_loop3A_366 = arith.constant 1 : i32
      %parallel_loop3A_367 = vector.broadcast %parallel_loop3A_366 : i32 to vector<16xi32>
      %parallel_loop3A_368 = arith.andi %parallel_loop3A_365, %parallel_loop3A_367 : vector<16xi32>
      %parallel_loop3A_369 = arith.addi %parallel_loop3A_362, %parallel_loop3A_368 : vector<16xi32>
      %parallel_loop3A_370 = arith.constant 16 : i32
      %parallel_loop3A_371 = vector.broadcast %parallel_loop3A_370 : i32 to vector<16xi32>
      %parallel_loop3A_372 = arith.shrui %parallel_loop3A_369, %parallel_loop3A_371 : vector<16xi32>
      %parallel_loop3A_373 = arith.constant 32767 : i32
      %parallel_loop3A_374 = vector.broadcast %parallel_loop3A_373 : i32 to vector<16xi32>
      %parallel_loop3A_375 = arith.addi %parallel_loop3A_359, %parallel_loop3A_374 : vector<16xi32>
      %parallel_loop3A_376 = arith.constant 16 : i32
      %parallel_loop3A_377 = vector.broadcast %parallel_loop3A_376 : i32 to vector<16xi32>
      %parallel_loop3A_378 = arith.shrui %parallel_loop3A_359, %parallel_loop3A_377 : vector<16xi32>
      %parallel_loop3A_379 = arith.constant 1 : i32
      %parallel_loop3A_380 = vector.broadcast %parallel_loop3A_379 : i32 to vector<16xi32>
      %parallel_loop3A_381 = arith.andi %parallel_loop3A_378, %parallel_loop3A_380 : vector<16xi32>
      %parallel_loop3A_382 = arith.addi %parallel_loop3A_375, %parallel_loop3A_381 : vector<16xi32>
      %parallel_loop3A_383 = arith.constant -65536 : i32
      %parallel_loop3A_384 = vector.broadcast %parallel_loop3A_383 : i32 to vector<16xi32>
      %parallel_loop3A_385 = arith.andi %parallel_loop3A_382, %parallel_loop3A_384 : vector<16xi32>
      %parallel_loop3A_386 = arith.ori %parallel_loop3A_372, %parallel_loop3A_385 : vector<16xi32>
      %parallel_loop3A_387 = vector.bitcast %parallel_loop3A_386 : vector<16xi32> to vector<16xf32>
      %parallel_loop3A_388 = arith.index_cast %parallel_loop3A_198 : i32 to index
      %parallel_loop3A_389 = arith.constant 48 : index
      %parallel_loop3A_390 = tpu.vector_load %arg11[%parallel_loop3A_388, %parallel_loop3A_389] {strides = array<i32>} : memref<40x128xf32, #tpu.memory_space<vmem>>, vector<16xf32>,
      tpu.vector_store %arg11[%parallel_loop3A_388, %parallel_loop3A_389], %parallel_loop3A_387 {strides = array<i32>} : memref<40x128xf32, #tpu.memory_space<vmem>>, vector<16xf32>,
      %parallel_loop3A_391 = arith.constant 2 : i32
      %parallel_loop3A_392 = arith.muli %parallel_loop3A_391, %parallel_loop3A_198 : i32
      %parallel_loop3A_393 = arith.constant 1 : i32
      %parallel_loop3A_394 = arith.addi %parallel_loop3A_392, %parallel_loop3A_393 : i32
      %parallel_loop3A_395 = arith.index_cast %parallel_loop3A_394 : i32 to index
      %parallel_loop3A_396 = arith.constant 0 : index
      %parallel_loop3A_397 = tpu.vector_load %arg9[%parallel_loop3A_395, %parallel_loop3A_396] {strides = array<i32>} : memref<80x128xf32, #tpu.memory_space<vmem>>, vector<16xf32>,
      %parallel_loop3A_398 = arith.index_cast %parallel_loop3A_394 : i32 to index
      %parallel_loop3A_399 = arith.constant 0 : index
      %parallel_loop3A_400 = tpu.vector_load %arg10[%parallel_loop3A_398, %parallel_loop3A_399] {strides = array<i32>} : memref<80x128xf32, #tpu.memory_space<vmem>>, vector<16xf32>,
      %parallel_loop3A_401 = arith.addf %parallel_loop3A_397, %parallel_loop3A_400 : vector<16xf32>
      %parallel_loop3A_402 = arith.index_cast %parallel_loop3A_394 : i32 to index
      %parallel_loop3A_403 = arith.constant 64 : index
      %parallel_loop3A_404 = tpu.vector_load %arg9[%parallel_loop3A_402, %parallel_loop3A_403] {strides = array<i32>} : memref<80x128xf32, #tpu.memory_space<vmem>>, vector<16xf32>,
      %parallel_loop3A_405 = arith.index_cast %parallel_loop3A_394 : i32 to index
      %parallel_loop3A_406 = arith.constant 64 : index
      %parallel_loop3A_407 = tpu.vector_load %arg10[%parallel_loop3A_405, %parallel_loop3A_406] {strides = array<i32>} : memref<80x128xf32, #tpu.memory_space<vmem>>, vector<16xf32>,
      %parallel_loop3A_408 = arith.addf %parallel_loop3A_404, %parallel_loop3A_407 : vector<16xf32>
      %parallel_loop3A_409 = vector.bitcast %parallel_loop3A_401 : vector<16xf32> to vector<16xi32>
      %parallel_loop3A_410 = vector.bitcast %parallel_loop3A_408 : vector<16xf32> to vector<16xi32>
      %parallel_loop3A_411 = arith.constant 32767 : i32
      %parallel_loop3A_412 = vector.broadcast %parallel_loop3A_411 : i32 to vector<16xi32>
      %parallel_loop3A_413 = arith.addi %parallel_loop3A_409, %parallel_loop3A_412 : vector<16xi32>
      %parallel_loop3A_414 = arith.constant 16 : i32
      %parallel_loop3A_415 = vector.broadcast %parallel_loop3A_414 : i32 to vector<16xi32>
      %parallel_loop3A_416 = arith.shrui %parallel_loop3A_409, %parallel_loop3A_415 : vector<16xi32>
      %parallel_loop3A_417 = arith.constant 1 : i32
      %parallel_loop3A_418 = vector.broadcast %parallel_loop3A_417 : i32 to vector<16xi32>
      %parallel_loop3A_419 = arith.andi %parallel_loop3A_416, %parallel_loop3A_418 : vector<16xi32>
      %parallel_loop3A_420 = arith.addi %parallel_loop3A_413, %parallel_loop3A_419 : vector<16xi32>
      %parallel_loop3A_421 = arith.constant 16 : i32
      %parallel_loop3A_422 = vector.broadcast %parallel_loop3A_421 : i32 to vector<16xi32>
      %parallel_loop3A_423 = arith.shrui %parallel_loop3A_420, %parallel_loop3A_422 : vector<16xi32>
      %parallel_loop3A_424 = arith.constant 32767 : i32
      %parallel_loop3A_425 = vector.broadcast %parallel_loop3A_424 : i32 to vector<16xi32>
      %parallel_loop3A_426 = arith.addi %parallel_loop3A_410, %parallel_loop3A_425 : vector<16xi32>
      %parallel_loop3A_427 = arith.constant 16 : i32
      %parallel_loop3A_428 = vector.broadcast %parallel_loop3A_427 : i32 to vector<16xi32>
      %parallel_loop3A_429 = arith.shrui %parallel_loop3A_410, %parallel_loop3A_428 : vector<16xi32>
      %parallel_loop3A_430 = arith.constant 1 : i32
      %parallel_loop3A_431 = vector.broadcast %parallel_loop3A_430 : i32 to vector<16xi32>
      %parallel_loop3A_432 = arith.andi %parallel_loop3A_429, %parallel_loop3A_431 : vector<16xi32>
      %parallel_loop3A_433 = arith.addi %parallel_loop3A_426, %parallel_loop3A_432 : vector<16xi32>
      %parallel_loop3A_434 = arith.constant -65536 : i32
      %parallel_loop3A_435 = vector.broadcast %parallel_loop3A_434 : i32 to vector<16xi32>
      %parallel_loop3A_436 = arith.andi %parallel_loop3A_433, %parallel_loop3A_435 : vector<16xi32>
      %parallel_loop3A_437 = arith.ori %parallel_loop3A_423, %parallel_loop3A_436 : vector<16xi32>
      %parallel_loop3A_438 = vector.bitcast %parallel_loop3A_437 : vector<16xi32> to vector<16xf32>
      %parallel_loop3A_439 = arith.index_cast %parallel_loop3A_198 : i32 to index
      %parallel_loop3A_440 = arith.constant 64 : index
      %parallel_loop3A_441 = tpu.vector_load %arg11[%parallel_loop3A_439, %parallel_loop3A_440] {strides = array<i32>} : memref<40x128xf32, #tpu.memory_space<vmem>>, vector<16xf32>,
      tpu.vector_store %arg11[%parallel_loop3A_439, %parallel_loop3A_440], %parallel_loop3A_438 {strides = array<i32>} : memref<40x128xf32, #tpu.memory_space<vmem>>, vector<16xf32>,
      %parallel_loop3A_442 = arith.index_cast %parallel_loop3A_394 : i32 to index
      %parallel_loop3A_443 = arith.constant 16 : index
      %parallel_loop3A_444 = tpu.vector_load %arg9[%parallel_loop3A_442, %parallel_loop3A_443] {strides = array<i32>} : memref<80x128xf32, #tpu.memory_space<vmem>>, vector<16xf32>,
      %parallel_loop3A_445 = arith.index_cast %parallel_loop3A_394 : i32 to index
      %parallel_loop3A_446 = arith.constant 16 : index
      %parallel_loop3A_447 = tpu.vector_load %arg10[%parallel_loop3A_445, %parallel_loop3A_446] {strides = array<i32>} : memref<80x128xf32, #tpu.memory_space<vmem>>, vector<16xf32>,
      %parallel_loop3A_448 = arith.addf %parallel_loop3A_444, %parallel_loop3A_447 : vector<16xf32>
      %parallel_loop3A_449 = arith.index_cast %parallel_loop3A_394 : i32 to index
      %parallel_loop3A_450 = arith.constant 80 : index
      %parallel_loop3A_451 = tpu.vector_load %arg9[%parallel_loop3A_449, %parallel_loop3A_450] {strides = array<i32>} : memref<80x128xf32, #tpu.memory_space<vmem>>, vector<16xf32>,
      %parallel_loop3A_452 = arith.index_cast %parallel_loop3A_394 : i32 to index
      %parallel_loop3A_453 = arith.constant 80 : index
      %parallel_loop3A_454 = tpu.vector_load %arg10[%parallel_loop3A_452, %parallel_loop3A_453] {strides = array<i32>} : memref<80x128xf32, #tpu.memory_space<vmem>>, vector<16xf32>,
      %parallel_loop3A_455 = arith.addf %parallel_loop3A_451, %parallel_loop3A_454 : vector<16xf32>
      %parallel_loop3A_456 = vector.bitcast %parallel_loop3A_448 : vector<16xf32> to vector<16xi32>
      %parallel_loop3A_457 = vector.bitcast %parallel_loop3A_455 : vector<16xf32> to vector<16xi32>
      %parallel_loop3A_458 = arith.constant 32767 : i32
      %parallel_loop3A_459 = vector.broadcast %parallel_loop3A_458 : i32 to vector<16xi32>
      %parallel_loop3A_460 = arith.addi %parallel_loop3A_456, %parallel_loop3A_459 : vector<16xi32>
      %parallel_loop3A_461 = arith.constant 16 : i32
      %parallel_loop3A_462 = vector.broadcast %parallel_loop3A_461 : i32 to vector<16xi32>
      %parallel_loop3A_463 = arith.shrui %parallel_loop3A_456, %parallel_loop3A_462 : vector<16xi32>
      %parallel_loop3A_464 = arith.constant 1 : i32
      %parallel_loop3A_465 = vector.broadcast %parallel_loop3A_464 : i32 to vector<16xi32>
      %parallel_loop3A_466 = arith.andi %parallel_loop3A_463, %parallel_loop3A_465 : vector<16xi32>
      %parallel_loop3A_467 = arith.addi %parallel_loop3A_460, %parallel_loop3A_466 : vector<16xi32>
      %parallel_loop3A_468 = arith.constant 16 : i32
      %parallel_loop3A_469 = vector.broadcast %parallel_loop3A_468 : i32 to vector<16xi32>
      %parallel_loop3A_470 = arith.shrui %parallel_loop3A_467, %parallel_loop3A_469 : vector<16xi32>
      %parallel_loop3A_471 = arith.constant 32767 : i32
      %parallel_loop3A_472 = vector.broadcast %parallel_loop3A_471 : i32 to vector<16xi32>
      %parallel_loop3A_473 = arith.addi %parallel_loop3A_457, %parallel_loop3A_472 : vector<16xi32>
      %parallel_loop3A_474 = arith.constant 16 : i32
      %parallel_loop3A_475 = vector.broadcast %parallel_loop3A_474 : i32 to vector<16xi32>
      %parallel_loop3A_476 = arith.shrui %parallel_loop3A_457, %parallel_loop3A_475 : vector<16xi32>
      %parallel_loop3A_477 = arith.constant 1 : i32
      %parallel_loop3A_478 = vector.broadcast %parallel_loop3A_477 : i32 to vector<16xi32>
      %parallel_loop3A_479 = arith.andi %parallel_loop3A_476, %parallel_loop3A_478 : vector<16xi32>
      %parallel_loop3A_480 = arith.addi %parallel_loop3A_473, %parallel_loop3A_479 : vector<16xi32>
      %parallel_loop3A_481 = arith.constant -65536 : i32
      %parallel_loop3A_482 = vector.broadcast %parallel_loop3A_481 : i32 to vector<16xi32>
      %parallel_loop3A_483 = arith.andi %parallel_loop3A_480, %parallel_loop3A_482 : vector<16xi32>
      %parallel_loop3A_484 = arith.ori %parallel_loop3A_470, %parallel_loop3A_483 : vector<16xi32>
      %parallel_loop3A_485 = vector.bitcast %parallel_loop3A_484 : vector<16xi32> to vector<16xf32>
      %parallel_loop3A_486 = arith.index_cast %parallel_loop3A_198 : i32 to index
      %parallel_loop3A_487 = arith.constant 80 : index
      %parallel_loop3A_488 = tpu.vector_load %arg11[%parallel_loop3A_486, %parallel_loop3A_487] {strides = array<i32>} : memref<40x128xf32, #tpu.memory_space<vmem>>, vector<16xf32>,
      tpu.vector_store %arg11[%parallel_loop3A_486, %parallel_loop3A_487], %parallel_loop3A_485 {strides = array<i32>} : memref<40x128xf32, #tpu.memory_space<vmem>>, vector<16xf32>,
      %parallel_loop3A_489 = arith.index_cast %parallel_loop3A_394 : i32 to index
      %parallel_loop3A_490 = arith.constant 32 : index
      %parallel_loop3A_491 = tpu.vector_load %arg9[%parallel_loop3A_489, %parallel_loop3A_490] {strides = array<i32>} : memref<80x128xf32, #tpu.memory_space<vmem>>, vector<16xf32>,
      %parallel_loop3A_492 = arith.index_cast %parallel_loop3A_394 : i32 to index
      %parallel_loop3A_493 = arith.constant 32 : index
      %parallel_loop3A_494 = tpu.vector_load %arg10[%parallel_loop3A_492, %parallel_loop3A_493] {strides = array<i32>} : memref<80x128xf32, #tpu.memory_space<vmem>>, vector<16xf32>,
      %parallel_loop3A_495 = arith.addf %parallel_loop3A_491, %parallel_loop3A_494 : vector<16xf32>
      %parallel_loop3A_496 = arith.index_cast %parallel_loop3A_394 : i32 to index
      %parallel_loop3A_497 = arith.constant 96 : index
      %parallel_loop3A_498 = tpu.vector_load %arg9[%parallel_loop3A_496, %parallel_loop3A_497] {strides = array<i32>} : memref<80x128xf32, #tpu.memory_space<vmem>>, vector<16xf32>,
      %parallel_loop3A_499 = arith.index_cast %parallel_loop3A_394 : i32 to index
      %parallel_loop3A_500 = arith.constant 96 : index
      %parallel_loop3A_501 = tpu.vector_load %arg10[%parallel_loop3A_499, %parallel_loop3A_500] {strides = array<i32>} : memref<80x128xf32, #tpu.memory_space<vmem>>, vector<16xf32>,
      %parallel_loop3A_502 = arith.addf %parallel_loop3A_498, %parallel_loop3A_501 : vector<16xf32>
      %parallel_loop3A_503 = vector.bitcast %parallel_loop3A_495 : vector<16xf32> to vector<16xi32>
      %parallel_loop3A_504 = vector.bitcast %parallel_loop3A_502 : vector<16xf32> to vector<16xi32>
      %parallel_loop3A_505 = arith.constant 32767 : i32
      %parallel_loop3A_506 = vector.broadcast %parallel_loop3A_505 : i32 to vector<16xi32>
      %parallel_loop3A_507 = arith.addi %parallel_loop3A_503, %parallel_loop3A_506 : vector<16xi32>
      %parallel_loop3A_508 = arith.constant 16 : i32
      %parallel_loop3A_509 = vector.broadcast %parallel_loop3A_508 : i32 to vector<16xi32>
      %parallel_loop3A_510 = arith.shrui %parallel_loop3A_503, %parallel_loop3A_509 : vector<16xi32>
      %parallel_loop3A_511 = arith.constant 1 : i32
      %parallel_loop3A_512 = vector.broadcast %parallel_loop3A_511 : i32 to vector<16xi32>
      %parallel_loop3A_513 = arith.andi %parallel_loop3A_510, %parallel_loop3A_512 : vector<16xi32>
      %parallel_loop3A_514 = arith.addi %parallel_loop3A_507, %parallel_loop3A_513 : vector<16xi32>
      %parallel_loop3A_515 = arith.constant 16 : i32
      %parallel_loop3A_516 = vector.broadcast %parallel_loop3A_515 : i32 to vector<16xi32>
      %parallel_loop3A_517 = arith.shrui %parallel_loop3A_514, %parallel_loop3A_516 : vector<16xi32>
      %parallel_loop3A_518 = arith.constant 32767 : i32
      %parallel_loop3A_519 = vector.broadcast %parallel_loop3A_518 : i32 to vector<16xi32>
      %parallel_loop3A_520 = arith.addi %parallel_loop3A_504, %parallel_loop3A_519 : vector<16xi32>
      %parallel_loop3A_521 = arith.constant 16 : i32
      %parallel_loop3A_522 = vector.broadcast %parallel_loop3A_521 : i32 to vector<16xi32>
      %parallel_loop3A_523 = arith.shrui %parallel_loop3A_504, %parallel_loop3A_522 : vector<16xi32>
      %parallel_loop3A_524 = arith.constant 1 : i32
      %parallel_loop3A_525 = vector.broadcast %parallel_loop3A_524 : i32 to vector<16xi32>
      %parallel_loop3A_526 = arith.andi %parallel_loop3A_523, %parallel_loop3A_525 : vector<16xi32>
      %parallel_loop3A_527 = arith.addi %parallel_loop3A_520, %parallel_loop3A_526 : vector<16xi32>
      %parallel_loop3A_528 = arith.constant -65536 : i32
      %parallel_loop3A_529 = vector.broadcast %parallel_loop3A_528 : i32 to vector<16xi32>
      %parallel_loop3A_530 = arith.andi %parallel_loop3A_527, %parallel_loop3A_529 : vector<16xi32>
      %parallel_loop3A_531 = arith.ori %parallel_loop3A_517, %parallel_loop3A_530 : vector<16xi32>
      %parallel_loop3A_532 = vector.bitcast %parallel_loop3A_531 : vector<16xi32> to vector<16xf32>
      %parallel_loop3A_533 = arith.index_cast %parallel_loop3A_198 : i32 to index
      %parallel_loop3A_534 = arith.constant 96 : index
      %parallel_loop3A_535 = tpu.vector_load %arg11[%parallel_loop3A_533, %parallel_loop3A_534] {strides = array<i32>} : memref<40x128xf32, #tpu.memory_space<vmem>>, vector<16xf32>,
      tpu.vector_store %arg11[%parallel_loop3A_533, %parallel_loop3A_534], %parallel_loop3A_532 {strides = array<i32>} : memref<40x128xf32, #tpu.memory_space<vmem>>, vector<16xf32>,
      %parallel_loop3A_536 = arith.index_cast %parallel_loop3A_394 : i32 to index
      %parallel_loop3A_537 = arith.constant 48 : index
      %parallel_loop3A_538 = tpu.vector_load %arg9[%parallel_loop3A_536, %parallel_loop3A_537] {strides = array<i32>} : memref<80x128xf32, #tpu.memory_space<vmem>>, vector<16xf32>,
      %parallel_loop3A_539 = arith.index_cast %parallel_loop3A_394 : i32 to index
      %parallel_loop3A_540 = arith.constant 48 : index
      %parallel_loop3A_541 = tpu.vector_load %arg10[%parallel_loop3A_539, %parallel_loop3A_540] {strides = array<i32>} : memref<80x128xf32, #tpu.memory_space<vmem>>, vector<16xf32>,
      %parallel_loop3A_542 = arith.addf %parallel_loop3A_538, %parallel_loop3A_541 : vector<16xf32>
      %parallel_loop3A_543 = arith.index_cast %parallel_loop3A_394 : i32 to index
      %parallel_loop3A_544 = arith.constant 112 : index
      %parallel_loop3A_545 = tpu.vector_load %arg9[%parallel_loop3A_543, %parallel_loop3A_544] {strides = array<i32>} : memref<80x128xf32, #tpu.memory_space<vmem>>, vector<16xf32>,
      %parallel_loop3A_546 = arith.index_cast %parallel_loop3A_394 : i32 to index
      %parallel_loop3A_547 = arith.constant 112 : index
      %parallel_loop3A_548 = tpu.vector_load %arg10[%parallel_loop3A_546, %parallel_loop3A_547] {strides = array<i32>} : memref<80x128xf32, #tpu.memory_space<vmem>>, vector<16xf32>,
      %parallel_loop3A_549 = arith.addf %parallel_loop3A_545, %parallel_loop3A_548 : vector<16xf32>
      %parallel_loop3A_550 = vector.bitcast %parallel_loop3A_542 : vector<16xf32> to vector<16xi32>
      %parallel_loop3A_551 = vector.bitcast %parallel_loop3A_549 : vector<16xf32> to vector<16xi32>
      %parallel_loop3A_552 = arith.constant 32767 : i32
      %parallel_loop3A_553 = vector.broadcast %parallel_loop3A_552 : i32 to vector<16xi32>
      %parallel_loop3A_554 = arith.addi %parallel_loop3A_550, %parallel_loop3A_553 : vector<16xi32>
      %parallel_loop3A_555 = arith.constant 16 : i32
      %parallel_loop3A_556 = vector.broadcast %parallel_loop3A_555 : i32 to vector<16xi32>
      %parallel_loop3A_557 = arith.shrui %parallel_loop3A_550, %parallel_loop3A_556 : vector<16xi32>
      %parallel_loop3A_558 = arith.constant 1 : i32
      %parallel_loop3A_559 = vector.broadcast %parallel_loop3A_558 : i32 to vector<16xi32>
      %parallel_loop3A_560 = arith.andi %parallel_loop3A_557, %parallel_loop3A_559 : vector<16xi32>
      %parallel_loop3A_561 = arith.addi %parallel_loop3A_554, %parallel_loop3A_560 : vector<16xi32>
      %parallel_loop3A_562 = arith.constant 16 : i32
      %parallel_loop3A_563 = vector.broadcast %parallel_loop3A_562 : i32 to vector<16xi32>
      %parallel_loop3A_564 = arith.shrui %parallel_loop3A_561, %parallel_loop3A_563 : vector<16xi32>
      %parallel_loop3A_565 = arith.constant 32767 : i32
      %parallel_loop3A_566 = vector.broadcast %parallel_loop3A_565 : i32 to vector<16xi32>
      %parallel_loop3A_567 = arith.addi %parallel_loop3A_551, %parallel_loop3A_566 : vector<16xi32>
      %parallel_loop3A_568 = arith.constant 16 : i32
      %parallel_loop3A_569 = vector.broadcast %parallel_loop3A_568 : i32 to vector<16xi32>
      %parallel_loop3A_570 = arith.shrui %parallel_loop3A_551, %parallel_loop3A_569 : vector<16xi32>
      %parallel_loop3A_571 = arith.constant 1 : i32
      %parallel_loop3A_572 = vector.broadcast %parallel_loop3A_571 : i32 to vector<16xi32>
      %parallel_loop3A_573 = arith.andi %parallel_loop3A_570, %parallel_loop3A_572 : vector<16xi32>
      %parallel_loop3A_574 = arith.addi %parallel_loop3A_567, %parallel_loop3A_573 : vector<16xi32>
      %parallel_loop3A_575 = arith.constant -65536 : i32
      %parallel_loop3A_576 = vector.broadcast %parallel_loop3A_575 : i32 to vector<16xi32>
      %parallel_loop3A_577 = arith.andi %parallel_loop3A_574, %parallel_loop3A_576 : vector<16xi32>
      %parallel_loop3A_578 = arith.ori %parallel_loop3A_564, %parallel_loop3A_577 : vector<16xi32>
      %parallel_loop3A_579 = vector.bitcast %parallel_loop3A_578 : vector<16xi32> to vector<16xf32>
      %parallel_loop3A_580 = arith.index_cast %parallel_loop3A_198 : i32 to index
      %parallel_loop3A_581 = arith.constant 112 : index
      %parallel_loop3A_582 = tpu.vector_load %arg11[%parallel_loop3A_580, %parallel_loop3A_581] {strides = array<i32>} : memref<40x128xf32, #tpu.memory_space<vmem>>, vector<16xf32>,
      tpu.vector_store %arg11[%parallel_loop3A_580, %parallel_loop3A_581], %parallel_loop3A_579 {strides = array<i32>} : memref<40x128xf32, #tpu.memory_space<vmem>>, vector<16xf32>,
    } {sc.loop_unroll_factor = 2 : i64, sc.parallel_access}
    %add3A_68 = arith.constant 3280 : i32
    %add3A_69 = arith.addi %mul3A_2, %add3A_68 : i32
    %jit3A = arith.constant 2 : i32
    %div3A = arith.divsi %add3A_69, %jit3A : i32
    %sign3A = arith.constant 0 : i32
    %sign3A_70 = arith.cmpi sgt, %add3A_69, %sign3A : i32
    %sign3A_71 = arith.extui %sign3A_70 : i1 to i32
    %sign3A_72 = arith.constant 0 : i32
    %sign3A_73 = arith.cmpi slt, %add3A_69, %sign3A_72 : i32
    %sign3A_74 = arith.extui %sign3A_73 : i1 to i32
    %sign3A_75 = arith.subi %sign3A_71, %sign3A_74 : i32
    %sign3A_76 = arith.constant 0 : i32
    %sign3A_77 = arith.cmpi sgt, %jit3A, %sign3A_76 : i32
    %sign3A_78 = arith.extui %sign3A_77 : i1 to i32
    %sign3A_79 = arith.constant 0 : i32
    %sign3A_80 = arith.cmpi slt, %jit3A, %sign3A_79 : i32
    %sign3A_81 = arith.extui %sign3A_80 : i1 to i32
    %sign3A_82 = arith.subi %sign3A_78, %sign3A_81 : i32
    %ne3A = arith.cmpi ne, %sign3A_75, %sign3A_82 : i32
    %rem3A = arith.remsi %add3A_69, %jit3A : i32
    %ne3A_83 = arith.constant 0 : i32
    %ne3A_84 = arith.cmpi ne, %rem3A, %ne3A_83 : i32
    %and3A = arith.andi %ne3A, %ne3A_84 : i1
    %sub3A = arith.constant 1 : i32
    %sub3A_85 = arith.subi %div3A, %sub3A : i32
    %select_n3A = arith.select %and3A, %sub3A_85, %div3A : i32
    %multiple_of3A = tpu.assume_multiple %select_n3A, 8 : i32
    %dma_start3A_86 = arith.constant 0 : i32
    %dma_start3A_87 = tpu.memref_slice %arg6[%multiple_of3A, %dma_start3A_86] : memref<160000x128xf32, #tpu.memory_space<hbm>> -> memref<40x128xf32, #tpu.memory_space<hbm>>
    %dma_start3A_88 = arith.constant 0 : i32
    %dma_start3A_89 = tpu.memref_slice %arg6[%multiple_of3A, %dma_start3A_88] : memref<160000x128xf32, #tpu.memory_space<hbm>> -> memref<40x128xf32, #tpu.memory_space<hbm>>
    tpu.enqueue_dma source(%arg11 : memref<40x128xf32, #tpu.memory_space<vmem>>) target(%dma_start3A_89 : memref<40x128xf32, #tpu.memory_space<hbm>>) target_semaphore(%arg21 : memref<!tpu.dma_semaphore, #tpu.memory_space<semaphore_mem>>)
    %dma_start3A_90 = arith.constant 42 : i32
    %dma_start3A_91 = arith.constant 0 : i32
    %dma_start3A_92 = tpu.memref_slice %arg7[%dma_start3A_90, %dma_start3A_91] : memref<125x80xi32, #tpu.memory_space<vmem>> -> memref<1x80xi32, #tpu.memory_space<vmem>>
    %dma_start3A_93 = tpu.memref_squeeze %dma_start3A_92 : memref<1x80xi32, #tpu.memory_space<vmem>> -> memref<80xi32, #tpu.memory_space<vmem>>
    %dma_start3A_94 = arith.constant 0 : i32
    %dma_start3A_95 = arith.constant 0 : i32
    %dma_start3A_96 = tpu.memref_slice %arg2[%dma_start3A_94, %dma_start3A_95] : memref<10000x128xf32, #tpu.memory_space<hbm>> -> memref<10000x128xf32, #tpu.memory_space<hbm>>
    tpu.enqueue_indirect_dma source(%dma_start3A_96 : memref<10000x128xf32, #tpu.memory_space<hbm>>) target(%arg9 : memref<80x128xf32, #tpu.memory_space<vmem>>) offsets(%dma_start3A_93 : memref<80xi32, #tpu.memory_space<vmem>>) semaphore(%arg18 : memref<!tpu.dma_semaphore, #tpu.memory_space<semaphore_mem>>)
    %dma_start3A_97 = arith.constant 42 : i32
    %dma_start3A_98 = arith.constant 0 : i32
    %dma_start3A_99 = tpu.memref_slice %arg8[%dma_start3A_97, %dma_start3A_98] : memref<125x80xi32, #tpu.memory_space<vmem>> -> memref<1x80xi32, #tpu.memory_space<vmem>>
    %dma_start3A_100 = tpu.memref_squeeze %dma_start3A_99 : memref<1x80xi32, #tpu.memory_space<vmem>> -> memref<80xi32, #tpu.memory_space<vmem>>
    %dma_start3A_101 = arith.constant 0 : i32
    %dma_start3A_102 = arith.constant 0 : i32
    %dma_start3A_103 = tpu.memref_slice %arg3[%dma_start3A_101, %dma_start3A_102] : memref<10000x128xf32, #tpu.memory_space<hbm>> -> memref<10000x128xf32, #tpu.memory_space<hbm>>
    tpu.enqueue_indirect_dma source(%dma_start3A_103 : memref<10000x128xf32, #tpu.memory_space<hbm>>) target(%arg10 : memref<80x128xf32, #tpu.memory_space<vmem>>) offsets(%dma_start3A_100 : memref<80xi32, #tpu.memory_space<vmem>>) semaphore(%arg18 : memref<!tpu.dma_semaphore, #tpu.memory_space<semaphore_mem>>)
    %dma_wait3A_104 = arith.constant 0 : i32
    %dma_wait3A_105 = arith.constant 0 : i32
    %dma_wait3A_106 = tpu.memref_slice %arg2[%dma_wait3A_104, %dma_wait3A_105] : memref<10000x128xf32, #tpu.memory_space<hbm>> -> memref<80x128xf32, #tpu.memory_space<hbm>>
    %dma_wait3A_107 = arith.constant 0 : i32
    %dma_wait3A_108 = arith.constant 0 : i32
    %dma_wait3A_109 = tpu.memref_slice %arg2[%dma_wait3A_107, %dma_wait3A_108] : memref<10000x128xf32, #tpu.memory_space<hbm>> -> memref<80x128xf32, #tpu.memory_space<hbm>>
    tpu.wait_dma2 semaphore(%arg18 : memref<!tpu.dma_semaphore, #tpu.memory_space<semaphore_mem>>) src(%dma_wait3A_109 : memref<80x128xf32, #tpu.memory_space<hbm>>) dst(%arg9 : memref<80x128xf32, #tpu.memory_space<vmem>>)
    %dma_wait3A_110 = arith.constant 0 : i32
    %dma_wait3A_111 = arith.constant 0 : i32
    %dma_wait3A_112 = tpu.memref_slice %arg3[%dma_wait3A_110, %dma_wait3A_111] : memref<10000x128xf32, #tpu.memory_space<hbm>> -> memref<80x128xf32, #tpu.memory_space<hbm>>
    %dma_wait3A_113 = arith.constant 0 : i32
    %dma_wait3A_114 = arith.constant 0 : i32
    %dma_wait3A_115 = tpu.memref_slice %arg3[%dma_wait3A_113, %dma_wait3A_114] : memref<10000x128xf32, #tpu.memory_space<hbm>> -> memref<80x128xf32, #tpu.memory_space<hbm>>
    tpu.wait_dma2 semaphore(%arg18 : memref<!tpu.dma_semaphore, #tpu.memory_space<semaphore_mem>>) src(%dma_wait3A_115 : memref<80x128xf32, #tpu.memory_space<hbm>>) dst(%arg10 : memref<80x128xf32, #tpu.memory_space<vmem>>)
    %dma_wait3A_116 = arith.constant 0 : i32
    %dma_wait3A_117 = arith.constant 0 : i32
    %dma_wait3A_118 = tpu.memref_slice %arg6[%dma_wait3A_116, %dma_wait3A_117] : memref<160000x128xf32, #tpu.memory_space<hbm>> -> memref<40x128xf32, #tpu.memory_space<hbm>>
    %dma_wait3A_119 = arith.constant 0 : i32
    %dma_wait3A_120 = arith.constant 0 : i32
    %dma_wait3A_121 = tpu.memref_slice %arg6[%dma_wait3A_119, %dma_wait3A_120] : memref<160000x128xf32, #tpu.memory_space<hbm>> -> memref<40x128xf32, #tpu.memory_space<hbm>>
    tpu.wait_dma2 semaphore(%arg21 : memref<!tpu.dma_semaphore, #tpu.memory_space<semaphore_mem>>) src(%arg11 : memref<40x128xf32, #tpu.memory_space<vmem>>) dst(%dma_wait3A_121 : memref<40x128xf32, #tpu.memory_space<hbm>>)
    %parallel_loop3A_122 = arith.constant 0 : i32
    %parallel_loop3A_123 = arith.constant 40 : i32
    %parallel_loop3A_124 = arith.constant 1 : i32
    scf.for %parallel_loop3A_198 = %parallel_loop3A_122 to %parallel_loop3A_123 step %parallel_loop3A_124  : i32 {
      %parallel_loop3A_199 = arith.constant 2 : i32
      %parallel_loop3A_200 = arith.muli %parallel_loop3A_199, %parallel_loop3A_198 : i32
      %parallel_loop3A_201 = arith.constant 0 : i32
      %parallel_loop3A_202 = arith.addi %parallel_loop3A_200, %parallel_loop3A_201 : i32
      %parallel_loop3A_203 = arith.index_cast %parallel_loop3A_202 : i32 to index
      %parallel_loop3A_204 = arith.constant 0 : index
      %parallel_loop3A_205 = tpu.vector_load %arg9[%parallel_loop3A_203, %parallel_loop3A_204] {strides = array<i32>} : memref<80x128xf32, #tpu.memory_space<vmem>>, vector<16xf32>,
      %parallel_loop3A_206 = arith.index_cast %parallel_loop3A_202 : i32 to index
      %parallel_loop3A_207 = arith.constant 0 : index
      %parallel_loop3A_208 = tpu.vector_load %arg10[%parallel_loop3A_206, %parallel_loop3A_207] {strides = array<i32>} : memref<80x128xf32, #tpu.memory_space<vmem>>, vector<16xf32>,
      %parallel_loop3A_209 = arith.addf %parallel_loop3A_205, %parallel_loop3A_208 : vector<16xf32>
      %parallel_loop3A_210 = arith.index_cast %parallel_loop3A_202 : i32 to index
      %parallel_loop3A_211 = arith.constant 64 : index
      %parallel_loop3A_212 = tpu.vector_load %arg9[%parallel_loop3A_210, %parallel_loop3A_211] {strides = array<i32>} : memref<80x128xf32, #tpu.memory_space<vmem>>, vector<16xf32>,
      %parallel_loop3A_213 = arith.index_cast %parallel_loop3A_202 : i32 to index
      %parallel_loop3A_214 = arith.constant 64 : index
      %parallel_loop3A_215 = tpu.vector_load %arg10[%parallel_loop3A_213, %parallel_loop3A_214] {strides = array<i32>} : memref<80x128xf32, #tpu.memory_space<vmem>>, vector<16xf32>,
      %parallel_loop3A_216 = arith.addf %parallel_loop3A_212, %parallel_loop3A_215 : vector<16xf32>
      %parallel_loop3A_217 = vector.bitcast %parallel_loop3A_209 : vector<16xf32> to vector<16xi32>
      %parallel_loop3A_218 = vector.bitcast %parallel_loop3A_216 : vector<16xf32> to vector<16xi32>
      %parallel_loop3A_219 = arith.constant 32767 : i32
      %parallel_loop3A_220 = vector.broadcast %parallel_loop3A_219 : i32 to vector<16xi32>
      %parallel_loop3A_221 = arith.addi %parallel_loop3A_217, %parallel_loop3A_220 : vector<16xi32>
      %parallel_loop3A_222 = arith.constant 16 : i32
      %parallel_loop3A_223 = vector.broadcast %parallel_loop3A_222 : i32 to vector<16xi32>
      %parallel_loop3A_224 = arith.shrui %parallel_loop3A_217, %parallel_loop3A_223 : vector<16xi32>
      %parallel_loop3A_225 = arith.constant 1 : i32
      %parallel_loop3A_226 = vector.broadcast %parallel_loop3A_225 : i32 to vector<16xi32>
      %parallel_loop3A_227 = arith.andi %parallel_loop3A_224, %parallel_loop3A_226 : vector<16xi32>
      %parallel_loop3A_228 = arith.addi %parallel_loop3A_221, %parallel_loop3A_227 : vector<16xi32>
      %parallel_loop3A_229 = arith.constant 16 : i32
      %parallel_loop3A_230 = vector.broadcast %parallel_loop3A_229 : i32 to vector<16xi32>
      %parallel_loop3A_231 = arith.shrui %parallel_loop3A_228, %parallel_loop3A_230 : vector<16xi32>
      %parallel_loop3A_232 = arith.constant 32767 : i32
      %parallel_loop3A_233 = vector.broadcast %parallel_loop3A_232 : i32 to vector<16xi32>
      %parallel_loop3A_234 = arith.addi %parallel_loop3A_218, %parallel_loop3A_233 : vector<16xi32>
      %parallel_loop3A_235 = arith.constant 16 : i32
      %parallel_loop3A_236 = vector.broadcast %parallel_loop3A_235 : i32 to vector<16xi32>
      %parallel_loop3A_237 = arith.shrui %parallel_loop3A_218, %parallel_loop3A_236 : vector<16xi32>
      %parallel_loop3A_238 = arith.constant 1 : i32
      %parallel_loop3A_239 = vector.broadcast %parallel_loop3A_238 : i32 to vector<16xi32>
      %parallel_loop3A_240 = arith.andi %parallel_loop3A_237, %parallel_loop3A_239 : vector<16xi32>
      %parallel_loop3A_241 = arith.addi %parallel_loop3A_234, %parallel_loop3A_240 : vector<16xi32>
      %parallel_loop3A_242 = arith.constant -65536 : i32
      %parallel_loop3A_243 = vector.broadcast %parallel_loop3A_242 : i32 to vector<16xi32>
      %parallel_loop3A_244 = arith.andi %parallel_loop3A_241, %parallel_loop3A_243 : vector<16xi32>
      %parallel_loop3A_245 = arith.ori %parallel_loop3A_231, %parallel_loop3A_244 : vector<16xi32>
      %parallel_loop3A_246 = vector.bitcast %parallel_loop3A_245 : vector<16xi32> to vector<16xf32>
      %parallel_loop3A_247 = arith.index_cast %parallel_loop3A_198 : i32 to index
      %parallel_loop3A_248 = arith.constant 0 : index
      %parallel_loop3A_249 = tpu.vector_load %arg11[%parallel_loop3A_247, %parallel_loop3A_248] {strides = array<i32>} : memref<40x128xf32, #tpu.memory_space<vmem>>, vector<16xf32>,
      tpu.vector_store %arg11[%parallel_loop3A_247, %parallel_loop3A_248], %parallel_loop3A_246 {strides = array<i32>} : memref<40x128xf32, #tpu.memory_space<vmem>>, vector<16xf32>,
      %parallel_loop3A_250 = arith.index_cast %parallel_loop3A_202 : i32 to index
      %parallel_loop3A_251 = arith.constant 16 : index
      %parallel_loop3A_252 = tpu.vector_load %arg9[%parallel_loop3A_250, %parallel_loop3A_251] {strides = array<i32>} : memref<80x128xf32, #tpu.memory_space<vmem>>, vector<16xf32>,
      %parallel_loop3A_253 = arith.index_cast %parallel_loop3A_202 : i32 to index
      %parallel_loop3A_254 = arith.constant 16 : index
      %parallel_loop3A_255 = tpu.vector_load %arg10[%parallel_loop3A_253, %parallel_loop3A_254] {strides = array<i32>} : memref<80x128xf32, #tpu.memory_space<vmem>>, vector<16xf32>,
      %parallel_loop3A_256 = arith.addf %parallel_loop3A_252, %parallel_loop3A_255 : vector<16xf32>
      %parallel_loop3A_257 = arith.index_cast %parallel_loop3A_202 : i32 to index
      %parallel_loop3A_258 = arith.constant 80 : index
      %parallel_loop3A_259 = tpu.vector_load %arg9[%parallel_loop3A_257, %parallel_loop3A_258] {strides = array<i32>} : memref<80x128xf32, #tpu.memory_space<vmem>>, vector<16xf32>,
      %parallel_loop3A_260 = arith.index_cast %parallel_loop3A_202 : i32 to index
      %parallel_loop3A_261 = arith.constant 80 : index
      %parallel_loop3A_262 = tpu.vector_load %arg10[%parallel_loop3A_260, %parallel_loop3A_261] {strides = array<i32>} : memref<80x128xf32, #tpu.memory_space<vmem>>, vector<16xf32>,
      %parallel_loop3A_263 = arith.addf %parallel_loop3A_259, %parallel_loop3A_262 : vector<16xf32>
      %parallel_loop3A_264 = vector.bitcast %parallel_loop3A_256 : vector<16xf32> to vector<16xi32>
      %parallel_loop3A_265 = vector.bitcast %parallel_loop3A_263 : vector<16xf32> to vector<16xi32>
      %parallel_loop3A_266 = arith.constant 32767 : i32
      %parallel_loop3A_267 = vector.broadcast %parallel_loop3A_266 : i32 to vector<16xi32>
      %parallel_loop3A_268 = arith.addi %parallel_loop3A_264, %parallel_loop3A_267 : vector<16xi32>
      %parallel_loop3A_269 = arith.constant 16 : i32
      %parallel_loop3A_270 = vector.broadcast %parallel_loop3A_269 : i32 to vector<16xi32>
      %parallel_loop3A_271 = arith.shrui %parallel_loop3A_264, %parallel_loop3A_270 : vector<16xi32>
      %parallel_loop3A_272 = arith.constant 1 : i32
      %parallel_loop3A_273 = vector.broadcast %parallel_loop3A_272 : i32 to vector<16xi32>
      %parallel_loop3A_274 = arith.andi %parallel_loop3A_271, %parallel_loop3A_273 : vector<16xi32>
      %parallel_loop3A_275 = arith.addi %parallel_loop3A_268, %parallel_loop3A_274 : vector<16xi32>
      %parallel_loop3A_276 = arith.constant 16 : i32
      %parallel_loop3A_277 = vector.broadcast %parallel_loop3A_276 : i32 to vector<16xi32>
      %parallel_loop3A_278 = arith.shrui %parallel_loop3A_275, %parallel_loop3A_277 : vector<16xi32>
      %parallel_loop3A_279 = arith.constant 32767 : i32
      %parallel_loop3A_280 = vector.broadcast %parallel_loop3A_279 : i32 to vector<16xi32>
      %parallel_loop3A_281 = arith.addi %parallel_loop3A_265, %parallel_loop3A_280 : vector<16xi32>
      %parallel_loop3A_282 = arith.constant 16 : i32
      %parallel_loop3A_283 = vector.broadcast %parallel_loop3A_282 : i32 to vector<16xi32>
      %parallel_loop3A_284 = arith.shrui %parallel_loop3A_265, %parallel_loop3A_283 : vector<16xi32>
      %parallel_loop3A_285 = arith.constant 1 : i32
      %parallel_loop3A_286 = vector.broadcast %parallel_loop3A_285 : i32 to vector<16xi32>
      %parallel_loop3A_287 = arith.andi %parallel_loop3A_284, %parallel_loop3A_286 : vector<16xi32>
      %parallel_loop3A_288 = arith.addi %parallel_loop3A_281, %parallel_loop3A_287 : vector<16xi32>
      %parallel_loop3A_289 = arith.constant -65536 : i32
      %parallel_loop3A_290 = vector.broadcast %parallel_loop3A_289 : i32 to vector<16xi32>
      %parallel_loop3A_291 = arith.andi %parallel_loop3A_288, %parallel_loop3A_290 : vector<16xi32>
      %parallel_loop3A_292 = arith.ori %parallel_loop3A_278, %parallel_loop3A_291 : vector<16xi32>
      %parallel_loop3A_293 = vector.bitcast %parallel_loop3A_292 : vector<16xi32> to vector<16xf32>
      %parallel_loop3A_294 = arith.index_cast %parallel_loop3A_198 : i32 to index
      %parallel_loop3A_295 = arith.constant 16 : index
      %parallel_loop3A_296 = tpu.vector_load %arg11[%parallel_loop3A_294, %parallel_loop3A_295] {strides = array<i32>} : memref<40x128xf32, #tpu.memory_space<vmem>>, vector<16xf32>,
      tpu.vector_store %arg11[%parallel_loop3A_294, %parallel_loop3A_295], %parallel_loop3A_293 {strides = array<i32>} : memref<40x128xf32, #tpu.memory_space<vmem>>, vector<16xf32>,
      %parallel_loop3A_297 = arith.index_cast %parallel_loop3A_202 : i32 to index
      %parallel_loop3A_298 = arith.constant 32 : index
      %parallel_loop3A_299 = tpu.vector_load %arg9[%parallel_loop3A_297, %parallel_loop3A_298] {strides = array<i32>} : memref<80x128xf32, #tpu.memory_space<vmem>>, vector<16xf32>,
      %parallel_loop3A_300 = arith.index_cast %parallel_loop3A_202 : i32 to index
      %parallel_loop3A_301 = arith.constant 32 : index
      %parallel_loop3A_302 = tpu.vector_load %arg10[%parallel_loop3A_300, %parallel_loop3A_301] {strides = array<i32>} : memref<80x128xf32, #tpu.memory_space<vmem>>, vector<16xf32>,
      %parallel_loop3A_303 = arith.addf %parallel_loop3A_299, %parallel_loop3A_302 : vector<16xf32>
      %parallel_loop3A_304 = arith.index_cast %parallel_loop3A_202 : i32 to index
      %parallel_loop3A_305 = arith.constant 96 : index
      %parallel_loop3A_306 = tpu.vector_load %arg9[%parallel_loop3A_304, %parallel_loop3A_305] {strides = array<i32>} : memref<80x128xf32, #tpu.memory_space<vmem>>, vector<16xf32>,
      %parallel_loop3A_307 = arith.index_cast %parallel_loop3A_202 : i32 to index
      %parallel_loop3A_308 = arith.constant 96 : index
      %parallel_loop3A_309 = tpu.vector_load %arg10[%parallel_loop3A_307, %parallel_loop3A_308] {strides = array<i32>} : memref<80x128xf32, #tpu.memory_space<vmem>>, vector<16xf32>,
      %parallel_loop3A_310 = arith.addf %parallel_loop3A_306, %parallel_loop3A_309 : vector<16xf32>
      %parallel_loop3A_311 = vector.bitcast %parallel_loop3A_303 : vector<16xf32> to vector<16xi32>
      %parallel_loop3A_312 = vector.bitcast %parallel_loop3A_310 : vector<16xf32> to vector<16xi32>
      %parallel_loop3A_313 = arith.constant 32767 : i32
      %parallel_loop3A_314 = vector.broadcast %parallel_loop3A_313 : i32 to vector<16xi32>
      %parallel_loop3A_315 = arith.addi %parallel_loop3A_311, %parallel_loop3A_314 : vector<16xi32>
      %parallel_loop3A_316 = arith.constant 16 : i32
      %parallel_loop3A_317 = vector.broadcast %parallel_loop3A_316 : i32 to vector<16xi32>
      %parallel_loop3A_318 = arith.shrui %parallel_loop3A_311, %parallel_loop3A_317 : vector<16xi32>
      %parallel_loop3A_319 = arith.constant 1 : i32
      %parallel_loop3A_320 = vector.broadcast %parallel_loop3A_319 : i32 to vector<16xi32>
      %parallel_loop3A_321 = arith.andi %parallel_loop3A_318, %parallel_loop3A_320 : vector<16xi32>
      %parallel_loop3A_322 = arith.addi %parallel_loop3A_315, %parallel_loop3A_321 : vector<16xi32>
      %parallel_loop3A_323 = arith.constant 16 : i32
      %parallel_loop3A_324 = vector.broadcast %parallel_loop3A_323 : i32 to vector<16xi32>
      %parallel_loop3A_325 = arith.shrui %parallel_loop3A_322, %parallel_loop3A_324 : vector<16xi32>
      %parallel_loop3A_326 = arith.constant 32767 : i32
      %parallel_loop3A_327 = vector.broadcast %parallel_loop3A_326 : i32 to vector<16xi32>
      %parallel_loop3A_328 = arith.addi %parallel_loop3A_312, %parallel_loop3A_327 : vector<16xi32>
      %parallel_loop3A_329 = arith.constant 16 : i32
      %parallel_loop3A_330 = vector.broadcast %parallel_loop3A_329 : i32 to vector<16xi32>
      %parallel_loop3A_331 = arith.shrui %parallel_loop3A_312, %parallel_loop3A_330 : vector<16xi32>
      %parallel_loop3A_332 = arith.constant 1 : i32
      %parallel_loop3A_333 = vector.broadcast %parallel_loop3A_332 : i32 to vector<16xi32>
      %parallel_loop3A_334 = arith.andi %parallel_loop3A_331, %parallel_loop3A_333 : vector<16xi32>
      %parallel_loop3A_335 = arith.addi %parallel_loop3A_328, %parallel_loop3A_334 : vector<16xi32>
      %parallel_loop3A_336 = arith.constant -65536 : i32
      %parallel_loop3A_337 = vector.broadcast %parallel_loop3A_336 : i32 to vector<16xi32>
      %parallel_loop3A_338 = arith.andi %parallel_loop3A_335, %parallel_loop3A_337 : vector<16xi32>
      %parallel_loop3A_339 = arith.ori %parallel_loop3A_325, %parallel_loop3A_338 : vector<16xi32>
      %parallel_loop3A_340 = vector.bitcast %parallel_loop3A_339 : vector<16xi32> to vector<16xf32>
      %parallel_loop3A_341 = arith.index_cast %parallel_loop3A_198 : i32 to index
      %parallel_loop3A_342 = arith.constant 32 : index
      %parallel_loop3A_343 = tpu.vector_load %arg11[%parallel_loop3A_341, %parallel_loop3A_342] {strides = array<i32>} : memref<40x128xf32, #tpu.memory_space<vmem>>, vector<16xf32>,
      tpu.vector_store %arg11[%parallel_loop3A_341, %parallel_loop3A_342], %parallel_loop3A_340 {strides = array<i32>} : memref<40x128xf32, #tpu.memory_space<vmem>>, vector<16xf32>,
      %parallel_loop3A_344 = arith.index_cast %parallel_loop3A_202 : i32 to index
      %parallel_loop3A_345 = arith.constant 48 : index
      %parallel_loop3A_346 = tpu.vector_load %arg9[%parallel_loop3A_344, %parallel_loop3A_345] {strides = array<i32>} : memref<80x128xf32, #tpu.memory_space<vmem>>, vector<16xf32>,
      %parallel_loop3A_347 = arith.index_cast %parallel_loop3A_202 : i32 to index
      %parallel_loop3A_348 = arith.constant 48 : index
      %parallel_loop3A_349 = tpu.vector_load %arg10[%parallel_loop3A_347, %parallel_loop3A_348] {strides = array<i32>} : memref<80x128xf32, #tpu.memory_space<vmem>>, vector<16xf32>,
      %parallel_loop3A_350 = arith.addf %parallel_loop3A_346, %parallel_loop3A_349 : vector<16xf32>
      %parallel_loop3A_351 = arith.index_cast %parallel_loop3A_202 : i32 to index
      %parallel_loop3A_352 = arith.constant 112 : index
      %parallel_loop3A_353 = tpu.vector_load %arg9[%parallel_loop3A_351, %parallel_loop3A_352] {strides = array<i32>} : memref<80x128xf32, #tpu.memory_space<vmem>>, vector<16xf32>,
      %parallel_loop3A_354 = arith.index_cast %parallel_loop3A_202 : i32 to index
      %parallel_loop3A_355 = arith.constant 112 : index
      %parallel_loop3A_356 = tpu.vector_load %arg10[%parallel_loop3A_354, %parallel_loop3A_355] {strides = array<i32>} : memref<80x128xf32, #tpu.memory_space<vmem>>, vector<16xf32>,
      %parallel_loop3A_357 = arith.addf %parallel_loop3A_353, %parallel_loop3A_356 : vector<16xf32>
      %parallel_loop3A_358 = vector.bitcast %parallel_loop3A_350 : vector<16xf32> to vector<16xi32>
      %parallel_loop3A_359 = vector.bitcast %parallel_loop3A_357 : vector<16xf32> to vector<16xi32>
      %parallel_loop3A_360 = arith.constant 32767 : i32
      %parallel_loop3A_361 = vector.broadcast %parallel_loop3A_360 : i32 to vector<16xi32>
      %parallel_loop3A_362 = arith.addi %parallel_loop3A_358, %parallel_loop3A_361 : vector<16xi32>
      %parallel_loop3A_363 = arith.constant 16 : i32
      %parallel_loop3A_364 = vector.broadcast %parallel_loop3A_363 : i32 to vector<16xi32>
      %parallel_loop3A_365 = arith.shrui %parallel_loop3A_358, %parallel_loop3A_364 : vector<16xi32>
      %parallel_loop3A_366 = arith.constant 1 : i32
      %parallel_loop3A_367 = vector.broadcast %parallel_loop3A_366 : i32 to vector<16xi32>
      %parallel_loop3A_368 = arith.andi %parallel_loop3A_365, %parallel_loop3A_367 : vector<16xi32>
      %parallel_loop3A_369 = arith.addi %parallel_loop3A_362, %parallel_loop3A_368 : vector<16xi32>
      %parallel_loop3A_370 = arith.constant 16 : i32
      %parallel_loop3A_371 = vector.broadcast %parallel_loop3A_370 : i32 to vector<16xi32>
      %parallel_loop3A_372 = arith.shrui %parallel_loop3A_369, %parallel_loop3A_371 : vector<16xi32>
      %parallel_loop3A_373 = arith.constant 32767 : i32
      %parallel_loop3A_374 = vector.broadcast %parallel_loop3A_373 : i32 to vector<16xi32>
      %parallel_loop3A_375 = arith.addi %parallel_loop3A_359, %parallel_loop3A_374 : vector<16xi32>
      %parallel_loop3A_376 = arith.constant 16 : i32
      %parallel_loop3A_377 = vector.broadcast %parallel_loop3A_376 : i32 to vector<16xi32>
      %parallel_loop3A_378 = arith.shrui %parallel_loop3A_359, %parallel_loop3A_377 : vector<16xi32>
      %parallel_loop3A_379 = arith.constant 1 : i32
      %parallel_loop3A_380 = vector.broadcast %parallel_loop3A_379 : i32 to vector<16xi32>
      %parallel_loop3A_381 = arith.andi %parallel_loop3A_378, %parallel_loop3A_380 : vector<16xi32>
      %parallel_loop3A_382 = arith.addi %parallel_loop3A_375, %parallel_loop3A_381 : vector<16xi32>
      %parallel_loop3A_383 = arith.constant -65536 : i32
      %parallel_loop3A_384 = vector.broadcast %parallel_loop3A_383 : i32 to vector<16xi32>
      %parallel_loop3A_385 = arith.andi %parallel_loop3A_382, %parallel_loop3A_384 : vector<16xi32>
      %parallel_loop3A_386 = arith.ori %parallel_loop3A_372, %parallel_loop3A_385 : vector<16xi32>
      %parallel_loop3A_387 = vector.bitcast %parallel_loop3A_386 : vector<16xi32> to vector<16xf32>
      %parallel_loop3A_388 = arith.index_cast %parallel_loop3A_198 : i32 to index
      %parallel_loop3A_389 = arith.constant 48 : index
      %parallel_loop3A_390 = tpu.vector_load %arg11[%parallel_loop3A_388, %parallel_loop3A_389] {strides = array<i32>} : memref<40x128xf32, #tpu.memory_space<vmem>>, vector<16xf32>,
      tpu.vector_store %arg11[%parallel_loop3A_388, %parallel_loop3A_389], %parallel_loop3A_387 {strides = array<i32>} : memref<40x128xf32, #tpu.memory_space<vmem>>, vector<16xf32>,
      %parallel_loop3A_391 = arith.constant 2 : i32
      %parallel_loop3A_392 = arith.muli %parallel_loop3A_391, %parallel_loop3A_198 : i32
      %parallel_loop3A_393 = arith.constant 1 : i32
      %parallel_loop3A_394 = arith.addi %parallel_loop3A_392, %parallel_loop3A_393 : i32
      %parallel_loop3A_395 = arith.index_cast %parallel_loop3A_394 : i32 to index
      %parallel_loop3A_396 = arith.constant 0 : index
      %parallel_loop3A_397 = tpu.vector_load %arg9[%parallel_loop3A_395, %parallel_loop3A_396] {strides = array<i32>} : memref<80x128xf32, #tpu.memory_space<vmem>>, vector<16xf32>,
      %parallel_loop3A_398 = arith.index_cast %parallel_loop3A_394 : i32 to index
      %parallel_loop3A_399 = arith.constant 0 : index
      %parallel_loop3A_400 = tpu.vector_load %arg10[%parallel_loop3A_398, %parallel_loop3A_399] {strides = array<i32>} : memref<80x128xf32, #tpu.memory_space<vmem>>, vector<16xf32>,
      %parallel_loop3A_401 = arith.addf %parallel_loop3A_397, %parallel_loop3A_400 : vector<16xf32>
      %parallel_loop3A_402 = arith.index_cast %parallel_loop3A_394 : i32 to index
      %parallel_loop3A_403 = arith.constant 64 : index
      %parallel_loop3A_404 = tpu.vector_load %arg9[%parallel_loop3A_402, %parallel_loop3A_403] {strides = array<i32>} : memref<80x128xf32, #tpu.memory_space<vmem>>, vector<16xf32>,
      %parallel_loop3A_405 = arith.index_cast %parallel_loop3A_394 : i32 to index
      %parallel_loop3A_406 = arith.constant 64 : index
      %parallel_loop3A_407 = tpu.vector_load %arg10[%parallel_loop3A_405, %parallel_loop3A_406] {strides = array<i32>} : memref<80x128xf32, #tpu.memory_space<vmem>>, vector<16xf32>,
      %parallel_loop3A_408 = arith.addf %parallel_loop3A_404, %parallel_loop3A_407 : vector<16xf32>
      %parallel_loop3A_409 = vector.bitcast %parallel_loop3A_401 : vector<16xf32> to vector<16xi32>
      %parallel_loop3A_410 = vector.bitcast %parallel_loop3A_408 : vector<16xf32> to vector<16xi32>
      %parallel_loop3A_411 = arith.constant 32767 : i32
      %parallel_loop3A_412 = vector.broadcast %parallel_loop3A_411 : i32 to vector<16xi32>
      %parallel_loop3A_413 = arith.addi %parallel_loop3A_409, %parallel_loop3A_412 : vector<16xi32>
      %parallel_loop3A_414 = arith.constant 16 : i32
      %parallel_loop3A_415 = vector.broadcast %parallel_loop3A_414 : i32 to vector<16xi32>
      %parallel_loop3A_416 = arith.shrui %parallel_loop3A_409, %parallel_loop3A_415 : vector<16xi32>
      %parallel_loop3A_417 = arith.constant 1 : i32
      %parallel_loop3A_418 = vector.broadcast %parallel_loop3A_417 : i32 to vector<16xi32>
      %parallel_loop3A_419 = arith.andi %parallel_loop3A_416, %parallel_loop3A_418 : vector<16xi32>
      %parallel_loop3A_420 = arith.addi %parallel_loop3A_413, %parallel_loop3A_419 : vector<16xi32>
      %parallel_loop3A_421 = arith.constant 16 : i32
      %parallel_loop3A_422 = vector.broadcast %parallel_loop3A_421 : i32 to vector<16xi32>
      %parallel_loop3A_423 = arith.shrui %parallel_loop3A_420, %parallel_loop3A_422 : vector<16xi32>
      %parallel_loop3A_424 = arith.constant 32767 : i32
      %parallel_loop3A_425 = vector.broadcast %parallel_loop3A_424 : i32 to vector<16xi32>
      %parallel_loop3A_426 = arith.addi %parallel_loop3A_410, %parallel_loop3A_425 : vector<16xi32>
      %parallel_loop3A_427 = arith.constant 16 : i32
      %parallel_loop3A_428 = vector.broadcast %parallel_loop3A_427 : i32 to vector<16xi32>
      %parallel_loop3A_429 = arith.shrui %parallel_loop3A_410, %parallel_loop3A_428 : vector<16xi32>
      %parallel_loop3A_430 = arith.constant 1 : i32
      %parallel_loop3A_431 = vector.broadcast %parallel_loop3A_430 : i32 to vector<16xi32>
      %parallel_loop3A_432 = arith.andi %parallel_loop3A_429, %parallel_loop3A_431 : vector<16xi32>
      %parallel_loop3A_433 = arith.addi %parallel_loop3A_426, %parallel_loop3A_432 : vector<16xi32>
      %parallel_loop3A_434 = arith.constant -65536 : i32
      %parallel_loop3A_435 = vector.broadcast %parallel_loop3A_434 : i32 to vector<16xi32>
      %parallel_loop3A_436 = arith.andi %parallel_loop3A_433, %parallel_loop3A_435 : vector<16xi32>
      %parallel_loop3A_437 = arith.ori %parallel_loop3A_423, %parallel_loop3A_436 : vector<16xi32>
      %parallel_loop3A_438 = vector.bitcast %parallel_loop3A_437 : vector<16xi32> to vector<16xf32>
      %parallel_loop3A_439 = arith.index_cast %parallel_loop3A_198 : i32 to index
      %parallel_loop3A_440 = arith.constant 64 : index
      %parallel_loop3A_441 = tpu.vector_load %arg11[%parallel_loop3A_439, %parallel_loop3A_440] {strides = array<i32>} : memref<40x128xf32, #tpu.memory_space<vmem>>, vector<16xf32>,
      tpu.vector_store %arg11[%parallel_loop3A_439, %parallel_loop3A_440], %parallel_loop3A_438 {strides = array<i32>} : memref<40x128xf32, #tpu.memory_space<vmem>>, vector<16xf32>,
      %parallel_loop3A_442 = arith.index_cast %parallel_loop3A_394 : i32 to index
      %parallel_loop3A_443 = arith.constant 16 : index
      %parallel_loop3A_444 = tpu.vector_load %arg9[%parallel_loop3A_442, %parallel_loop3A_443] {strides = array<i32>} : memref<80x128xf32, #tpu.memory_space<vmem>>, vector<16xf32>,
      %parallel_loop3A_445 = arith.index_cast %parallel_loop3A_394 : i32 to index
      %parallel_loop3A_446 = arith.constant 16 : index
      %parallel_loop3A_447 = tpu.vector_load %arg10[%parallel_loop3A_445, %parallel_loop3A_446] {strides = array<i32>} : memref<80x128xf32, #tpu.memory_space<vmem>>, vector<16xf32>,
      %parallel_loop3A_448 = arith.addf %parallel_loop3A_444, %parallel_loop3A_447 : vector<16xf32>
      %parallel_loop3A_449 = arith.index_cast %parallel_loop3A_394 : i32 to index
      %parallel_loop3A_450 = arith.constant 80 : index
      %parallel_loop3A_451 = tpu.vector_load %arg9[%parallel_loop3A_449, %parallel_loop3A_450] {strides = array<i32>} : memref<80x128xf32, #tpu.memory_space<vmem>>, vector<16xf32>,
      %parallel_loop3A_452 = arith.index_cast %parallel_loop3A_394 : i32 to index
      %parallel_loop3A_453 = arith.constant 80 : index
      %parallel_loop3A_454 = tpu.vector_load %arg10[%parallel_loop3A_452, %parallel_loop3A_453] {strides = array<i32>} : memref<80x128xf32, #tpu.memory_space<vmem>>, vector<16xf32>,
      %parallel_loop3A_455 = arith.addf %parallel_loop3A_451, %parallel_loop3A_454 : vector<16xf32>
      %parallel_loop3A_456 = vector.bitcast %parallel_loop3A_448 : vector<16xf32> to vector<16xi32>
      %parallel_loop3A_457 = vector.bitcast %parallel_loop3A_455 : vector<16xf32> to vector<16xi32>
      %parallel_loop3A_458 = arith.constant 32767 : i32
      %parallel_loop3A_459 = vector.broadcast %parallel_loop3A_458 : i32 to vector<16xi32>
      %parallel_loop3A_460 = arith.addi %parallel_loop3A_456, %parallel_loop3A_459 : vector<16xi32>
      %parallel_loop3A_461 = arith.constant 16 : i32
      %parallel_loop3A_462 = vector.broadcast %parallel_loop3A_461 : i32 to vector<16xi32>
      %parallel_loop3A_463 = arith.shrui %parallel_loop3A_456, %parallel_loop3A_462 : vector<16xi32>
      %parallel_loop3A_464 = arith.constant 1 : i32
      %parallel_loop3A_465 = vector.broadcast %parallel_loop3A_464 : i32 to vector<16xi32>
      %parallel_loop3A_466 = arith.andi %parallel_loop3A_463, %parallel_loop3A_465 : vector<16xi32>
      %parallel_loop3A_467 = arith.addi %parallel_loop3A_460, %parallel_loop3A_466 : vector<16xi32>
      %parallel_loop3A_468 = arith.constant 16 : i32
      %parallel_loop3A_469 = vector.broadcast %parallel_loop3A_468 : i32 to vector<16xi32>
      %parallel_loop3A_470 = arith.shrui %parallel_loop3A_467, %parallel_loop3A_469 : vector<16xi32>
      %parallel_loop3A_471 = arith.constant 32767 : i32
      %parallel_loop3A_472 = vector.broadcast %parallel_loop3A_471 : i32 to vector<16xi32>
      %parallel_loop3A_473 = arith.addi %parallel_loop3A_457, %parallel_loop3A_472 : vector<16xi32>
      %parallel_loop3A_474 = arith.constant 16 : i32
      %parallel_loop3A_475 = vector.broadcast %parallel_loop3A_474 : i32 to vector<16xi32>
      %parallel_loop3A_476 = arith.shrui %parallel_loop3A_457, %parallel_loop3A_475 : vector<16xi32>
      %parallel_loop3A_477 = arith.constant 1 : i32
      %parallel_loop3A_478 = vector.broadcast %parallel_loop3A_477 : i32 to vector<16xi32>
      %parallel_loop3A_479 = arith.andi %parallel_loop3A_476, %parallel_loop3A_478 : vector<16xi32>
      %parallel_loop3A_480 = arith.addi %parallel_loop3A_473, %parallel_loop3A_479 : vector<16xi32>
      %parallel_loop3A_481 = arith.constant -65536 : i32
      %parallel_loop3A_482 = vector.broadcast %parallel_loop3A_481 : i32 to vector<16xi32>
      %parallel_loop3A_483 = arith.andi %parallel_loop3A_480, %parallel_loop3A_482 : vector<16xi32>
      %parallel_loop3A_484 = arith.ori %parallel_loop3A_470, %parallel_loop3A_483 : vector<16xi32>
      %parallel_loop3A_485 = vector.bitcast %parallel_loop3A_484 : vector<16xi32> to vector<16xf32>
      %parallel_loop3A_486 = arith.index_cast %parallel_loop3A_198 : i32 to index
      %parallel_loop3A_487 = arith.constant 80 : index
      %parallel_loop3A_488 = tpu.vector_load %arg11[%parallel_loop3A_486, %parallel_loop3A_487] {strides = array<i32>} : memref<40x128xf32, #tpu.memory_space<vmem>>, vector<16xf32>,
      tpu.vector_store %arg11[%parallel_loop3A_486, %parallel_loop3A_487], %parallel_loop3A_485 {strides = array<i32>} : memref<40x128xf32, #tpu.memory_space<vmem>>, vector<16xf32>,
      %parallel_loop3A_489 = arith.index_cast %parallel_loop3A_394 : i32 to index
      %parallel_loop3A_490 = arith.constant 32 : index
      %parallel_loop3A_491 = tpu.vector_load %arg9[%parallel_loop3A_489, %parallel_loop3A_490] {strides = array<i32>} : memref<80x128xf32, #tpu.memory_space<vmem>>, vector<16xf32>,
      %parallel_loop3A_492 = arith.index_cast %parallel_loop3A_394 : i32 to index
      %parallel_loop3A_493 = arith.constant 32 : index
      %parallel_loop3A_494 = tpu.vector_load %arg10[%parallel_loop3A_492, %parallel_loop3A_493] {strides = array<i32>} : memref<80x128xf32, #tpu.memory_space<vmem>>, vector<16xf32>,
      %parallel_loop3A_495 = arith.addf %parallel_loop3A_491, %parallel_loop3A_494 : vector<16xf32>
      %parallel_loop3A_496 = arith.index_cast %parallel_loop3A_394 : i32 to index
      %parallel_loop3A_497 = arith.constant 96 : index
      %parallel_loop3A_498 = tpu.vector_load %arg9[%parallel_loop3A_496, %parallel_loop3A_497] {strides = array<i32>} : memref<80x128xf32, #tpu.memory_space<vmem>>, vector<16xf32>,
      %parallel_loop3A_499 = arith.index_cast %parallel_loop3A_394 : i32 to index
      %parallel_loop3A_500 = arith.constant 96 : index
      %parallel_loop3A_501 = tpu.vector_load %arg10[%parallel_loop3A_499, %parallel_loop3A_500] {strides = array<i32>} : memref<80x128xf32, #tpu.memory_space<vmem>>, vector<16xf32>,
      %parallel_loop3A_502 = arith.addf %parallel_loop3A_498, %parallel_loop3A_501 : vector<16xf32>
      %parallel_loop3A_503 = vector.bitcast %parallel_loop3A_495 : vector<16xf32> to vector<16xi32>
      %parallel_loop3A_504 = vector.bitcast %parallel_loop3A_502 : vector<16xf32> to vector<16xi32>
      %parallel_loop3A_505 = arith.constant 32767 : i32
      %parallel_loop3A_506 = vector.broadcast %parallel_loop3A_505 : i32 to vector<16xi32>
      %parallel_loop3A_507 = arith.addi %parallel_loop3A_503, %parallel_loop3A_506 : vector<16xi32>
      %parallel_loop3A_508 = arith.constant 16 : i32
      %parallel_loop3A_509 = vector.broadcast %parallel_loop3A_508 : i32 to vector<16xi32>
      %parallel_loop3A_510 = arith.shrui %parallel_loop3A_503, %parallel_loop3A_509 : vector<16xi32>
      %parallel_loop3A_511 = arith.constant 1 : i32
      %parallel_loop3A_512 = vector.broadcast %parallel_loop3A_511 : i32 to vector<16xi32>
      %parallel_loop3A_513 = arith.andi %parallel_loop3A_510, %parallel_loop3A_512 : vector<16xi32>
      %parallel_loop3A_514 = arith.addi %parallel_loop3A_507, %parallel_loop3A_513 : vector<16xi32>
      %parallel_loop3A_515 = arith.constant 16 : i32
      %parallel_loop3A_516 = vector.broadcast %parallel_loop3A_515 : i32 to vector<16xi32>
      %parallel_loop3A_517 = arith.shrui %parallel_loop3A_514, %parallel_loop3A_516 : vector<16xi32>
      %parallel_loop3A_518 = arith.constant 32767 : i32
      %parallel_loop3A_519 = vector.broadcast %parallel_loop3A_518 : i32 to vector<16xi32>
      %parallel_loop3A_520 = arith.addi %parallel_loop3A_504, %parallel_loop3A_519 : vector<16xi32>
      %parallel_loop3A_521 = arith.constant 16 : i32
      %parallel_loop3A_522 = vector.broadcast %parallel_loop3A_521 : i32 to vector<16xi32>
      %parallel_loop3A_523 = arith.shrui %parallel_loop3A_504, %parallel_loop3A_522 : vector<16xi32>
      %parallel_loop3A_524 = arith.constant 1 : i32
      %parallel_loop3A_525 = vector.broadcast %parallel_loop3A_524 : i32 to vector<16xi32>
      %parallel_loop3A_526 = arith.andi %parallel_loop3A_523, %parallel_loop3A_525 : vector<16xi32>
      %parallel_loop3A_527 = arith.addi %parallel_loop3A_520, %parallel_loop3A_526 : vector<16xi32>
      %parallel_loop3A_528 = arith.constant -65536 : i32
      %parallel_loop3A_529 = vector.broadcast %parallel_loop3A_528 : i32 to vector<16xi32>
      %parallel_loop3A_530 = arith.andi %parallel_loop3A_527, %parallel_loop3A_529 : vector<16xi32>
      %parallel_loop3A_531 = arith.ori %parallel_loop3A_517, %parallel_loop3A_530 : vector<16xi32>
      %parallel_loop3A_532 = vector.bitcast %parallel_loop3A_531 : vector<16xi32> to vector<16xf32>
      %parallel_loop3A_533 = arith.index_cast %parallel_loop3A_198 : i32 to index
      %parallel_loop3A_534 = arith.constant 96 : index
      %parallel_loop3A_535 = tpu.vector_load %arg11[%parallel_loop3A_533, %parallel_loop3A_534] {strides = array<i32>} : memref<40x128xf32, #tpu.memory_space<vmem>>, vector<16xf32>,
      tpu.vector_store %arg11[%parallel_loop3A_533, %parallel_loop3A_534], %parallel_loop3A_532 {strides = array<i32>} : memref<40x128xf32, #tpu.memory_space<vmem>>, vector<16xf32>,
      %parallel_loop3A_536 = arith.index_cast %parallel_loop3A_394 : i32 to index
      %parallel_loop3A_537 = arith.constant 48 : index
      %parallel_loop3A_538 = tpu.vector_load %arg9[%parallel_loop3A_536, %parallel_loop3A_537] {strides = array<i32>} : memref<80x128xf32, #tpu.memory_space<vmem>>, vector<16xf32>,
      %parallel_loop3A_539 = arith.index_cast %parallel_loop3A_394 : i32 to index
      %parallel_loop3A_540 = arith.constant 48 : index
      %parallel_loop3A_541 = tpu.vector_load %arg10[%parallel_loop3A_539, %parallel_loop3A_540] {strides = array<i32>} : memref<80x128xf32, #tpu.memory_space<vmem>>, vector<16xf32>,
      %parallel_loop3A_542 = arith.addf %parallel_loop3A_538, %parallel_loop3A_541 : vector<16xf32>
      %parallel_loop3A_543 = arith.index_cast %parallel_loop3A_394 : i32 to index
      %parallel_loop3A_544 = arith.constant 112 : index
      %parallel_loop3A_545 = tpu.vector_load %arg9[%parallel_loop3A_543, %parallel_loop3A_544] {strides = array<i32>} : memref<80x128xf32, #tpu.memory_space<vmem>>, vector<16xf32>,
      %parallel_loop3A_546 = arith.index_cast %parallel_loop3A_394 : i32 to index
      %parallel_loop3A_547 = arith.constant 112 : index
      %parallel_loop3A_548 = tpu.vector_load %arg10[%parallel_loop3A_546, %parallel_loop3A_547] {strides = array<i32>} : memref<80x128xf32, #tpu.memory_space<vmem>>, vector<16xf32>,
      %parallel_loop3A_549 = arith.addf %parallel_loop3A_545, %parallel_loop3A_548 : vector<16xf32>
      %parallel_loop3A_550 = vector.bitcast %parallel_loop3A_542 : vector<16xf32> to vector<16xi32>
      %parallel_loop3A_551 = vector.bitcast %parallel_loop3A_549 : vector<16xf32> to vector<16xi32>
      %parallel_loop3A_552 = arith.constant 32767 : i32
      %parallel_loop3A_553 = vector.broadcast %parallel_loop3A_552 : i32 to vector<16xi32>
      %parallel_loop3A_554 = arith.addi %parallel_loop3A_550, %parallel_loop3A_553 : vector<16xi32>
      %parallel_loop3A_555 = arith.constant 16 : i32
      %parallel_loop3A_556 = vector.broadcast %parallel_loop3A_555 : i32 to vector<16xi32>
      %parallel_loop3A_557 = arith.shrui %parallel_loop3A_550, %parallel_loop3A_556 : vector<16xi32>
      %parallel_loop3A_558 = arith.constant 1 : i32
      %parallel_loop3A_559 = vector.broadcast %parallel_loop3A_558 : i32 to vector<16xi32>
      %parallel_loop3A_560 = arith.andi %parallel_loop3A_557, %parallel_loop3A_559 : vector<16xi32>
      %parallel_loop3A_561 = arith.addi %parallel_loop3A_554, %parallel_loop3A_560 : vector<16xi32>
      %parallel_loop3A_562 = arith.constant 16 : i32
      %parallel_loop3A_563 = vector.broadcast %parallel_loop3A_562 : i32 to vector<16xi32>
      %parallel_loop3A_564 = arith.shrui %parallel_loop3A_561, %parallel_loop3A_563 : vector<16xi32>
      %parallel_loop3A_565 = arith.constant 32767 : i32
      %parallel_loop3A_566 = vector.broadcast %parallel_loop3A_565 : i32 to vector<16xi32>
      %parallel_loop3A_567 = arith.addi %parallel_loop3A_551, %parallel_loop3A_566 : vector<16xi32>
      %parallel_loop3A_568 = arith.constant 16 : i32
      %parallel_loop3A_569 = vector.broadcast %parallel_loop3A_568 : i32 to vector<16xi32>
      %parallel_loop3A_570 = arith.shrui %parallel_loop3A_551, %parallel_loop3A_569 : vector<16xi32>
      %parallel_loop3A_571 = arith.constant 1 : i32
      %parallel_loop3A_572 = vector.broadcast %parallel_loop3A_571 : i32 to vector<16xi32>
      %parallel_loop3A_573 = arith.andi %parallel_loop3A_570, %parallel_loop3A_572 : vector<16xi32>
      %parallel_loop3A_574 = arith.addi %parallel_loop3A_567, %parallel_loop3A_573 : vector<16xi32>
      %parallel_loop3A_575 = arith.constant -65536 : i32
      %parallel_loop3A_576 = vector.broadcast %parallel_loop3A_575 : i32 to vector<16xi32>
      %parallel_loop3A_577 = arith.andi %parallel_loop3A_574, %parallel_loop3A_576 : vector<16xi32>
      %parallel_loop3A_578 = arith.ori %parallel_loop3A_564, %parallel_loop3A_577 : vector<16xi32>
      %parallel_loop3A_579 = vector.bitcast %parallel_loop3A_578 : vector<16xi32> to vector<16xf32>
      %parallel_loop3A_580 = arith.index_cast %parallel_loop3A_198 : i32 to index
      %parallel_loop3A_581 = arith.constant 112 : index
      %parallel_loop3A_582 = tpu.vector_load %arg11[%parallel_loop3A_580, %parallel_loop3A_581] {strides = array<i32>} : memref<40x128xf32, #tpu.memory_space<vmem>>, vector<16xf32>,
      tpu.vector_store %arg11[%parallel_loop3A_580, %parallel_loop3A_581], %parallel_loop3A_579 {strides = array<i32>} : memref<40x128xf32, #tpu.memory_space<vmem>>, vector<16xf32>,
    } {sc.loop_unroll_factor = 2 : i64, sc.parallel_access}
    %add3A_125 = arith.constant 3360 : i32
    %add3A_126 = arith.addi %mul3A_2, %add3A_125 : i32
    %jit3A_127 = arith.constant 2 : i32
    %div3A_128 = arith.divsi %add3A_126, %jit3A_127 : i32
    %sign3A_129 = arith.constant 0 : i32
    %sign3A_130 = arith.cmpi sgt, %add3A_126, %sign3A_129 : i32
    %sign3A_131 = arith.extui %sign3A_130 : i1 to i32
    %sign3A_132 = arith.constant 0 : i32
    %sign3A_133 = arith.cmpi slt, %add3A_126, %sign3A_132 : i32
    %sign3A_134 = arith.extui %sign3A_133 : i1 to i32
    %sign3A_135 = arith.subi %sign3A_131, %sign3A_134 : i32
    %sign3A_136 = arith.constant 0 : i32
    %sign3A_137 = arith.cmpi sgt, %jit3A_127, %sign3A_136 : i32
    %sign3A_138 = arith.extui %sign3A_137 : i1 to i32
    %sign3A_139 = arith.constant 0 : i32
    %sign3A_140 = arith.cmpi slt, %jit3A_127, %sign3A_139 : i32
    %sign3A_141 = arith.extui %sign3A_140 : i1 to i32
    %sign3A_142 = arith.subi %sign3A_138, %sign3A_141 : i32
    %ne3A_143 = arith.cmpi ne, %sign3A_135, %sign3A_142 : i32
    %rem3A_144 = arith.remsi %add3A_126, %jit3A_127 : i32
    %ne3A_145 = arith.constant 0 : i32
    %ne3A_146 = arith.cmpi ne, %rem3A_144, %ne3A_145 : i32
    %and3A_147 = arith.andi %ne3A_143, %ne3A_146 : i1
    %sub3A_148 = arith.constant 1 : i32
    %sub3A_149 = arith.subi %div3A_128, %sub3A_148 : i32
    %select_n3A_150 = arith.select %and3A_147, %sub3A_149, %div3A_128 : i32
    %multiple_of3A_151 = tpu.assume_multiple %select_n3A_150, 8 : i32
    %dma_start3A_152 = arith.constant 0 : i32
    %dma_start3A_153 = tpu.memref_slice %arg6[%multiple_of3A_151, %dma_start3A_152] : memref<160000x128xf32, #tpu.memory_space<hbm>> -> memref<40x128xf32, #tpu.memory_space<hbm>>
    %dma_start3A_154 = arith.constant 0 : i32
    %dma_start3A_155 = tpu.memref_slice %arg6[%multiple_of3A_151, %dma_start3A_154] : memref<160000x128xf32, #tpu.memory_space<hbm>> -> memref<40x128xf32, #tpu.memory_space<hbm>>
    tpu.enqueue_dma source(%arg11 : memref<40x128xf32, #tpu.memory_space<vmem>>) target(%dma_start3A_155 : memref<40x128xf32, #tpu.memory_space<hbm>>) target_semaphore(%arg21 : memref<!tpu.dma_semaphore, #tpu.memory_space<semaphore_mem>>)
    %dma_wait3A_156 = arith.constant 0 : i32
    %dma_wait3A_157 = arith.constant 0 : i32
    %dma_wait3A_158 = tpu.memref_slice %arg6[%dma_wait3A_156, %dma_wait3A_157] : memref<160000x128xf32, #tpu.memory_space<hbm>> -> memref<40x128xf32, #tpu.memory_space<hbm>>
    %dma_wait3A_159 = arith.constant 0 : i32
    %dma_wait3A_160 = arith.constant 0 : i32
    %dma_wait3A_161 = tpu.memref_slice %arg6[%dma_wait3A_159, %dma_wait3A_160] : memref<160000x128xf32, #tpu.memory_space<hbm>> -> memref<40x128xf32, #tpu.memory_space<hbm>>
    tpu.wait_dma2 semaphore(%arg21 : memref<!tpu.dma_semaphore, #tpu.memory_space<semaphore_mem>>) src(%arg11 : memref<40x128xf32, #tpu.memory_space<vmem>>) dst(%dma_wait3A_161 : memref<40x128xf32, #tpu.memory_space<hbm>>)
    %dma_wait3A_162 = arith.constant 0 : i32
    %dma_wait3A_163 = arith.constant 0 : i32
    %dma_wait3A_164 = tpu.memref_slice %arg2[%dma_wait3A_162, %dma_wait3A_163] : memref<10000x128xf32, #tpu.memory_space<hbm>> -> memref<80x128xf32, #tpu.memory_space<hbm>>
    %dma_wait3A_165 = arith.constant 0 : i32
    %dma_wait3A_166 = arith.constant 0 : i32
    %dma_wait3A_167 = tpu.memref_slice %arg2[%dma_wait3A_165, %dma_wait3A_166] : memref<10000x128xf32, #tpu.memory_space<hbm>> -> memref<80x128xf32, #tpu.memory_space<hbm>>
    tpu.wait_dma2 semaphore(%arg19 : memref<!tpu.dma_semaphore, #tpu.memory_space<semaphore_mem>>) src(%dma_wait3A_167 : memref<80x128xf32, #tpu.memory_space<hbm>>) dst(%arg12 : memref<80x128xf32, #tpu.memory_space<vmem>>)
    %dma_wait3A_168 = arith.constant 0 : i32
    %dma_wait3A_169 = arith.constant 0 : i32
    %dma_wait3A_170 = tpu.memref_slice %arg3[%dma_wait3A_168, %dma_wait3A_169] : memref<10000x128xf32, #tpu.memory_space<hbm>> -> memref<80x128xf32, #tpu.memory_space<hbm>>
    %dma_wait3A_171 = arith.constant 0 : i32
    %dma_wait3A_172 = arith.constant 0 : i32
    %dma_wait3A_173 = tpu.memref_slice %arg3[%dma_wait3A_171, %dma_wait3A_172] : memref<10000x128xf32, #tpu.memory_space<hbm>> -> memref<80x128xf32, #tpu.memory_space<hbm>>
    tpu.wait_dma2 semaphore(%arg19 : memref<!tpu.dma_semaphore, #tpu.memory_space<semaphore_mem>>) src(%dma_wait3A_173 : memref<80x128xf32, #tpu.memory_space<hbm>>) dst(%arg13 : memref<80x128xf32, #tpu.memory_space<vmem>>)
    %dma_wait3A_174 = arith.constant 0 : i32
    %dma_wait3A_175 = arith.constant 0 : i32
    %dma_wait3A_176 = tpu.memref_slice %arg6[%dma_wait3A_174, %dma_wait3A_175] : memref<160000x128xf32, #tpu.memory_space<hbm>> -> memref<40x128xf32, #tpu.memory_space<hbm>>
    %dma_wait3A_177 = arith.constant 0 : i32
    %dma_wait3A_178 = arith.constant 0 : i32
    %dma_wait3A_179 = tpu.memref_slice %arg6[%dma_wait3A_177, %dma_wait3A_178] : memref<160000x128xf32, #tpu.memory_space<hbm>> -> memref<40x128xf32, #tpu.memory_space<hbm>>
    tpu.wait_dma2 semaphore(%arg22 : memref<!tpu.dma_semaphore, #tpu.memory_space<semaphore_mem>>) src(%arg14 : memref<40x128xf32, #tpu.memory_space<vmem>>) dst(%dma_wait3A_179 : memref<40x128xf32, #tpu.memory_space<hbm>>)
    %dma_wait3A_180 = arith.constant 0 : i32
    %dma_wait3A_181 = arith.constant 0 : i32
    %dma_wait3A_182 = tpu.memref_slice %arg2[%dma_wait3A_180, %dma_wait3A_181] : memref<10000x128xf32, #tpu.memory_space<hbm>> -> memref<80x128xf32, #tpu.memory_space<hbm>>
    %dma_wait3A_183 = arith.constant 0 : i32
    %dma_wait3A_184 = arith.constant 0 : i32
    %dma_wait3A_185 = tpu.memref_slice %arg2[%dma_wait3A_183, %dma_wait3A_184] : memref<10000x128xf32, #tpu.memory_space<hbm>> -> memref<80x128xf32, #tpu.memory_space<hbm>>
    tpu.wait_dma2 semaphore(%arg20 : memref<!tpu.dma_semaphore, #tpu.memory_space<semaphore_mem>>) src(%dma_wait3A_185 : memref<80x128xf32, #tpu.memory_space<hbm>>) dst(%arg15 : memref<80x128xf32, #tpu.memory_space<vmem>>)
    %dma_wait3A_186 = arith.constant 0 : i32
    %dma_wait3A_187 = arith.constant 0 : i32
    %dma_wait3A_188 = tpu.memref_slice %arg3[%dma_wait3A_186, %dma_wait3A_187] : memref<10000x128xf32, #tpu.memory_space<hbm>> -> memref<80x128xf32, #tpu.memory_space<hbm>>
    %dma_wait3A_189 = arith.constant 0 : i32
    %dma_wait3A_190 = arith.constant 0 : i32
    %dma_wait3A_191 = tpu.memref_slice %arg3[%dma_wait3A_189, %dma_wait3A_190] : memref<10000x128xf32, #tpu.memory_space<hbm>> -> memref<80x128xf32, #tpu.memory_space<hbm>>
    tpu.wait_dma2 semaphore(%arg20 : memref<!tpu.dma_semaphore, #tpu.memory_space<semaphore_mem>>) src(%dma_wait3A_191 : memref<80x128xf32, #tpu.memory_space<hbm>>) dst(%arg16 : memref<80x128xf32, #tpu.memory_space<vmem>>)
    %dma_wait3A_192 = arith.constant 0 : i32
    %dma_wait3A_193 = arith.constant 0 : i32
    %dma_wait3A_194 = tpu.memref_slice %arg6[%dma_wait3A_192, %dma_wait3A_193] : memref<160000x128xf32, #tpu.memory_space<hbm>> -> memref<40x128xf32, #tpu.memory_space<hbm>>
    %dma_wait3A_195 = arith.constant 0 : i32
    %dma_wait3A_196 = arith.constant 0 : i32
    %dma_wait3A_197 = tpu.memref_slice %arg6[%dma_wait3A_195, %dma_wait3A_196] : memref<160000x128xf32, #tpu.memory_space<hbm>> -> memref<40x128xf32, #tpu.memory_space<hbm>>
    tpu.wait_dma2 semaphore(%arg23 : memref<!tpu.dma_semaphore, #tpu.memory_space<semaphore_mem>>) src(%arg17 : memref<40x128xf32, #tpu.memory_space<vmem>>) dst(%dma_wait3A_197 : memref<40x128xf32, #tpu.memory_space<hbm>>)
    return
  }
}

module attributes {stable_mosaic.version = 14 : i64} {
  func.func @_tables_body(%arg0: memref<10000x128xf32, #tpu.memory_space<vmem>>, %arg1: memref<128x128xf32, #tpu.memory_space<vmem>>, %arg2: memref<128x128xf32, #tpu.memory_space<vmem>>, %arg3: memref<1x128xf32, #tpu.memory_space<vmem>>, %arg4: memref<10000x128xf32, #tpu.memory_space<vmem>>, %arg5: memref<10000x128xf32, #tpu.memory_space<vmem>>) attributes {dimension_semantics = [], scalar_prefetch = 0 : i64, scratch_operands = 0 : i64, tpu.core_type = #tpu.core_type<tc>} {
    %get3A = arith.constant 0 : index
    %get3A_0 = arith.constant 0 : index
    %get3A_1 = vector.load %arg0[%get3A, %get3A_0] : memref<10000x128xf32, #tpu.memory_space<vmem>>, vector<10000x128xf32>
    %get3A_2 = arith.constant 0 : index
    %get3A_3 = arith.constant 0 : index
    %get3A_4 = vector.load %arg1[%get3A_2, %get3A_3] : memref<128x128xf32, #tpu.memory_space<vmem>>, vector<128x128xf32>
    %dot_general3A = arith.constant dense<0.000000e+00> : vector<10000x128xf32>
    %dot_general3A_5 = tpu.matmul %get3A_1, %get3A_4, %dot_general3A {dimension_numbers = #tpu.dot_dimension_numbers<[1], [0], [0], [1], [0, 0, 1, 1], [], []>, transpose_lhs_hint = false} : vector<10000x128xf32>, vector<128x128xf32>, vector<10000x128xf32> -> vector<10000x128xf32>
    %get3A_6 = arith.constant 0 : index
    %get3A_7 = arith.constant 0 : index
    %get3A_8 = vector.load %arg3[%get3A_6, %get3A_7] : memref<1x128xf32, #tpu.memory_space<vmem>>, vector<1x128xf32>
    %add3A = vector.broadcast %get3A_8 : vector<1x128xf32> to vector<10000x128xf32>
    %add3A_9 = arith.addf %dot_general3A_5, %add3A : vector<10000x128xf32>
    %swap3A = arith.constant 0 : index
    %swap3A_10 = arith.constant 0 : index
    %swap3A_11 = vector.load %arg4[%swap3A, %swap3A_10] : memref<10000x128xf32, #tpu.memory_space<vmem>>, vector<10000x128xf32>
    tpu.vector_store %arg4[%swap3A, %swap3A_10], %add3A_9 {strides = array<i32>} : memref<10000x128xf32, #tpu.memory_space<vmem>>, vector<10000x128xf32>,
    %get3A_12 = arith.constant 0 : index
    %get3A_13 = arith.constant 0 : index
    %get3A_14 = vector.load %arg2[%get3A_12, %get3A_13] : memref<128x128xf32, #tpu.memory_space<vmem>>, vector<128x128xf32>
    %dot_general3A_15 = arith.constant dense<0.000000e+00> : vector<10000x128xf32>
    %dot_general3A_16 = tpu.matmul %get3A_1, %get3A_14, %dot_general3A_15 {dimension_numbers = #tpu.dot_dimension_numbers<[1], [0], [0], [1], [0, 0, 1, 1], [], []>, transpose_lhs_hint = false} : vector<10000x128xf32>, vector<128x128xf32>, vector<10000x128xf32> -> vector<10000x128xf32>
    %swap3A_17 = arith.constant 0 : index
    %swap3A_18 = arith.constant 0 : index
    %swap3A_19 = vector.load %arg5[%swap3A_17, %swap3A_18] : memref<10000x128xf32, #tpu.memory_space<vmem>>, vector<10000x128xf32>
    tpu.vector_store %arg5[%swap3A_17, %swap3A_18], %dot_general3A_16 {strides = array<i32>} : memref<10000x128xf32, #tpu.memory_space<vmem>>, vector<10000x128xf32>,
    return
  }
}

module attributes {stable_mosaic.version = 14 : i64} {
  func.func @_final_body(%arg0: i32, %arg1: memref<3200x128xf32, #tpu.memory_space<vmem>>, %arg2: memref<6400x16xf32, #tpu.memory_space<vmem>>, %arg3: memref<16x128xf32, #tpu.memory_space<vmem>>, %arg4: memref<6400x128xf32, #tpu.memory_space<vmem>>) attributes {dimension_semantics = [#tpu.dimension_semantics<arbitrary>], iteration_bounds = array<i64: 50>, scalar_prefetch = 0 : i64, scratch_operands = 0 : i64, tpu.core_type = #tpu.core_type<tc>, window_params = [{transform_indices = @transform_0, window_bounds = array<i64: 3200, 128>}, {transform_indices = @transform_1, window_bounds = array<i64: 6400, 16>}, {pipeline_mode = #tpu.pipeline_mode<synchronous>, transform_indices = @transform_2, window_bounds = array<i64: 16, 128>}, {transform_indices = @transform_3, window_bounds = array<i64: 6400, 128>}]} {
    %get3A = arith.constant 0 : index
    %get3A_0 = arith.constant 0 : index
    %get3A_1 = vector.load %arg2[%get3A, %get3A_0] : memref<6400x16xf32, #tpu.memory_space<vmem>>, vector<6400x16xf32>
    %get3A_2 = arith.constant 0 : index
    %get3A_3 = arith.constant 0 : index
    %get3A_4 = vector.load %arg3[%get3A_2, %get3A_3] : memref<16x128xf32, #tpu.memory_space<vmem>>, vector<16x128xf32>
    %dot_general3A = arith.constant dense<0.000000e+00> : vector<6400x128xf32>
    %dot_general3A_5 = tpu.matmul %get3A_1, %get3A_4, %dot_general3A {dimension_numbers = #tpu.dot_dimension_numbers<[1], [0], [0], [1], [0, 0, 1, 1], [], []>, transpose_lhs_hint = false} : vector<6400x16xf32>, vector<16x128xf32>, vector<6400x128xf32> -> vector<6400x128xf32>
    %get3A_6 = arith.constant 0 : index
    %get3A_7 = arith.constant 0 : index
    %get3A_8 = vector.load %arg1[%get3A_6, %get3A_7] : memref<3200x128xf32, #tpu.memory_space<vmem>>, vector<3200x128xf32>
    %bitcast_convert_type3A = tpu.bitcast %get3A_8 : vector<3200x128xf32> -> vector<3200x128xi32>
    %shift_left3A = arith.constant 16 : i32
    %shift_left3A_9 = vector.broadcast %shift_left3A : i32 to vector<3200x128xi32>
    %shift_left3A_10 = arith.shli %bitcast_convert_type3A, %shift_left3A_9 : vector<3200x128xi32>
    %bitcast_convert_type3A_11 = tpu.bitcast %shift_left3A_10 : vector<3200x128xi32> -> vector<3200x128xf32>
    %and3A = arith.constant -65536 : i32
    %and3A_12 = vector.broadcast %and3A : i32 to vector<3200x128xi32>
    %and3A_13 = arith.andi %bitcast_convert_type3A, %and3A_12 : vector<3200x128xi32>
    %bitcast_convert_type3A_14 = tpu.bitcast %and3A_13 : vector<3200x128xi32> -> vector<3200x128xf32>
    %slice3A = vector.extract_strided_slice %bitcast_convert_type3A_11 {offsets = [0, 0], sizes = [3200, 64], strides = [1, 1]} : vector<3200x128xf32> to vector<3200x64xf32>
    %slice3A_15 = vector.extract_strided_slice %bitcast_convert_type3A_14 {offsets = [0, 0], sizes = [3200, 64], strides = [1, 1]} : vector<3200x128xf32> to vector<3200x64xf32>
    %concatenate3A = tpu.concatenate %slice3A, %slice3A_15 in 1 : vector<3200x64xf32>, vector<3200x64xf32> -> vector<3200x128xf32>
    %slice3A_16 = vector.extract_strided_slice %bitcast_convert_type3A_11 {offsets = [0, 64], sizes = [3200, 64], strides = [1, 1]} : vector<3200x128xf32> to vector<3200x64xf32>
    %slice3A_17 = vector.extract_strided_slice %bitcast_convert_type3A_14 {offsets = [0, 64], sizes = [3200, 64], strides = [1, 1]} : vector<3200x128xf32> to vector<3200x64xf32>
    %concatenate3A_18 = tpu.concatenate %slice3A_16, %slice3A_17 in 1 : vector<3200x64xf32>, vector<3200x64xf32> -> vector<3200x128xf32>
    %stack3A = vector.shape_cast %concatenate3A : vector<3200x128xf32> to vector<3200x1x128xf32>
    %stack3A_19 = vector.shape_cast %concatenate3A_18 : vector<3200x128xf32> to vector<3200x1x128xf32>
    %stack3A_20 = tpu.concatenate %stack3A, %stack3A_19 in 1 : vector<3200x1x128xf32>, vector<3200x1x128xf32> -> vector<3200x2x128xf32>
    %reshape3A = vector.shape_cast %stack3A_20 : vector<3200x2x128xf32> to vector<6400x128xf32>
    %add3A = arith.addf %dot_general3A_5, %reshape3A : vector<6400x128xf32>
    %max3A = arith.constant 0.000000e+00 : f32
    %max3A_21 = vector.broadcast %max3A : f32 to vector<6400x128xf32>
    %max3A_22 = arith.maximumf %add3A, %max3A_21 : vector<6400x128xf32>
    %swap3A = arith.constant 0 : index
    %swap3A_23 = arith.constant 0 : index
    %swap3A_24 = vector.load %arg4[%swap3A, %swap3A_23] : memref<6400x128xf32, #tpu.memory_space<vmem>>, vector<6400x128xf32>
    tpu.vector_store %arg4[%swap3A, %swap3A_23], %max3A_22 {strides = array<i32>} : memref<6400x128xf32, #tpu.memory_space<vmem>>, vector<6400x128xf32>,
    return
  }
  func.func @transform_0(%arg0: i32) -> (i32, i32) {
    %c0_i32 = arith.constant 0 : i32
    %c0_i32_0 = arith.constant 0 : i32
    return %arg0, %c0_i32 : i32, i32
  }
  func.func @transform_1(%arg0: i32) -> (i32, i32) {
    %c0_i32 = arith.constant 0 : i32
    %c0_i32_0 = arith.constant 0 : i32
    return %arg0, %c0_i32 : i32, i32
  }
  func.func @transform_2(%arg0: i32) -> (i32, i32) {
    %c0_i32 = arith.constant 0 : i32
    %c0_i32_0 = arith.constant 0 : i32
    %c0_i32_1 = arith.constant 0 : i32
    return %c0_i32, %c0_i32_0 : i32, i32
  }
  func.func @transform_3(%arg0: i32) -> (i32, i32) {
    %c0_i32 = arith.constant 0 : i32
    %c0_i32_0 = arith.constant 0 : i32
    return %arg0, %c0_i32 : i32, i32
  }
}

</mosaic_0001>

<sc_bundles>
// kernel: kernel.5.cloned.1.call-start
scs
__scs_entry_jumppad:
0x0: {  	(pc) =	sbr.rel $0x88, $3  }
0x1: {  	(tag) =	ssettag $0x0;
	lr =	simm.s32 $0x1  }
0x2: {  	[smem:$0x3F9C] =	sst lr;
	_ =	strace $0xD0000000  }
0x3: {  	_ = 	snop  }
0x4: {  	_ = 	snop  }
0x5: {  	_ = 	snop  }
0x6: {  	_ = 	snop  }
0x7: {  	_ = 	snop  }
__scs_overlays_trampoline_lowered:
0x8: {  	[smem:$0x3FAB] =	sst s0  }
0x9: {  	[smem:$0x3FAC] =	sst s1  }
0xa: {  	[smem:$0x3FAD] =	sst s2  }
0xb: {  	[smem:$0x3FAE] =	sst s3  }
0xc: {  	[smem:$0x3FAF] =	sst s4  }
0xd: {  	[smem:$0x3FB0] =	sst s5  }
0xe: {  	[smem:$0x3FB1] =	sst s6  }
0xf: {  	[smem:$0x3FB2] =	sst s7  }
0x10: {  	[smem:$0x3FB3] =	sst s8  }
0x11: {  	[smem:$0x3FB4] =	sst s9;
	s0 =	simm.s32 @!p0 $0x0  }
0x12: {  	s1 =	sld [smem:$0x3F9A];
	s0 =	simm.s32 @p0 $0x1  }
0x13: {  	[smem:$0x3FB5] =	sst s0;
	s0 =	simm.s32 @!p1 $0x0  }
0x14: {  	s2 =	sld [smem:$0x3F99];
	s0 =	simm.s32 @p1 $0x1  }
0x15: {  	[smem:$0x3FB6] =	sst s0;
	s0 =	simm.s32 @!p2 $0x0  }
0x16: {  	s3 =	sld [smem:$0x3FDB];
	s0 =	simm.s32 @p2 $0x1  }
0x17: {  	s4 =	simm.s32 $0x1BF5;
	[smem:$0x3FB8] =	sst s0  }
0x18: {  	s0 =	sld [smem:$0x3F9B];
	_ =	swait.ge [sflag:s4], $0x0  }
0x19: {  	s7 =	sld [smem:$0x3F9C]  }
0x1a: {  	s8 =	sadd.s32 $0xFFFFE003, lr  }
0x1b: {  	s9 =	sadd.s32 $0xFFFFFEF7, lr;
	s5 =	simm.s32 $0xFFFFFFFF;
	p2 =	slt.u32 s8, $0xFFFFF086  }
0x1c: {  	p1 =	slt.u32 s9, $0xF7A;
	s5 =	simm.s32 @!p2 $0x0  }
0x1d: {  	s5 =	simm.s32 @p1 $0x1;
	p0 =	seq.s32 s7, s2  }
0x1e: {  	s7 =	smul.u32 @!p0 $0xF7A, s2;
	p2 =	seq.s32 @!p0 s5, $0x0  }
0x1f: {  	s9 =	smul.u32 $0xF7A, s1;
	s8 =	simm.s32 @!p0 $0x1BF5;
	p2 =	por !p2, p0  }
0x20: {  	[sflag:s8] =	ssyncset.s32 @!p0 $0xFFFFF086;
	s6 =	sadd.s32 @!p0 s3, s7;
	s7 =	simm.s32 @!p0 $0x108  }
0x21: {  	s3 =	sadd.s32 s3, s9;
	s6 =	sadd.s32 @!p0 $0x88, s6;
	s7 =	simm.s32 @p2 $0x1082  }
0x22: {  	[simem:s7], [sflag:s8] =	dma.local @!p0 [hbm:s6], $0xF7A  }
0x23: {  	s9 =	sor.u32 $0xD0000000, s2;
	s6 =	simm.s32 $0x108;
	_ =	swait.ge @!p0 [sflag:s8], $0x0  }
0x24: {  	s3 =	sadd.s32 $0x88, s3;
	s6 =	simm.s32 @!p1 $0x1082;
	[sflag:s4] =	ssyncset.s32 $0xFFFFF086  }
0x25: {  	[simem:s6], [sflag:s4] =	dma.local [hbm:s3], $0xF7A  }
0x26: {  	[smem:$0x3F9C] =	sst s1;
	(tag) =	ssettag s2;
	_ =	strace s9  }
0x27: {  	s1 =	sld [smem:$0x3FAC]  }
0x28: {  	s2 =	sld [smem:$0x3FAD]  }
0x29: {  	s4 =	sld [smem:$0x3FAF]  }
0x2a: {  	p0 =	seq.s32 s5, $0x0;
	s5 =	sld [smem:$0x3FB0]  }
0x2b: {  	s6 =	sld [smem:$0x3FB1]  }
0x2c: {  	s7 =	sld [smem:$0x3FB2]  }
0x2d: {  	s3 =	simm.s32 $0x108;
	s8 =	sld [smem:$0x3FB3]  }
0x2e: {  	s3 =	simm.s32 @!p0 $0x1082;
	s9 =	sld [smem:$0x3FB4]  }
0x2f: {  	lr =	sadd.s32 s0, s3;
	s0 =	sld [smem:$0x3FAB]  }
0x30: {  	s3 =	sld [smem:$0x3FAE]  }
0x31: {  	[smem:$0x3FB7] =	sst s10  }
0x32: {  	s10 =	sld [smem:$0x3FB5];
	_ =	sdelay $0x3  }
0x33: {  	p0 =	seq.s32 s10, $0x1;
	s10 =	sld [smem:$0x3FB7];
	_ =	sdelay $0x3  }
0x34: {  	[smem:$0x3FB7] =	sst s10  }
0x35: {  	s10 =	sld [smem:$0x3FB6];
	_ =	sdelay $0x3  }
0x36: {  	p1 =	seq.s32 s10, $0x1;
	s10 =	sld [smem:$0x3FB7];
	_ =	sdelay $0x3  }
0x37: {  	[smem:$0x3FB7] =	sst s10  }
0x38: {  	s10 =	sld [smem:$0x3FB8]  }
0x39: {  	_ = 	snop;
	(pc) =	sbr.ind lr, $3  }
0x3a: {  	_ = 	snop  }
0x3b: {  	_ = 	snop  }
0x3c: {  	p2 =	seq.s32 s10, $0x1;
	s10 =	sld [smem:$0x3FB7]  }
0x3d: {  	_ =	shalt  }
0x3e: {  	_ =	shalt  }
0x3f: {  	_ =	shalt  }
0x40: {  	_ =	shalt  }
0x41: {  	_ =	shalt  }
0x42: {  	_ =	shalt  }
0x43: {  	_ =	shalt  }
0x44: {  	_ =	shalt  }
0x45: {  	_ =	shalt  }
0x46: {  	_ =	shalt  }
0x47: {  	_ =	shalt  }
0x48: {  	_ =	shalt  }
0x49: {  	_ =	shalt  }
0x4a: {  	_ =	shalt  }
0x4b: {  	_ =	shalt  }
0x4c: {  	_ =	shalt  }
0x4d: {  	_ =	shalt  }
0x4e: {  	_ =	shalt  }
0x4f: {  	_ =	shalt  }
0x50: {  	_ =	shalt  }
0x51: {  	_ =	shalt  }
0x52: {  	_ =	shalt  }
0x53: {  	_ =	shalt  }
0x54: {  	_ =	shalt  }
0x55: {  	_ =	shalt  }
0x56: {  	_ =	shalt  }
0x57: {  	_ =	shalt  }
0x58: {  	_ =	shalt  }
0x59: {  	_ =	shalt  }
0x5a: {  	_ =	shalt  }
0x5b: {  	_ =	shalt  }
0x5c: {  	_ =	shalt  }
0x5d: {  	_ =	shalt  }
0x5e: {  	_ =	shalt  }
0x5f: {  	_ =	shalt  }
0x60: {  	_ =	shalt  }
0x61: {  	_ =	shalt  }
0x62: {  	_ =	shalt  }
0x63: {  	_ =	shalt  }
0x64: {  	_ =	shalt  }
0x65: {  	_ =	shalt  }
0x66: {  	_ =	shalt  }
0x67: {  	_ =	shalt  }
0x68: {  	_ =	shalt  }
0x69: {  	_ =	shalt  }
0x6a: {  	_ =	shalt  }
0x6b: {  	_ =	shalt  }
0x6c: {  	_ =	shalt  }
0x6d: {  	_ =	shalt  }
0x6e: {  	_ =	shalt  }
0x6f: {  	_ =	shalt  }
0x70: {  	_ =	shalt  }
0x71: {  	_ =	shalt  }
0x72: {  	_ =	shalt  }
0x73: {  	_ =	shalt  }
0x74: {  	_ =	shalt  }
0x75: {  	_ =	shalt  }
0x76: {  	_ =	shalt  }
0x77: {  	_ =	shalt  }
0x78: {  	_ =	shalt  }
0x79: {  	_ =	shalt  }
0x7a: {  	_ =	shalt  }
0x7b: {  	_ =	shalt  }
0x7c: {  	_ =	shalt  }
0x7d: {  	_ =	shalt  }
0x7e: {  	_ =	shalt  }
0x7f: {  	_ =	shalt  }
0x80: {  	_ =	shalt  }
0x81: {  	_ =	shalt  }
0x82: {  	_ =	shalt  }
0x83: {  	_ =	shalt  }
0x84: {  	_ =	shalt  }
0x85: {  	_ =	shalt  }
0x86: {  	_ =	shalt  }
0x87: {  	_ =	shalt  }
.Lfunc_end0:
.L_simem_size_0:
called_computation_lowered:
.L_overlay_start_0:
0x88: {  	s2 =	sld [smem:$0x3FD9]  }
0x89: {  	s3 =	sld [smem:$0x3FFE];
	_ =	sdelay $0x1  }
0x8a: {  	s1 =	srdreg.scid  }
0x8b: {  	s0 =	sand.u32 $0x1, s1  }
0x8c: {  	s17 =	sshll.u32 s0, $0xA;
	s2 =	sadd.s32 s3, s2  }
0x8d: {  	s2 =	sadd.s32 s2, s17  }
0x8e: {  	[smem:$0x3FC3] =	sst s2  }
0x8f: {  	_ = 	snop  }
0x90: {  	s2 =	sld [smem:$0x3FD0];
	(tm) =	ssettm $0x1  }
0x91: {  	s18 =	sld [smem:$0x3FFB];
	_ =	sdelay $0x3  }
0x92: {  	_ =	strace s18  }
0x93: {  	s3 =	sld [smem:$0x3FFC];
	_ =	sdelay $0x3  }
0x94: {  	_ =	strace s3  }
0x95: {  	s3 =	sld [smem:$0x3FFD];
	_ =	sdelay $0x3  }
0x96: {  	_ =	strace s3  }
0x97: {  	_ =	strace $0x8FFFFFFF  }
0x98: {  	s19 =	sld [smem:$0x3FDB];
	_ =	sdelay $0x1  }
0x99: {  	s4 =	simm.s32 $_scs_section_size  }
0x9a: {  	s5 =	simm.s32 $_size__tile_overlayer_lowered;
	s6 =	simm.s32 $_tile_overlayer_lowered  }
0x9b: {  	s22 =	simm.s32 $0x1BFF;
	s21 =	sshll.u32 s6, $0x1;
	s3 =	sadd.s32 s4, s19  }
0x9c: {  	s7 =	simm.s32 $0x0;
	s20 =	sshll.u32 s5, $0x1;
	s5 =	sadd.s32 s21, s3  }
0x9d: {  	[timem:s7], [sflag:s22] =	dma.local [hbm:s5], s20  }
0x9e: {  	_ =	swait.ge [sflag:s22], s20  }
0x9f: {  	s4 =	ssub.s32 $0x0, s20;
	[sflag:s22] =	ssyncset.done $0x0  }
0xa0: {  	[sflag:s22] =	ssyncadd.s32 s4;
	_ =	sdelay $0x1  }
0xa1: {  	s23 =	simm.s32 $0x1B8B  }
0xa2: {  	_ =	swait.ge [sflag:s23], $0x1  }
0xa3: {  	[sflag:s23] =	ssyncset.done $0x0  }
0xa4: {  	s25 =	simm.s32 $0x1B8E;
	s24 =	sld [smem:$0x3FFE];
	[sflag:s23] =	ssyncadd.s32 $0xFFFFFFFF  }
0xa5: {  	s26 =	simm.s32 $execute0_lowered;
	[smem:$0x3FD2] =	sst s25  }
0xa6: {  	s5 =	sshll.u32 s26, $0x1;
	_ =	strace $0x80000046;
	[dreg:$0x1] =	wrdreg $0xFFFFFFFF  }
0xa7: {  	s28 =	simm.s32 $_size_execute0_lowered;
	s3 =	sadd.s32 s3, s5;
	[dreg:$0x0] =	wrdreg $0x0  }
0xa8: {  	s5 =	sshll.u32 s28, $0x1;
	[dreg:$0x2] =	wrdreg s3  }
0xa9: {  	[dreg:$0x3] =	wrdreg s5  }
0xaa: {  	[dreg:$0x4] =	wrdreg $0xC0  }
0xab: {  	_ =	task [dreg:s7], $0x5FFFF  }
0xac: {  	[dreg:$0x1] =	wrdreg $0xFFFFFFFF  }
0xad: {  	[dreg:$0x0] =	wrdreg $0x60  }
0xae: {  	[dreg:$0x2] =	wrdreg s2  }
0xaf: {  	[dreg:$0x3] =	wrdreg s24  }
0xb0: {  	[dreg:$0x4] =	wrdreg $0x9  }
0xb1: {  	_ =	task.clear_ibuf [dreg:s7], $0x5FFFF;
	_ =	strace $0x90000046  }
0xb2: {  	s29 =	simm.s32 $0x9;
	_ =	strace $0x80000048  }
0xb3: {  	_ =	swait.ge [sflag:s29], $0x1  }
0xb4: {  	[sflag:s29] =	ssyncadd.s32 $0xFFFFFFFF  }
0xb5: {  	_ =	strace $0x90000048  }
0xb6: {  	_ =	sfence  }
0xb7: {  	s30 =	sld [smem:$0x0];
	_ =	sdelay $0x2  }
0xb8: {  	s31 =	sshll.u32 s1, $0xD;
	s1 =	sshrl.u32 s1, $0x2  }
0xb9: {  	s3 =	sand.u32 $0x4000, s31;
	s1 =	sadd.s32 s1, s30  }
0xba: {  	s0 =	sor.u32 s3, s0;
	s1 =	sshll.u32 s1, $0x11  }
0xbb: {  	s0 =	sor.u32 s1, s0  }
0xbc: {  	s0 =	sadd.s32 $0x8F2B, s0  }
0xbd: {  	[sflag:s0] =	ssyncadd.remote.s32 $0x1  }
0xbe: {  	_ =	sfence.sel $0xFFFF  }
0xbf: {  	[dreg:$0x0] =	wrdreg $0xFFFFFFFF;
	(pc) =	sbr.abs _section_cstart, $3  }
0xc0: {  	[dreg:$0x1] =	wrdreg $0xFFFFFFFF  }
0xc1: {  	_ =	task.clear_ibuf [dreg:s7], $0x2FFFF;
	_ =	strace $0x9FFFFFFF  }
0xc2: {  	(tm) =	ssettm $0x7FFFFFFF  }
0xc3: {  	_ =	shalt  }
tec
execute0_lowered:
.L_overlay_start_1:
0x0: {  	(tag) =	ssettag $0x1  }
0x1: {  	s1 =	rddreg [dreg:$0x0]  }
0x2: {  	s0 =	rddreg [dreg:$0x1];
	s3 =	simm.s32 $0x0;
	s2 =	srdreg.scid  }
0x3: {  	s4 =	stileid.u32;
	s16 =	simm.s32 $0x50;
	s17 =	simm.s32 $0x8000  }
0x4: {  	s18 =	simm.s32 $0xA800;
	s28 =	simm.s32 $0x1;
	s29 =	simm.s32 $0xD000  }
0x5: {  	s30 =	simm.s32 $0x2;
	s2 =	sand.u32 $0x1, s2;
	s5 =	sshll.u32 s4, $0x1  }
0x6: {  	[smem:$0x7FF] =	sst s3;
	s4 =	sadd.s32 $0x21C00, s0;
	s6 =	sor.u32 s2, s5  }
0x7: {  	_ =	strace $0x80000047;
	s2 =	ssub.s32 $0x2, s2;
	s7 =	smul.u32 $0x9C400, s6  }
0x8: {  	s5 =	sshll.u32 s6, $0xB;
	s23 =	sshrl.u32 s2, $0x1;
	s6 =	smul.u32 $0x2710, s6  }
0x9: {  	s8 =	sadd.s32 s5, s0;
	s5 =	sadd.s32 $0x48E00, s0;
	s0 =	ssub.s32 s2, s23  }
0xa: {  	s24 =	sshrl.u32 s7, $0x3;
	s25 =	sadd.s32 $0x11C00, s8;
	s26 =	sadd.s32 $0x1C00, s8  }
0xb: {  	s9 =	sadd.s32 $0xD70, s6;
	s10 =	sadd.s32 $0x1A40, s6;
	[dreg:$0x3] =	wrdreg s25  }
0xc: {  	s0 =	smax.u32 s0, $0x1;
	[dreg:$0x4] =	wrdreg s26;
	s2 =	sadd.s32 s5, s24  }
0xd: {  	s8 =	simm.s32 $0x0;
	[dreg:$0x7] =	wrdreg s0;
	s31 =	sadd.s32 $0x6680, s2  }
0xe: {  	s24 =	simm.s32 $0x14800;
	s2 =	sadd.s32 $0x6900, s2;
	[dreg:$0x5] =	wrdreg s31  }
0xf: {  	s26 =	simm.s32 $0x17000;
	s0 =	simm.s32 $0x3;
	[dreg:$0x6] =	wrdreg s2  }
.LBB2_1:
0x10: {  	[dreg:$0x8] =	wrdreg s8  }
0x11: {  	s2 =	rddreg [dreg:$0x3];
	s7 =	simm.s32 $0x7  }
0x12: {  	[tilespmem:s3], [sflag:$0x7] =	stream.linear.gather [hbm4b:s2+s3], $0x3E80, $0x38;
	[tilespmem:$0x1AC00] =	vst v63  }
0x13: {  	_ =	swait.ge [sflag:s7], $0x3E80  }
0x14: {  	[sflag:s7] =	ssyncset.done $0x0  }
0x15: {  	s19 =	simm.s32 $0x4000;
	s15 =	rddreg [dreg:$0x4];
	[sflag:s7] =	ssyncadd.s32 $0xFFFFC180  }
0x16: {  	[tilespmem:s19], [sflag:$0x7] =	stream.linear.gather [hbm4b:s15+s3], $0x3E80, $0x38;
	[tilespmem:$0x1AC00] =	vst v63  }
0x17: {  	_ =	swait.ge [sflag:s7], $0x3E80  }
0x18: {  	[sflag:s7] =	ssyncset.done $0x0  }
0x19: {  	[sflag:s7] =	ssyncadd.s32 $0xFFFFC180  }
0x1a: {  	[tilespmem:s17], [sflag:$0x1] =	stream.indirect.gather [hbm4b:s1+s16], $0x80, s3, s16, $0xb8;
	[tilespmem:$0x1AC00] =	vst v63  }
0x1b: {  	_ = 	snop  }
0x1c: {  	[tilespmem:s18], [sflag:$0x1] =	stream.indirect.gather [hbm4b:s4+s16], $0x80, s19, s16, $0xb8;
	[tilespmem:$0x1AC00] =	vst v63  }
0x1d: {  	s20 =	simm.s32 $0x1580;
	s21 =	simm.s32 $0xE400  }
0x1e: {  	[tilespmem:s21], [sflag:$0x2] =	stream.indirect.gather [hbm4b:s1+s16], $0x80, s20, s16, $0xb8;
	[tilespmem:$0x1AC00] =	vst v63  }
0x1f: {  	s22 =	simm.s32 $0x5580;
	s23 =	simm.s32 $0x10C00  }
0x20: {  	[tilespmem:s23], [sflag:$0x2] =	stream.indirect.gather [hbm4b:s4+s16], $0x80, s22, s16, $0xb8;
	[tilespmem:$0x1AC00] =	vst v63  }
0x21: {  	s25 =	simm.s32 $0x2A00  }
0x22: {  	[tilespmem:s24], [sflag:$0x3] =	stream.indirect.gather [hbm4b:s1+s16], $0x80, s25, s16, $0xb8;
	[tilespmem:$0x1AC00] =	vst v63  }
0x23: {  	s31 =	simm.s32 $0x6A00;
	s7 =	simm.s32 $0x0  }
0x24: {  	[tilespmem:s26], [sflag:$0x3] =	stream.indirect.gather [hbm4b:s4+s16], $0x80, s31, s16, $0xb8;
	[tilespmem:$0x1AC00] =	vst v63  }
.LBB2_2:
0x25: {  	_ =	swait.ge [sflag:s28], $0x2800  }
0x26: {  	[sflag:s28] =	ssyncset.done $0x0  }
0x27: {  	[sflag:s28] =	ssyncadd.s32 $0xFFFFD800  }
0x28: {  	_ =	swait.ge [sflag:s28], $0x2800  }
0x29: {  	p0 =	seq.s32 s7, $0x0;
	[sflag:s28] =	ssyncset.done $0x0  }
0x2a: {  	s2 =	simm.s32 @!p0 $0x4;
	[sflag:s28] =	ssyncadd.s32 $0xFFFFD800  }
0x2b: {  	_ =	swait.ge @!p0 [sflag:s2], $0x1400  }
0x2c: {  	[sflag:s2] =	ssyncset.done @!p0 $0x0  }
0x2d: {  	s19 =	simm.s32 $0x8100;
	[sflag:s2] =	ssyncadd.s32 @!p0 $0xFFFFEC00  }
0x2e: {  	s11 =	simm.s32 $0xA900;
	v0 =	vld [tilespmem:s19+$0x0]  }
0x2f: {  	v1 =	vld [tilespmem:s11+$0x0]  }
0x30: {  	v2 =	vld [tilespmem:s19+$0x40]  }
0x31: {  	v3 =	vld [tilespmem:s11+$0x40];
	_ =	sdelay $0x4  }
0x32: {  	v0 =	vadd.f32 v1, v0;
	v1 =	vadd.f32 v3, v2  }
0x33: {  	v4 =	vld [tilespmem:s11+$0xFFFFFF00]  }
0x34: {  	v5 =	vld [tilespmem:s11+$0xFFFFFF40];
	v3 =	vshrl.u32 v0, $0x10;
	v6 =	vshrl.u32 v1, $0x10  }
0x35: {  	v7 =	vld [tilespmem:s19+$0xFFFFFF00];
	v3 =	vand.u32 $0x1, v3;
	v6 =	vand.u32 $0x1, v6  }
0x36: {  	v2 =	vld [tilespmem:s19+$0xFFFFFF40];
	v0 =	vadd.s32 v3, v0;
	v1 =	vadd.s32 v6, v1  }
0x37: {  	v0 =	vadd.s32 $0x7FFF, v0;
	v1 =	vadd.s32 $0x7FFF, v1  }
0x38: {  	v0 =	vshrl.u32 v0, $0x10;
	v1 =	vand.u32 $0xFFFF0000, v1  }
0x39: {  	s8 =	simm.s32 $0xD080;
	v0 =	vor.u32 v0, v1  }
0x3a: {  	[tilespmem:s8+$0x0] =	vst v0  }
0x3b: {  	v1 =	vadd.f32 v4, v7;
	v0 =	vadd.f32 v5, v2;
	v2 =	vld [tilespmem:s19+$0x10]  }
0x3c: {  	v4 =	vld [tilespmem:s11+$0x10]  }
0x3d: {  	v3 =	vshrl.u32 v1, $0x10;
	v6 =	vld [tilespmem:s19+$0x50];
	v5 =	vshrl.u32 v0, $0x10  }
0x3e: {  	v7 =	vld [tilespmem:s11+$0x50];
	v3 =	vand.u32 $0x1, v3;
	v5 =	vand.u32 $0x1, v5  }
0x3f: {  	v1 =	vadd.s32 v3, v1;
	v0 =	vadd.s32 v5, v0  }
0x40: {  	v1 =	vadd.s32 $0x7FFF, v1;
	v0 =	vadd.s32 $0x7FFF, v0  }
0x41: {  	v1 =	vshrl.u32 v1, $0x10;
	v0 =	vand.u32 $0xFFFF0000, v0  }
0x42: {  	v0 =	vor.u32 v1, v0  }
0x43: {  	v1 =	vadd.f32 v7, v6;
	[tilespmem:s8+$0xFFFFFF80] =	vst v0;
	v0 =	vadd.f32 v4, v2  }
0x44: {  	v2 =	vld [tilespmem:s19+$0xFFFFFF10]  }
0x45: {  	v3 =	vld [tilespmem:s11+$0xFFFFFF10];
	v5 =	vshrl.u32 v1, $0x10;
	v4 =	vshrl.u32 v0, $0x10  }
0x46: {  	v6 =	vld [tilespmem:s19+$0xFFFFFF50];
	v5 =	vand.u32 $0x1, v5;
	v4 =	vand.u32 $0x1, v4  }
0x47: {  	v7 =	vld [tilespmem:s11+$0xFFFFFF50];
	v1 =	vadd.s32 v5, v1;
	v0 =	vadd.s32 v4, v0  }
0x48: {  	v1 =	vadd.s32 $0x7FFF, v1;
	v0 =	vadd.s32 $0x7FFF, v0  }
0x49: {  	v1 =	vand.u32 $0xFFFF0000, v1;
	v0 =	vshrl.u32 v0, $0x10  }
0x4a: {  	v0 =	vor.u32 v0, v1  }
0x4b: {  	[tilespmem:s8+$0x10] =	vst v0  }
0x4c: {  	v1 =	vadd.f32 v3, v2;
	v0 =	vadd.f32 v7, v6;
	v2 =	vld [tilespmem:s19+$0x20]  }
0x4d: {  	v4 =	vld [tilespmem:s11+$0x20]  }
0x4e: {  	v3 =	vshrl.u32 v1, $0x10;
	v6 =	vld [tilespmem:s19+$0x60];
	v5 =	vshrl.u32 v0, $0x10  }
0x4f: {  	v7 =	vld [tilespmem:s11+$0x60];
	v3 =	vand.u32 $0x1, v3;
	v5 =	vand.u32 $0x1, v5  }
0x50: {  	v1 =	vadd.s32 v3, v1;
	v0 =	vadd.s32 v5, v0  }
0x51: {  	v1 =	vadd.s32 $0x7FFF, v1;
	v0 =	vadd.s32 $0x7FFF, v0  }
0x52: {  	v1 =	vshrl.u32 v1, $0x10;
	v0 =	vand.u32 $0xFFFF0000, v0  }
0x53: {  	v0 =	vor.u32 v1, v0  }
0x54: {  	v1 =	vadd.f32 v7, v6;
	[tilespmem:s8+$0xFFFFFF90] =	vst v0;
	v0 =	vadd.f32 v4, v2  }
0x55: {  	v2 =	vld [tilespmem:s19+$0xFFFFFF20]  }
0x56: {  	v3 =	vld [tilespmem:s11+$0xFFFFFF20];
	v5 =	vshrl.u32 v1, $0x10;
	v4 =	vshrl.u32 v0, $0x10  }
0x57: {  	v6 =	vld [tilespmem:s19+$0xFFFFFF60];
	v5 =	vand.u32 $0x1, v5;
	v4 =	vand.u32 $0x1, v4  }
0x58: {  	v7 =	vld [tilespmem:s11+$0xFFFFFF60];
	v1 =	vadd.s32 v5, v1;
	v0 =	vadd.s32 v4, v0  }
0x59: {  	v1 =	vadd.s32 $0x7FFF, v1;
	v0 =	vadd.s32 $0x7FFF, v0  }
0x5a: {  	v1 =	vand.u32 $0xFFFF0000, v1;
	v0 =	vshrl.u32 v0, $0x10  }
0x5b: {  	v0 =	vor.u32 v0, v1  }
0x5c: {  	v1 =	vadd.f32 v3, v2;
	[tilespmem:s8+$0x20] =	vst v0  }
0x5d: {  	v0 =	vadd.f32 v7, v6;
	v2 =	vld [tilespmem:s19+$0x30]  }
0x5e: {  	v3 =	vshrl.u32 v1, $0x10;
	v4 =	vld [tilespmem:s11+$0x30]  }
0x5f: {  	v6 =	vld [tilespmem:s19+$0x70];
	v5 =	vshrl.u32 v0, $0x10;
	v3 =	vand.u32 $0x1, v3  }
0x60: {  	v5 =	vand.u32 $0x1, v5;
	v1 =	vadd.s32 v3, v1;
	v3 =	vld [tilespmem:s11+$0x70]  }
0x61: {  	v0 =	vadd.s32 v5, v0  }
0x62: {  	v1 =	vadd.s32 $0x7FFF, v1;
	v0 =	vadd.s32 $0x7FFF, v0  }
0x63: {  	v1 =	vshrl.u32 v1, $0x10;
	v0 =	vand.u32 $0xFFFF0000, v0  }
0x64: {  	s15 =	simm.s32 $0x8300;
	v0 =	vor.u32 v1, v0  }
0x65: {  	v8 =	vld [tilespmem:s15+$0x40];
	v1 =	vadd.f32 v4, v2;
	[tilespmem:s8+$0xFFFFFFA0] =	vst v0;
	v2 =	vadd.f32 v3, v6  }
0x66: {  	v0 =	vld [tilespmem:s19+$0xFFFFFF30]  }
0x67: {  	v3 =	vld [tilespmem:s11+$0xFFFFFF30];
	v5 =	vshrl.u32 v1, $0x10;
	v6 =	vshrl.u32 v2, $0x10  }
0x68: {  	v4 =	vld [tilespmem:s19+$0xFFFFFF70];
	v5 =	vand.u32 $0x1, v5;
	v6 =	vand.u32 $0x1, v6  }
0x69: {  	v7 =	vld [tilespmem:s11+$0xFFFFFF70];
	v1 =	vadd.s32 v5, v1;
	v2 =	vadd.s32 v6, v2  }
0x6a: {  	s13 =	simm.s32 $0xAB00;
	v5 =	vld [tilespmem:s15+$0x0];
	v1 =	vadd.s32 $0x7FFF, v1;
	v2 =	vadd.s32 $0x7FFF, v2  }
0x6b: {  	v6 =	vld [tilespmem:s13+$0x0];
	v1 =	vshrl.u32 v1, $0x10;
	v2 =	vand.u32 $0xFFFF0000, v2  }
0x6c: {  	v0 =	vadd.f32 v3, v0;
	v3 =	vld [tilespmem:s13+$0x40];
	v1 =	vor.u32 v1, v2  }
0x6d: {  	[tilespmem:s8+$0x30] =	vst v1  }
0x6e: {  	v1 =	vadd.f32 v7, v4;
	v2 =	vshrl.u32 v0, $0x10;
	v4 =	vld [tilespmem:s19+$0x80]  }
0x6f: {  	v2 =	vand.u32 $0x1, v2;
	v7 =	vld [tilespmem:s11+$0x80]  }
0x70: {  	v9 =	vshrl.u32 v1, $0x10;
	v0 =	vadd.s32 v2, v0;
	v2 =	vadd.f32 v6, v5;
	v5 =	vld [tilespmem:s19+$0xC0]  }
0x71: {  	v6 =	vand.u32 $0x1, v9;
	v0 =	vadd.s32 $0x7FFF, v0;
	v3 =	vadd.f32 v3, v8;
	v8 =	vld [tilespmem:s11+$0xC0]  }
0x72: {  	v1 =	vadd.s32 v6, v1;
	v0 =	vshrl.u32 v0, $0x10;
	v6 =	vshrl.u32 v2, $0x10  }
0x73: {  	v11 =	vld [tilespmem:s15+$0xFFFFFF40];
	v1 =	vadd.s32 $0x7FFF, v1;
	v6 =	vand.u32 $0x1, v6;
	v10 =	vshrl.u32 v3, $0x10  }
0x74: {  	v9 =	vld [tilespmem:s13+$0xFFFFFF00];
	v1 =	vand.u32 $0xFFFF0000, v1;
	v2 =	vadd.s32 v6, v2;
	v6 =	vand.u32 $0x1, v10  }
0x75: {  	v4 =	vadd.f32 v7, v4;
	v0 =	vor.u32 v0, v1;
	v1 =	vld [tilespmem:s15+$0xFFFFFF00];
	v3 =	vadd.s32 v6, v3  }
0x76: {  	v2 =	vadd.s32 $0x7FFF, v2;
	v6 =	vld [tilespmem:s13+$0xFFFFFF40];
	v3 =	vadd.s32 $0x7FFF, v3;
	v5 =	vadd.f32 v8, v5  }
0x77: {  	[tilespmem:s8+$0xFFFFFFB0] =	vst v0;
	v0 =	vshrl.u32 v2, $0x10;
	v2 =	vand.u32 $0xFFFF0000, v3  }
0x78: {  	s12 =	simm.s32 $0xD180;
	v3 =	vld [tilespmem:s19+$0xFFFFFF80];
	v0 =	vor.u32 v0, v2;
	v2 =	vshrl.u32 v4, $0x10;
	v7 =	vshrl.u32 v5, $0x10  }
0x79: {  	v8 =	vld [tilespmem:s11+$0xFFFFFF80];
	[tilespmem:s12+$0x0] =	vst v0;
	v0 =	vand.u32 $0x1, v2;
	v2 =	vand.u32 $0x1, v7  }
0x7a: {  	v1 =	vadd.f32 v9, v1;
	v7 =	vld [tilespmem:s15+$0x10];
	v0 =	vadd.s32 v0, v4;
	v2 =	vadd.s32 v2, v5  }
0x7b: {  	v4 =	vadd.f32 v6, v11;
	v5 =	vld [tilespmem:s13+$0x10];
	v0 =	vadd.s32 $0x7FFF, v0;
	v2 =	vadd.s32 $0x7FFF, v2  }
0x7c: {  	v6 =	vld [tilespmem:s15+$0x50];
	v0 =	vshrl.u32 v0, $0x10;
	v2 =	vand.u32 $0xFFFF0000, v2  }
0x7d: {  	v11 =	vld [tilespmem:s13+$0x50];
	v9 =	vshrl.u32 v1, $0x10;
	v10 =	vshrl.u32 v4, $0x10;
	v0 =	vor.u32 v0, v2  }
0x7e: {  	v2 =	vld [tilespmem:s19+$0xFFFFFFC0];
	v9 =	vand.u32 $0x1, v9;
	v10 =	vand.u32 $0x1, v10;
	[tilespmem:s8+$0x40] =	vst v0  }
0x7f: {  	v0 =	vadd.s32 v9, v1;
	v1 =	vadd.s32 v10, v4;
	v4 =	vld [tilespmem:s19+$0x90]  }
0x80: {  	v0 =	vadd.s32 $0x7FFF, v0;
	v1 =	vadd.s32 $0x7FFF, v1;
	v9 =	vld [tilespmem:s11+$0x90]  }
0x81: {  	v5 =	vadd.f32 v5, v7;
	v7 =	vld [tilespmem:s19+$0xD0];
	v0 =	vshrl.u32 v0, $0x10;
	v1 =	vand.u32 $0xFFFF0000, v1  }
0x82: {  	v0 =	vor.u32 v0, v1;
	v1 =	vadd.f32 v11, v6;
	v6 =	vld [tilespmem:s11+$0xD0]  }
0x83: {  	v10 =	vld [tilespmem:s11+$0xFFFFFFC0];
	[tilespmem:s12+$0xFFFFFF80] =	vst v0;
	v0 =	vshrl.u32 v5, $0x10  }
0x84: {  	v11 =	vld [tilespmem:s15+$0xFFFFFF10];
	v0 =	vand.u32 $0x1, v0;
	v12 =	vshrl.u32 v1, $0x10  }
0x85: {  	v13 =	vld [tilespmem:s13+$0xFFFFFF10];
	v0 =	vadd.s32 v0, v5;
	v5 =	vand.u32 $0x1, v12  }
0x86: {  	v3 =	vadd.f32 v8, v3;
	v8 =	vld [tilespmem:s15+$0xFFFFFF50];
	v4 =	vadd.f32 v9, v4;
	v1 =	vadd.s32 v5, v1  }
0x87: {  	v0 =	vadd.s32 $0x7FFF, v0;
	v5 =	vld [tilespmem:s13+$0xFFFFFF50];
	v1 =	vadd.s32 $0x7FFF, v1;
	v6 =	vadd.f32 v6, v7  }
0x88: {  	v2 =	vadd.f32 v10, v2;
	v0 =	vshrl.u32 v0, $0x10;
	v1 =	vand.u32 $0xFFFF0000, v1  }
0x89: {  	v0 =	vor.u32 v0, v1;
	v1 =	vshrl.u32 v4, $0x10;
	v7 =	vshrl.u32 v6, $0x10  }
0x8a: {  	v9 =	vshrl.u32 v3, $0x10;
	[tilespmem:s12+$0x10] =	vst v0;
	v0 =	vand.u32 $0x1, v1;
	v1 =	vand.u32 $0x1, v7  }
0x8b: {  	v7 =	vadd.f32 v13, v11;
	v0 =	vadd.s32 v0, v4;
	v1 =	vadd.s32 v1, v6  }
0x8c: {  	v10 =	vld [tilespmem:s15+$0x20];
	v4 =	vadd.f32 v5, v8;
	v0 =	vadd.s32 $0x7FFF, v0;
	v1 =	vadd.s32 $0x7FFF, v1  }
0x8d: {  	v5 =	vld [tilespmem:s13+$0x20];
	v6 =	vshrl.u32 v2, $0x10;
	v0 =	vshrl.u32 v0, $0x10;
	v1 =	vand.u32 $0xFFFF0000, v1  }
0x8e: {  	v8 =	vld [tilespmem:s15+$0x60];
	v11 =	vshrl.u32 v7, $0x10;
	v12 =	vshrl.u32 v4, $0x10;
	v0 =	vor.u32 v0, v1  }
0x8f: {  	v13 =	vld [tilespmem:s13+$0x60];
	v1 =	vand.u32 $0x1, v9;
	v9 =	vand.u32 $0x1, v11;
	v11 =	vand.u32 $0x1, v12  }
0x90: {  	[tilespmem:s8+$0x50] =	vst v0;
	v0 =	vand.u32 $0x1, v6;
	v6 =	vadd.s32 v9, v7;
	v4 =	vadd.s32 v11, v4  }
0x91: {  	v1 =	vadd.s32 v1, v3;
	v7 =	vld [tilespmem:s19+$0xA0];
	v3 =	vadd.s32 $0x7FFF, v6;
	v4 =	vadd.s32 $0x7FFF, v4  }
0x92: {  	v6 =	vld [tilespmem:s11+$0xA0];
	v0 =	vadd.s32 v0, v2;
	v2 =	vshrl.u32 v3, $0x10;
	v3 =	vand.u32 $0xFFFF0000, v4  }
0x93: {  	v4 =	vld [tilespmem:s19+$0xE0];
	v2 =	vor.u32 v2, v3  }
0x94: {  	v3 =	vadd.f32 v5, v10;
	v5 =	vadd.f32 v13, v8;
	v8 =	vld [tilespmem:s11+$0xE0];
	[tilespmem:s12+$0xFFFFFF90] =	vst v2  }
0x95: {  	v1 =	vadd.s32 $0x7FFF, v1;
	v0 =	vadd.s32 $0x7FFF, v0;
	v2 =	vld [tilespmem:s15+$0xFFFFFF20]  }
0x96: {  	v1 =	vshrl.u32 v1, $0x10;
	v0 =	vand.u32 $0xFFFF0000, v0;
	v11 =	vld [tilespmem:s13+$0xFFFFFF20]  }
0x97: {  	v0 =	vor.u32 v1, v0;
	v9 =	vshrl.u32 v3, $0x10;
	v10 =	vshrl.u32 v5, $0x10;
	v1 =	vld [tilespmem:s15+$0xFFFFFF60]  }
0x98: {  	[tilespmem:s8+$0xFFFFFFC0] =	vst v0;
	v0 =	vld [tilespmem:s13+$0xFFFFFF60];
	v9 =	vand.u32 $0x1, v9;
	v10 =	vand.u32 $0x1, v10;
	v6 =	vadd.f32 v6, v7  }
0x99: {  	v3 =	vadd.s32 v9, v3;
	v5 =	vadd.s32 v10, v5;
	v4 =	vadd.f32 v8, v4  }
0x9a: {  	v7 =	vld [tilespmem:s19+$0xFFFFFF90];
	v3 =	vadd.s32 $0x7FFF, v3;
	v5 =	vadd.s32 $0x7FFF, v5;
	v9 =	vshrl.u32 v6, $0x10  }
0x9b: {  	s21 =	simm.s32 $0x8500;
	v8 =	vld [tilespmem:s11+$0xFFFFFF90];
	v3 =	vshrl.u32 v3, $0x10;
	v5 =	vand.u32 $0xFFFF0000, v5;
	v10 =	vshrl.u32 v4, $0x10  }
0x9c: {  	v14 =	vld [tilespmem:s21+$0x40];
	v3 =	vor.u32 v3, v5;
	v5 =	vand.u32 $0x1, v9;
	v2 =	vadd.f32 v11, v2  }
0x9d: {  	v12 =	vld [tilespmem:s19+$0xFFFFFFD0];
	v0 =	vadd.f32 v0, v1;
	v9 =	vand.u32 $0x1, v10;
	v5 =	vadd.s32 v5, v6  }
0x9e: {  	v10 =	vld [tilespmem:s11+$0xFFFFFFD0];
	[tilespmem:s12+$0x20] =	vst v3;
	v4 =	vadd.s32 v9, v4;
	v1 =	vadd.s32 $0x7FFF, v5;
	v5 =	vshrl.u32 v2, $0x10  }
0x9f: {  	v6 =	vld [tilespmem:s13+$0x30];
	v9 =	vshrl.u32 v0, $0x10;
	v3 =	vadd.s32 $0x7FFF, v4;
	v1 =	vshrl.u32 v1, $0x10  }
0xa0: {  	v4 =	vld [tilespmem:s15+$0x30];
	v5 =	vand.u32 $0x1, v5;
	v7 =	vadd.f32 v8, v7;
	v3 =	vand.u32 $0xFFFF0000, v3  }
0xa1: {  	v8 =	vld [tilespmem:s13+$0x70];
	v2 =	vadd.s32 v5, v2;
	v5 =	vand.u32 $0x1, v9;
	v1 =	vor.u32 v1, v3  }
0xa2: {  	v3 =	vld [tilespmem:s15+$0x70];
	v0 =	vadd.s32 v5, v0;
	[tilespmem:s8+$0x60] =	vst v1  }
0xa3: {  	v1 =	vadd.s32 $0x7FFF, v2;
	v2 =	vadd.f32 v10, v12;
	v0 =	vadd.s32 $0x7FFF, v0;
	v5 =	vld [tilespmem:s19+$0xB0]  }
0xa4: {  	v9 =	vshrl.u32 v7, $0x10;
	v1 =	vshrl.u32 v1, $0x10;
	v10 =	vld [tilespmem:s11+$0xB0];
	v0 =	vand.u32 $0xFFFF0000, v0  }
0xa5: {  	v9 =	vand.u32 $0x1, v9;
	v12 =	vld [tilespmem:s19+$0xF0];
	v11 =	vshrl.u32 v2, $0x10;
	v0 =	vor.u32 v1, v0  }
0xa6: {  	v7 =	vadd.s32 v9, v7;
	v9 =	vld [tilespmem:s11+$0xF0];
	v1 =	vand.u32 $0x1, v11;
	[tilespmem:s12+$0xFFFFFFA0] =	vst v0  }
0xa7: {  	v0 =	vadd.s32 v1, v2;
	v2 =	vld [tilespmem:s15+$0xFFFFFF30];
	v3 =	vadd.f32 v8, v3  }
0xa8: {  	v4 =	vadd.f32 v6, v4;
	v1 =	vadd.s32 $0x7FFF, v7;
	v7 =	vld [tilespmem:s13+$0xFFFFFF30];
	v0 =	vadd.s32 $0x7FFF, v0  }
0xa9: {  	v11 =	vld [tilespmem:s15+$0xFFFFFF70];
	v1 =	vshrl.u32 v1, $0x10;
	v0 =	vand.u32 $0xFFFF0000, v0;
	v8 =	vshrl.u32 v3, $0x10  }
0xaa: {  	s14 =	simm.s32 $0xAD00;
	v0 =	vor.u32 v1, v0;
	v1 =	vld [tilespmem:s13+$0xFFFFFF70];
	v8 =	vand.u32 $0x1, v8  }
0xab: {  	[tilespmem:s8+$0xFFFFFFD0] =	vst v0;
	v0 =	vshrl.u32 v4, $0x10;
	v3 =	vadd.s32 v8, v3;
	v8 =	vld [tilespmem:s14+$0x0]  }
0xac: {  	v6 =	vld [tilespmem:s19+$0xFFFFFFA0];
	v0 =	vand.u32 $0x1, v0  }
0xad: {  	v13 =	vld [tilespmem:s11+$0xFFFFFFA0];
	v0 =	vadd.s32 v0, v4  }
0xae: {  	v3 =	vadd.s32 $0x7FFF, v3;
	v2 =	vadd.f32 v7, v2;
	v7 =	vld [tilespmem:s14+$0x40];
	v0 =	vadd.s32 $0x7FFF, v0  }
0xaf: {  	v5 =	vadd.f32 v10, v5;
	v4 =	vld [tilespmem:s21+$0x0];
	v3 =	vand.u32 $0xFFFF0000, v3;
	v0 =	vshrl.u32 v0, $0x10  }
0xb0: {  	v54 =	vld [tilespmem:s11+$0xFFFFFFE0];
	v0 =	vor.u32 v0, v3  }
0xb1: {  	v10 =	vshrl.u32 v5, $0x10;
	v1 =	vadd.f32 v1, v11;
	v11 =	vshrl.u32 v2, $0x10;
	v3 =	vld [tilespmem:s19+$0xFFFFFFE0];
	[tilespmem:s12+$0x30] =	vst v0  }
0xb2: {  	v0 =	vadd.f32 v9, v12;
	v9 =	vand.u32 $0x1, v10;
	v10 =	vand.u32 $0x1, v11;
	v15 =	vld [tilespmem:s15+$0x80]  }
0xb3: {  	v12 =	vshrl.u32 v1, $0x10;
	v7 =	vadd.f32 v7, v14;
	v6 =	vadd.f32 v13, v6;
	v11 =	vld [tilespmem:s13+$0x80]  }
0xb4: {  	v2 =	vadd.s32 v10, v2;
	v4 =	vadd.f32 v8, v4;
	v8 =	vld [tilespmem:s15+$0xC0];
	v10 =	vand.u32 $0x1, v12  }
0xb5: {  	v12 =	vld [tilespmem:s13+$0xC0];
	v2 =	vadd.s32 $0x7FFF, v2;
	v1 =	vadd.s32 v10, v1;
	v17 =	vshrl.u32 v7, $0x10  }
0xb6: {  	v56 =	vshrl.u32 v6, $0x10;
	v2 =	vshrl.u32 v2, $0x10;
	v10 =	vshrl.u32 v4, $0x10  }
0xb7: {  	v16 =	vld [tilespmem:s21+$0xFFFFFF40];
	v1 =	vadd.s32 $0x7FFF, v1;
	v17 =	vand.u32 $0x1, v17;
	v10 =	vand.u32 $0x1, v10  }
0xb8: {  	v14 =	vld [tilespmem:s14+$0xFFFFFF00];
	v1 =	vand.u32 $0xFFFF0000, v1;
	v7 =	vadd.s32 v17, v7;
	v3 =	vadd.f32 v54, v3  }
0xb9: {  	v4 =	vadd.s32 v10, v4;
	v10 =	vld [tilespmem:s21+$0xFFFFFF00];
	v1 =	vor.u32 v2, v1;
	v7 =	vadd.s32 $0x7FFF, v7  }
0xba: {  	v2 =	vld [tilespmem:s14+$0xFFFFFF40];
	v4 =	vadd.s32 $0x7FFF, v4;
	v11 =	vadd.f32 v11, v15;
	v8 =	vadd.f32 v12, v8  }
0xbb: {  	[tilespmem:s12+$0xFFFFFFB0] =	vst v1;
	v1 =	vadd.s32 v9, v5;
	v7 =	vand.u32 $0xFFFF0000, v7;
	v4 =	vshrl.u32 v4, $0x10  }
0xbc: {  	v58 =	vshrl.u32 v3, $0x10;
	v5 =	vld [tilespmem:s15+$0xFFFFFF80];
	v1 =	vadd.s32 $0x7FFF, v1;
	v4 =	vor.u32 v4, v7  }
0xbd: {  	s23 =	simm.s32 $0xD280;
	v9 =	vld [tilespmem:s13+$0xFFFFFF80];
	v7 =	vshrl.u32 v11, $0x10;
	v12 =	vshrl.u32 v8, $0x10;
	v1 =	vshrl.u32 v1, $0x10  }
0xbe: {  	v15 =	vld [tilespmem:s15+$0xFFFFFFC0];
	[tilespmem:s23+$0x0] =	vst v4;
	v4 =	vand.u32 $0x1, v7;
	v7 =	vand.u32 $0x1, v12;
	v10 =	vadd.f32 v14, v10  }
0xbf: {  	v2 =	vadd.f32 v2, v16;
	v12 =	vld [tilespmem:s21+$0x10];
	v4 =	vadd.s32 v4, v11;
	v7 =	vadd.s32 v7, v8  }
0xc0: {  	v11 =	vld [tilespmem:s14+$0x10];
	v4 =	vadd.s32 $0x7FFF, v4;
	v7 =	vadd.s32 $0x7FFF, v7;
	v8 =	vshrl.u32 v10, $0x10  }
0xc1: {  	v55 =	vld [tilespmem:s21+$0x50];
	v14 =	vshrl.u32 v2, $0x10;
	v4 =	vshrl.u32 v4, $0x10;
	v7 =	vand.u32 $0xFFFF0000, v7  }
0xc2: {  	v8 =	vand.u32 $0x1, v8;
	v14 =	vand.u32 $0x1, v14;
	v4 =	vor.u32 v4, v7;
	v7 =	vld [tilespmem:s14+$0x50]  }
0xc3: {  	v16 =	vand.u32 $0x1, v58;
	v8 =	vadd.s32 v8, v10;
	v2 =	vadd.s32 v14, v2;
	[tilespmem:s12+$0x40] =	vst v4;
	v4 =	vld [tilespmem:s13+$0xFFFFFFC0]  }
0xc4: {  	v3 =	vadd.s32 v16, v3;
	v8 =	vadd.s32 $0x7FFF, v8;
	v2 =	vadd.s32 $0x7FFF, v2;
	v13 =	vld [tilespmem:s15+$0x90]  }
0xc5: {  	v5 =	vadd.f32 v9, v5;
	v14 =	vld [tilespmem:s13+$0x90];
	v8 =	vshrl.u32 v8, $0x10;
	v2 =	vand.u32 $0xFFFF0000, v2  }
0xc6: {  	v10 =	vshrl.u32 v0, $0x10;
	v11 =	vadd.f32 v11, v12;
	v12 =	vld [tilespmem:s15+$0xD0];
	v8 =	vor.u32 v8, v2  }
0xc7: {  	v57 =	vld [tilespmem:s13+$0xD0];
	v2 =	vand.u32 $0x1, v10;
	v10 =	vand.u32 $0x1, v56;
	v7 =	vadd.f32 v7, v55  }
0xc8: {  	v3 =	vadd.s32 $0x7FFF, v3;
	v6 =	vadd.s32 v10, v6;
	[tilespmem:s23+$0xFFFFFF80] =	vst v8;
	v8 =	vshrl.u32 v11, $0x10  }
0xc9: {  	v4 =	vadd.f32 v4, v15;
	v9 =	vld [tilespmem:s21+$0xFFFFFF10];
	v8 =	vand.u32 $0x1, v8;
	v10 =	vshrl.u32 v7, $0x10  }
0xca: {  	v15 =	vshrl.u32 v5, $0x10;
	v8 =	vadd.s32 v8, v11;
	v11 =	vld [tilespmem:s14+$0xFFFFFF10];
	v10 =	vand.u32 $0x1, v10  }
0xcb: {  	v15 =	vand.u32 $0x1, v15;
	v13 =	vadd.f32 v14, v13;
	v14 =	vld [tilespmem:s14+$0xFFFFFF50];
	v7 =	vadd.s32 v10, v7  }
0xcc: {  	v12 =	vadd.f32 v57, v12;
	v8 =	vadd.s32 $0x7FFF, v8;
	v10 =	vld [tilespmem:s21+$0xFFFFFF50];
	v7 =	vadd.s32 $0x7FFF, v7  }
0xcd: {  	v5 =	vadd.s32 v15, v5;
	v8 =	vshrl.u32 v8, $0x10;
	v7 =	vand.u32 $0xFFFF0000, v7  }
0xce: {  	v15 =	vshrl.u32 v12, $0x10;
	v7 =	vor.u32 v8, v7;
	v8 =	vshrl.u32 v13, $0x10  }
0xcf: {  	v15 =	vand.u32 $0x1, v15;
	v9 =	vadd.f32 v11, v9;
	v8 =	vand.u32 $0x1, v8  }
0xd0: {  	v3 =	vand.u32 $0xFFFF0000, v3;
	[tilespmem:s23+$0x10] =	vst v7;
	v7 =	vadd.s32 v8, v13;
	v8 =	vadd.s32 v15, v12  }
0xd1: {  	v10 =	vadd.f32 v14, v10;
	v11 =	vld [tilespmem:s21+$0x20];
	v12 =	vshrl.u32 v9, $0x10;
	v7 =	vadd.s32 $0x7FFF, v7  }
0xd2: {  	v13 =	vld [tilespmem:s14+$0x20];
	v8 =	vadd.s32 $0x7FFF, v8;
	v12 =	vand.u32 $0x1, v12;
	v7 =	vshrl.u32 v7, $0x10  }
0xd3: {  	v15 =	vld [tilespmem:s21+$0x60];
	v8 =	vand.u32 $0xFFFF0000, v8;
	v14 =	vshrl.u32 v10, $0x10;
	v9 =	vadd.s32 v12, v9  }
0xd4: {  	v12 =	vld [tilespmem:s14+$0x60];
	v7 =	vor.u32 v7, v8;
	v8 =	vshrl.u32 v4, $0x10;
	v14 =	vand.u32 $0x1, v14  }
0xd5: {  	v0 =	vadd.s32 v2, v0;
	v8 =	vand.u32 $0x1, v8;
	v10 =	vadd.s32 v14, v10;
	[tilespmem:s12+$0x50] =	vst v7  }
0xd6: {  	v7 =	vadd.s32 $0x7FFF, v9;
	v4 =	vadd.s32 v8, v4;
	v8 =	vadd.s32 $0x7FFF, v10;
	v9 =	vld [tilespmem:s15+$0xA0]  }
0xd7: {  	v5 =	vadd.s32 $0x7FFF, v5;
	v7 =	vshrl.u32 v7, $0x10;
	v10 =	vld [tilespmem:s13+$0xA0];
	v8 =	vand.u32 $0xFFFF0000, v8  }
0xd8: {  	v5 =	vshrl.u32 v5, $0x10;
	v4 =	vadd.s32 $0x7FFF, v4;
	v7 =	vor.u32 v7, v8;
	v8 =	vld [tilespmem:s15+$0xE0]  }
0xd9: {  	v4 =	vand.u32 $0xFFFF0000, v4;
	[tilespmem:s23+$0xFFFFFF90] =	vst v7;
	v7 =	vadd.f32 v13, v11;
	v11 =	vadd.f32 v12, v15;
	v12 =	vld [tilespmem:s13+$0xE0]  }
0xda: {  	v0 =	vadd.s32 $0x7FFF, v0;
	v4 =	vor.u32 v5, v4;
	v5 =	vadd.s32 $0x7FFF, v6;
	v6 =	vld [tilespmem:s21+$0xFFFFFF20]  }
0xdb: {  	v0 =	vand.u32 $0xFFFF0000, v0;
	v13 =	vld [tilespmem:s14+$0xFFFFFF20];
	v5 =	vshrl.u32 v5, $0x10;
	v14 =	vshrl.u32 v7, $0x10  }
0xdc: {  	v59 =	vld [tilespmem:s21+$0xFFFFFF60];
	v15 =	vshrl.u32 v11, $0x10;
	v9 =	vadd.f32 v10, v9;
	v14 =	vand.u32 $0x1, v14  }
0xdd: {  	[tilespmem:s12+$0xFFFFFFC0] =	vst v4;
	v4 =	vld [tilespmem:s14+$0xFFFFFF60];
	v3 =	vor.u32 v5, v3;
	v15 =	vand.u32 $0x1, v15;
	v7 =	vadd.s32 v14, v7  }
0xde: {  	v10 =	vld [tilespmem:s13+$0xFFFFFF90];
	v11 =	vadd.s32 v15, v11;
	v7 =	vadd.s32 $0x7FFF, v7;
	v8 =	vadd.f32 v12, v8  }
0xdf: {  	v1 =	vor.u32 v1, v0;
	[tilespmem:s8+$0xFFFFFFE0] =	vst v3;
	v14 =	vld [tilespmem:s15+$0xFFFFFF90];
	v5 =	vshrl.u32 v7, $0x10;
	v7 =	vadd.s32 $0x7FFF, v11  }
0xe0: {  	[tilespmem:s8+$0x70] =	vst v1;
	v1 =	vld [tilespmem:s19+$0xFFFFFFF0];
	v12 =	vshrl.u32 v9, $0x10;
	v7 =	vand.u32 $0xFFFF0000, v7;
	v15 =	vshrl.u32 v8, $0x10  }
0xe1: {  	v11 =	vld [tilespmem:s15+$0xFFFFFFD0];
	v3 =	vor.u32 v5, v7;
	v7 =	vand.u32 $0x1, v12;
	v12 =	vand.u32 $0x1, v15  }
0xe2: {  	v6 =	vadd.f32 v13, v6;
	v13 =	vld [tilespmem:s19+$0xFFFFFFB0];
	[tilespmem:s23+$0x20] =	vst v3;
	v3 =	vadd.s32 v7, v9;
	v7 =	vadd.s32 v12, v8  }
0xe3: {  	v4 =	vadd.f32 v4, v59;
	v5 =	vld [tilespmem:s13+$0xFFFFFFD0];
	v3 =	vadd.s32 $0x7FFF, v3;
	v7 =	vadd.s32 $0x7FFF, v7  }
0xe4: {  	v8 =	vshrl.u32 v6, $0x10;
	v12 =	vld [tilespmem:s21+$0x30];
	v3 =	vshrl.u32 v3, $0x10;
	v7 =	vand.u32 $0xFFFF0000, v7  }
0xe5: {  	v15 =	vld [tilespmem:s14+$0x30];
	v8 =	vand.u32 $0x1, v8;
	v3 =	vor.u32 v3, v7  }
0xe6: {  	v9 =	vshrl.u32 v4, $0x10;
	v60 =	vld [tilespmem:s21+$0x70];
	v6 =	vadd.s32 v8, v6;
	[tilespmem:s12+$0x60] =	vst v3  }
0xe7: {  	v7 =	vand.u32 $0x1, v9;
	v3 =	vadd.s32 $0x7FFF, v6;
	v6 =	vld [tilespmem:s15+$0xB0]  }
0xe8: {  	v8 =	vadd.f32 v10, v14;
	v4 =	vadd.s32 v7, v4;
	v5 =	vadd.f32 v5, v11;
	v14 =	vld [tilespmem:s15+$0xF0]  }
0xe9: {  	v2 =	vshrl.u32 v3, $0x10;
	v3 =	vadd.s32 $0x7FFF, v4;
	v18 =	vld [tilespmem:s13+$0xF0]  }
0xea: {  	v7 =	vshrl.u32 v8, $0x10;
	v4 =	vld [tilespmem:s13+$0xB0];
	v3 =	vand.u32 $0xFFFF0000, v3;
	v9 =	vshrl.u32 v5, $0x10  }
0xeb: {  	v61 =	vld [tilespmem:s14+$0x70];
	v7 =	vand.u32 $0x1, v7;
	v2 =	vor.u32 v2, v3;
	v3 =	vand.u32 $0x1, v9  }
0xec: {  	v7 =	vadd.s32 v7, v8;
	[tilespmem:s23+$0xFFFFFFA0] =	vst v2;
	v2 =	vadd.s32 v3, v5;
	v3 =	vld [tilespmem:s11+$0xFFFFFFB0]  }
0xed: {  	v15 =	vadd.f32 v15, v12;
	v5 =	vadd.s32 $0x7FFF, v7;
	v8 =	vld [tilespmem:s21+$0xFFFFFF30];
	v2 =	vadd.s32 $0x7FFF, v2  }
0xee: {  	v5 =	vshrl.u32 v5, $0x10;
	v9 =	vld [tilespmem:s14+$0xFFFFFF30];
	v2 =	vand.u32 $0xFFFF0000, v2;
	v14 =	vadd.f32 v18, v14  }
0xef: {  	v10 =	vld [tilespmem:s21+$0xFFFFFF70];
	v2 =	vor.u32 v5, v2;
	v5 =	vadd.f32 v4, v6;
	v6 =	vshrl.u32 v15, $0x10  }
0xf0: {  	v12 =	vadd.f32 v61, v60;
	v11 =	vld [tilespmem:s14+$0xFFFFFF70];
	[tilespmem:s12+$0xFFFFFFD0] =	vst v2;
	v62 =	vand.u32 $0x1, v6  }
0xf1: {  	v2 =	vld [tilespmem:s15+$0xFFFFFFA0];
	v0 =	vadd.f32 v3, v13;
	v7 =	vshrl.u32 v5, $0x10;
	v13 =	vshrl.u32 v14, $0x10  }
0xf2: {  	v3 =	vshrl.u32 v12, $0x10;
	v4 =	vld [tilespmem:s13+$0xFFFFFFA0];
	v7 =	vand.u32 $0x1, v7;
	v63 =	vand.u32 $0x1, v13  }
0xf3: {  	s20 =	simm.s32 $0x8700;
	v6 =	vld [tilespmem:s15+$0xFFFFFFE0];
	v13 =	vand.u32 $0x1, v3;
	v3 =	vadd.s32 v7, v5;
	v17 =	vadd.s32 v63, v14  }
0xf4: {  	s25 =	simm.s32 $0xAD00;
	s2 =	simm.s32 $0x4;
	s19 =	simm.s32 $0xD280;
	v7 =	vld [tilespmem:s13+$0xFFFFFFE0];
	v14 =	vadd.s32 v62, v15;
	v5 =	vadd.s32 $0x7FFF, v3;
	v3 =	vadd.s32 $0x7FFF, v17  }
.LBB2_3:
0xf5: {  	v15 =	vld [tilespmem:s20+$0x0];
	v12 =	vadd.s32 v13, v12;
	s14 =	sadd.s32 $0x200, s14;
	v5 =	vshrl.u32 v5, $0x10;
	v3 =	vand.u32 $0xFFFF0000, v3  }
0xf6: {  	v14 =	vadd.s32 $0x7FFF, v14;
	v13 =	vld [tilespmem:s14+$0x0];
	v12 =	vadd.s32 $0x7FFF, v12;
	v3 =	vor.u32 v5, v3  }
0xf7: {  	v8 =	vadd.f32 v9, v8;
	v9 =	vshrl.u32 v14, $0x10;
	v5 =	vld [tilespmem:s20+$0x40];
	v12 =	vand.u32 $0xFFFF0000, v12;
	[tilespmem:s12+$0x70] =	vst v3  }
0xf8: {  	v10 =	vadd.f32 v11, v10;
	v4 =	vadd.f32 v4, v2;
	v3 =	vld [tilespmem:s14+$0x40];
	v9 =	vor.u32 v9, v12  }
0xf9: {  	v2 =	vshrl.u32 v0, $0x10;
	v12 =	vshrl.u32 v8, $0x10;
	v6 =	vadd.f32 v7, v6;
	v11 =	vld [tilespmem:s14+$0xFFFFFF00];
	[tilespmem:s23+$0x30] =	vst v9  }
0xfa: {  	v14 =	vshrl.u32 v4, $0x10;
	v7 =	vand.u32 $0x1, v12;
	v9 =	vshrl.u32 v10, $0x10;
	v12 =	vld [tilespmem:s21+$0x80]  }
0xfb: {  	v7 =	vadd.s32 v7, v8;
	v8 =	vand.u32 $0x1, v9;
	v16 =	vshrl.u32 v6, $0x10;
	v9 =	vld [tilespmem:s25+$0x80]  }
0xfc: {  	v13 =	vadd.f32 v13, v15;
	v7 =	vadd.s32 $0x7FFF, v7;
	v8 =	vadd.s32 v8, v10;
	v10 =	vld [tilespmem:s21+$0xC0]  }
0xfd: {  	v3 =	vadd.f32 v3, v5;
	v5 =	vshrl.u32 v7, $0x10;
	v7 =	vadd.s32 $0x7FFF, v8;
	v8 =	vld [tilespmem:s25+$0xC0]  }
0xfe: {  	v14 =	vand.u32 $0x1, v14;
	v17 =	vshrl.u32 v13, $0x10;
	v15 =	vld [tilespmem:s20+$0xFFFFFF40];
	v7 =	vand.u32 $0xFFFF0000, v7  }
0xff: {  	v17 =	vand.u32 $0x1, v17;
	v18 =	vld [tilespmem:s14+$0xFFFFFF40];
	v19 =	vshrl.u32 v3, $0x10;
	v5 =	vor.u32 v5, v7  }
0x100: {  	v13 =	vadd.s32 v17, v13;
	v7 =	vld [tilespmem:s20+$0xFFFFFF00];
	v17 =	vand.u32 $0x1, v19;
	[tilespmem:s23+$0xFFFFFFB0] =	vst v5;
	v5 =	vand.u32 $0x1, v16  }
0x101: {  	v13 =	vadd.s32 $0x7FFF, v13;
	v16 =	vadd.s32 v17, v3;
	v17 =	vld [tilespmem:s21+$0xFFFFFF80];
	v3 =	vadd.s32 v14, v4  }
0x102: {  	v9 =	vadd.f32 v9, v12;
	v4 =	vadd.s32 $0x7FFF, v16;
	v14 =	vld [tilespmem:s25+$0xFFFFFF80];
	v8 =	vadd.f32 v8, v10  }
0x103: {  	v5 =	vadd.s32 v5, v6;
	v10 =	vshrl.u32 v13, $0x10;
	v4 =	vand.u32 $0xFFFF0000, v4;
	v12 =	vld [tilespmem:s21+$0xFFFFFFC0]  }
0x104: {  	s23 =	sadd.s32 $0x100, s23;
	v4 =	vor.u32 v10, v4;
	v6 =	vld [tilespmem:s25+$0xFFFFFFC0];
	v10 =	vshrl.u32 v9, $0x10;
	v13 =	vshrl.u32 v8, $0x10  }
0x105: {  	v7 =	vadd.f32 v11, v7;
	[tilespmem:s23+$0x0] =	vst v4;
	v10 =	vand.u32 $0x1, v10;
	v11 =	vand.u32 $0x1, v13;
	v4 =	vld [tilespmem:s11+$0xFFFFFFF0];
	s11 =	smov.u32 s13;
	s13 =	smov.u32 s25;
	s25 =	smov.u32 s14  }
0x106: {  	v13 =	vadd.f32 v18, v15;
	v15 =	vld [tilespmem:s20+$0x10];
	v9 =	vadd.s32 v10, v9;
	v8 =	vadd.s32 v11, v8  }
0x107: {  	v10 =	vshrl.u32 v7, $0x10;
	v11 =	vld [tilespmem:s14+$0x10];
	v9 =	vadd.s32 $0x7FFF, v9;
	v8 =	vadd.s32 $0x7FFF, v8  }
0x108: {  	v16 =	vshrl.u32 v13, $0x10;
	v18 =	vld [tilespmem:s20+$0x50];
	v9 =	vshrl.u32 v9, $0x10;
	v8 =	vand.u32 $0xFFFF0000, v8  }
0x109: {  	v10 =	vand.u32 $0x1, v10;
	v16 =	vand.u32 $0x1, v16;
	v19 =	vld [tilespmem:s14+$0x50];
	v8 =	vor.u32 v9, v8  }
0x10a: {  	v7 =	vadd.s32 v10, v7;
	v9 =	vadd.s32 v16, v13;
	v10 =	vadd.f32 v14, v17;
	[tilespmem:s19+$0x40] =	vst v8  }
0x10b: {  	v6 =	vadd.f32 v6, v12;
	v7 =	vadd.s32 $0x7FFF, v7;
	v8 =	vadd.s32 $0x7FFF, v9;
	v9 =	vld [tilespmem:s21+$0x90]  }
0x10c: {  	v7 =	vshrl.u32 v7, $0x10;
	v8 =	vand.u32 $0xFFFF0000, v8;
	v12 =	vshrl.u32 v10, $0x10;
	v13 =	vld [tilespmem:s13+$0x90]  }
0x10d: {  	v7 =	vor.u32 v7, v8;
	v8 =	vadd.f32 v11, v15;
	v11 =	vshrl.u32 v6, $0x10;
	v14 =	vld [tilespmem:s21+$0xD0]  }
0x10e: {  	v12 =	vand.u32 $0x1, v12;
	v11 =	vand.u32 $0x1, v11;
	[tilespmem:s23+$0xFFFFFF80] =	vst v7;
	v7 =	vadd.f32 v19, v18;
	v15 =	vld [tilespmem:s13+$0xD0]  }
0x10f: {  	v10 =	vadd.s32 v12, v10;
	v17 =	vshrl.u32 v8, $0x10;
	v6 =	vadd.s32 v11, v6;
	v16 =	vld [tilespmem:s20+$0xFFFFFF10]  }
0x110: {  	v10 =	vadd.s32 $0x7FFF, v10;
	v12 =	vand.u32 $0x1, v17;
	v11 =	vld [tilespmem:s14+$0xFFFFFF10];
	v17 =	vshrl.u32 v7, $0x10  }
0x111: {  	v6 =	vadd.s32 $0x7FFF, v6;
	v8 =	vadd.s32 v12, v8;
	v18 =	vld [tilespmem:s20+$0xFFFFFF50];
	v12 =	vand.u32 $0x1, v17  }
0x112: {  	v10 =	vshrl.u32 v10, $0x10;
	v8 =	vadd.s32 $0x7FFF, v8;
	v17 =	vld [tilespmem:s14+$0xFFFFFF50];
	v7 =	vadd.s32 v12, v7  }
0x113: {  	v9 =	vadd.f32 v13, v9;
	v7 =	vadd.s32 $0x7FFF, v7;
	v12 =	vadd.f32 v15, v14  }
0x114: {  	s2 =	sadd.s32 $0x2, s2;
	v6 =	vand.u32 $0xFFFF0000, v6;
	v8 =	vshrl.u32 v8, $0x10;
	v7 =	vand.u32 $0xFFFF0000, v7  }
0x115: {  	p1 =	slt.u32 s2, $0x26;
	v7 =	vor.u32 v8, v7;
	v8 =	vshrl.u32 v9, $0x10;
	v13 =	vshrl.u32 v12, $0x10  }
0x116: {  	v11 =	vadd.f32 v11, v16;
	[tilespmem:s23+$0x10] =	vst v7;
	v7 =	vand.u32 $0x1, v8;
	v8 =	vand.u32 $0x1, v13  }
0x117: {  	v13 =	vadd.f32 v17, v18;
	v14 =	vld [tilespmem:s20+$0x20];
	v7 =	vadd.s32 v7, v9;
	v8 =	vadd.s32 v8, v12  }
0x118: {  	v9 =	vshrl.u32 v11, $0x10;
	v12 =	vld [tilespmem:s14+$0x20];
	v7 =	vadd.s32 $0x7FFF, v7;
	v8 =	vadd.s32 $0x7FFF, v8  }
0x119: {  	v15 =	vshrl.u32 v13, $0x10;
	v16 =	vld [tilespmem:s20+$0x60];
	v7 =	vshrl.u32 v7, $0x10;
	v8 =	vand.u32 $0xFFFF0000, v8  }
0x11a: {  	v9 =	vand.u32 $0x1, v9;
	v15 =	vand.u32 $0x1, v15;
	v17 =	vld [tilespmem:s14+$0x60];
	v7 =	vor.u32 v7, v8  }
0x11b: {  	v6 =	vor.u32 v10, v6;
	v8 =	vadd.s32 v9, v11;
	v9 =	vadd.s32 v15, v13;
	[tilespmem:s19+$0x50] =	vst v7  }
0x11c: {  	v3 =	vadd.s32 $0x7FFF, v3;
	v7 =	vadd.s32 $0x7FFF, v8;
	v8 =	vadd.s32 $0x7FFF, v9;
	[tilespmem:s19+$0xFFFFFFC0] =	vst v6;
	v6 =	vld [tilespmem:s21+$0xA0]  }
0x11d: {  	v5 =	vadd.s32 $0x7FFF, v5;
	v7 =	vshrl.u32 v7, $0x10;
	v8 =	vand.u32 $0xFFFF0000, v8;
	v9 =	vld [tilespmem:s13+$0xA0]  }
0x11e: {  	v3 =	vshrl.u32 v3, $0x10;
	v5 =	vand.u32 $0xFFFF0000, v5;
	v7 =	vor.u32 v7, v8;
	v8 =	vld [tilespmem:s21+$0xE0]  }
0x11f: {  	v3 =	vor.u32 v3, v5;
	[tilespmem:s23+$0xFFFFFF90] =	vst v7;
	v7 =	vadd.f32 v12, v14;
	v10 =	vadd.f32 v17, v16;
	v11 =	vld [tilespmem:s13+$0xE0]  }
0x120: {  	v2 =	vand.u32 $0x1, v2;
	v1 =	vadd.f32 v4, v1;
	v5 =	vld [tilespmem:s20+$0xFFFFFF20];
	[tilespmem:s12+$0xFFFFFFE0] =	vst v3  }
0x121: {  	v0 =	vadd.s32 v2, v0;
	v3 =	vld [tilespmem:s14+$0xFFFFFF20];
	v4 =	vshrl.u32 v7, $0x10;
	v12 =	vshrl.u32 v10, $0x10  }
0x122: {  	v13 =	vshrl.u32 v1, $0x10;
	v2 =	vld [tilespmem:s20+$0xFFFFFF60];
	v4 =	vand.u32 $0x1, v4;
	v12 =	vand.u32 $0x1, v12  }
0x123: {  	v14 =	vld [tilespmem:s14+$0xFFFFFF60];
	v4 =	vadd.s32 v4, v7;
	v7 =	vadd.s32 v12, v10;
	v10 =	vand.u32 $0x1, v13  }
0x124: {  	v6 =	vadd.f32 v9, v6;
	v4 =	vadd.s32 $0x7FFF, v4;
	v12 =	vld [tilespmem:s21+$0xFFFFFF90];
	v8 =	vadd.f32 v11, v8  }
0x125: {  	v7 =	vadd.s32 $0x7FFF, v7;
	v1 =	vadd.s32 v10, v1;
	v4 =	vshrl.u32 v4, $0x10;
	v9 =	vld [tilespmem:s13+$0xFFFFFF90]  }
0x126: {  	v11 =	vshrl.u32 v6, $0x10;
	v7 =	vand.u32 $0xFFFF0000, v7;
	v10 =	vld [tilespmem:s21+$0xFFFFFFD0];
	v13 =	vshrl.u32 v8, $0x10  }
0x127: {  	v11 =	vand.u32 $0x1, v11;
	v4 =	vor.u32 v4, v7;
	v7 =	vld [tilespmem:s13+$0xFFFFFFD0];
	v13 =	vand.u32 $0x1, v13  }
0x128: {  	v3 =	vadd.f32 v3, v5;
	[tilespmem:s23+$0x20] =	vst v4;
	v4 =	vadd.s32 v11, v6;
	v5 =	vadd.s32 v13, v8;
	v6 =	vld [tilespmem:s15+$0xFFFFFFB0]  }
0x129: {  	v2 =	vadd.f32 v14, v2;
	v11 =	vld [tilespmem:s20+$0x30];
	v4 =	vadd.s32 $0x7FFF, v4;
	v5 =	vadd.s32 $0x7FFF, v5  }
0x12a: {  	v8 =	vshrl.u32 v3, $0x10;
	v13 =	vld [tilespmem:s14+$0x30];
	v4 =	vshrl.u32 v4, $0x10;
	v5 =	vand.u32 $0xFFFF0000, v5  }
0x12b: {  	v8 =	vand.u32 $0x1, v8;
	v14 =	vshrl.u32 v2, $0x10;
	v15 =	vld [tilespmem:s20+$0x70];
	v4 =	vor.u32 v4, v5  }
0x12c: {  	v3 =	vadd.s32 v8, v3;
	v8 =	vadd.f32 v9, v12;
	v5 =	vand.u32 $0x1, v14;
	v14 =	vld [tilespmem:s14+$0x70];
	[tilespmem:s19+$0x60] =	vst v4  }
0x12d: {  	v3 =	vadd.s32 $0x7FFF, v3;
	v2 =	vadd.s32 v5, v2;
	v4 =	vadd.f32 v7, v10;
	v5 =	vld [tilespmem:s21+$0xB0]  }
0x12e: {  	v3 =	vshrl.u32 v3, $0x10;
	v7 =	vshrl.u32 v8, $0x10;
	v2 =	vadd.s32 $0x7FFF, v2;
	v16 =	vld [tilespmem:s13+$0xB0]  }
0x12f: {  	v7 =	vand.u32 $0x1, v7;
	v2 =	vand.u32 $0xFFFF0000, v2;
	v9 =	vshrl.u32 v4, $0x10;
	v17 =	vld [tilespmem:s21+$0xF0]  }
0x130: {  	v2 =	vor.u32 v3, v2;
	v3 =	vadd.s32 v7, v8;
	v7 =	vand.u32 $0x1, v9;
	v18 =	vld [tilespmem:s13+$0xF0]  }
0x131: {  	v0 =	vadd.s32 $0x7FFF, v0;
	[tilespmem:s23+$0xFFFFFFA0] =	vst v2;
	v2 =	vadd.s32 $0x7FFF, v3;
	v3 =	vadd.s32 v7, v4;
	v4 =	vld [tilespmem:s11+$0xFFFFFFB0]  }
0x132: {  	v1 =	vadd.s32 $0x7FFF, v1;
	v8 =	vld [tilespmem:s20+$0xFFFFFF30];
	v2 =	vshrl.u32 v2, $0x10;
	v3 =	vadd.s32 $0x7FFF, v3  }
0x133: {  	v0 =	vshrl.u32 v0, $0x10;
	v1 =	vand.u32 $0xFFFF0000, v1;
	v9 =	vld [tilespmem:s14+$0xFFFFFF30];
	v3 =	vand.u32 $0xFFFF0000, v3  }
0x134: {  	v19 =	vadd.f32 v13, v11;
	v12 =	vadd.f32 v14, v15;
	v10 =	vld [tilespmem:s20+$0xFFFFFF70];
	v2 =	vor.u32 v2, v3  }
0x135: {  	v1 =	vor.u32 v0, v1;
	v3 =	vadd.f32 v16, v5;
	v11 =	vld [tilespmem:s14+$0xFFFFFF70];
	[tilespmem:s19+$0xFFFFFFD0] =	vst v2;
	v5 =	vadd.f32 v18, v17  }
.Ltmp0:
0x136: {  	v7 =	vshrl.u32 v19, $0x10;
	v2 =	vld [tilespmem:s21+$0xFFFFFFA0];
	v0 =	vadd.f32 v4, v6;
	[tilespmem:s8+$0xFFFFFFF0] =	vst v1;
	s8 =	smov.u32 s12;
	s12 =	smov.u32 s19;
	(pc) =	sbr.rel @p1 .LBB2_3-.Ltmp0, $4  }
0x137: {  	v1 =	vshrl.u32 v12, $0x10;
	v13 =	vshrl.u32 v3, $0x10;
	s19 =	smov.u32 s23;
	v4 =	vld [tilespmem:s13+$0xFFFFFFA0];
	v14 =	vshrl.u32 v5, $0x10  }
0x138: {  	v15 =	vand.u32 $0x1, v7;
	v16 =	vand.u32 $0x1, v13;
	v6 =	vld [tilespmem:s21+$0xFFFFFFE0];
	v14 =	vand.u32 $0x1, v14  }
0x139: {  	v13 =	vand.u32 $0x1, v1;
	v1 =	vadd.s32 v16, v3;
	v7 =	vld [tilespmem:s13+$0xFFFFFFE0];
	v3 =	vadd.s32 v14, v5  }
0x13a: {  	v14 =	vadd.s32 v15, v19;
	v5 =	vadd.s32 $0x7FFF, v1;
	v3 =	vadd.s32 $0x7FFF, v3;
	v1 =	vld [tilespmem:s15+$0xFFFFFFF0];
	s15 =	smov.u32 s21;
	s21 =	smov.u32 s20;
	s20 =	sadd.s32 $0x200, s20  }
0x13b: {  	v12 =	vadd.s32 v13, v12  }
0x13c: {  	v13 =	vadd.s32 $0x7FFF, v14;
	v12 =	vadd.s32 $0x7FFF, v12  }
0x13d: {  	v13 =	vshrl.u32 v13, $0x10;
	v12 =	vand.u32 $0xFFFF0000, v12  }
0x13e: {  	v8 =	vadd.f32 v9, v8;
	v9 =	vadd.f32 v11, v10;
	v10 =	vor.u32 v13, v12  }
0x13f: {  	[tilespmem:s23+$0x30] =	vst v10  }
0x140: {  	v11 =	vshrl.u32 v9, $0x10;
	v10 =	vshrl.u32 v8, $0x10;
	v12 =	vld [tilespmem:s21+$0x80]  }
0x141: {  	v11 =	vand.u32 $0x1, v11;
	v10 =	vand.u32 $0x1, v10;
	v13 =	vld [tilespmem:s25+$0x80]  }
0x142: {  	v9 =	vadd.s32 v11, v9;
	v11 =	vld [tilespmem:s25+$0xC0];
	v8 =	vadd.s32 v10, v8  }
0x143: {  	v9 =	vadd.s32 $0x7FFF, v9;
	v10 =	vld [tilespmem:s21+$0xC0];
	v8 =	vadd.s32 $0x7FFF, v8  }
0x144: {  	v9 =	vand.u32 $0xFFFF0000, v9;
	v8 =	vshrl.u32 v8, $0x10  }
0x145: {  	v8 =	vor.u32 v8, v9  }
0x146: {  	[tilespmem:s23+$0xFFFFFFB0] =	vst v8  }
0x147: {  	v8 =	vld [tilespmem:s21+$0xFFFFFF80]  }
0x148: {  	v12 =	vadd.f32 v13, v12;
	v9 =	vld [tilespmem:s25+$0xFFFFFF80];
	v10 =	vadd.f32 v11, v10  }
0x149: {  	v11 =	vld [tilespmem:s21+$0xFFFFFFC0]  }
0x14a: {  	v13 =	vld [tilespmem:s25+$0xFFFFFFC0];
	v14 =	vshrl.u32 v12, $0x10;
	v15 =	vshrl.u32 v10, $0x10  }
0x14b: {  	v14 =	vand.u32 $0x1, v14;
	v15 =	vand.u32 $0x1, v15  }
0x14c: {  	v12 =	vadd.s32 v14, v12;
	v10 =	vadd.s32 v15, v10  }
0x14d: {  	v12 =	vadd.s32 $0x7FFF, v12;
	v10 =	vadd.s32 $0x7FFF, v10  }
0x14e: {  	v12 =	vshrl.u32 v12, $0x10;
	v10 =	vand.u32 $0xFFFF0000, v10  }
0x14f: {  	v8 =	vadd.f32 v9, v8;
	v9 =	vadd.f32 v13, v11;
	v10 =	vor.u32 v12, v10  }
0x150: {  	[tilespmem:s19+$0x40] =	vst v10  }
0x151: {  	v11 =	vshrl.u32 v8, $0x10;
	v12 =	vshrl.u32 v9, $0x10;
	v10 =	vld [tilespmem:s21+$0x90]  }
0x152: {  	v11 =	vand.u32 $0x1, v11;
	v12 =	vand.u32 $0x1, v12;
	v13 =	vld [tilespmem:s25+$0x90]  }
0x153: {  	v14 =	vld [tilespmem:s21+$0xD0];
	v8 =	vadd.s32 v11, v8;
	v9 =	vadd.s32 v12, v9  }
0x154: {  	v11 =	vld [tilespmem:s25+$0xD0];
	v8 =	vadd.s32 $0x7FFF, v8;
	v9 =	vadd.s32 $0x7FFF, v9  }
0x155: {  	v8 =	vshrl.u32 v8, $0x10;
	v9 =	vand.u32 $0xFFFF0000, v9  }
0x156: {  	v8 =	vor.u32 v8, v9  }
0x157: {  	[tilespmem:s19+$0xFFFFFFC0] =	vst v8  }
0x158: {  	v8 =	vld [tilespmem:s21+$0xFFFFFF90]  }
0x159: {  	v9 =	vadd.f32 v13, v10;
	v10 =	vadd.f32 v11, v14;
	v11 =	vld [tilespmem:s25+$0xFFFFFF90]  }
0x15a: {  	v12 =	vld [tilespmem:s21+$0xFFFFFFD0]  }
0x15b: {  	v15 =	vld [tilespmem:s25+$0xFFFFFFD0];
	v13 =	vshrl.u32 v9, $0x10;
	v14 =	vshrl.u32 v10, $0x10  }
0x15c: {  	v13 =	vand.u32 $0x1, v13;
	v14 =	vand.u32 $0x1, v14  }
0x15d: {  	v9 =	vadd.s32 v13, v9;
	v10 =	vadd.s32 v14, v10  }
0x15e: {  	v9 =	vadd.s32 $0x7FFF, v9;
	v10 =	vadd.s32 $0x7FFF, v10  }
0x15f: {  	v9 =	vshrl.u32 v9, $0x10;
	v10 =	vand.u32 $0xFFFF0000, v10  }
0x160: {  	v8 =	vadd.f32 v11, v8;
	v9 =	vor.u32 v9, v10;
	v10 =	vadd.f32 v15, v12  }
0x161: {  	[tilespmem:s19+$0x50] =	vst v9  }
0x162: {  	v11 =	vshrl.u32 v8, $0x10;
	v9 =	vld [tilespmem:s21+$0xA0];
	v12 =	vshrl.u32 v10, $0x10  }
0x163: {  	v11 =	vand.u32 $0x1, v11;
	v13 =	vld [tilespmem:s25+$0xA0];
	v12 =	vand.u32 $0x1, v12  }
0x164: {  	v14 =	vld [tilespmem:s21+$0xE0];
	v8 =	vadd.s32 v11, v8;
	v10 =	vadd.s32 v12, v10  }
0x165: {  	v2 =	vadd.f32 v4, v2;
	v11 =	vld [tilespmem:s25+$0xE0];
	v8 =	vadd.s32 $0x7FFF, v8;
	v10 =	vadd.s32 $0x7FFF, v10  }
0x166: {  	v4 =	vshrl.u32 v8, $0x10;
	v8 =	vand.u32 $0xFFFF0000, v10  }
0x167: {  	v6 =	vadd.f32 v7, v6;
	v7 =	vshrl.u32 v2, $0x10;
	v4 =	vor.u32 v4, v8  }
0x168: {  	v7 =	vand.u32 $0x1, v7;
	[tilespmem:s19+$0xFFFFFFD0] =	vst v4  }
0x169: {  	v2 =	vadd.s32 v7, v2;
	v8 =	vld [tilespmem:s21+$0xFFFFFFA0]  }
0x16a: {  	v9 =	vadd.f32 v13, v9;
	v10 =	vadd.f32 v11, v14;
	v4 =	vshrl.u32 v6, $0x10;
	v11 =	vld [tilespmem:s25+$0xFFFFFFA0]  }
0x16b: {  	v2 =	vadd.s32 $0x7FFF, v2;
	v4 =	vand.u32 $0x1, v4;
	v13 =	vld [tilespmem:s25+$0xFFFFFFE0]  }
0x16c: {  	v7 =	vshrl.u32 v9, $0x10;
	v12 =	vshrl.u32 v10, $0x10;
	v4 =	vadd.s32 v4, v6;
	v6 =	vld [tilespmem:s21+$0xFFFFFFE0]  }
0x16d: {  	v2 =	vshrl.u32 v2, $0x10;
	v7 =	vand.u32 $0x1, v7;
	v12 =	vand.u32 $0x1, v12  }
0x16e: {  	v4 =	vadd.s32 $0x7FFF, v4;
	v7 =	vadd.s32 v7, v9;
	v9 =	vadd.s32 v12, v10  }
0x16f: {  	v4 =	vand.u32 $0xFFFF0000, v4;
	v7 =	vadd.s32 $0x7FFF, v7;
	v9 =	vadd.s32 $0x7FFF, v9  }
0x170: {  	v2 =	vor.u32 v2, v4;
	v4 =	vshrl.u32 v7, $0x10;
	v7 =	vand.u32 $0xFFFF0000, v9  }
0x171: {  	v9 =	vld [tilespmem:s11+$0xFFFFFFF0];
	[tilespmem:s12+$0xFFFFFFE0] =	vst v2;
	v2 =	vor.u32 v4, v7;
	v4 =	vadd.f32 v11, v8;
	v6 =	vadd.f32 v13, v6  }
0x172: {  	v7 =	vld [tilespmem:s15+$0xFFFFFFB0];
	[tilespmem:s19+$0x60] =	vst v2  }
0x173: {  	v5 =	vshrl.u32 v5, $0x10;
	v2 =	vld [tilespmem:s21+$0xB0];
	v8 =	vshrl.u32 v4, $0x10;
	v10 =	vshrl.u32 v6, $0x10  }
0x174: {  	v3 =	vand.u32 $0xFFFF0000, v3;
	v11 =	vld [tilespmem:s25+$0xB0];
	v8 =	vand.u32 $0x1, v8;
	v10 =	vand.u32 $0x1, v10  }
0x175: {  	v3 =	vor.u32 v5, v3;
	v12 =	vld [tilespmem:s21+$0xF0];
	v4 =	vadd.s32 v8, v4;
	v6 =	vadd.s32 v10, v6  }
0x176: {  	v1 =	vadd.f32 v9, v1;
	v8 =	vld [tilespmem:s25+$0xF0];
	v4 =	vadd.s32 $0x7FFF, v4;
	v6 =	vadd.s32 $0x7FFF, v6  }
0x177: {  	v9 =	vld [tilespmem:s13+$0xFFFFFFB0];
	v10 =	vshrl.u32 v0, $0x10;
	v4 =	vshrl.u32 v4, $0x10;
	v6 =	vand.u32 $0xFFFF0000, v6  }
0x178: {  	v14 =	vld [tilespmem:s15+$0xFFFFFFF0];
	v13 =	vshrl.u32 v1, $0x10;
	v5 =	vand.u32 $0x1, v10;
	v4 =	vor.u32 v4, v6  }
0x179: {  	v10 =	vld [tilespmem:s13+$0xFFFFFFF0];
	v0 =	vadd.s32 v5, v0;
	v6 =	vand.u32 $0x1, v13;
	[tilespmem:s19+$0xFFFFFFE0] =	vst v4  }
0x17a: {  	v2 =	vadd.f32 v11, v2;
	v0 =	vadd.s32 $0x7FFF, v0;
	v1 =	vadd.s32 v6, v1;
	v4 =	vld [tilespmem:s21+$0xFFFFFFB0]  }
0x17b: {  	v5 =	vadd.f32 v8, v12;
	v0 =	vshrl.u32 v0, $0x10;
	v1 =	vadd.s32 $0x7FFF, v1;
	v6 =	vld [tilespmem:s25+$0xFFFFFFB0]  }
0x17c: {  	v8 =	vshrl.u32 v2, $0x10;
	v7 =	vadd.f32 v9, v7;
	v11 =	vld [tilespmem:s21+$0xFFFFFFF0];
	v1 =	vand.u32 $0xFFFF0000, v1  }
0x17d: {  	v8 =	vand.u32 $0x1, v8;
	v12 =	vld [tilespmem:s25+$0xFFFFFFF0];
	v0 =	vor.u32 v0, v1;
	v1 =	vshrl.u32 v5, $0x10  }
0x17e: {  	v2 =	vadd.s32 v8, v2;
	v8 =	vshrl.u32 v7, $0x10;
	v1 =	vand.u32 $0x1, v1  }
0x17f: {  	v2 =	vadd.s32 $0x7FFF, v2;
	v1 =	vadd.s32 v1, v5;
	v5 =	vadd.f32 v10, v14  }
0x180: {  	v8 =	vand.u32 $0x1, v8;
	v2 =	vshrl.u32 v2, $0x10  }
0x181: {  	v1 =	vadd.s32 $0x7FFF, v1;
	v4 =	vadd.f32 v6, v4;
	v9 =	vshrl.u32 v5, $0x10  }
0x182: {  	v6 =	vadd.f32 v12, v11;
	v1 =	vand.u32 $0xFFFF0000, v1;
	v9 =	vand.u32 $0x1, v9  }
0x183: {  	v1 =	vor.u32 v2, v1;
	v2 =	vadd.s32 v8, v7;
	v7 =	vshrl.u32 v4, $0x10  }
0x184: {  	v8 =	vshrl.u32 v6, $0x10;
	v5 =	vadd.s32 v9, v5;
	v2 =	vadd.s32 $0x7FFF, v2  }
0x185: {  	v7 =	vand.u32 $0x1, v7;
	v8 =	vand.u32 $0x1, v8;
	v5 =	vadd.s32 $0x7FFF, v5  }
0x186: {  	[tilespmem:s12+$0x70] =	vst v3;
	s15 =	smul.u32 $0x50, s7;
	v2 =	vshrl.u32 v2, $0x10;
	v3 =	vadd.s32 v7, v4;
	v4 =	vadd.s32 v8, v6  }
0x187: {  	[tilespmem:s8+$0xFFFFFFF0] =	vst v0;
	v0 =	vand.u32 $0xFFFF0000, v5;
	v3 =	vadd.s32 $0x7FFF, v3;
	v4 =	vadd.s32 $0x7FFF, v4  }
0x188: {  	s2 =	sadd.s32 s6, s15;
	[tilespmem:s19+$0x70] =	vst v1;
	v0 =	vor.u32 v2, v0;
	v1 =	vshrl.u32 v3, $0x10;
	v2 =	vand.u32 $0xFFFF0000, v4  }
0x189: {  	s2 =	sshll.u32 s2, $0x3;
	[tilespmem:s12+$0xFFFFFFF0] =	vst v0;
	v0 =	vor.u32 v1, v2  }
0x18a: {  	s2 =	sadd.s32 s5, s2;
	s8 =	sadd.s32 $0x1, s7;
	[tilespmem:s19+$0xFFFFFFF0] =	vst v0  }
0x18b: {  	[hbm4b:s2+s3] =	stream.linear.scatter [tilespmem:s29], [sflag:$0x4], $0x1400, $0x38;
	[tilespmem:$0x1AC00] =	vst v63  }
0x18c: {  	s25 =	sshll.u32 s8, $0x7  }
0x18d: {  	[tilespmem:s17], [sflag:$0x1] =	stream.indirect.gather [hbm4b:s1+s16], $0x80, s25, s16, $0xb8;
	[tilespmem:$0x1AC00] =	vst v63  }
0x18e: {  	s2 =	sadd.s32 $0x4000, s25  }
0x18f: {  	[tilespmem:s18], [sflag:$0x1] =	stream.indirect.gather [hbm4b:s4+s16], $0x80, s2, s16, $0xb8;
	[tilespmem:$0x1AC00] =	vst v63  }
0x190: {  	_ =	swait.ge [sflag:s30], $0x2800  }
0x191: {  	[sflag:s30] =	ssyncset.done $0x0  }
0x192: {  	[sflag:s30] =	ssyncadd.s32 $0xFFFFD800  }
0x193: {  	_ =	swait.ge [sflag:s30], $0x2800  }
0x194: {  	[sflag:s30] =	ssyncset.done $0x0  }
0x195: {  	s2 =	simm.s32 @!p0 $0x5;
	[sflag:s30] =	ssyncadd.s32 $0xFFFFD800  }
0x196: {  	_ =	swait.ge @!p0 [sflag:s2], $0x1400  }
0x197: {  	[sflag:s2] =	ssyncset.done @!p0 $0x0  }
0x198: {  	[sflag:s2] =	ssyncadd.s32 @!p0 $0xFFFFEC00;
	s2 =	simm.s32 $0xE500  }
0x199: {  	s12 =	simm.s32 $0x10D00;
	v0 =	vld [tilespmem:s2+$0x0]  }
0x19a: {  	v1 =	vld [tilespmem:s12+$0x0]  }
0x19b: {  	v2 =	vld [tilespmem:s2+$0x40]  }
0x19c: {  	v3 =	vld [tilespmem:s12+$0x40];
	_ =	sdelay $0x4  }
0x19d: {  	v0 =	vadd.f32 v1, v0;
	v1 =	vadd.f32 v3, v2  }
0x19e: {  	v4 =	vld [tilespmem:s12+$0xFFFFFF00]  }
0x19f: {  	v5 =	vld [tilespmem:s12+$0xFFFFFF40];
	v3 =	vshrl.u32 v0, $0x10;
	v6 =	vshrl.u32 v1, $0x10  }
0x1a0: {  	v7 =	vld [tilespmem:s2+$0xFFFFFF00];
	v3 =	vand.u32 $0x1, v3;
	v6 =	vand.u32 $0x1, v6  }
0x1a1: {  	v2 =	vld [tilespmem:s2+$0xFFFFFF40];
	v0 =	vadd.s32 v3, v0;
	v1 =	vadd.s32 v6, v1  }
0x1a2: {  	v0 =	vadd.s32 $0x7FFF, v0;
	v1 =	vadd.s32 $0x7FFF, v1  }
0x1a3: {  	v0 =	vshrl.u32 v0, $0x10;
	v1 =	vand.u32 $0xFFFF0000, v1  }
0x1a4: {  	s11 =	simm.s32 $0x13480;
	v0 =	vor.u32 v0, v1  }
0x1a5: {  	[tilespmem:s11+$0x0] =	vst v0  }
0x1a6: {  	v1 =	vadd.f32 v4, v7;
	v0 =	vadd.f32 v5, v2;
	v2 =	vld [tilespmem:s2+$0x10]  }
0x1a7: {  	v4 =	vld [tilespmem:s12+$0x10]  }
0x1a8: {  	v3 =	vshrl.u32 v1, $0x10;
	v6 =	vld [tilespmem:s2+$0x50];
	v5 =	vshrl.u32 v0, $0x10  }
0x1a9: {  	v7 =	vld [tilespmem:s12+$0x50];
	v3 =	vand.u32 $0x1, v3;
	v5 =	vand.u32 $0x1, v5  }
0x1aa: {  	v1 =	vadd.s32 v3, v1;
	v0 =	vadd.s32 v5, v0  }
0x1ab: {  	v1 =	vadd.s32 $0x7FFF, v1;
	v0 =	vadd.s32 $0x7FFF, v0  }
0x1ac: {  	v1 =	vshrl.u32 v1, $0x10;
	v0 =	vand.u32 $0xFFFF0000, v0  }
0x1ad: {  	v0 =	vor.u32 v1, v0  }
0x1ae: {  	v1 =	vadd.f32 v7, v6;
	[tilespmem:s11+$0xFFFFFF80] =	vst v0;
	v0 =	vadd.f32 v4, v2  }
0x1af: {  	v2 =	vld [tilespmem:s2+$0xFFFFFF10]  }
0x1b0: {  	v3 =	vld [tilespmem:s12+$0xFFFFFF10];
	v5 =	vshrl.u32 v1, $0x10;
	v4 =	vshrl.u32 v0, $0x10  }
0x1b1: {  	v6 =	vld [tilespmem:s2+$0xFFFFFF50];
	v5 =	vand.u32 $0x1, v5;
	v4 =	vand.u32 $0x1, v4  }
0x1b2: {  	v7 =	vld [tilespmem:s12+$0xFFFFFF50];
	v1 =	vadd.s32 v5, v1;
	v0 =	vadd.s32 v4, v0  }
0x1b3: {  	v1 =	vadd.s32 $0x7FFF, v1;
	v0 =	vadd.s32 $0x7FFF, v0  }
0x1b4: {  	v1 =	vand.u32 $0xFFFF0000, v1;
	v0 =	vshrl.u32 v0, $0x10  }
0x1b5: {  	v0 =	vor.u32 v0, v1  }
0x1b6: {  	[tilespmem:s11+$0x10] =	vst v0  }
0x1b7: {  	v1 =	vadd.f32 v3, v2;
	v0 =	vadd.f32 v7, v6;
	v2 =	vld [tilespmem:s2+$0x20]  }
0x1b8: {  	v4 =	vld [tilespmem:s12+$0x20]  }
0x1b9: {  	v3 =	vshrl.u32 v1, $0x10;
	v6 =	vld [tilespmem:s2+$0x60];
	v5 =	vshrl.u32 v0, $0x10  }
0x1ba: {  	v7 =	vld [tilespmem:s12+$0x60];
	v3 =	vand.u32 $0x1, v3;
	v5 =	vand.u32 $0x1, v5  }
0x1bb: {  	v1 =	vadd.s32 v3, v1;
	v0 =	vadd.s32 v5, v0  }
0x1bc: {  	v1 =	vadd.s32 $0x7FFF, v1;
	v0 =	vadd.s32 $0x7FFF, v0  }
0x1bd: {  	v1 =	vshrl.u32 v1, $0x10;
	v0 =	vand.u32 $0xFFFF0000, v0  }
0x1be: {  	v0 =	vor.u32 v1, v0  }
0x1bf: {  	v1 =	vadd.f32 v7, v6;
	[tilespmem:s11+$0xFFFFFF90] =	vst v0;
	v0 =	vadd.f32 v4, v2  }
0x1c0: {  	v2 =	vld [tilespmem:s2+$0xFFFFFF20]  }
0x1c1: {  	v3 =	vld [tilespmem:s12+$0xFFFFFF20];
	v5 =	vshrl.u32 v1, $0x10;
	v4 =	vshrl.u32 v0, $0x10  }
0x1c2: {  	v6 =	vld [tilespmem:s2+$0xFFFFFF60];
	v5 =	vand.u32 $0x1, v5;
	v4 =	vand.u32 $0x1, v4  }
0x1c3: {  	v7 =	vld [tilespmem:s12+$0xFFFFFF60];
	v1 =	vadd.s32 v5, v1;
	v0 =	vadd.s32 v4, v0  }
0x1c4: {  	v1 =	vadd.s32 $0x7FFF, v1;
	v0 =	vadd.s32 $0x7FFF, v0  }
0x1c5: {  	v1 =	vand.u32 $0xFFFF0000, v1;
	v0 =	vshrl.u32 v0, $0x10  }
0x1c6: {  	v0 =	vor.u32 v0, v1  }
0x1c7: {  	v1 =	vadd.f32 v3, v2;
	[tilespmem:s11+$0x20] =	vst v0  }
0x1c8: {  	v0 =	vadd.f32 v7, v6;
	v2 =	vld [tilespmem:s2+$0x30]  }
0x1c9: {  	v3 =	vshrl.u32 v1, $0x10;
	v4 =	vld [tilespmem:s12+$0x30]  }
0x1ca: {  	v6 =	vld [tilespmem:s2+$0x70];
	v5 =	vshrl.u32 v0, $0x10;
	v3 =	vand.u32 $0x1, v3  }
0x1cb: {  	v5 =	vand.u32 $0x1, v5;
	v1 =	vadd.s32 v3, v1;
	v3 =	vld [tilespmem:s12+$0x70]  }
0x1cc: {  	v0 =	vadd.s32 v5, v0  }
0x1cd: {  	v1 =	vadd.s32 $0x7FFF, v1;
	v0 =	vadd.s32 $0x7FFF, v0  }
0x1ce: {  	v1 =	vshrl.u32 v1, $0x10;
	v0 =	vand.u32 $0xFFFF0000, v0  }
0x1cf: {  	s21 =	simm.s32 $0xE700;
	v0 =	vor.u32 v1, v0  }
0x1d0: {  	v8 =	vld [tilespmem:s21+$0x40];
	v1 =	vadd.f32 v4, v2;
	[tilespmem:s11+$0xFFFFFFA0] =	vst v0;
	v2 =	vadd.f32 v3, v6  }
0x1d1: {  	v0 =	vld [tilespmem:s2+$0xFFFFFF30]  }
0x1d2: {  	v3 =	vld [tilespmem:s12+$0xFFFFFF30];
	v5 =	vshrl.u32 v1, $0x10;
	v6 =	vshrl.u32 v2, $0x10  }
0x1d3: {  	v4 =	vld [tilespmem:s2+$0xFFFFFF70];
	v5 =	vand.u32 $0x1, v5;
	v6 =	vand.u32 $0x1, v6  }
0x1d4: {  	v7 =	vld [tilespmem:s12+$0xFFFFFF70];
	v1 =	vadd.s32 v5, v1;
	v2 =	vadd.s32 v6, v2  }
0x1d5: {  	s25 =	simm.s32 $0x10F00;
	v5 =	vld [tilespmem:s21+$0x0];
	v1 =	vadd.s32 $0x7FFF, v1;
	v2 =	vadd.s32 $0x7FFF, v2  }
0x1d6: {  	v6 =	vld [tilespmem:s25+$0x0];
	v1 =	vshrl.u32 v1, $0x10;
	v2 =	vand.u32 $0xFFFF0000, v2  }
0x1d7: {  	v0 =	vadd.f32 v3, v0;
	v3 =	vld [tilespmem:s25+$0x40];
	v1 =	vor.u32 v1, v2  }
0x1d8: {  	[tilespmem:s11+$0x30] =	vst v1  }
0x1d9: {  	v1 =	vadd.f32 v7, v4;
	v2 =	vshrl.u32 v0, $0x10;
	v4 =	vld [tilespmem:s2+$0x80]  }
0x1da: {  	v2 =	vand.u32 $0x1, v2;
	v7 =	vld [tilespmem:s12+$0x80]  }
0x1db: {  	v9 =	vshrl.u32 v1, $0x10;
	v0 =	vadd.s32 v2, v0;
	v2 =	vadd.f32 v6, v5;
	v5 =	vld [tilespmem:s2+$0xC0]  }
0x1dc: {  	v6 =	vand.u32 $0x1, v9;
	v0 =	vadd.s32 $0x7FFF, v0;
	v3 =	vadd.f32 v3, v8;
	v8 =	vld [tilespmem:s12+$0xC0]  }
0x1dd: {  	v1 =	vadd.s32 v6, v1;
	v0 =	vshrl.u32 v0, $0x10;
	v6 =	vshrl.u32 v2, $0x10  }
0x1de: {  	v11 =	vld [tilespmem:s21+$0xFFFFFF40];
	v1 =	vadd.s32 $0x7FFF, v1;
	v6 =	vand.u32 $0x1, v6;
	v10 =	vshrl.u32 v3, $0x10  }
0x1df: {  	v9 =	vld [tilespmem:s25+$0xFFFFFF00];
	v1 =	vand.u32 $0xFFFF0000, v1;
	v2 =	vadd.s32 v6, v2;
	v6 =	vand.u32 $0x1, v10  }
0x1e0: {  	v4 =	vadd.f32 v7, v4;
	v0 =	vor.u32 v0, v1;
	v1 =	vld [tilespmem:s21+$0xFFFFFF00];
	v3 =	vadd.s32 v6, v3  }
0x1e1: {  	v2 =	vadd.s32 $0x7FFF, v2;
	v6 =	vld [tilespmem:s25+$0xFFFFFF40];
	v3 =	vadd.s32 $0x7FFF, v3;
	v5 =	vadd.f32 v8, v5  }
0x1e2: {  	[tilespmem:s11+$0xFFFFFFB0] =	vst v0;
	v0 =	vshrl.u32 v2, $0x10;
	v2 =	vand.u32 $0xFFFF0000, v3  }
0x1e3: {  	s13 =	simm.s32 $0x13580;
	v3 =	vld [tilespmem:s2+$0xFFFFFF80];
	v0 =	vor.u32 v0, v2;
	v2 =	vshrl.u32 v4, $0x10;
	v7 =	vshrl.u32 v5, $0x10  }
0x1e4: {  	v8 =	vld [tilespmem:s12+$0xFFFFFF80];
	[tilespmem:s13+$0x0] =	vst v0;
	v0 =	vand.u32 $0x1, v2;
	v2 =	vand.u32 $0x1, v7  }
0x1e5: {  	v1 =	vadd.f32 v9, v1;
	v7 =	vld [tilespmem:s21+$0x10];
	v0 =	vadd.s32 v0, v4;
	v2 =	vadd.s32 v2, v5  }
0x1e6: {  	v4 =	vadd.f32 v6, v11;
	v5 =	vld [tilespmem:s25+$0x10];
	v0 =	vadd.s32 $0x7FFF, v0;
	v2 =	vadd.s32 $0x7FFF, v2  }
0x1e7: {  	v6 =	vld [tilespmem:s21+$0x50];
	v0 =	vshrl.u32 v0, $0x10;
	v2 =	vand.u32 $0xFFFF0000, v2  }
0x1e8: {  	v11 =	vld [tilespmem:s25+$0x50];
	v9 =	vshrl.u32 v1, $0x10;
	v10 =	vshrl.u32 v4, $0x10;
	v0 =	vor.u32 v0, v2  }
0x1e9: {  	v2 =	vld [tilespmem:s2+$0xFFFFFFC0];
	v9 =	vand.u32 $0x1, v9;
	v10 =	vand.u32 $0x1, v10;
	[tilespmem:s11+$0x40] =	vst v0  }
0x1ea: {  	v0 =	vadd.s32 v9, v1;
	v1 =	vadd.s32 v10, v4;
	v4 =	vld [tilespmem:s2+$0x90]  }
0x1eb: {  	v0 =	vadd.s32 $0x7FFF, v0;
	v1 =	vadd.s32 $0x7FFF, v1;
	v9 =	vld [tilespmem:s12+$0x90]  }
0x1ec: {  	v5 =	vadd.f32 v5, v7;
	v7 =	vld [tilespmem:s2+$0xD0];
	v0 =	vshrl.u32 v0, $0x10;
	v1 =	vand.u32 $0xFFFF0000, v1  }
0x1ed: {  	v0 =	vor.u32 v0, v1;
	v1 =	vadd.f32 v11, v6;
	v6 =	vld [tilespmem:s12+$0xD0]  }
0x1ee: {  	v10 =	vld [tilespmem:s12+$0xFFFFFFC0];
	[tilespmem:s13+$0xFFFFFF80] =	vst v0;
	v0 =	vshrl.u32 v5, $0x10  }
0x1ef: {  	v11 =	vld [tilespmem:s21+$0xFFFFFF10];
	v0 =	vand.u32 $0x1, v0;
	v12 =	vshrl.u32 v1, $0x10  }
0x1f0: {  	v13 =	vld [tilespmem:s25+$0xFFFFFF10];
	v0 =	vadd.s32 v0, v5;
	v5 =	vand.u32 $0x1, v12  }
0x1f1: {  	v3 =	vadd.f32 v8, v3;
	v8 =	vld [tilespmem:s21+$0xFFFFFF50];
	v4 =	vadd.f32 v9, v4;
	v1 =	vadd.s32 v5, v1  }
0x1f2: {  	v0 =	vadd.s32 $0x7FFF, v0;
	v5 =	vld [tilespmem:s25+$0xFFFFFF50];
	v1 =	vadd.s32 $0x7FFF, v1;
	v6 =	vadd.f32 v6, v7  }
0x1f3: {  	v2 =	vadd.f32 v10, v2;
	v0 =	vshrl.u32 v0, $0x10;
	v1 =	vand.u32 $0xFFFF0000, v1  }
0x1f4: {  	v0 =	vor.u32 v0, v1;
	v1 =	vshrl.u32 v4, $0x10;
	v7 =	vshrl.u32 v6, $0x10  }
0x1f5: {  	v9 =	vshrl.u32 v3, $0x10;
	[tilespmem:s13+$0x10] =	vst v0;
	v0 =	vand.u32 $0x1, v1;
	v1 =	vand.u32 $0x1, v7  }
0x1f6: {  	v7 =	vadd.f32 v13, v11;
	v0 =	vadd.s32 v0, v4;
	v1 =	vadd.s32 v1, v6  }
0x1f7: {  	v10 =	vld [tilespmem:s21+$0x20];
	v4 =	vadd.f32 v5, v8;
	v0 =	vadd.s32 $0x7FFF, v0;
	v1 =	vadd.s32 $0x7FFF, v1  }
0x1f8: {  	v5 =	vld [tilespmem:s25+$0x20];
	v6 =	vshrl.u32 v2, $0x10;
	v0 =	vshrl.u32 v0, $0x10;
	v1 =	vand.u32 $0xFFFF0000, v1  }
0x1f9: {  	v8 =	vld [tilespmem:s21+$0x60];
	v11 =	vshrl.u32 v7, $0x10;
	v12 =	vshrl.u32 v4, $0x10;
	v0 =	vor.u32 v0, v1  }
0x1fa: {  	v13 =	vld [tilespmem:s25+$0x60];
	v1 =	vand.u32 $0x1, v9;
	v9 =	vand.u32 $0x1, v11;
	v11 =	vand.u32 $0x1, v12  }
0x1fb: {  	[tilespmem:s11+$0x50] =	vst v0;
	v0 =	vand.u32 $0x1, v6;
	v6 =	vadd.s32 v9, v7;
	v4 =	vadd.s32 v11, v4  }
0x1fc: {  	v1 =	vadd.s32 v1, v3;
	v7 =	vld [tilespmem:s2+$0xA0];
	v3 =	vadd.s32 $0x7FFF, v6;
	v4 =	vadd.s32 $0x7FFF, v4  }
0x1fd: {  	v6 =	vld [tilespmem:s12+$0xA0];
	v0 =	vadd.s32 v0, v2;
	v2 =	vshrl.u32 v3, $0x10;
	v3 =	vand.u32 $0xFFFF0000, v4  }
0x1fe: {  	v4 =	vld [tilespmem:s2+$0xE0];
	v2 =	vor.u32 v2, v3  }
0x1ff: {  	v3 =	vadd.f32 v5, v10;
	v5 =	vadd.f32 v13, v8;
	v8 =	vld [tilespmem:s12+$0xE0];
	[tilespmem:s13+$0xFFFFFF90] =	vst v2  }
0x200: {  	v1 =	vadd.s32 $0x7FFF, v1;
	v0 =	vadd.s32 $0x7FFF, v0;
	v2 =	vld [tilespmem:s21+$0xFFFFFF20]  }
0x201: {  	v1 =	vshrl.u32 v1, $0x10;
	v0 =	vand.u32 $0xFFFF0000, v0;
	v11 =	vld [tilespmem:s25+$0xFFFFFF20]  }
0x202: {  	v0 =	vor.u32 v1, v0;
	v9 =	vshrl.u32 v3, $0x10;
	v10 =	vshrl.u32 v5, $0x10;
	v1 =	vld [tilespmem:s21+$0xFFFFFF60]  }
0x203: {  	[tilespmem:s11+$0xFFFFFFC0] =	vst v0;
	v0 =	vld [tilespmem:s25+$0xFFFFFF60];
	v9 =	vand.u32 $0x1, v9;
	v10 =	vand.u32 $0x1, v10;
	v6 =	vadd.f32 v6, v7  }
0x204: {  	v3 =	vadd.s32 v9, v3;
	v5 =	vadd.s32 v10, v5;
	v4 =	vadd.f32 v8, v4  }
0x205: {  	v7 =	vld [tilespmem:s2+$0xFFFFFF90];
	v3 =	vadd.s32 $0x7FFF, v3;
	v5 =	vadd.s32 $0x7FFF, v5;
	v9 =	vshrl.u32 v6, $0x10  }
0x206: {  	s14 =	simm.s32 $0xE900;
	v8 =	vld [tilespmem:s12+$0xFFFFFF90];
	v3 =	vshrl.u32 v3, $0x10;
	v5 =	vand.u32 $0xFFFF0000, v5;
	v10 =	vshrl.u32 v4, $0x10  }
0x207: {  	v14 =	vld [tilespmem:s14+$0x40];
	v3 =	vor.u32 v3, v5;
	v5 =	vand.u32 $0x1, v9;
	v2 =	vadd.f32 v11, v2  }
0x208: {  	v12 =	vld [tilespmem:s2+$0xFFFFFFD0];
	v0 =	vadd.f32 v0, v1;
	v9 =	vand.u32 $0x1, v10;
	v5 =	vadd.s32 v5, v6  }
0x209: {  	v10 =	vld [tilespmem:s12+$0xFFFFFFD0];
	[tilespmem:s13+$0x20] =	vst v3;
	v4 =	vadd.s32 v9, v4;
	v1 =	vadd.s32 $0x7FFF, v5;
	v5 =	vshrl.u32 v2, $0x10  }
0x20a: {  	v6 =	vld [tilespmem:s25+$0x30];
	v9 =	vshrl.u32 v0, $0x10;
	v3 =	vadd.s32 $0x7FFF, v4;
	v1 =	vshrl.u32 v1, $0x10  }
0x20b: {  	v4 =	vld [tilespmem:s21+$0x30];
	v5 =	vand.u32 $0x1, v5;
	v7 =	vadd.f32 v8, v7;
	v3 =	vand.u32 $0xFFFF0000, v3  }
0x20c: {  	v8 =	vld [tilespmem:s25+$0x70];
	v2 =	vadd.s32 v5, v2;
	v5 =	vand.u32 $0x1, v9;
	v1 =	vor.u32 v1, v3  }
0x20d: {  	v3 =	vld [tilespmem:s21+$0x70];
	v0 =	vadd.s32 v5, v0;
	[tilespmem:s11+$0x60] =	vst v1  }
0x20e: {  	v1 =	vadd.s32 $0x7FFF, v2;
	v2 =	vadd.f32 v10, v12;
	v0 =	vadd.s32 $0x7FFF, v0;
	v5 =	vld [tilespmem:s2+$0xB0]  }
0x20f: {  	v9 =	vshrl.u32 v7, $0x10;
	v1 =	vshrl.u32 v1, $0x10;
	v10 =	vld [tilespmem:s12+$0xB0];
	v0 =	vand.u32 $0xFFFF0000, v0  }
0x210: {  	v9 =	vand.u32 $0x1, v9;
	v12 =	vld [tilespmem:s2+$0xF0];
	v11 =	vshrl.u32 v2, $0x10;
	v0 =	vor.u32 v1, v0  }
0x211: {  	v7 =	vadd.s32 v9, v7;
	v9 =	vld [tilespmem:s12+$0xF0];
	v1 =	vand.u32 $0x1, v11;
	[tilespmem:s13+$0xFFFFFFA0] =	vst v0  }
0x212: {  	v0 =	vadd.s32 v1, v2;
	v2 =	vld [tilespmem:s21+$0xFFFFFF30];
	v3 =	vadd.f32 v8, v3  }
0x213: {  	v4 =	vadd.f32 v6, v4;
	v1 =	vadd.s32 $0x7FFF, v7;
	v7 =	vld [tilespmem:s25+$0xFFFFFF30];
	v0 =	vadd.s32 $0x7FFF, v0  }
0x214: {  	v11 =	vld [tilespmem:s21+$0xFFFFFF70];
	v1 =	vshrl.u32 v1, $0x10;
	v0 =	vand.u32 $0xFFFF0000, v0;
	v8 =	vshrl.u32 v3, $0x10  }
0x215: {  	s19 =	simm.s32 $0x11100;
	v0 =	vor.u32 v1, v0;
	v1 =	vld [tilespmem:s25+$0xFFFFFF70];
	v8 =	vand.u32 $0x1, v8  }
0x216: {  	[tilespmem:s11+$0xFFFFFFD0] =	vst v0;
	v0 =	vshrl.u32 v4, $0x10;
	v3 =	vadd.s32 v8, v3;
	v8 =	vld [tilespmem:s19+$0x0]  }
0x217: {  	v6 =	vld [tilespmem:s2+$0xFFFFFFA0];
	v0 =	vand.u32 $0x1, v0  }
0x218: {  	v13 =	vld [tilespmem:s12+$0xFFFFFFA0];
	v0 =	vadd.s32 v0, v4  }
0x219: {  	v3 =	vadd.s32 $0x7FFF, v3;
	v2 =	vadd.f32 v7, v2;
	v7 =	vld [tilespmem:s19+$0x40];
	v0 =	vadd.s32 $0x7FFF, v0  }
0x21a: {  	v5 =	vadd.f32 v10, v5;
	v4 =	vld [tilespmem:s14+$0x0];
	v3 =	vand.u32 $0xFFFF0000, v3;
	v0 =	vshrl.u32 v0, $0x10  }
0x21b: {  	v54 =	vld [tilespmem:s12+$0xFFFFFFE0];
	v0 =	vor.u32 v0, v3  }
0x21c: {  	v10 =	vshrl.u32 v5, $0x10;
	v1 =	vadd.f32 v1, v11;
	v11 =	vshrl.u32 v2, $0x10;
	v3 =	vld [tilespmem:s2+$0xFFFFFFE0];
	[tilespmem:s13+$0x30] =	vst v0  }
0x21d: {  	v0 =	vadd.f32 v9, v12;
	v9 =	vand.u32 $0x1, v10;
	v10 =	vand.u32 $0x1, v11;
	v15 =	vld [tilespmem:s21+$0x80]  }
0x21e: {  	v12 =	vshrl.u32 v1, $0x10;
	v7 =	vadd.f32 v7, v14;
	v6 =	vadd.f32 v13, v6;
	v11 =	vld [tilespmem:s25+$0x80]  }
0x21f: {  	v2 =	vadd.s32 v10, v2;
	v4 =	vadd.f32 v8, v4;
	v8 =	vld [tilespmem:s21+$0xC0];
	v10 =	vand.u32 $0x1, v12  }
0x220: {  	v12 =	vld [tilespmem:s25+$0xC0];
	v2 =	vadd.s32 $0x7FFF, v2;
	v1 =	vadd.s32 v10, v1;
	v17 =	vshrl.u32 v7, $0x10  }
0x221: {  	v56 =	vshrl.u32 v6, $0x10;
	v2 =	vshrl.u32 v2, $0x10;
	v10 =	vshrl.u32 v4, $0x10  }
0x222: {  	v16 =	vld [tilespmem:s14+$0xFFFFFF40];
	v1 =	vadd.s32 $0x7FFF, v1;
	v17 =	vand.u32 $0x1, v17;
	v10 =	vand.u32 $0x1, v10  }
0x223: {  	v14 =	vld [tilespmem:s19+$0xFFFFFF00];
	v1 =	vand.u32 $0xFFFF0000, v1;
	v7 =	vadd.s32 v17, v7;
	v3 =	vadd.f32 v54, v3  }
0x224: {  	v4 =	vadd.s32 v10, v4;
	v10 =	vld [tilespmem:s14+$0xFFFFFF00];
	v1 =	vor.u32 v2, v1;
	v7 =	vadd.s32 $0x7FFF, v7  }
0x225: {  	v2 =	vld [tilespmem:s19+$0xFFFFFF40];
	v4 =	vadd.s32 $0x7FFF, v4;
	v11 =	vadd.f32 v11, v15;
	v8 =	vadd.f32 v12, v8  }
0x226: {  	[tilespmem:s13+$0xFFFFFFB0] =	vst v1;
	v1 =	vadd.s32 v9, v5;
	v7 =	vand.u32 $0xFFFF0000, v7;
	v4 =	vshrl.u32 v4, $0x10  }
0x227: {  	v58 =	vshrl.u32 v3, $0x10;
	v5 =	vld [tilespmem:s21+$0xFFFFFF80];
	v1 =	vadd.s32 $0x7FFF, v1;
	v4 =	vor.u32 v4, v7  }
0x228: {  	s31 =	simm.s32 $0x13680;
	v9 =	vld [tilespmem:s25+$0xFFFFFF80];
	v7 =	vshrl.u32 v11, $0x10;
	v12 =	vshrl.u32 v8, $0x10;
	v1 =	vshrl.u32 v1, $0x10  }
0x229: {  	v15 =	vld [tilespmem:s21+$0xFFFFFFC0];
	[tilespmem:s31+$0x0] =	vst v4;
	v4 =	vand.u32 $0x1, v7;
	v7 =	vand.u32 $0x1, v12;
	v10 =	vadd.f32 v14, v10  }
0x22a: {  	v2 =	vadd.f32 v2, v16;
	v12 =	vld [tilespmem:s14+$0x10];
	v4 =	vadd.s32 v4, v11;
	v7 =	vadd.s32 v7, v8  }
0x22b: {  	v11 =	vld [tilespmem:s19+$0x10];
	v4 =	vadd.s32 $0x7FFF, v4;
	v7 =	vadd.s32 $0x7FFF, v7;
	v8 =	vshrl.u32 v10, $0x10  }
0x22c: {  	v55 =	vld [tilespmem:s14+$0x50];
	v14 =	vshrl.u32 v2, $0x10;
	v4 =	vshrl.u32 v4, $0x10;
	v7 =	vand.u32 $0xFFFF0000, v7  }
0x22d: {  	v8 =	vand.u32 $0x1, v8;
	v14 =	vand.u32 $0x1, v14;
	v4 =	vor.u32 v4, v7;
	v7 =	vld [tilespmem:s19+$0x50]  }
0x22e: {  	v16 =	vand.u32 $0x1, v58;
	v8 =	vadd.s32 v8, v10;
	v2 =	vadd.s32 v14, v2;
	[tilespmem:s13+$0x40] =	vst v4;
	v4 =	vld [tilespmem:s25+$0xFFFFFFC0]  }
0x22f: {  	v3 =	vadd.s32 v16, v3;
	v8 =	vadd.s32 $0x7FFF, v8;
	v2 =	vadd.s32 $0x7FFF, v2;
	v13 =	vld [tilespmem:s21+$0x90]  }
0x230: {  	v5 =	vadd.f32 v9, v5;
	v14 =	vld [tilespmem:s25+$0x90];
	v8 =	vshrl.u32 v8, $0x10;
	v2 =	vand.u32 $0xFFFF0000, v2  }
0x231: {  	v10 =	vshrl.u32 v0, $0x10;
	v11 =	vadd.f32 v11, v12;
	v12 =	vld [tilespmem:s21+$0xD0];
	v8 =	vor.u32 v8, v2  }
0x232: {  	v57 =	vld [tilespmem:s25+$0xD0];
	v2 =	vand.u32 $0x1, v10;
	v10 =	vand.u32 $0x1, v56;
	v7 =	vadd.f32 v7, v55  }
0x233: {  	v3 =	vadd.s32 $0x7FFF, v3;
	v6 =	vadd.s32 v10, v6;
	[tilespmem:s31+$0xFFFFFF80] =	vst v8;
	v8 =	vshrl.u32 v11, $0x10  }
0x234: {  	v4 =	vadd.f32 v4, v15;
	v9 =	vld [tilespmem:s14+$0xFFFFFF10];
	v8 =	vand.u32 $0x1, v8;
	v10 =	vshrl.u32 v7, $0x10  }
0x235: {  	v15 =	vshrl.u32 v5, $0x10;
	v8 =	vadd.s32 v8, v11;
	v11 =	vld [tilespmem:s19+$0xFFFFFF10];
	v10 =	vand.u32 $0x1, v10  }
0x236: {  	v15 =	vand.u32 $0x1, v15;
	v13 =	vadd.f32 v14, v13;
	v14 =	vld [tilespmem:s19+$0xFFFFFF50];
	v7 =	vadd.s32 v10, v7  }
0x237: {  	v12 =	vadd.f32 v57, v12;
	v8 =	vadd.s32 $0x7FFF, v8;
	v10 =	vld [tilespmem:s14+$0xFFFFFF50];
	v7 =	vadd.s32 $0x7FFF, v7  }
0x238: {  	v5 =	vadd.s32 v15, v5;
	v8 =	vshrl.u32 v8, $0x10;
	v7 =	vand.u32 $0xFFFF0000, v7  }
0x239: {  	v15 =	vshrl.u32 v12, $0x10;
	v7 =	vor.u32 v8, v7;
	v8 =	vshrl.u32 v13, $0x10  }
0x23a: {  	v15 =	vand.u32 $0x1, v15;
	v9 =	vadd.f32 v11, v9;
	v8 =	vand.u32 $0x1, v8  }
0x23b: {  	v3 =	vand.u32 $0xFFFF0000, v3;
	[tilespmem:s31+$0x10] =	vst v7;
	v7 =	vadd.s32 v8, v13;
	v8 =	vadd.s32 v15, v12  }
0x23c: {  	v10 =	vadd.f32 v14, v10;
	v11 =	vld [tilespmem:s14+$0x20];
	v12 =	vshrl.u32 v9, $0x10;
	v7 =	vadd.s32 $0x7FFF, v7  }
0x23d: {  	v13 =	vld [tilespmem:s19+$0x20];
	v8 =	vadd.s32 $0x7FFF, v8;
	v12 =	vand.u32 $0x1, v12;
	v7 =	vshrl.u32 v7, $0x10  }
0x23e: {  	v15 =	vld [tilespmem:s14+$0x60];
	v8 =	vand.u32 $0xFFFF0000, v8;
	v14 =	vshrl.u32 v10, $0x10;
	v9 =	vadd.s32 v12, v9  }
0x23f: {  	v12 =	vld [tilespmem:s19+$0x60];
	v7 =	vor.u32 v7, v8;
	v8 =	vshrl.u32 v4, $0x10;
	v14 =	vand.u32 $0x1, v14  }
0x240: {  	v0 =	vadd.s32 v2, v0;
	v8 =	vand.u32 $0x1, v8;
	v10 =	vadd.s32 v14, v10;
	[tilespmem:s13+$0x50] =	vst v7  }
0x241: {  	v7 =	vadd.s32 $0x7FFF, v9;
	v4 =	vadd.s32 v8, v4;
	v8 =	vadd.s32 $0x7FFF, v10;
	v9 =	vld [tilespmem:s21+$0xA0]  }
0x242: {  	v5 =	vadd.s32 $0x7FFF, v5;
	v7 =	vshrl.u32 v7, $0x10;
	v10 =	vld [tilespmem:s25+$0xA0];
	v8 =	vand.u32 $0xFFFF0000, v8  }
0x243: {  	v5 =	vshrl.u32 v5, $0x10;
	v4 =	vadd.s32 $0x7FFF, v4;
	v7 =	vor.u32 v7, v8;
	v8 =	vld [tilespmem:s21+$0xE0]  }
0x244: {  	v4 =	vand.u32 $0xFFFF0000, v4;
	[tilespmem:s31+$0xFFFFFF90] =	vst v7;
	v7 =	vadd.f32 v13, v11;
	v11 =	vadd.f32 v12, v15;
	v12 =	vld [tilespmem:s25+$0xE0]  }
0x245: {  	v0 =	vadd.s32 $0x7FFF, v0;
	v4 =	vor.u32 v5, v4;
	v5 =	vadd.s32 $0x7FFF, v6;
	v6 =	vld [tilespmem:s14+$0xFFFFFF20]  }
0x246: {  	v0 =	vand.u32 $0xFFFF0000, v0;
	v13 =	vld [tilespmem:s19+$0xFFFFFF20];
	v5 =	vshrl.u32 v5, $0x10;
	v14 =	vshrl.u32 v7, $0x10  }
0x247: {  	v59 =	vld [tilespmem:s14+$0xFFFFFF60];
	v15 =	vshrl.u32 v11, $0x10;
	v9 =	vadd.f32 v10, v9;
	v14 =	vand.u32 $0x1, v14  }
0x248: {  	[tilespmem:s13+$0xFFFFFFC0] =	vst v4;
	v4 =	vld [tilespmem:s19+$0xFFFFFF60];
	v3 =	vor.u32 v5, v3;
	v15 =	vand.u32 $0x1, v15;
	v7 =	vadd.s32 v14, v7  }
0x249: {  	v10 =	vld [tilespmem:s25+$0xFFFFFF90];
	v11 =	vadd.s32 v15, v11;
	v7 =	vadd.s32 $0x7FFF, v7;
	v8 =	vadd.f32 v12, v8  }
0x24a: {  	v1 =	vor.u32 v1, v0;
	[tilespmem:s11+$0xFFFFFFE0] =	vst v3;
	v14 =	vld [tilespmem:s21+$0xFFFFFF90];
	v5 =	vshrl.u32 v7, $0x10;
	v7 =	vadd.s32 $0x7FFF, v11  }
0x24b: {  	[tilespmem:s11+$0x70] =	vst v1;
	v1 =	vld [tilespmem:s2+$0xFFFFFFF0];
	v12 =	vshrl.u32 v9, $0x10;
	v7 =	vand.u32 $0xFFFF0000, v7;
	v15 =	vshrl.u32 v8, $0x10  }
0x24c: {  	v11 =	vld [tilespmem:s21+$0xFFFFFFD0];
	v3 =	vor.u32 v5, v7;
	v7 =	vand.u32 $0x1, v12;
	v12 =	vand.u32 $0x1, v15  }
0x24d: {  	v6 =	vadd.f32 v13, v6;
	v13 =	vld [tilespmem:s2+$0xFFFFFFB0];
	[tilespmem:s31+$0x20] =	vst v3;
	v3 =	vadd.s32 v7, v9;
	v7 =	vadd.s32 v12, v8  }
0x24e: {  	v4 =	vadd.f32 v4, v59;
	v5 =	vld [tilespmem:s25+$0xFFFFFFD0];
	v3 =	vadd.s32 $0x7FFF, v3;
	v7 =	vadd.s32 $0x7FFF, v7  }
0x24f: {  	v8 =	vshrl.u32 v6, $0x10;
	v12 =	vld [tilespmem:s14+$0x30];
	v3 =	vshrl.u32 v3, $0x10;
	v7 =	vand.u32 $0xFFFF0000, v7  }
0x250: {  	v15 =	vld [tilespmem:s19+$0x30];
	v8 =	vand.u32 $0x1, v8;
	v3 =	vor.u32 v3, v7  }
0x251: {  	v9 =	vshrl.u32 v4, $0x10;
	v60 =	vld [tilespmem:s14+$0x70];
	v6 =	vadd.s32 v8, v6;
	[tilespmem:s13+$0x60] =	vst v3  }
0x252: {  	v7 =	vand.u32 $0x1, v9;
	v3 =	vadd.s32 $0x7FFF, v6;
	v6 =	vld [tilespmem:s21+$0xB0]  }
0x253: {  	v8 =	vadd.f32 v10, v14;
	v4 =	vadd.s32 v7, v4;
	v5 =	vadd.f32 v5, v11;
	v14 =	vld [tilespmem:s21+$0xF0]  }
0x254: {  	v2 =	vshrl.u32 v3, $0x10;
	v3 =	vadd.s32 $0x7FFF, v4;
	v18 =	vld [tilespmem:s25+$0xF0]  }
0x255: {  	v7 =	vshrl.u32 v8, $0x10;
	v4 =	vld [tilespmem:s25+$0xB0];
	v3 =	vand.u32 $0xFFFF0000, v3;
	v9 =	vshrl.u32 v5, $0x10  }
0x256: {  	v61 =	vld [tilespmem:s19+$0x70];
	v7 =	vand.u32 $0x1, v7;
	v2 =	vor.u32 v2, v3;
	v3 =	vand.u32 $0x1, v9  }
0x257: {  	v7 =	vadd.s32 v7, v8;
	[tilespmem:s31+$0xFFFFFFA0] =	vst v2;
	v2 =	vadd.s32 v3, v5;
	v3 =	vld [tilespmem:s12+$0xFFFFFFB0]  }
0x258: {  	v15 =	vadd.f32 v15, v12;
	v5 =	vadd.s32 $0x7FFF, v7;
	v8 =	vld [tilespmem:s14+$0xFFFFFF30];
	v2 =	vadd.s32 $0x7FFF, v2  }
0x259: {  	v5 =	vshrl.u32 v5, $0x10;
	v9 =	vld [tilespmem:s19+$0xFFFFFF30];
	v2 =	vand.u32 $0xFFFF0000, v2;
	v14 =	vadd.f32 v18, v14  }
0x25a: {  	v10 =	vld [tilespmem:s14+$0xFFFFFF70];
	v2 =	vor.u32 v5, v2;
	v5 =	vadd.f32 v4, v6;
	v6 =	vshrl.u32 v15, $0x10  }
0x25b: {  	v12 =	vadd.f32 v61, v60;
	v11 =	vld [tilespmem:s19+$0xFFFFFF70];
	[tilespmem:s13+$0xFFFFFFD0] =	vst v2;
	v62 =	vand.u32 $0x1, v6  }
0x25c: {  	v2 =	vld [tilespmem:s21+$0xFFFFFFA0];
	v0 =	vadd.f32 v3, v13;
	v7 =	vshrl.u32 v5, $0x10;
	v13 =	vshrl.u32 v14, $0x10  }
0x25d: {  	v3 =	vshrl.u32 v12, $0x10;
	v4 =	vld [tilespmem:s25+$0xFFFFFFA0];
	v7 =	vand.u32 $0x1, v7;
	v63 =	vand.u32 $0x1, v13  }
0x25e: {  	s20 =	simm.s32 $0x4;
	v6 =	vld [tilespmem:s21+$0xFFFFFFE0];
	v13 =	vand.u32 $0x1, v3;
	v3 =	vadd.s32 v7, v5;
	v17 =	vadd.s32 v63, v14  }
0x25f: {  	s22 =	simm.s32 $0xEB00;
	s23 =	simm.s32 $0x13680;
	s2 =	simm.s32 $0x11100;
	v7 =	vld [tilespmem:s25+$0xFFFFFFE0];
	v14 =	vadd.s32 v62, v15;
	v5 =	vadd.s32 $0x7FFF, v3;
	v3 =	vadd.s32 $0x7FFF, v17  }
.LBB2_5:
0x260: {  	v15 =	vld [tilespmem:s22+$0x0];
	v12 =	vadd.s32 v13, v12;
	s19 =	sadd.s32 $0x200, s19;
	v5 =	vshrl.u32 v5, $0x10;
	v3 =	vand.u32 $0xFFFF0000, v3  }
0x261: {  	v14 =	vadd.s32 $0x7FFF, v14;
	v13 =	vld [tilespmem:s19+$0x0];
	v12 =	vadd.s32 $0x7FFF, v12;
	v3 =	vor.u32 v5, v3  }
0x262: {  	v8 =	vadd.f32 v9, v8;
	v9 =	vshrl.u32 v14, $0x10;
	v5 =	vld [tilespmem:s22+$0x40];
	v12 =	vand.u32 $0xFFFF0000, v12;
	[tilespmem:s13+$0x70] =	vst v3  }
0x263: {  	v10 =	vadd.f32 v11, v10;
	v4 =	vadd.f32 v4, v2;
	v3 =	vld [tilespmem:s19+$0x40];
	v9 =	vor.u32 v9, v12  }
0x264: {  	v2 =	vshrl.u32 v0, $0x10;
	v12 =	vshrl.u32 v8, $0x10;
	v6 =	vadd.f32 v7, v6;
	v11 =	vld [tilespmem:s19+$0xFFFFFF00];
	[tilespmem:s31+$0x30] =	vst v9  }
0x265: {  	v14 =	vshrl.u32 v4, $0x10;
	v7 =	vand.u32 $0x1, v12;
	v9 =	vshrl.u32 v10, $0x10;
	v12 =	vld [tilespmem:s14+$0x80]  }
0x266: {  	v7 =	vadd.s32 v7, v8;
	v8 =	vand.u32 $0x1, v9;
	v16 =	vshrl.u32 v6, $0x10;
	v9 =	vld [tilespmem:s2+$0x80]  }
0x267: {  	v13 =	vadd.f32 v13, v15;
	v7 =	vadd.s32 $0x7FFF, v7;
	v8 =	vadd.s32 v8, v10;
	v10 =	vld [tilespmem:s14+$0xC0]  }
0x268: {  	v3 =	vadd.f32 v3, v5;
	v5 =	vshrl.u32 v7, $0x10;
	v7 =	vadd.s32 $0x7FFF, v8;
	v8 =	vld [tilespmem:s2+$0xC0]  }
0x269: {  	v14 =	vand.u32 $0x1, v14;
	v17 =	vshrl.u32 v13, $0x10;
	v15 =	vld [tilespmem:s22+$0xFFFFFF40];
	v7 =	vand.u32 $0xFFFF0000, v7  }
0x26a: {  	v17 =	vand.u32 $0x1, v17;
	v18 =	vld [tilespmem:s19+$0xFFFFFF40];
	v19 =	vshrl.u32 v3, $0x10;
	v5 =	vor.u32 v5, v7  }
0x26b: {  	v13 =	vadd.s32 v17, v13;
	v7 =	vld [tilespmem:s22+$0xFFFFFF00];
	v17 =	vand.u32 $0x1, v19;
	[tilespmem:s31+$0xFFFFFFB0] =	vst v5;
	v5 =	vand.u32 $0x1, v16  }
0x26c: {  	v13 =	vadd.s32 $0x7FFF, v13;
	v16 =	vadd.s32 v17, v3;
	v17 =	vld [tilespmem:s14+$0xFFFFFF80];
	v3 =	vadd.s32 v14, v4  }
0x26d: {  	v9 =	vadd.f32 v9, v12;
	v4 =	vadd.s32 $0x7FFF, v16;
	v14 =	vld [tilespmem:s2+$0xFFFFFF80];
	v8 =	vadd.f32 v8, v10  }
0x26e: {  	v5 =	vadd.s32 v5, v6;
	v10 =	vshrl.u32 v13, $0x10;
	v4 =	vand.u32 $0xFFFF0000, v4;
	v12 =	vld [tilespmem:s14+$0xFFFFFFC0]  }
0x26f: {  	s31 =	sadd.s32 $0x100, s31;
	v4 =	vor.u32 v10, v4;
	v6 =	vld [tilespmem:s2+$0xFFFFFFC0];
	v10 =	vshrl.u32 v9, $0x10;
	v13 =	vshrl.u32 v8, $0x10  }
0x270: {  	v7 =	vadd.f32 v11, v7;
	[tilespmem:s31+$0x0] =	vst v4;
	v10 =	vand.u32 $0x1, v10;
	v11 =	vand.u32 $0x1, v13;
	v4 =	vld [tilespmem:s12+$0xFFFFFFF0];
	s12 =	smov.u32 s25;
	s25 =	smov.u32 s2;
	s2 =	smov.u32 s19  }
0x271: {  	v13 =	vadd.f32 v18, v15;
	v15 =	vld [tilespmem:s22+$0x10];
	v9 =	vadd.s32 v10, v9;
	v8 =	vadd.s32 v11, v8  }
0x272: {  	v10 =	vshrl.u32 v7, $0x10;
	v11 =	vld [tilespmem:s19+$0x10];
	v9 =	vadd.s32 $0x7FFF, v9;
	v8 =	vadd.s32 $0x7FFF, v8  }
0x273: {  	v16 =	vshrl.u32 v13, $0x10;
	v18 =	vld [tilespmem:s22+$0x50];
	v9 =	vshrl.u32 v9, $0x10;
	v8 =	vand.u32 $0xFFFF0000, v8  }
0x274: {  	v10 =	vand.u32 $0x1, v10;
	v16 =	vand.u32 $0x1, v16;
	v19 =	vld [tilespmem:s19+$0x50];
	v8 =	vor.u32 v9, v8  }
0x275: {  	v7 =	vadd.s32 v10, v7;
	v9 =	vadd.s32 v16, v13;
	v10 =	vadd.f32 v14, v17;
	[tilespmem:s23+$0x40] =	vst v8  }
0x276: {  	v6 =	vadd.f32 v6, v12;
	v7 =	vadd.s32 $0x7FFF, v7;
	v8 =	vadd.s32 $0x7FFF, v9;
	v9 =	vld [tilespmem:s14+$0x90]  }
0x277: {  	v7 =	vshrl.u32 v7, $0x10;
	v8 =	vand.u32 $0xFFFF0000, v8;
	v12 =	vshrl.u32 v10, $0x10;
	v13 =	vld [tilespmem:s25+$0x90]  }
0x278: {  	v7 =	vor.u32 v7, v8;
	v8 =	vadd.f32 v11, v15;
	v11 =	vshrl.u32 v6, $0x10;
	v14 =	vld [tilespmem:s14+$0xD0]  }
0x279: {  	v12 =	vand.u32 $0x1, v12;
	v11 =	vand.u32 $0x1, v11;
	[tilespmem:s31+$0xFFFFFF80] =	vst v7;
	v7 =	vadd.f32 v19, v18;
	v15 =	vld [tilespmem:s25+$0xD0]  }
0x27a: {  	v10 =	vadd.s32 v12, v10;
	v17 =	vshrl.u32 v8, $0x10;
	v6 =	vadd.s32 v11, v6;
	v16 =	vld [tilespmem:s22+$0xFFFFFF10]  }
0x27b: {  	v10 =	vadd.s32 $0x7FFF, v10;
	v12 =	vand.u32 $0x1, v17;
	v11 =	vld [tilespmem:s19+$0xFFFFFF10];
	v17 =	vshrl.u32 v7, $0x10  }
0x27c: {  	v6 =	vadd.s32 $0x7FFF, v6;
	v8 =	vadd.s32 v12, v8;
	v18 =	vld [tilespmem:s22+$0xFFFFFF50];
	v12 =	vand.u32 $0x1, v17  }
0x27d: {  	v10 =	vshrl.u32 v10, $0x10;
	v8 =	vadd.s32 $0x7FFF, v8;
	v17 =	vld [tilespmem:s19+$0xFFFFFF50];
	v7 =	vadd.s32 v12, v7  }
0x27e: {  	v9 =	vadd.f32 v13, v9;
	v7 =	vadd.s32 $0x7FFF, v7;
	v12 =	vadd.f32 v15, v14  }
0x27f: {  	s20 =	sadd.s32 $0x2, s20;
	v6 =	vand.u32 $0xFFFF0000, v6;
	v8 =	vshrl.u32 v8, $0x10;
	v7 =	vand.u32 $0xFFFF0000, v7  }
0x280: {  	p1 =	slt.u32 s20, $0x26;
	v7 =	vor.u32 v8, v7;
	v8 =	vshrl.u32 v9, $0x10;
	v13 =	vshrl.u32 v12, $0x10  }
0x281: {  	v11 =	vadd.f32 v11, v16;
	[tilespmem:s31+$0x10] =	vst v7;
	v7 =	vand.u32 $0x1, v8;
	v8 =	vand.u32 $0x1, v13  }
0x282: {  	v13 =	vadd.f32 v17, v18;
	v14 =	vld [tilespmem:s22+$0x20];
	v7 =	vadd.s32 v7, v9;
	v8 =	vadd.s32 v8, v12  }
0x283: {  	v9 =	vshrl.u32 v11, $0x10;
	v12 =	vld [tilespmem:s19+$0x20];
	v7 =	vadd.s32 $0x7FFF, v7;
	v8 =	vadd.s32 $0x7FFF, v8  }
0x284: {  	v15 =	vshrl.u32 v13, $0x10;
	v16 =	vld [tilespmem:s22+$0x60];
	v7 =	vshrl.u32 v7, $0x10;
	v8 =	vand.u32 $0xFFFF0000, v8  }
0x285: {  	v9 =	vand.u32 $0x1, v9;
	v15 =	vand.u32 $0x1, v15;
	v17 =	vld [tilespmem:s19+$0x60];
	v7 =	vor.u32 v7, v8  }
0x286: {  	v6 =	vor.u32 v10, v6;
	v8 =	vadd.s32 v9, v11;
	v9 =	vadd.s32 v15, v13;
	[tilespmem:s23+$0x50] =	vst v7  }
0x287: {  	v3 =	vadd.s32 $0x7FFF, v3;
	v7 =	vadd.s32 $0x7FFF, v8;
	v8 =	vadd.s32 $0x7FFF, v9;
	[tilespmem:s23+$0xFFFFFFC0] =	vst v6;
	v6 =	vld [tilespmem:s14+$0xA0]  }
0x288: {  	v5 =	vadd.s32 $0x7FFF, v5;
	v7 =	vshrl.u32 v7, $0x10;
	v8 =	vand.u32 $0xFFFF0000, v8;
	v9 =	vld [tilespmem:s25+$0xA0]  }
0x289: {  	v3 =	vshrl.u32 v3, $0x10;
	v5 =	vand.u32 $0xFFFF0000, v5;
	v7 =	vor.u32 v7, v8;
	v8 =	vld [tilespmem:s14+$0xE0]  }
0x28a: {  	v3 =	vor.u32 v3, v5;
	[tilespmem:s31+$0xFFFFFF90] =	vst v7;
	v7 =	vadd.f32 v12, v14;
	v10 =	vadd.f32 v17, v16;
	v11 =	vld [tilespmem:s25+$0xE0]  }
0x28b: {  	v2 =	vand.u32 $0x1, v2;
	v1 =	vadd.f32 v4, v1;
	v5 =	vld [tilespmem:s22+$0xFFFFFF20];
	[tilespmem:s13+$0xFFFFFFE0] =	vst v3  }
0x28c: {  	v0 =	vadd.s32 v2, v0;
	v3 =	vld [tilespmem:s19+$0xFFFFFF20];
	v4 =	vshrl.u32 v7, $0x10;
	v12 =	vshrl.u32 v10, $0x10  }
0x28d: {  	v13 =	vshrl.u32 v1, $0x10;
	v2 =	vld [tilespmem:s22+$0xFFFFFF60];
	v4 =	vand.u32 $0x1, v4;
	v12 =	vand.u32 $0x1, v12  }
0x28e: {  	v14 =	vld [tilespmem:s19+$0xFFFFFF60];
	v4 =	vadd.s32 v4, v7;
	v7 =	vadd.s32 v12, v10;
	v10 =	vand.u32 $0x1, v13  }
0x28f: {  	v6 =	vadd.f32 v9, v6;
	v4 =	vadd.s32 $0x7FFF, v4;
	v12 =	vld [tilespmem:s14+$0xFFFFFF90];
	v8 =	vadd.f32 v11, v8  }
0x290: {  	v7 =	vadd.s32 $0x7FFF, v7;
	v1 =	vadd.s32 v10, v1;
	v4 =	vshrl.u32 v4, $0x10;
	v9 =	vld [tilespmem:s25+$0xFFFFFF90]  }
0x291: {  	v11 =	vshrl.u32 v6, $0x10;
	v7 =	vand.u32 $0xFFFF0000, v7;
	v10 =	vld [tilespmem:s14+$0xFFFFFFD0];
	v13 =	vshrl.u32 v8, $0x10  }
0x292: {  	v11 =	vand.u32 $0x1, v11;
	v4 =	vor.u32 v4, v7;
	v7 =	vld [tilespmem:s25+$0xFFFFFFD0];
	v13 =	vand.u32 $0x1, v13  }
0x293: {  	v3 =	vadd.f32 v3, v5;
	[tilespmem:s31+$0x20] =	vst v4;
	v4 =	vadd.s32 v11, v6;
	v5 =	vadd.s32 v13, v8;
	v6 =	vld [tilespmem:s21+$0xFFFFFFB0]  }
0x294: {  	v2 =	vadd.f32 v14, v2;
	v11 =	vld [tilespmem:s22+$0x30];
	v4 =	vadd.s32 $0x7FFF, v4;
	v5 =	vadd.s32 $0x7FFF, v5  }
0x295: {  	v8 =	vshrl.u32 v3, $0x10;
	v13 =	vld [tilespmem:s19+$0x30];
	v4 =	vshrl.u32 v4, $0x10;
	v5 =	vand.u32 $0xFFFF0000, v5  }
0x296: {  	v8 =	vand.u32 $0x1, v8;
	v14 =	vshrl.u32 v2, $0x10;
	v15 =	vld [tilespmem:s22+$0x70];
	v4 =	vor.u32 v4, v5  }
0x297: {  	v3 =	vadd.s32 v8, v3;
	v8 =	vadd.f32 v9, v12;
	v5 =	vand.u32 $0x1, v14;
	v14 =	vld [tilespmem:s19+$0x70];
	[tilespmem:s23+$0x60] =	vst v4  }
0x298: {  	v3 =	vadd.s32 $0x7FFF, v3;
	v2 =	vadd.s32 v5, v2;
	v4 =	vadd.f32 v7, v10;
	v5 =	vld [tilespmem:s14+$0xB0]  }
0x299: {  	v3 =	vshrl.u32 v3, $0x10;
	v7 =	vshrl.u32 v8, $0x10;
	v2 =	vadd.s32 $0x7FFF, v2;
	v16 =	vld [tilespmem:s25+$0xB0]  }
0x29a: {  	v7 =	vand.u32 $0x1, v7;
	v2 =	vand.u32 $0xFFFF0000, v2;
	v9 =	vshrl.u32 v4, $0x10;
	v17 =	vld [tilespmem:s14+$0xF0]  }
0x29b: {  	v2 =	vor.u32 v3, v2;
	v3 =	vadd.s32 v7, v8;
	v7 =	vand.u32 $0x1, v9;
	v18 =	vld [tilespmem:s25+$0xF0]  }
0x29c: {  	v0 =	vadd.s32 $0x7FFF, v0;
	[tilespmem:s31+$0xFFFFFFA0] =	vst v2;
	v2 =	vadd.s32 $0x7FFF, v3;
	v3 =	vadd.s32 v7, v4;
	v4 =	vld [tilespmem:s12+$0xFFFFFFB0]  }
0x29d: {  	v1 =	vadd.s32 $0x7FFF, v1;
	v8 =	vld [tilespmem:s22+$0xFFFFFF30];
	v2 =	vshrl.u32 v2, $0x10;
	v3 =	vadd.s32 $0x7FFF, v3  }
0x29e: {  	v0 =	vshrl.u32 v0, $0x10;
	v1 =	vand.u32 $0xFFFF0000, v1;
	v9 =	vld [tilespmem:s19+$0xFFFFFF30];
	v3 =	vand.u32 $0xFFFF0000, v3  }
0x29f: {  	v19 =	vadd.f32 v13, v11;
	v12 =	vadd.f32 v14, v15;
	v10 =	vld [tilespmem:s22+$0xFFFFFF70];
	v2 =	vor.u32 v2, v3  }
0x2a0: {  	v1 =	vor.u32 v0, v1;
	v3 =	vadd.f32 v16, v5;
	v11 =	vld [tilespmem:s19+$0xFFFFFF70];
	[tilespmem:s23+$0xFFFFFFD0] =	vst v2;
	v5 =	vadd.f32 v18, v17  }
.Ltmp1:
0x2a1: {  	v7 =	vshrl.u32 v19, $0x10;
	v2 =	vld [tilespmem:s14+$0xFFFFFFA0];
	v0 =	vadd.f32 v4, v6;
	[tilespmem:s11+$0xFFFFFFF0] =	vst v1;
	s11 =	smov.u32 s13;
	s13 =	smov.u32 s23;
	(pc) =	sbr.rel @p1 .LBB2_5-.Ltmp1, $4  }
0x2a2: {  	v1 =	vshrl.u32 v12, $0x10;
	v13 =	vshrl.u32 v3, $0x10;
	s23 =	smov.u32 s31;
	v4 =	vld [tilespmem:s25+$0xFFFFFFA0];
	v14 =	vshrl.u32 v5, $0x10  }
0x2a3: {  	v15 =	vand.u32 $0x1, v7;
	v16 =	vand.u32 $0x1, v13;
	v6 =	vld [tilespmem:s14+$0xFFFFFFE0];
	v14 =	vand.u32 $0x1, v14  }
0x2a4: {  	v13 =	vand.u32 $0x1, v1;
	v1 =	vadd.s32 v16, v3;
	v7 =	vld [tilespmem:s25+$0xFFFFFFE0];
	v3 =	vadd.s32 v14, v5  }
0x2a5: {  	v14 =	vadd.s32 v15, v19;
	v5 =	vadd.s32 $0x7FFF, v1;
	v3 =	vadd.s32 $0x7FFF, v3;
	v1 =	vld [tilespmem:s21+$0xFFFFFFF0];
	s21 =	smov.u32 s14;
	s14 =	smov.u32 s22;
	s22 =	sadd.s32 $0x200, s22  }
0x2a6: {  	v12 =	vadd.s32 v13, v12  }
0x2a7: {  	v13 =	vadd.s32 $0x7FFF, v14;
	v12 =	vadd.s32 $0x7FFF, v12  }
0x2a8: {  	v13 =	vshrl.u32 v13, $0x10;
	v12 =	vand.u32 $0xFFFF0000, v12  }
0x2a9: {  	v8 =	vadd.f32 v9, v8;
	v9 =	vadd.f32 v11, v10;
	v10 =	vor.u32 v13, v12  }
0x2aa: {  	[tilespmem:s31+$0x30] =	vst v10  }
0x2ab: {  	v11 =	vshrl.u32 v9, $0x10;
	v10 =	vshrl.u32 v8, $0x10;
	v12 =	vld [tilespmem:s14+$0x80]  }
0x2ac: {  	v11 =	vand.u32 $0x1, v11;
	v10 =	vand.u32 $0x1, v10;
	v13 =	vld [tilespmem:s2+$0x80]  }
0x2ad: {  	v9 =	vadd.s32 v11, v9;
	v11 =	vld [tilespmem:s2+$0xC0];
	v8 =	vadd.s32 v10, v8  }
0x2ae: {  	v9 =	vadd.s32 $0x7FFF, v9;
	v10 =	vld [tilespmem:s14+$0xC0];
	v8 =	vadd.s32 $0x7FFF, v8  }
0x2af: {  	v9 =	vand.u32 $0xFFFF0000, v9;
	v8 =	vshrl.u32 v8, $0x10  }
0x2b0: {  	v8 =	vor.u32 v8, v9  }
0x2b1: {  	[tilespmem:s31+$0xFFFFFFB0] =	vst v8  }
0x2b2: {  	v8 =	vld [tilespmem:s14+$0xFFFFFF80]  }
0x2b3: {  	v12 =	vadd.f32 v13, v12;
	v9 =	vld [tilespmem:s2+$0xFFFFFF80];
	v10 =	vadd.f32 v11, v10  }
0x2b4: {  	v11 =	vld [tilespmem:s14+$0xFFFFFFC0]  }
0x2b5: {  	v13 =	vld [tilespmem:s2+$0xFFFFFFC0];
	v14 =	vshrl.u32 v12, $0x10;
	v15 =	vshrl.u32 v10, $0x10  }
0x2b6: {  	v14 =	vand.u32 $0x1, v14;
	v15 =	vand.u32 $0x1, v15  }
0x2b7: {  	v12 =	vadd.s32 v14, v12;
	v10 =	vadd.s32 v15, v10  }
0x2b8: {  	v12 =	vadd.s32 $0x7FFF, v12;
	v10 =	vadd.s32 $0x7FFF, v10  }
0x2b9: {  	v12 =	vshrl.u32 v12, $0x10;
	v10 =	vand.u32 $0xFFFF0000, v10  }
0x2ba: {  	v8 =	vadd.f32 v9, v8;
	v9 =	vadd.f32 v13, v11;
	v10 =	vor.u32 v12, v10  }
0x2bb: {  	[tilespmem:s23+$0x40] =	vst v10  }
0x2bc: {  	v11 =	vshrl.u32 v8, $0x10;
	v12 =	vshrl.u32 v9, $0x10;
	v10 =	vld [tilespmem:s14+$0x90]  }
0x2bd: {  	v11 =	vand.u32 $0x1, v11;
	v12 =	vand.u32 $0x1, v12;
	v13 =	vld [tilespmem:s2+$0x90]  }
0x2be: {  	v14 =	vld [tilespmem:s14+$0xD0];
	v8 =	vadd.s32 v11, v8;
	v9 =	vadd.s32 v12, v9  }
0x2bf: {  	v11 =	vld [tilespmem:s2+$0xD0];
	v8 =	vadd.s32 $0x7FFF, v8;
	v9 =	vadd.s32 $0x7FFF, v9  }
0x2c0: {  	v8 =	vshrl.u32 v8, $0x10;
	v9 =	vand.u32 $0xFFFF0000, v9  }
0x2c1: {  	v8 =	vor.u32 v8, v9  }
0x2c2: {  	[tilespmem:s23+$0xFFFFFFC0] =	vst v8  }
0x2c3: {  	v8 =	vld [tilespmem:s14+$0xFFFFFF90]  }
0x2c4: {  	v9 =	vadd.f32 v13, v10;
	v10 =	vadd.f32 v11, v14;
	v11 =	vld [tilespmem:s2+$0xFFFFFF90]  }
0x2c5: {  	v12 =	vld [tilespmem:s14+$0xFFFFFFD0]  }
0x2c6: {  	v15 =	vld [tilespmem:s2+$0xFFFFFFD0];
	v13 =	vshrl.u32 v9, $0x10;
	v14 =	vshrl.u32 v10, $0x10  }
0x2c7: {  	v13 =	vand.u32 $0x1, v13;
	v14 =	vand.u32 $0x1, v14  }
0x2c8: {  	v9 =	vadd.s32 v13, v9;
	v10 =	vadd.s32 v14, v10  }
0x2c9: {  	v9 =	vadd.s32 $0x7FFF, v9;
	v10 =	vadd.s32 $0x7FFF, v10  }
0x2ca: {  	v9 =	vshrl.u32 v9, $0x10;
	v10 =	vand.u32 $0xFFFF0000, v10  }
0x2cb: {  	v8 =	vadd.f32 v11, v8;
	v9 =	vor.u32 v9, v10;
	v10 =	vadd.f32 v15, v12  }
0x2cc: {  	[tilespmem:s23+$0x50] =	vst v9  }
0x2cd: {  	v11 =	vshrl.u32 v8, $0x10;
	v9 =	vld [tilespmem:s14+$0xA0];
	v12 =	vshrl.u32 v10, $0x10  }
0x2ce: {  	v11 =	vand.u32 $0x1, v11;
	v13 =	vld [tilespmem:s2+$0xA0];
	v12 =	vand.u32 $0x1, v12  }
0x2cf: {  	v14 =	vld [tilespmem:s14+$0xE0];
	v8 =	vadd.s32 v11, v8;
	v10 =	vadd.s32 v12, v10  }
0x2d0: {  	v2 =	vadd.f32 v4, v2;
	v11 =	vld [tilespmem:s2+$0xE0];
	v8 =	vadd.s32 $0x7FFF, v8;
	v10 =	vadd.s32 $0x7FFF, v10  }
0x2d1: {  	v4 =	vshrl.u32 v8, $0x10;
	v8 =	vand.u32 $0xFFFF0000, v10  }
0x2d2: {  	v6 =	vadd.f32 v7, v6;
	v7 =	vshrl.u32 v2, $0x10;
	v4 =	vor.u32 v4, v8  }
0x2d3: {  	v7 =	vand.u32 $0x1, v7;
	[tilespmem:s23+$0xFFFFFFD0] =	vst v4  }
0x2d4: {  	v2 =	vadd.s32 v7, v2;
	v8 =	vld [tilespmem:s14+$0xFFFFFFA0]  }
0x2d5: {  	v9 =	vadd.f32 v13, v9;
	v10 =	vadd.f32 v11, v14;
	v4 =	vshrl.u32 v6, $0x10;
	v11 =	vld [tilespmem:s2+$0xFFFFFFA0]  }
0x2d6: {  	v2 =	vadd.s32 $0x7FFF, v2;
	v4 =	vand.u32 $0x1, v4;
	v13 =	vld [tilespmem:s2+$0xFFFFFFE0]  }
0x2d7: {  	v7 =	vshrl.u32 v9, $0x10;
	v12 =	vshrl.u32 v10, $0x10;
	v4 =	vadd.s32 v4, v6;
	v6 =	vld [tilespmem:s14+$0xFFFFFFE0]  }
0x2d8: {  	v2 =	vshrl.u32 v2, $0x10;
	v7 =	vand.u32 $0x1, v7;
	v12 =	vand.u32 $0x1, v12  }
0x2d9: {  	v4 =	vadd.s32 $0x7FFF, v4;
	v7 =	vadd.s32 v7, v9;
	v9 =	vadd.s32 v12, v10  }
0x2da: {  	v4 =	vand.u32 $0xFFFF0000, v4;
	v7 =	vadd.s32 $0x7FFF, v7;
	v9 =	vadd.s32 $0x7FFF, v9  }
0x2db: {  	v2 =	vor.u32 v2, v4;
	v4 =	vshrl.u32 v7, $0x10;
	v7 =	vand.u32 $0xFFFF0000, v9  }
0x2dc: {  	v9 =	vld [tilespmem:s12+$0xFFFFFFF0];
	[tilespmem:s13+$0xFFFFFFE0] =	vst v2;
	v2 =	vor.u32 v4, v7;
	v4 =	vadd.f32 v11, v8;
	v6 =	vadd.f32 v13, v6  }
0x2dd: {  	v7 =	vld [tilespmem:s21+$0xFFFFFFB0];
	[tilespmem:s23+$0x60] =	vst v2  }
0x2de: {  	v5 =	vshrl.u32 v5, $0x10;
	v2 =	vld [tilespmem:s14+$0xB0];
	v8 =	vshrl.u32 v4, $0x10;
	v10 =	vshrl.u32 v6, $0x10  }
0x2df: {  	v3 =	vand.u32 $0xFFFF0000, v3;
	v11 =	vld [tilespmem:s2+$0xB0];
	v8 =	vand.u32 $0x1, v8;
	v10 =	vand.u32 $0x1, v10  }
0x2e0: {  	v3 =	vor.u32 v5, v3;
	v12 =	vld [tilespmem:s14+$0xF0];
	v4 =	vadd.s32 v8, v4;
	v6 =	vadd.s32 v10, v6  }
0x2e1: {  	v1 =	vadd.f32 v9, v1;
	v8 =	vld [tilespmem:s2+$0xF0];
	v4 =	vadd.s32 $0x7FFF, v4;
	v6 =	vadd.s32 $0x7FFF, v6  }
0x2e2: {  	v9 =	vld [tilespmem:s25+$0xFFFFFFB0];
	v10 =	vshrl.u32 v0, $0x10;
	v4 =	vshrl.u32 v4, $0x10;
	v6 =	vand.u32 $0xFFFF0000, v6  }
0x2e3: {  	v14 =	vld [tilespmem:s21+$0xFFFFFFF0];
	v13 =	vshrl.u32 v1, $0x10;
	v5 =	vand.u32 $0x1, v10;
	v4 =	vor.u32 v4, v6  }
0x2e4: {  	v10 =	vld [tilespmem:s25+$0xFFFFFFF0];
	v0 =	vadd.s32 v5, v0;
	v6 =	vand.u32 $0x1, v13;
	[tilespmem:s23+$0xFFFFFFE0] =	vst v4  }
0x2e5: {  	v2 =	vadd.f32 v11, v2;
	v0 =	vadd.s32 $0x7FFF, v0;
	v1 =	vadd.s32 v6, v1;
	v4 =	vld [tilespmem:s14+$0xFFFFFFB0]  }
0x2e6: {  	v5 =	vadd.f32 v8, v12;
	v0 =	vshrl.u32 v0, $0x10;
	v1 =	vadd.s32 $0x7FFF, v1;
	v6 =	vld [tilespmem:s2+$0xFFFFFFB0]  }
0x2e7: {  	v8 =	vshrl.u32 v2, $0x10;
	v7 =	vadd.f32 v9, v7;
	v11 =	vld [tilespmem:s14+$0xFFFFFFF0];
	v1 =	vand.u32 $0xFFFF0000, v1  }
0x2e8: {  	v8 =	vand.u32 $0x1, v8;
	v12 =	vld [tilespmem:s2+$0xFFFFFFF0];
	v0 =	vor.u32 v0, v1;
	v1 =	vshrl.u32 v5, $0x10  }
0x2e9: {  	v2 =	vadd.s32 v8, v2;
	v8 =	vshrl.u32 v7, $0x10;
	v1 =	vand.u32 $0x1, v1  }
0x2ea: {  	v2 =	vadd.s32 $0x7FFF, v2;
	v1 =	vadd.s32 v1, v5;
	v5 =	vadd.f32 v10, v14  }
0x2eb: {  	v8 =	vand.u32 $0x1, v8;
	v2 =	vshrl.u32 v2, $0x10  }
0x2ec: {  	v1 =	vadd.s32 $0x7FFF, v1;
	v4 =	vadd.f32 v6, v4;
	v9 =	vshrl.u32 v5, $0x10  }
0x2ed: {  	v6 =	vadd.f32 v12, v11;
	v1 =	vand.u32 $0xFFFF0000, v1;
	v9 =	vand.u32 $0x1, v9  }
0x2ee: {  	v1 =	vor.u32 v2, v1;
	v2 =	vadd.s32 v8, v7;
	v7 =	vshrl.u32 v4, $0x10  }
0x2ef: {  	v8 =	vshrl.u32 v6, $0x10;
	v5 =	vadd.s32 v9, v5;
	v2 =	vadd.s32 $0x7FFF, v2  }
0x2f0: {  	v7 =	vand.u32 $0x1, v7;
	v8 =	vand.u32 $0x1, v8;
	v5 =	vadd.s32 $0x7FFF, v5  }
0x2f1: {  	[tilespmem:s13+$0x70] =	vst v3;
	v2 =	vshrl.u32 v2, $0x10;
	v3 =	vadd.s32 v7, v4;
	v4 =	vadd.s32 v8, v6  }
0x2f2: {  	[tilespmem:s11+$0xFFFFFFF0] =	vst v0;
	v0 =	vand.u32 $0xFFFF0000, v5;
	v3 =	vadd.s32 $0x7FFF, v3;
	v4 =	vadd.s32 $0x7FFF, v4  }
0x2f3: {  	s19 =	sadd.s32 s15, s9;
	p1 =	slt.s32 s7, $0x27;
	[tilespmem:s23+$0x70] =	vst v1;
	v0 =	vor.u32 v2, v0;
	v1 =	vshrl.u32 v3, $0x10;
	v2 =	vand.u32 $0xFFFF0000, v4  }
0x2f4: {  	s7 =	simm.s32 @!p1 $0x27;
	s2 =	sshll.u32 s19, $0x3;
	[tilespmem:s13+$0xFFFFFFF0] =	vst v0;
	v0 =	vor.u32 v1, v2  }
0x2f5: {  	s20 =	simm.s32 $0x13400;
	s7 =	sshll.u32 s7, $0x7;
	s2 =	sadd.s32 s5, s2;
	[tilespmem:s23+$0xFFFFFFF0] =	vst v0  }
0x2f6: {  	[hbm4b:s2+s3] =	stream.linear.scatter [tilespmem:s20], [sflag:$0x5], $0x1400, $0x38;
	[tilespmem:$0x1AC00] =	vst v63  }
0x2f7: {  	s22 =	simm.s32 $0xE400;
	s21 =	sadd.s32 $0x1600, s7  }
0x2f8: {  	[tilespmem:s22], [sflag:$0x2] =	stream.indirect.gather [hbm4b:s1+s16], $0x80, s21, s16, $0xb8;
	[tilespmem:$0x1AC00] =	vst v63  }
0x2f9: {  	s25 =	simm.s32 $0x10C00;
	s23 =	sadd.s32 $0x5600, s7  }
0x2fa: {  	[tilespmem:s25], [sflag:$0x2] =	stream.indirect.gather [hbm4b:s4+s16], $0x80, s23, s16, $0xb8;
	[tilespmem:$0x1AC00] =	vst v63  }
0x2fb: {  	_ =	swait.ge [sflag:s0], $0x2800  }
0x2fc: {  	[sflag:s0] =	ssyncset.done $0x0  }
0x2fd: {  	[sflag:s0] =	ssyncadd.s32 $0xFFFFD800  }
0x2fe: {  	_ =	swait.ge [sflag:s0], $0x2800  }
0x2ff: {  	[sflag:s0] =	ssyncset.done $0x0  }
0x300: {  	s2 =	simm.s32 @!p0 $0x6;
	[sflag:s0] =	ssyncadd.s32 $0xFFFFD800  }
0x301: {  	_ =	swait.ge @!p0 [sflag:s2], $0x1400  }
0x302: {  	[sflag:s2] =	ssyncset.done @!p0 $0x0  }
0x303: {  	[sflag:s2] =	ssyncadd.s32 @!p0 $0xFFFFEC00;
	s2 =	simm.s32 $0x14900  }
0x304: {  	s12 =	simm.s32 $0x17100;
	v0 =	vld [tilespmem:s2+$0x0]  }
0x305: {  	v1 =	vld [tilespmem:s12+$0x0]  }
0x306: {  	v2 =	vld [tilespmem:s2+$0x40]  }
0x307: {  	v3 =	vld [tilespmem:s12+$0x40];
	_ =	sdelay $0x4  }
0x308: {  	v0 =	vadd.f32 v1, v0;
	v1 =	vadd.f32 v3, v2  }
0x309: {  	v4 =	vld [tilespmem:s12+$0xFFFFFF00]  }
0x30a: {  	v5 =	vld [tilespmem:s12+$0xFFFFFF40];
	v3 =	vshrl.u32 v0, $0x10;
	v6 =	vshrl.u32 v1, $0x10  }
0x30b: {  	v7 =	vld [tilespmem:s2+$0xFFFFFF00];
	v3 =	vand.u32 $0x1, v3;
	v6 =	vand.u32 $0x1, v6  }
0x30c: {  	v2 =	vld [tilespmem:s2+$0xFFFFFF40];
	v0 =	vadd.s32 v3, v0;
	v1 =	vadd.s32 v6, v1  }
0x30d: {  	v0 =	vadd.s32 $0x7FFF, v0;
	v1 =	vadd.s32 $0x7FFF, v1  }
0x30e: {  	v0 =	vshrl.u32 v0, $0x10;
	v1 =	vand.u32 $0xFFFF0000, v1  }
0x30f: {  	s11 =	simm.s32 $0x19880;
	v0 =	vor.u32 v0, v1  }
0x310: {  	[tilespmem:s11+$0x0] =	vst v0  }
0x311: {  	v1 =	vadd.f32 v4, v7;
	v0 =	vadd.f32 v5, v2;
	v2 =	vld [tilespmem:s2+$0x10]  }
0x312: {  	v4 =	vld [tilespmem:s12+$0x10]  }
0x313: {  	v3 =	vshrl.u32 v1, $0x10;
	v6 =	vld [tilespmem:s2+$0x50];
	v5 =	vshrl.u32 v0, $0x10  }
0x314: {  	v7 =	vld [tilespmem:s12+$0x50];
	v3 =	vand.u32 $0x1, v3;
	v5 =	vand.u32 $0x1, v5  }
0x315: {  	v1 =	vadd.s32 v3, v1;
	v0 =	vadd.s32 v5, v0  }
0x316: {  	v1 =	vadd.s32 $0x7FFF, v1;
	v0 =	vadd.s32 $0x7FFF, v0  }
0x317: {  	v1 =	vshrl.u32 v1, $0x10;
	v0 =	vand.u32 $0xFFFF0000, v0  }
0x318: {  	v0 =	vor.u32 v1, v0  }
0x319: {  	v1 =	vadd.f32 v7, v6;
	[tilespmem:s11+$0xFFFFFF80] =	vst v0;
	v0 =	vadd.f32 v4, v2  }
0x31a: {  	v2 =	vld [tilespmem:s2+$0xFFFFFF10]  }
0x31b: {  	v3 =	vld [tilespmem:s12+$0xFFFFFF10];
	v5 =	vshrl.u32 v1, $0x10;
	v4 =	vshrl.u32 v0, $0x10  }
0x31c: {  	v6 =	vld [tilespmem:s2+$0xFFFFFF50];
	v5 =	vand.u32 $0x1, v5;
	v4 =	vand.u32 $0x1, v4  }
0x31d: {  	v7 =	vld [tilespmem:s12+$0xFFFFFF50];
	v1 =	vadd.s32 v5, v1;
	v0 =	vadd.s32 v4, v0  }
0x31e: {  	v1 =	vadd.s32 $0x7FFF, v1;
	v0 =	vadd.s32 $0x7FFF, v0  }
0x31f: {  	v1 =	vand.u32 $0xFFFF0000, v1;
	v0 =	vshrl.u32 v0, $0x10  }
0x320: {  	v0 =	vor.u32 v0, v1  }
0x321: {  	[tilespmem:s11+$0x10] =	vst v0  }
0x322: {  	v1 =	vadd.f32 v3, v2;
	v0 =	vadd.f32 v7, v6;
	v2 =	vld [tilespmem:s2+$0x20]  }
0x323: {  	v4 =	vld [tilespmem:s12+$0x20]  }
0x324: {  	v3 =	vshrl.u32 v1, $0x10;
	v6 =	vld [tilespmem:s2+$0x60];
	v5 =	vshrl.u32 v0, $0x10  }
0x325: {  	v7 =	vld [tilespmem:s12+$0x60];
	v3 =	vand.u32 $0x1, v3;
	v5 =	vand.u32 $0x1, v5  }
0x326: {  	v1 =	vadd.s32 v3, v1;
	v0 =	vadd.s32 v5, v0  }
0x327: {  	v1 =	vadd.s32 $0x7FFF, v1;
	v0 =	vadd.s32 $0x7FFF, v0  }
0x328: {  	v1 =	vshrl.u32 v1, $0x10;
	v0 =	vand.u32 $0xFFFF0000, v0  }
0x329: {  	v0 =	vor.u32 v1, v0  }
0x32a: {  	v1 =	vadd.f32 v7, v6;
	[tilespmem:s11+$0xFFFFFF90] =	vst v0;
	v0 =	vadd.f32 v4, v2  }
0x32b: {  	v2 =	vld [tilespmem:s2+$0xFFFFFF20]  }
0x32c: {  	v3 =	vld [tilespmem:s12+$0xFFFFFF20];
	v5 =	vshrl.u32 v1, $0x10;
	v4 =	vshrl.u32 v0, $0x10  }
0x32d: {  	v6 =	vld [tilespmem:s2+$0xFFFFFF60];
	v5 =	vand.u32 $0x1, v5;
	v4 =	vand.u32 $0x1, v4  }
0x32e: {  	v7 =	vld [tilespmem:s12+$0xFFFFFF60];
	v1 =	vadd.s32 v5, v1;
	v0 =	vadd.s32 v4, v0  }
0x32f: {  	v1 =	vadd.s32 $0x7FFF, v1;
	v0 =	vadd.s32 $0x7FFF, v0  }
0x330: {  	v1 =	vand.u32 $0xFFFF0000, v1;
	v0 =	vshrl.u32 v0, $0x10  }
0x331: {  	v0 =	vor.u32 v0, v1  }
0x332: {  	v1 =	vadd.f32 v3, v2;
	[tilespmem:s11+$0x20] =	vst v0  }
0x333: {  	v0 =	vadd.f32 v7, v6;
	v2 =	vld [tilespmem:s2+$0x30]  }
0x334: {  	v3 =	vshrl.u32 v1, $0x10;
	v4 =	vld [tilespmem:s12+$0x30]  }
0x335: {  	v6 =	vld [tilespmem:s2+$0x70];
	v5 =	vshrl.u32 v0, $0x10;
	v3 =	vand.u32 $0x1, v3  }
0x336: {  	v5 =	vand.u32 $0x1, v5;
	v1 =	vadd.s32 v3, v1;
	v3 =	vld [tilespmem:s12+$0x70]  }
0x337: {  	v0 =	vadd.s32 v5, v0  }
0x338: {  	v1 =	vadd.s32 $0x7FFF, v1;
	v0 =	vadd.s32 $0x7FFF, v0  }
0x339: {  	v1 =	vshrl.u32 v1, $0x10;
	v0 =	vand.u32 $0xFFFF0000, v0  }
0x33a: {  	s21 =	simm.s32 $0x14B00;
	v0 =	vor.u32 v1, v0  }
0x33b: {  	v8 =	vld [tilespmem:s21+$0x40];
	v1 =	vadd.f32 v4, v2;
	[tilespmem:s11+$0xFFFFFFA0] =	vst v0;
	v2 =	vadd.f32 v3, v6  }
0x33c: {  	v0 =	vld [tilespmem:s2+$0xFFFFFF30]  }
0x33d: {  	v3 =	vld [tilespmem:s12+$0xFFFFFF30];
	v5 =	vshrl.u32 v1, $0x10;
	v6 =	vshrl.u32 v2, $0x10  }
0x33e: {  	v4 =	vld [tilespmem:s2+$0xFFFFFF70];
	v5 =	vand.u32 $0x1, v5;
	v6 =	vand.u32 $0x1, v6  }
0x33f: {  	v7 =	vld [tilespmem:s12+$0xFFFFFF70];
	v1 =	vadd.s32 v5, v1;
	v2 =	vadd.s32 v6, v2  }
0x340: {  	s25 =	simm.s32 $0x17300;
	v5 =	vld [tilespmem:s21+$0x0];
	v1 =	vadd.s32 $0x7FFF, v1;
	v2 =	vadd.s32 $0x7FFF, v2  }
0x341: {  	v6 =	vld [tilespmem:s25+$0x0];
	v1 =	vshrl.u32 v1, $0x10;
	v2 =	vand.u32 $0xFFFF0000, v2  }
0x342: {  	v0 =	vadd.f32 v3, v0;
	v3 =	vld [tilespmem:s25+$0x40];
	v1 =	vor.u32 v1, v2  }
0x343: {  	[tilespmem:s11+$0x30] =	vst v1  }
0x344: {  	v1 =	vadd.f32 v7, v4;
	v2 =	vshrl.u32 v0, $0x10;
	v4 =	vld [tilespmem:s2+$0x80]  }
0x345: {  	v2 =	vand.u32 $0x1, v2;
	v7 =	vld [tilespmem:s12+$0x80]  }
0x346: {  	v9 =	vshrl.u32 v1, $0x10;
	v0 =	vadd.s32 v2, v0;
	v2 =	vadd.f32 v6, v5;
	v5 =	vld [tilespmem:s2+$0xC0]  }
0x347: {  	v6 =	vand.u32 $0x1, v9;
	v0 =	vadd.s32 $0x7FFF, v0;
	v3 =	vadd.f32 v3, v8;
	v8 =	vld [tilespmem:s12+$0xC0]  }
0x348: {  	v1 =	vadd.s32 v6, v1;
	v0 =	vshrl.u32 v0, $0x10;
	v6 =	vshrl.u32 v2, $0x10  }
0x349: {  	v11 =	vld [tilespmem:s21+$0xFFFFFF40];
	v1 =	vadd.s32 $0x7FFF, v1;
	v6 =	vand.u32 $0x1, v6;
	v10 =	vshrl.u32 v3, $0x10  }
0x34a: {  	v9 =	vld [tilespmem:s25+$0xFFFFFF00];
	v1 =	vand.u32 $0xFFFF0000, v1;
	v2 =	vadd.s32 v6, v2;
	v6 =	vand.u32 $0x1, v10  }
0x34b: {  	v4 =	vadd.f32 v7, v4;
	v0 =	vor.u32 v0, v1;
	v1 =	vld [tilespmem:s21+$0xFFFFFF00];
	v3 =	vadd.s32 v6, v3  }
0x34c: {  	v2 =	vadd.s32 $0x7FFF, v2;
	v6 =	vld [tilespmem:s25+$0xFFFFFF40];
	v3 =	vadd.s32 $0x7FFF, v3;
	v5 =	vadd.f32 v8, v5  }
0x34d: {  	[tilespmem:s11+$0xFFFFFFB0] =	vst v0;
	v0 =	vshrl.u32 v2, $0x10;
	v2 =	vand.u32 $0xFFFF0000, v3  }
0x34e: {  	s13 =	simm.s32 $0x19980;
	v3 =	vld [tilespmem:s2+$0xFFFFFF80];
	v0 =	vor.u32 v0, v2;
	v2 =	vshrl.u32 v4, $0x10;
	v7 =	vshrl.u32 v5, $0x10  }
0x34f: {  	v8 =	vld [tilespmem:s12+$0xFFFFFF80];
	[tilespmem:s13+$0x0] =	vst v0;
	v0 =	vand.u32 $0x1, v2;
	v2 =	vand.u32 $0x1, v7  }
0x350: {  	v1 =	vadd.f32 v9, v1;
	v7 =	vld [tilespmem:s21+$0x10];
	v0 =	vadd.s32 v0, v4;
	v2 =	vadd.s32 v2, v5  }
0x351: {  	v4 =	vadd.f32 v6, v11;
	v5 =	vld [tilespmem:s25+$0x10];
	v0 =	vadd.s32 $0x7FFF, v0;
	v2 =	vadd.s32 $0x7FFF, v2  }
0x352: {  	v6 =	vld [tilespmem:s21+$0x50];
	v0 =	vshrl.u32 v0, $0x10;
	v2 =	vand.u32 $0xFFFF0000, v2  }
0x353: {  	v11 =	vld [tilespmem:s25+$0x50];
	v9 =	vshrl.u32 v1, $0x10;
	v10 =	vshrl.u32 v4, $0x10;
	v0 =	vor.u32 v0, v2  }
0x354: {  	v2 =	vld [tilespmem:s2+$0xFFFFFFC0];
	v9 =	vand.u32 $0x1, v9;
	v10 =	vand.u32 $0x1, v10;
	[tilespmem:s11+$0x40] =	vst v0  }
0x355: {  	v0 =	vadd.s32 v9, v1;
	v1 =	vadd.s32 v10, v4;
	v4 =	vld [tilespmem:s2+$0x90]  }
0x356: {  	v0 =	vadd.s32 $0x7FFF, v0;
	v1 =	vadd.s32 $0x7FFF, v1;
	v9 =	vld [tilespmem:s12+$0x90]  }
0x357: {  	v5 =	vadd.f32 v5, v7;
	v7 =	vld [tilespmem:s2+$0xD0];
	v0 =	vshrl.u32 v0, $0x10;
	v1 =	vand.u32 $0xFFFF0000, v1  }
0x358: {  	v0 =	vor.u32 v0, v1;
	v1 =	vadd.f32 v11, v6;
	v6 =	vld [tilespmem:s12+$0xD0]  }
0x359: {  	v10 =	vld [tilespmem:s12+$0xFFFFFFC0];
	[tilespmem:s13+$0xFFFFFF80] =	vst v0;
	v0 =	vshrl.u32 v5, $0x10  }
0x35a: {  	v11 =	vld [tilespmem:s21+$0xFFFFFF10];
	v0 =	vand.u32 $0x1, v0;
	v12 =	vshrl.u32 v1, $0x10  }
0x35b: {  	v13 =	vld [tilespmem:s25+$0xFFFFFF10];
	v0 =	vadd.s32 v0, v5;
	v5 =	vand.u32 $0x1, v12  }
0x35c: {  	v3 =	vadd.f32 v8, v3;
	v8 =	vld [tilespmem:s21+$0xFFFFFF50];
	v4 =	vadd.f32 v9, v4;
	v1 =	vadd.s32 v5, v1  }
0x35d: {  	v0 =	vadd.s32 $0x7FFF, v0;
	v5 =	vld [tilespmem:s25+$0xFFFFFF50];
	v1 =	vadd.s32 $0x7FFF, v1;
	v6 =	vadd.f32 v6, v7  }
0x35e: {  	v2 =	vadd.f32 v10, v2;
	v0 =	vshrl.u32 v0, $0x10;
	v1 =	vand.u32 $0xFFFF0000, v1  }
0x35f: {  	v0 =	vor.u32 v0, v1;
	v1 =	vshrl.u32 v4, $0x10;
	v7 =	vshrl.u32 v6, $0x10  }
0x360: {  	v9 =	vshrl.u32 v3, $0x10;
	[tilespmem:s13+$0x10] =	vst v0;
	v0 =	vand.u32 $0x1, v1;
	v1 =	vand.u32 $0x1, v7  }
0x361: {  	v7 =	vadd.f32 v13, v11;
	v0 =	vadd.s32 v0, v4;
	v1 =	vadd.s32 v1, v6  }
0x362: {  	v10 =	vld [tilespmem:s21+$0x20];
	v4 =	vadd.f32 v5, v8;
	v0 =	vadd.s32 $0x7FFF, v0;
	v1 =	vadd.s32 $0x7FFF, v1  }
0x363: {  	v5 =	vld [tilespmem:s25+$0x20];
	v6 =	vshrl.u32 v2, $0x10;
	v0 =	vshrl.u32 v0, $0x10;
	v1 =	vand.u32 $0xFFFF0000, v1  }
0x364: {  	v8 =	vld [tilespmem:s21+$0x60];
	v11 =	vshrl.u32 v7, $0x10;
	v12 =	vshrl.u32 v4, $0x10;
	v0 =	vor.u32 v0, v1  }
0x365: {  	v13 =	vld [tilespmem:s25+$0x60];
	v1 =	vand.u32 $0x1, v9;
	v9 =	vand.u32 $0x1, v11;
	v11 =	vand.u32 $0x1, v12  }
0x366: {  	[tilespmem:s11+$0x50] =	vst v0;
	v0 =	vand.u32 $0x1, v6;
	v6 =	vadd.s32 v9, v7;
	v4 =	vadd.s32 v11, v4  }
0x367: {  	v1 =	vadd.s32 v1, v3;
	v7 =	vld [tilespmem:s2+$0xA0];
	v3 =	vadd.s32 $0x7FFF, v6;
	v4 =	vadd.s32 $0x7FFF, v4  }
0x368: {  	v6 =	vld [tilespmem:s12+$0xA0];
	v0 =	vadd.s32 v0, v2;
	v2 =	vshrl.u32 v3, $0x10;
	v3 =	vand.u32 $0xFFFF0000, v4  }
0x369: {  	v4 =	vld [tilespmem:s2+$0xE0];
	v2 =	vor.u32 v2, v3  }
0x36a: {  	v3 =	vadd.f32 v5, v10;
	v5 =	vadd.f32 v13, v8;
	v8 =	vld [tilespmem:s12+$0xE0];
	[tilespmem:s13+$0xFFFFFF90] =	vst v2  }
0x36b: {  	v1 =	vadd.s32 $0x7FFF, v1;
	v0 =	vadd.s32 $0x7FFF, v0;
	v2 =	vld [tilespmem:s21+$0xFFFFFF20]  }
0x36c: {  	v1 =	vshrl.u32 v1, $0x10;
	v0 =	vand.u32 $0xFFFF0000, v0;
	v11 =	vld [tilespmem:s25+$0xFFFFFF20]  }
0x36d: {  	v0 =	vor.u32 v1, v0;
	v9 =	vshrl.u32 v3, $0x10;
	v10 =	vshrl.u32 v5, $0x10;
	v1 =	vld [tilespmem:s21+$0xFFFFFF60]  }
0x36e: {  	[tilespmem:s11+$0xFFFFFFC0] =	vst v0;
	v0 =	vld [tilespmem:s25+$0xFFFFFF60];
	v9 =	vand.u32 $0x1, v9;
	v10 =	vand.u32 $0x1, v10;
	v6 =	vadd.f32 v6, v7  }
0x36f: {  	v3 =	vadd.s32 v9, v3;
	v5 =	vadd.s32 v10, v5;
	v4 =	vadd.f32 v8, v4  }
0x370: {  	v7 =	vld [tilespmem:s2+$0xFFFFFF90];
	v3 =	vadd.s32 $0x7FFF, v3;
	v5 =	vadd.s32 $0x7FFF, v5;
	v9 =	vshrl.u32 v6, $0x10  }
0x371: {  	s14 =	simm.s32 $0x14D00;
	v8 =	vld [tilespmem:s12+$0xFFFFFF90];
	v3 =	vshrl.u32 v3, $0x10;
	v5 =	vand.u32 $0xFFFF0000, v5;
	v10 =	vshrl.u32 v4, $0x10  }
0x372: {  	v14 =	vld [tilespmem:s14+$0x40];
	v3 =	vor.u32 v3, v5;
	v5 =	vand.u32 $0x1, v9;
	v2 =	vadd.f32 v11, v2  }
0x373: {  	v12 =	vld [tilespmem:s2+$0xFFFFFFD0];
	v0 =	vadd.f32 v0, v1;
	v9 =	vand.u32 $0x1, v10;
	v5 =	vadd.s32 v5, v6  }
0x374: {  	v10 =	vld [tilespmem:s12+$0xFFFFFFD0];
	[tilespmem:s13+$0x20] =	vst v3;
	v4 =	vadd.s32 v9, v4;
	v1 =	vadd.s32 $0x7FFF, v5;
	v5 =	vshrl.u32 v2, $0x10  }
0x375: {  	v6 =	vld [tilespmem:s25+$0x30];
	v9 =	vshrl.u32 v0, $0x10;
	v3 =	vadd.s32 $0x7FFF, v4;
	v1 =	vshrl.u32 v1, $0x10  }
0x376: {  	v4 =	vld [tilespmem:s21+$0x30];
	v5 =	vand.u32 $0x1, v5;
	v7 =	vadd.f32 v8, v7;
	v3 =	vand.u32 $0xFFFF0000, v3  }
0x377: {  	v8 =	vld [tilespmem:s25+$0x70];
	v2 =	vadd.s32 v5, v2;
	v5 =	vand.u32 $0x1, v9;
	v1 =	vor.u32 v1, v3  }
0x378: {  	v3 =	vld [tilespmem:s21+$0x70];
	v0 =	vadd.s32 v5, v0;
	[tilespmem:s11+$0x60] =	vst v1  }
0x379: {  	v1 =	vadd.s32 $0x7FFF, v2;
	v2 =	vadd.f32 v10, v12;
	v0 =	vadd.s32 $0x7FFF, v0;
	v5 =	vld [tilespmem:s2+$0xB0]  }
0x37a: {  	v9 =	vshrl.u32 v7, $0x10;
	v1 =	vshrl.u32 v1, $0x10;
	v10 =	vld [tilespmem:s12+$0xB0];
	v0 =	vand.u32 $0xFFFF0000, v0  }
0x37b: {  	v9 =	vand.u32 $0x1, v9;
	v12 =	vld [tilespmem:s2+$0xF0];
	v11 =	vshrl.u32 v2, $0x10;
	v0 =	vor.u32 v1, v0  }
0x37c: {  	v7 =	vadd.s32 v9, v7;
	v9 =	vld [tilespmem:s12+$0xF0];
	v1 =	vand.u32 $0x1, v11;
	[tilespmem:s13+$0xFFFFFFA0] =	vst v0  }
0x37d: {  	v0 =	vadd.s32 v1, v2;
	v2 =	vld [tilespmem:s21+$0xFFFFFF30];
	v3 =	vadd.f32 v8, v3  }
0x37e: {  	v4 =	vadd.f32 v6, v4;
	v1 =	vadd.s32 $0x7FFF, v7;
	v7 =	vld [tilespmem:s25+$0xFFFFFF30];
	v0 =	vadd.s32 $0x7FFF, v0  }
0x37f: {  	v11 =	vld [tilespmem:s21+$0xFFFFFF70];
	v1 =	vshrl.u32 v1, $0x10;
	v0 =	vand.u32 $0xFFFF0000, v0;
	v8 =	vshrl.u32 v3, $0x10  }
0x380: {  	s19 =	simm.s32 $0x17500;
	v0 =	vor.u32 v1, v0;
	v1 =	vld [tilespmem:s25+$0xFFFFFF70];
	v8 =	vand.u32 $0x1, v8  }
0x381: {  	[tilespmem:s11+$0xFFFFFFD0] =	vst v0;
	v0 =	vshrl.u32 v4, $0x10;
	v3 =	vadd.s32 v8, v3;
	v8 =	vld [tilespmem:s19+$0x0]  }
0x382: {  	v6 =	vld [tilespmem:s2+$0xFFFFFFA0];
	v0 =	vand.u32 $0x1, v0  }
0x383: {  	v13 =	vld [tilespmem:s12+$0xFFFFFFA0];
	v0 =	vadd.s32 v0, v4  }
0x384: {  	v3 =	vadd.s32 $0x7FFF, v3;
	v2 =	vadd.f32 v7, v2;
	v7 =	vld [tilespmem:s19+$0x40];
	v0 =	vadd.s32 $0x7FFF, v0  }
0x385: {  	v5 =	vadd.f32 v10, v5;
	v4 =	vld [tilespmem:s14+$0x0];
	v3 =	vand.u32 $0xFFFF0000, v3;
	v0 =	vshrl.u32 v0, $0x10  }
0x386: {  	v54 =	vld [tilespmem:s12+$0xFFFFFFE0];
	v0 =	vor.u32 v0, v3  }
0x387: {  	v10 =	vshrl.u32 v5, $0x10;
	v1 =	vadd.f32 v1, v11;
	v11 =	vshrl.u32 v2, $0x10;
	v3 =	vld [tilespmem:s2+$0xFFFFFFE0];
	[tilespmem:s13+$0x30] =	vst v0  }
0x388: {  	v0 =	vadd.f32 v9, v12;
	v9 =	vand.u32 $0x1, v10;
	v10 =	vand.u32 $0x1, v11;
	v15 =	vld [tilespmem:s21+$0x80]  }
0x389: {  	v12 =	vshrl.u32 v1, $0x10;
	v7 =	vadd.f32 v7, v14;
	v6 =	vadd.f32 v13, v6;
	v11 =	vld [tilespmem:s25+$0x80]  }
0x38a: {  	v2 =	vadd.s32 v10, v2;
	v4 =	vadd.f32 v8, v4;
	v8 =	vld [tilespmem:s21+$0xC0];
	v10 =	vand.u32 $0x1, v12  }
0x38b: {  	v12 =	vld [tilespmem:s25+$0xC0];
	v2 =	vadd.s32 $0x7FFF, v2;
	v1 =	vadd.s32 v10, v1;
	v17 =	vshrl.u32 v7, $0x10  }
0x38c: {  	v56 =	vshrl.u32 v6, $0x10;
	v2 =	vshrl.u32 v2, $0x10;
	v10 =	vshrl.u32 v4, $0x10  }
0x38d: {  	v16 =	vld [tilespmem:s14+$0xFFFFFF40];
	v1 =	vadd.s32 $0x7FFF, v1;
	v17 =	vand.u32 $0x1, v17;
	v10 =	vand.u32 $0x1, v10  }
0x38e: {  	v14 =	vld [tilespmem:s19+$0xFFFFFF00];
	v1 =	vand.u32 $0xFFFF0000, v1;
	v7 =	vadd.s32 v17, v7;
	v3 =	vadd.f32 v54, v3  }
0x38f: {  	v4 =	vadd.s32 v10, v4;
	v10 =	vld [tilespmem:s14+$0xFFFFFF00];
	v1 =	vor.u32 v2, v1;
	v7 =	vadd.s32 $0x7FFF, v7  }
0x390: {  	v2 =	vld [tilespmem:s19+$0xFFFFFF40];
	v4 =	vadd.s32 $0x7FFF, v4;
	v11 =	vadd.f32 v11, v15;
	v8 =	vadd.f32 v12, v8  }
0x391: {  	[tilespmem:s13+$0xFFFFFFB0] =	vst v1;
	v1 =	vadd.s32 v9, v5;
	v7 =	vand.u32 $0xFFFF0000, v7;
	v4 =	vshrl.u32 v4, $0x10  }
0x392: {  	v58 =	vshrl.u32 v3, $0x10;
	v5 =	vld [tilespmem:s21+$0xFFFFFF80];
	v1 =	vadd.s32 $0x7FFF, v1;
	v4 =	vor.u32 v4, v7  }
0x393: {  	s31 =	simm.s32 $0x19A80;
	v9 =	vld [tilespmem:s25+$0xFFFFFF80];
	v7 =	vshrl.u32 v11, $0x10;
	v12 =	vshrl.u32 v8, $0x10;
	v1 =	vshrl.u32 v1, $0x10  }
0x394: {  	v15 =	vld [tilespmem:s21+$0xFFFFFFC0];
	[tilespmem:s31+$0x0] =	vst v4;
	v4 =	vand.u32 $0x1, v7;
	v7 =	vand.u32 $0x1, v12;
	v10 =	vadd.f32 v14, v10  }
0x395: {  	v2 =	vadd.f32 v2, v16;
	v12 =	vld [tilespmem:s14+$0x10];
	v4 =	vadd.s32 v4, v11;
	v7 =	vadd.s32 v7, v8  }
0x396: {  	v11 =	vld [tilespmem:s19+$0x10];
	v4 =	vadd.s32 $0x7FFF, v4;
	v7 =	vadd.s32 $0x7FFF, v7;
	v8 =	vshrl.u32 v10, $0x10  }
0x397: {  	v55 =	vld [tilespmem:s14+$0x50];
	v14 =	vshrl.u32 v2, $0x10;
	v4 =	vshrl.u32 v4, $0x10;
	v7 =	vand.u32 $0xFFFF0000, v7  }
0x398: {  	v8 =	vand.u32 $0x1, v8;
	v14 =	vand.u32 $0x1, v14;
	v4 =	vor.u32 v4, v7;
	v7 =	vld [tilespmem:s19+$0x50]  }
0x399: {  	v16 =	vand.u32 $0x1, v58;
	v8 =	vadd.s32 v8, v10;
	v2 =	vadd.s32 v14, v2;
	[tilespmem:s13+$0x40] =	vst v4;
	v4 =	vld [tilespmem:s25+$0xFFFFFFC0]  }
0x39a: {  	v3 =	vadd.s32 v16, v3;
	v8 =	vadd.s32 $0x7FFF, v8;
	v2 =	vadd.s32 $0x7FFF, v2;
	v13 =	vld [tilespmem:s21+$0x90]  }
0x39b: {  	v5 =	vadd.f32 v9, v5;
	v14 =	vld [tilespmem:s25+$0x90];
	v8 =	vshrl.u32 v8, $0x10;
	v2 =	vand.u32 $0xFFFF0000, v2  }
0x39c: {  	v10 =	vshrl.u32 v0, $0x10;
	v11 =	vadd.f32 v11, v12;
	v12 =	vld [tilespmem:s21+$0xD0];
	v8 =	vor.u32 v8, v2  }
0x39d: {  	v57 =	vld [tilespmem:s25+$0xD0];
	v2 =	vand.u32 $0x1, v10;
	v10 =	vand.u32 $0x1, v56;
	v7 =	vadd.f32 v7, v55  }
0x39e: {  	v3 =	vadd.s32 $0x7FFF, v3;
	v6 =	vadd.s32 v10, v6;
	[tilespmem:s31+$0xFFFFFF80] =	vst v8;
	v8 =	vshrl.u32 v11, $0x10  }
0x39f: {  	v4 =	vadd.f32 v4, v15;
	v9 =	vld [tilespmem:s14+$0xFFFFFF10];
	v8 =	vand.u32 $0x1, v8;
	v10 =	vshrl.u32 v7, $0x10  }
0x3a0: {  	v15 =	vshrl.u32 v5, $0x10;
	v8 =	vadd.s32 v8, v11;
	v11 =	vld [tilespmem:s19+$0xFFFFFF10];
	v10 =	vand.u32 $0x1, v10  }
0x3a1: {  	v15 =	vand.u32 $0x1, v15;
	v13 =	vadd.f32 v14, v13;
	v14 =	vld [tilespmem:s19+$0xFFFFFF50];
	v7 =	vadd.s32 v10, v7  }
0x3a2: {  	v12 =	vadd.f32 v57, v12;
	v8 =	vadd.s32 $0x7FFF, v8;
	v10 =	vld [tilespmem:s14+$0xFFFFFF50];
	v7 =	vadd.s32 $0x7FFF, v7  }
0x3a3: {  	v5 =	vadd.s32 v15, v5;
	v8 =	vshrl.u32 v8, $0x10;
	v7 =	vand.u32 $0xFFFF0000, v7  }
0x3a4: {  	v15 =	vshrl.u32 v12, $0x10;
	v7 =	vor.u32 v8, v7;
	v8 =	vshrl.u32 v13, $0x10  }
0x3a5: {  	v15 =	vand.u32 $0x1, v15;
	v9 =	vadd.f32 v11, v9;
	v8 =	vand.u32 $0x1, v8  }
0x3a6: {  	v3 =	vand.u32 $0xFFFF0000, v3;
	[tilespmem:s31+$0x10] =	vst v7;
	v7 =	vadd.s32 v8, v13;
	v8 =	vadd.s32 v15, v12  }
0x3a7: {  	v10 =	vadd.f32 v14, v10;
	v11 =	vld [tilespmem:s14+$0x20];
	v12 =	vshrl.u32 v9, $0x10;
	v7 =	vadd.s32 $0x7FFF, v7  }
0x3a8: {  	v13 =	vld [tilespmem:s19+$0x20];
	v8 =	vadd.s32 $0x7FFF, v8;
	v12 =	vand.u32 $0x1, v12;
	v7 =	vshrl.u32 v7, $0x10  }
0x3a9: {  	v15 =	vld [tilespmem:s14+$0x60];
	v8 =	vand.u32 $0xFFFF0000, v8;
	v14 =	vshrl.u32 v10, $0x10;
	v9 =	vadd.s32 v12, v9  }
0x3aa: {  	v12 =	vld [tilespmem:s19+$0x60];
	v7 =	vor.u32 v7, v8;
	v8 =	vshrl.u32 v4, $0x10;
	v14 =	vand.u32 $0x1, v14  }
0x3ab: {  	v0 =	vadd.s32 v2, v0;
	v8 =	vand.u32 $0x1, v8;
	v10 =	vadd.s32 v14, v10;
	[tilespmem:s13+$0x50] =	vst v7  }
0x3ac: {  	v7 =	vadd.s32 $0x7FFF, v9;
	v4 =	vadd.s32 v8, v4;
	v8 =	vadd.s32 $0x7FFF, v10;
	v9 =	vld [tilespmem:s21+$0xA0]  }
0x3ad: {  	v5 =	vadd.s32 $0x7FFF, v5;
	v7 =	vshrl.u32 v7, $0x10;
	v10 =	vld [tilespmem:s25+$0xA0];
	v8 =	vand.u32 $0xFFFF0000, v8  }
0x3ae: {  	v5 =	vshrl.u32 v5, $0x10;
	v4 =	vadd.s32 $0x7FFF, v4;
	v7 =	vor.u32 v7, v8;
	v8 =	vld [tilespmem:s21+$0xE0]  }
0x3af: {  	v4 =	vand.u32 $0xFFFF0000, v4;
	[tilespmem:s31+$0xFFFFFF90] =	vst v7;
	v7 =	vadd.f32 v13, v11;
	v11 =	vadd.f32 v12, v15;
	v12 =	vld [tilespmem:s25+$0xE0]  }
0x3b0: {  	v0 =	vadd.s32 $0x7FFF, v0;
	v4 =	vor.u32 v5, v4;
	v5 =	vadd.s32 $0x7FFF, v6;
	v6 =	vld [tilespmem:s14+$0xFFFFFF20]  }
0x3b1: {  	v0 =	vand.u32 $0xFFFF0000, v0;
	v13 =	vld [tilespmem:s19+$0xFFFFFF20];
	v5 =	vshrl.u32 v5, $0x10;
	v14 =	vshrl.u32 v7, $0x10  }
0x3b2: {  	v59 =	vld [tilespmem:s14+$0xFFFFFF60];
	v15 =	vshrl.u32 v11, $0x10;
	v9 =	vadd.f32 v10, v9;
	v14 =	vand.u32 $0x1, v14  }
0x3b3: {  	[tilespmem:s13+$0xFFFFFFC0] =	vst v4;
	v4 =	vld [tilespmem:s19+$0xFFFFFF60];
	v3 =	vor.u32 v5, v3;
	v15 =	vand.u32 $0x1, v15;
	v7 =	vadd.s32 v14, v7  }
0x3b4: {  	v10 =	vld [tilespmem:s25+$0xFFFFFF90];
	v11 =	vadd.s32 v15, v11;
	v7 =	vadd.s32 $0x7FFF, v7;
	v8 =	vadd.f32 v12, v8  }
0x3b5: {  	v1 =	vor.u32 v1, v0;
	[tilespmem:s11+$0xFFFFFFE0] =	vst v3;
	v14 =	vld [tilespmem:s21+$0xFFFFFF90];
	v5 =	vshrl.u32 v7, $0x10;
	v7 =	vadd.s32 $0x7FFF, v11  }
0x3b6: {  	[tilespmem:s11+$0x70] =	vst v1;
	v1 =	vld [tilespmem:s2+$0xFFFFFFF0];
	v12 =	vshrl.u32 v9, $0x10;
	v7 =	vand.u32 $0xFFFF0000, v7;
	v15 =	vshrl.u32 v8, $0x10  }
0x3b7: {  	v11 =	vld [tilespmem:s21+$0xFFFFFFD0];
	v3 =	vor.u32 v5, v7;
	v7 =	vand.u32 $0x1, v12;
	v12 =	vand.u32 $0x1, v15  }
0x3b8: {  	v6 =	vadd.f32 v13, v6;
	v13 =	vld [tilespmem:s2+$0xFFFFFFB0];
	[tilespmem:s31+$0x20] =	vst v3;
	v3 =	vadd.s32 v7, v9;
	v7 =	vadd.s32 v12, v8  }
0x3b9: {  	v4 =	vadd.f32 v4, v59;
	v5 =	vld [tilespmem:s25+$0xFFFFFFD0];
	v3 =	vadd.s32 $0x7FFF, v3;
	v7 =	vadd.s32 $0x7FFF, v7  }
0x3ba: {  	v8 =	vshrl.u32 v6, $0x10;
	v12 =	vld [tilespmem:s14+$0x30];
	v3 =	vshrl.u32 v3, $0x10;
	v7 =	vand.u32 $0xFFFF0000, v7  }
0x3bb: {  	v15 =	vld [tilespmem:s19+$0x30];
	v8 =	vand.u32 $0x1, v8;
	v3 =	vor.u32 v3, v7  }
0x3bc: {  	v9 =	vshrl.u32 v4, $0x10;
	v60 =	vld [tilespmem:s14+$0x70];
	v6 =	vadd.s32 v8, v6;
	[tilespmem:s13+$0x60] =	vst v3  }
0x3bd: {  	v7 =	vand.u32 $0x1, v9;
	v3 =	vadd.s32 $0x7FFF, v6;
	v6 =	vld [tilespmem:s21+$0xB0]  }
0x3be: {  	v8 =	vadd.f32 v10, v14;
	v4 =	vadd.s32 v7, v4;
	v5 =	vadd.f32 v5, v11;
	v14 =	vld [tilespmem:s21+$0xF0]  }
0x3bf: {  	v2 =	vshrl.u32 v3, $0x10;
	v3 =	vadd.s32 $0x7FFF, v4;
	v18 =	vld [tilespmem:s25+$0xF0]  }
0x3c0: {  	v7 =	vshrl.u32 v8, $0x10;
	v4 =	vld [tilespmem:s25+$0xB0];
	v3 =	vand.u32 $0xFFFF0000, v3;
	v9 =	vshrl.u32 v5, $0x10  }
0x3c1: {  	v61 =	vld [tilespmem:s19+$0x70];
	v7 =	vand.u32 $0x1, v7;
	v2 =	vor.u32 v2, v3;
	v3 =	vand.u32 $0x1, v9  }
0x3c2: {  	v7 =	vadd.s32 v7, v8;
	[tilespmem:s31+$0xFFFFFFA0] =	vst v2;
	v2 =	vadd.s32 v3, v5;
	v3 =	vld [tilespmem:s12+$0xFFFFFFB0]  }
0x3c3: {  	v15 =	vadd.f32 v15, v12;
	v5 =	vadd.s32 $0x7FFF, v7;
	v8 =	vld [tilespmem:s14+$0xFFFFFF30];
	v2 =	vadd.s32 $0x7FFF, v2  }
0x3c4: {  	v5 =	vshrl.u32 v5, $0x10;
	v9 =	vld [tilespmem:s19+$0xFFFFFF30];
	v2 =	vand.u32 $0xFFFF0000, v2;
	v14 =	vadd.f32 v18, v14  }
0x3c5: {  	v10 =	vld [tilespmem:s14+$0xFFFFFF70];
	v2 =	vor.u32 v5, v2;
	v5 =	vadd.f32 v4, v6;
	v6 =	vshrl.u32 v15, $0x10  }
0x3c6: {  	v12 =	vadd.f32 v61, v60;
	v11 =	vld [tilespmem:s19+$0xFFFFFF70];
	[tilespmem:s13+$0xFFFFFFD0] =	vst v2;
	v62 =	vand.u32 $0x1, v6  }
0x3c7: {  	v2 =	vld [tilespmem:s21+$0xFFFFFFA0];
	v0 =	vadd.f32 v3, v13;
	v7 =	vshrl.u32 v5, $0x10;
	v13 =	vshrl.u32 v14, $0x10  }
0x3c8: {  	v3 =	vshrl.u32 v12, $0x10;
	v4 =	vld [tilespmem:s25+$0xFFFFFFA0];
	v7 =	vand.u32 $0x1, v7;
	v63 =	vand.u32 $0x1, v13  }
0x3c9: {  	s20 =	simm.s32 $0x4;
	v6 =	vld [tilespmem:s21+$0xFFFFFFE0];
	v13 =	vand.u32 $0x1, v3;
	v3 =	vadd.s32 v7, v5;
	v17 =	vadd.s32 v63, v14  }
0x3ca: {  	s22 =	simm.s32 $0x14F00;
	s23 =	simm.s32 $0x19A80;
	s2 =	simm.s32 $0x17500;
	v7 =	vld [tilespmem:s25+$0xFFFFFFE0];
	v14 =	vadd.s32 v62, v15;
	v5 =	vadd.s32 $0x7FFF, v3;
	v3 =	vadd.s32 $0x7FFF, v17  }
.LBB2_7:
0x3cb: {  	v15 =	vld [tilespmem:s22+$0x0];
	v12 =	vadd.s32 v13, v12;
	s19 =	sadd.s32 $0x200, s19;
	v5 =	vshrl.u32 v5, $0x10;
	v3 =	vand.u32 $0xFFFF0000, v3  }
0x3cc: {  	v14 =	vadd.s32 $0x7FFF, v14;
	v13 =	vld [tilespmem:s19+$0x0];
	v12 =	vadd.s32 $0x7FFF, v12;
	v3 =	vor.u32 v5, v3  }
0x3cd: {  	v8 =	vadd.f32 v9, v8;
	v9 =	vshrl.u32 v14, $0x10;
	v5 =	vld [tilespmem:s22+$0x40];
	v12 =	vand.u32 $0xFFFF0000, v12;
	[tilespmem:s13+$0x70] =	vst v3  }
0x3ce: {  	v10 =	vadd.f32 v11, v10;
	v4 =	vadd.f32 v4, v2;
	v3 =	vld [tilespmem:s19+$0x40];
	v9 =	vor.u32 v9, v12  }
0x3cf: {  	v2 =	vshrl.u32 v0, $0x10;
	v12 =	vshrl.u32 v8, $0x10;
	v6 =	vadd.f32 v7, v6;
	v11 =	vld [tilespmem:s19+$0xFFFFFF00];
	[tilespmem:s31+$0x30] =	vst v9  }
0x3d0: {  	v14 =	vshrl.u32 v4, $0x10;
	v7 =	vand.u32 $0x1, v12;
	v9 =	vshrl.u32 v10, $0x10;
	v12 =	vld [tilespmem:s14+$0x80]  }
0x3d1: {  	v7 =	vadd.s32 v7, v8;
	v8 =	vand.u32 $0x1, v9;
	v16 =	vshrl.u32 v6, $0x10;
	v9 =	vld [tilespmem:s2+$0x80]  }
0x3d2: {  	v13 =	vadd.f32 v13, v15;
	v7 =	vadd.s32 $0x7FFF, v7;
	v8 =	vadd.s32 v8, v10;
	v10 =	vld [tilespmem:s14+$0xC0]  }
0x3d3: {  	v3 =	vadd.f32 v3, v5;
	v5 =	vshrl.u32 v7, $0x10;
	v7 =	vadd.s32 $0x7FFF, v8;
	v8 =	vld [tilespmem:s2+$0xC0]  }
0x3d4: {  	v14 =	vand.u32 $0x1, v14;
	v17 =	vshrl.u32 v13, $0x10;
	v15 =	vld [tilespmem:s22+$0xFFFFFF40];
	v7 =	vand.u32 $0xFFFF0000, v7  }
0x3d5: {  	v17 =	vand.u32 $0x1, v17;
	v18 =	vld [tilespmem:s19+$0xFFFFFF40];
	v19 =	vshrl.u32 v3, $0x10;
	v5 =	vor.u32 v5, v7  }
0x3d6: {  	v13 =	vadd.s32 v17, v13;
	v7 =	vld [tilespmem:s22+$0xFFFFFF00];
	v17 =	vand.u32 $0x1, v19;
	[tilespmem:s31+$0xFFFFFFB0] =	vst v5;
	v5 =	vand.u32 $0x1, v16  }
0x3d7: {  	v13 =	vadd.s32 $0x7FFF, v13;
	v16 =	vadd.s32 v17, v3;
	v17 =	vld [tilespmem:s14+$0xFFFFFF80];
	v3 =	vadd.s32 v14, v4  }
0x3d8: {  	v9 =	vadd.f32 v9, v12;
	v4 =	vadd.s32 $0x7FFF, v16;
	v14 =	vld [tilespmem:s2+$0xFFFFFF80];
	v8 =	vadd.f32 v8, v10  }
0x3d9: {  	v5 =	vadd.s32 v5, v6;
	v10 =	vshrl.u32 v13, $0x10;
	v4 =	vand.u32 $0xFFFF0000, v4;
	v12 =	vld [tilespmem:s14+$0xFFFFFFC0]  }
0x3da: {  	s31 =	sadd.s32 $0x100, s31;
	v4 =	vor.u32 v10, v4;
	v6 =	vld [tilespmem:s2+$0xFFFFFFC0];
	v10 =	vshrl.u32 v9, $0x10;
	v13 =	vshrl.u32 v8, $0x10  }
0x3db: {  	v7 =	vadd.f32 v11, v7;
	[tilespmem:s31+$0x0] =	vst v4;
	v10 =	vand.u32 $0x1, v10;
	v11 =	vand.u32 $0x1, v13;
	v4 =	vld [tilespmem:s12+$0xFFFFFFF0];
	s12 =	smov.u32 s25;
	s25 =	smov.u32 s2;
	s2 =	smov.u32 s19  }
0x3dc: {  	v13 =	vadd.f32 v18, v15;
	v15 =	vld [tilespmem:s22+$0x10];
	v9 =	vadd.s32 v10, v9;
	v8 =	vadd.s32 v11, v8  }
0x3dd: {  	v10 =	vshrl.u32 v7, $0x10;
	v11 =	vld [tilespmem:s19+$0x10];
	v9 =	vadd.s32 $0x7FFF, v9;
	v8 =	vadd.s32 $0x7FFF, v8  }
0x3de: {  	v16 =	vshrl.u32 v13, $0x10;
	v18 =	vld [tilespmem:s22+$0x50];
	v9 =	vshrl.u32 v9, $0x10;
	v8 =	vand.u32 $0xFFFF0000, v8  }
0x3df: {  	v10 =	vand.u32 $0x1, v10;
	v16 =	vand.u32 $0x1, v16;
	v19 =	vld [tilespmem:s19+$0x50];
	v8 =	vor.u32 v9, v8  }
0x3e0: {  	v7 =	vadd.s32 v10, v7;
	v9 =	vadd.s32 v16, v13;
	v10 =	vadd.f32 v14, v17;
	[tilespmem:s23+$0x40] =	vst v8  }
0x3e1: {  	v6 =	vadd.f32 v6, v12;
	v7 =	vadd.s32 $0x7FFF, v7;
	v8 =	vadd.s32 $0x7FFF, v9;
	v9 =	vld [tilespmem:s14+$0x90]  }
0x3e2: {  	v7 =	vshrl.u32 v7, $0x10;
	v8 =	vand.u32 $0xFFFF0000, v8;
	v12 =	vshrl.u32 v10, $0x10;
	v13 =	vld [tilespmem:s25+$0x90]  }
0x3e3: {  	v7 =	vor.u32 v7, v8;
	v8 =	vadd.f32 v11, v15;
	v11 =	vshrl.u32 v6, $0x10;
	v14 =	vld [tilespmem:s14+$0xD0]  }
0x3e4: {  	v12 =	vand.u32 $0x1, v12;
	v11 =	vand.u32 $0x1, v11;
	[tilespmem:s31+$0xFFFFFF80] =	vst v7;
	v7 =	vadd.f32 v19, v18;
	v15 =	vld [tilespmem:s25+$0xD0]  }
0x3e5: {  	v10 =	vadd.s32 v12, v10;
	v17 =	vshrl.u32 v8, $0x10;
	v6 =	vadd.s32 v11, v6;
	v16 =	vld [tilespmem:s22+$0xFFFFFF10]  }
0x3e6: {  	v10 =	vadd.s32 $0x7FFF, v10;
	v12 =	vand.u32 $0x1, v17;
	v11 =	vld [tilespmem:s19+$0xFFFFFF10];
	v17 =	vshrl.u32 v7, $0x10  }
0x3e7: {  	v6 =	vadd.s32 $0x7FFF, v6;
	v8 =	vadd.s32 v12, v8;
	v18 =	vld [tilespmem:s22+$0xFFFFFF50];
	v12 =	vand.u32 $0x1, v17  }
0x3e8: {  	v10 =	vshrl.u32 v10, $0x10;
	v8 =	vadd.s32 $0x7FFF, v8;
	v17 =	vld [tilespmem:s19+$0xFFFFFF50];
	v7 =	vadd.s32 v12, v7  }
0x3e9: {  	v9 =	vadd.f32 v13, v9;
	v7 =	vadd.s32 $0x7FFF, v7;
	v12 =	vadd.f32 v15, v14  }
0x3ea: {  	s20 =	sadd.s32 $0x2, s20;
	v6 =	vand.u32 $0xFFFF0000, v6;
	v8 =	vshrl.u32 v8, $0x10;
	v7 =	vand.u32 $0xFFFF0000, v7  }
0x3eb: {  	p0 =	slt.u32 s20, $0x26;
	v7 =	vor.u32 v8, v7;
	v8 =	vshrl.u32 v9, $0x10;
	v13 =	vshrl.u32 v12, $0x10  }
0x3ec: {  	v11 =	vadd.f32 v11, v16;
	[tilespmem:s31+$0x10] =	vst v7;
	v7 =	vand.u32 $0x1, v8;
	v8 =	vand.u32 $0x1, v13  }
0x3ed: {  	v13 =	vadd.f32 v17, v18;
	v14 =	vld [tilespmem:s22+$0x20];
	v7 =	vadd.s32 v7, v9;
	v8 =	vadd.s32 v8, v12  }
0x3ee: {  	v9 =	vshrl.u32 v11, $0x10;
	v12 =	vld [tilespmem:s19+$0x20];
	v7 =	vadd.s32 $0x7FFF, v7;
	v8 =	vadd.s32 $0x7FFF, v8  }
0x3ef: {  	v15 =	vshrl.u32 v13, $0x10;
	v16 =	vld [tilespmem:s22+$0x60];
	v7 =	vshrl.u32 v7, $0x10;
	v8 =	vand.u32 $0xFFFF0000, v8  }
0x3f0: {  	v9 =	vand.u32 $0x1, v9;
	v15 =	vand.u32 $0x1, v15;
	v17 =	vld [tilespmem:s19+$0x60];
	v7 =	vor.u32 v7, v8  }
0x3f1: {  	v6 =	vor.u32 v10, v6;
	v8 =	vadd.s32 v9, v11;
	v9 =	vadd.s32 v15, v13;
	[tilespmem:s23+$0x50] =	vst v7  }
0x3f2: {  	v3 =	vadd.s32 $0x7FFF, v3;
	v7 =	vadd.s32 $0x7FFF, v8;
	v8 =	vadd.s32 $0x7FFF, v9;
	[tilespmem:s23+$0xFFFFFFC0] =	vst v6;
	v6 =	vld [tilespmem:s14+$0xA0]  }
0x3f3: {  	v5 =	vadd.s32 $0x7FFF, v5;
	v7 =	vshrl.u32 v7, $0x10;
	v8 =	vand.u32 $0xFFFF0000, v8;
	v9 =	vld [tilespmem:s25+$0xA0]  }
0x3f4: {  	v3 =	vshrl.u32 v3, $0x10;
	v5 =	vand.u32 $0xFFFF0000, v5;
	v7 =	vor.u32 v7, v8;
	v8 =	vld [tilespmem:s14+$0xE0]  }
0x3f5: {  	v3 =	vor.u32 v3, v5;
	[tilespmem:s31+$0xFFFFFF90] =	vst v7;
	v7 =	vadd.f32 v12, v14;
	v10 =	vadd.f32 v17, v16;
	v11 =	vld [tilespmem:s25+$0xE0]  }
0x3f6: {  	v2 =	vand.u32 $0x1, v2;
	v1 =	vadd.f32 v4, v1;
	v5 =	vld [tilespmem:s22+$0xFFFFFF20];
	[tilespmem:s13+$0xFFFFFFE0] =	vst v3  }
0x3f7: {  	v0 =	vadd.s32 v2, v0;
	v3 =	vld [tilespmem:s19+$0xFFFFFF20];
	v4 =	vshrl.u32 v7, $0x10;
	v12 =	vshrl.u32 v10, $0x10  }
0x3f8: {  	v13 =	vshrl.u32 v1, $0x10;
	v2 =	vld [tilespmem:s22+$0xFFFFFF60];
	v4 =	vand.u32 $0x1, v4;
	v12 =	vand.u32 $0x1, v12  }
0x3f9: {  	v14 =	vld [tilespmem:s19+$0xFFFFFF60];
	v4 =	vadd.s32 v4, v7;
	v7 =	vadd.s32 v12, v10;
	v10 =	vand.u32 $0x1, v13  }
0x3fa: {  	v6 =	vadd.f32 v9, v6;
	v4 =	vadd.s32 $0x7FFF, v4;
	v12 =	vld [tilespmem:s14+$0xFFFFFF90];
	v8 =	vadd.f32 v11, v8  }
0x3fb: {  	v7 =	vadd.s32 $0x7FFF, v7;
	v1 =	vadd.s32 v10, v1;
	v4 =	vshrl.u32 v4, $0x10;
	v9 =	vld [tilespmem:s25+$0xFFFFFF90]  }
0x3fc: {  	v11 =	vshrl.u32 v6, $0x10;
	v7 =	vand.u32 $0xFFFF0000, v7;
	v10 =	vld [tilespmem:s14+$0xFFFFFFD0];
	v13 =	vshrl.u32 v8, $0x10  }
0x3fd: {  	v11 =	vand.u32 $0x1, v11;
	v4 =	vor.u32 v4, v7;
	v7 =	vld [tilespmem:s25+$0xFFFFFFD0];
	v13 =	vand.u32 $0x1, v13  }
0x3fe: {  	v3 =	vadd.f32 v3, v5;
	[tilespmem:s31+$0x20] =	vst v4;
	v4 =	vadd.s32 v11, v6;
	v5 =	vadd.s32 v13, v8;
	v6 =	vld [tilespmem:s21+$0xFFFFFFB0]  }
0x3ff: {  	v2 =	vadd.f32 v14, v2;
	v11 =	vld [tilespmem:s22+$0x30];
	v4 =	vadd.s32 $0x7FFF, v4;
	v5 =	vadd.s32 $0x7FFF, v5  }
0x400: {  	v8 =	vshrl.u32 v3, $0x10;
	v13 =	vld [tilespmem:s19+$0x30];
	v4 =	vshrl.u32 v4, $0x10;
	v5 =	vand.u32 $0xFFFF0000, v5  }
0x401: {  	v8 =	vand.u32 $0x1, v8;
	v14 =	vshrl.u32 v2, $0x10;
	v15 =	vld [tilespmem:s22+$0x70];
	v4 =	vor.u32 v4, v5  }
0x402: {  	v3 =	vadd.s32 v8, v3;
	v8 =	vadd.f32 v9, v12;
	v5 =	vand.u32 $0x1, v14;
	v14 =	vld [tilespmem:s19+$0x70];
	[tilespmem:s23+$0x60] =	vst v4  }
0x403: {  	v3 =	vadd.s32 $0x7FFF, v3;
	v2 =	vadd.s32 v5, v2;
	v4 =	vadd.f32 v7, v10;
	v5 =	vld [tilespmem:s14+$0xB0]  }
0x404: {  	v3 =	vshrl.u32 v3, $0x10;
	v7 =	vshrl.u32 v8, $0x10;
	v2 =	vadd.s32 $0x7FFF, v2;
	v16 =	vld [tilespmem:s25+$0xB0]  }
0x405: {  	v7 =	vand.u32 $0x1, v7;
	v2 =	vand.u32 $0xFFFF0000, v2;
	v9 =	vshrl.u32 v4, $0x10;
	v17 =	vld [tilespmem:s14+$0xF0]  }
0x406: {  	v2 =	vor.u32 v3, v2;
	v3 =	vadd.s32 v7, v8;
	v7 =	vand.u32 $0x1, v9;
	v18 =	vld [tilespmem:s25+$0xF0]  }
0x407: {  	v0 =	vadd.s32 $0x7FFF, v0;
	[tilespmem:s31+$0xFFFFFFA0] =	vst v2;
	v2 =	vadd.s32 $0x7FFF, v3;
	v3 =	vadd.s32 v7, v4;
	v4 =	vld [tilespmem:s12+$0xFFFFFFB0]  }
0x408: {  	v1 =	vadd.s32 $0x7FFF, v1;
	v8 =	vld [tilespmem:s22+$0xFFFFFF30];
	v2 =	vshrl.u32 v2, $0x10;
	v3 =	vadd.s32 $0x7FFF, v3  }
0x409: {  	v0 =	vshrl.u32 v0, $0x10;
	v1 =	vand.u32 $0xFFFF0000, v1;
	v9 =	vld [tilespmem:s19+$0xFFFFFF30];
	v3 =	vand.u32 $0xFFFF0000, v3  }
0x40a: {  	v19 =	vadd.f32 v13, v11;
	v12 =	vadd.f32 v14, v15;
	v10 =	vld [tilespmem:s22+$0xFFFFFF70];
	v2 =	vor.u32 v2, v3  }
0x40b: {  	v1 =	vor.u32 v0, v1;
	v3 =	vadd.f32 v16, v5;
	v11 =	vld [tilespmem:s19+$0xFFFFFF70];
	[tilespmem:s23+$0xFFFFFFD0] =	vst v2;
	v5 =	vadd.f32 v18, v17  }
.Ltmp2:
0x40c: {  	v7 =	vshrl.u32 v19, $0x10;
	v2 =	vld [tilespmem:s14+$0xFFFFFFA0];
	v0 =	vadd.f32 v4, v6;
	[tilespmem:s11+$0xFFFFFFF0] =	vst v1;
	s11 =	smov.u32 s13;
	s13 =	smov.u32 s23;
	(pc) =	sbr.rel @p0 .LBB2_7-.Ltmp2, $4  }
0x40d: {  	v1 =	vshrl.u32 v12, $0x10;
	v13 =	vshrl.u32 v3, $0x10;
	s23 =	smov.u32 s31;
	v4 =	vld [tilespmem:s25+$0xFFFFFFA0];
	v14 =	vshrl.u32 v5, $0x10  }
0x40e: {  	v15 =	vand.u32 $0x1, v7;
	v16 =	vand.u32 $0x1, v13;
	v6 =	vld [tilespmem:s14+$0xFFFFFFE0];
	v14 =	vand.u32 $0x1, v14  }
0x40f: {  	v13 =	vand.u32 $0x1, v1;
	v1 =	vadd.s32 v16, v3;
	v7 =	vld [tilespmem:s25+$0xFFFFFFE0];
	v3 =	vadd.s32 v14, v5  }
0x410: {  	v14 =	vadd.s32 v15, v19;
	v5 =	vadd.s32 $0x7FFF, v1;
	v3 =	vadd.s32 $0x7FFF, v3;
	v1 =	vld [tilespmem:s21+$0xFFFFFFF0];
	s21 =	smov.u32 s14;
	s14 =	smov.u32 s22;
	s22 =	sadd.s32 $0x200, s22  }
0x411: {  	v12 =	vadd.s32 v13, v12;
	v38 =	vadd.s32 $0x7FFF, v14  }
0x412: {  	v8 =	vadd.f32 v9, v8;
	v39 =	vadd.f32 v11, v10;
	v12 =	vadd.s32 $0x7FFF, v12  }
0x413: {  	v13 =	vshrl.u32 v38, $0x10;
	v12 =	vand.u32 $0xFFFF0000, v12  }
0x414: {  	v41 =	vshrl.u32 v8, $0x10;
	v11 =	vshrl.u32 v39, $0x10;
	v40 =	vor.u32 v13, v12  }
0x415: {  	v10 =	vand.u32 $0x1, v41;
	v11 =	vand.u32 $0x1, v11;
	[tilespmem:s31+$0x30] =	vst v40  }
0x416: {  	v8 =	vadd.s32 v10, v8;
	v9 =	vadd.s32 v11, v39;
	v42 =	vld [tilespmem:s14+$0x80]  }
0x417: {  	v43 =	vld [tilespmem:s2+$0x80];
	v8 =	vadd.s32 $0x7FFF, v8;
	v9 =	vadd.s32 $0x7FFF, v9  }
0x418: {  	v44 =	vld [tilespmem:s14+$0xC0];
	v8 =	vshrl.u32 v8, $0x10;
	v9 =	vand.u32 $0xFFFF0000, v9  }
0x419: {  	v45 =	vld [tilespmem:s2+$0xC0];
	v8 =	vor.u32 v8, v9  }
0x41a: {  	[tilespmem:s31+$0xFFFFFFB0] =	vst v8  }
0x41b: {  	v8 =	vld [tilespmem:s14+$0xFFFFFF80]  }
0x41c: {  	v46 =	vld [tilespmem:s2+$0xFFFFFF80]  }
0x41d: {  	v47 =	vld [tilespmem:s14+$0xFFFFFFC0]  }
0x41e: {  	v48 =	vld [tilespmem:s2+$0xFFFFFFC0];
	v12 =	vadd.f32 v43, v42;
	v10 =	vadd.f32 v45, v44;
	_ =	sdelay $0x1  }
0x41f: {  	v49 =	vshrl.u32 v12, $0x10;
	v15 =	vshrl.u32 v10, $0x10  }
0x420: {  	v14 =	vand.u32 $0x1, v49;
	v15 =	vand.u32 $0x1, v15  }
0x421: {  	v12 =	vadd.s32 v14, v12;
	v10 =	vadd.s32 v15, v10;
	v8 =	vadd.f32 v46, v8  }
0x422: {  	v50 =	vadd.f32 v48, v47;
	v12 =	vadd.s32 $0x7FFF, v12;
	v10 =	vadd.s32 $0x7FFF, v10  }
0x423: {  	v12 =	vshrl.u32 v12, $0x10;
	v10 =	vand.u32 $0xFFFF0000, v10  }
0x424: {  	v51 =	vshrl.u32 v8, $0x10;
	v52 =	vshrl.u32 v50, $0x10;
	v10 =	vor.u32 v12, v10  }
0x425: {  	v11 =	vand.u32 $0x1, v51;
	v12 =	vand.u32 $0x1, v52;
	[tilespmem:s23+$0x40] =	vst v10  }
0x426: {  	v8 =	vadd.s32 v11, v8;
	v9 =	vadd.s32 v12, v50;
	v10 =	vld [tilespmem:s14+$0x90]  }
0x427: {  	v53 =	vld [tilespmem:s2+$0x90];
	v8 =	vadd.s32 $0x7FFF, v8;
	v9 =	vadd.s32 $0x7FFF, v9  }
0x428: {  	v54 =	vld [tilespmem:s14+$0xD0];
	v8 =	vshrl.u32 v8, $0x10;
	v9 =	vand.u32 $0xFFFF0000, v9  }
0x429: {  	v55 =	vld [tilespmem:s2+$0xD0];
	v8 =	vor.u32 v8, v9  }
0x42a: {  	[tilespmem:s23+$0xFFFFFFC0] =	vst v8  }
0x42b: {  	v8 =	vld [tilespmem:s14+$0xFFFFFF90]  }
0x42c: {  	v58 =	vld [tilespmem:s2+$0xFFFFFF90]  }
0x42d: {  	v59 =	vld [tilespmem:s14+$0xFFFFFFD0]  }
0x42e: {  	v60 =	vld [tilespmem:s2+$0xFFFFFFD0];
	v56 =	vadd.f32 v53, v10;
	v57 =	vadd.f32 v55, v54;
	_ =	sdelay $0x1  }
0x42f: {  	v13 =	vshrl.u32 v56, $0x10;
	v14 =	vshrl.u32 v57, $0x10  }
0x430: {  	v13 =	vand.u32 $0x1, v13;
	v14 =	vand.u32 $0x1, v14  }
0x431: {  	v9 =	vadd.s32 v13, v56;
	v10 =	vadd.s32 v14, v57;
	v8 =	vadd.f32 v58, v8  }
0x432: {  	v61 =	vadd.f32 v60, v59;
	v9 =	vadd.s32 $0x7FFF, v9;
	v10 =	vadd.s32 $0x7FFF, v10  }
0x433: {  	v9 =	vshrl.u32 v9, $0x10;
	v10 =	vand.u32 $0xFFFF0000, v10  }
0x434: {  	v11 =	vshrl.u32 v8, $0x10;
	v12 =	vshrl.u32 v61, $0x10;
	v9 =	vor.u32 v9, v10  }
0x435: {  	v11 =	vand.u32 $0x1, v11;
	v12 =	vand.u32 $0x1, v12;
	[tilespmem:s23+$0x50] =	vst v9  }
0x436: {  	v8 =	vadd.s32 v11, v8;
	v10 =	vadd.s32 v12, v61;
	v9 =	vld [tilespmem:s14+$0xA0]  }
0x437: {  	v62 =	vld [tilespmem:s2+$0xA0];
	v8 =	vadd.s32 $0x7FFF, v8;
	v10 =	vadd.s32 $0x7FFF, v10  }
0x438: {  	v2 =	vadd.f32 v4, v2;
	v63 =	vld [tilespmem:s14+$0xE0];
	v15 =	vshrl.u32 v8, $0x10;
	v16 =	vand.u32 $0xFFFF0000, v10  }
0x439: {  	v12 =	vld [tilespmem:s2+$0xE0];
	v4 =	vor.u32 v15, v16  }
0x43a: {  	v6 =	vadd.f32 v7, v6;
	v17 =	vshrl.u32 v2, $0x10;
	[tilespmem:s23+$0xFFFFFFD0] =	vst v4  }
0x43b: {  	v7 =	vand.u32 $0x1, v17;
	v19 =	vld [tilespmem:s14+$0xFFFFFFA0]  }
0x43c: {  	v18 =	vshrl.u32 v6, $0x10;
	v2 =	vadd.s32 v7, v2;
	v21 =	vld [tilespmem:s2+$0xFFFFFFA0]  }
0x43d: {  	v2 =	vadd.s32 $0x7FFF, v2;
	v4 =	vand.u32 $0x1, v18;
	v22 =	vld [tilespmem:s14+$0xFFFFFFE0]  }
0x43e: {  	v4 =	vadd.s32 v4, v6;
	v25 =	vld [tilespmem:s2+$0xFFFFFFE0];
	v9 =	vadd.f32 v62, v9;
	v20 =	vadd.f32 v12, v63  }
0x43f: {  	v2 =	vshrl.u32 v2, $0x10;
	v4 =	vadd.s32 $0x7FFF, v4  }
0x440: {  	v4 =	vand.u32 $0xFFFF0000, v4;
	v23 =	vshrl.u32 v9, $0x10;
	v24 =	vshrl.u32 v20, $0x10  }
0x441: {  	v2 =	vor.u32 v2, v4;
	v7 =	vand.u32 $0x1, v23;
	v12 =	vand.u32 $0x1, v24  }
0x442: {  	v29 =	vld [tilespmem:s12+$0xFFFFFFF0];
	[tilespmem:s13+$0xFFFFFFE0] =	vst v2;
	v7 =	vadd.s32 v7, v9;
	v26 =	vadd.s32 v12, v20;
	v31 =	vadd.f32 v21, v19  }
0x443: {  	v6 =	vadd.f32 v25, v22;
	v32 =	vld [tilespmem:s21+$0xFFFFFFB0];
	v7 =	vadd.s32 $0x7FFF, v7;
	v9 =	vadd.s32 $0x7FFF, v26  }
0x444: {  	v37 =	vld [tilespmem:s25+$0xFFFFFFB0];
	v27 =	vshrl.u32 v7, $0x10;
	v28 =	vand.u32 $0xFFFF0000, v9  }
0x445: {  	v40 =	vld [tilespmem:s21+$0xFFFFFFF0];
	v8 =	vshrl.u32 v31, $0x10;
	v33 =	vshrl.u32 v6, $0x10;
	v30 =	vor.u32 v27, v28  }
0x446: {  	v43 =	vld [tilespmem:s25+$0xFFFFFFF0];
	v8 =	vand.u32 $0x1, v8;
	v10 =	vand.u32 $0x1, v33;
	[tilespmem:s23+$0x60] =	vst v30  }
0x447: {  	v5 =	vshrl.u32 v5, $0x10;
	v4 =	vadd.s32 v8, v31;
	v6 =	vadd.s32 v10, v6;
	v2 =	vld [tilespmem:s14+$0xB0]  }
0x448: {  	v1 =	vadd.f32 v29, v1;
	v34 =	vld [tilespmem:s2+$0xB0];
	v4 =	vadd.s32 $0x7FFF, v4;
	v6 =	vadd.s32 $0x7FFF, v6  }
0x449: {  	v38 =	vshrl.u32 v0, $0x10;
	v35 =	vld [tilespmem:s14+$0xF0];
	v4 =	vshrl.u32 v4, $0x10;
	v6 =	vand.u32 $0xFFFF0000, v6  }
0x44a: {  	v41 =	vand.u32 $0x1, v38;
	v39 =	vshrl.u32 v1, $0x10;
	v36 =	vld [tilespmem:s2+$0xF0];
	v4 =	vor.u32 v4, v6  }
0x44b: {  	v3 =	vand.u32 $0xFFFF0000, v3;
	v42 =	vand.u32 $0x1, v39;
	v44 =	vadd.s32 v41, v0;
	[tilespmem:s23+$0xFFFFFFE0] =	vst v4  }
0x44c: {  	v1 =	vadd.s32 v42, v1;
	v0 =	vadd.s32 $0x7FFF, v44;
	v51 =	vadd.f32 v43, v40;
	v4 =	vld [tilespmem:s14+$0xFFFFFFB0]  }
0x44d: {  	v3 =	vor.u32 v5, v3;
	v1 =	vadd.s32 $0x7FFF, v1;
	v0 =	vshrl.u32 v0, $0x10;
	v46 =	vld [tilespmem:s2+$0xFFFFFFB0]  }
0x44e: {  	v1 =	vand.u32 $0xFFFF0000, v1;
	v7 =	vadd.f32 v37, v32;
	v53 =	vshrl.u32 v51, $0x10;
	v48 =	vld [tilespmem:s14+$0xFFFFFFF0]  }
0x44f: {  	v9 =	vand.u32 $0x1, v53;
	v50 =	vld [tilespmem:s2+$0xFFFFFFF0];
	v2 =	vadd.f32 v34, v2;
	v45 =	vadd.f32 v36, v35  }
0x450: {  	v0 =	vor.u32 v0, v1;
	v52 =	vshrl.u32 v7, $0x10;
	v5 =	vadd.s32 v9, v51  }
0x451: {  	v5 =	vadd.s32 $0x7FFF, v5;
	v47 =	vshrl.u32 v2, $0x10;
	v49 =	vshrl.u32 v45, $0x10  }
0x452: {  	v60 =	vand.u32 $0xFFFF0000, v5;
	v8 =	vand.u32 $0x1, v47;
	v1 =	vand.u32 $0x1, v49  }
0x453: {  	v2 =	vadd.s32 v8, v2;
	v1 =	vadd.s32 v1, v45;
	v8 =	vand.u32 $0x1, v52  }
0x454: {  	v4 =	vadd.f32 v46, v4;
	v54 =	vadd.f32 v50, v48;
	v2 =	vadd.s32 $0x7FFF, v2  }
0x455: {  	v1 =	vadd.s32 $0x7FFF, v1;
	v55 =	vadd.s32 v8, v7;
	v2 =	vshrl.u32 v2, $0x10  }
0x456: {  	v1 =	vand.u32 $0xFFFF0000, v1;
	v56 =	vshrl.u32 v4, $0x10;
	v57 =	vshrl.u32 v54, $0x10  }
0x457: {  	v1 =	vor.u32 v2, v1;
	v7 =	vand.u32 $0x1, v56;
	v8 =	vand.u32 $0x1, v57  }
0x458: {  	[tilespmem:s13+$0x70] =	vst v3;
	v2 =	vadd.s32 $0x7FFF, v55;
	v58 =	vadd.s32 v7, v4;
	v59 =	vadd.s32 v8, v54  }
0x459: {  	[tilespmem:s11+$0xFFFFFFF0] =	vst v0;
	v2 =	vshrl.u32 v2, $0x10;
	v3 =	vadd.s32 $0x7FFF, v58;
	v4 =	vadd.s32 $0x7FFF, v59  }
0x45a: {  	s22 =	sadd.s32 s15, s10;
	[tilespmem:s23+$0x70] =	vst v1;
	v0 =	vor.u32 v2, v60;
	v61 =	vshrl.u32 v3, $0x10;
	v62 =	vand.u32 $0xFFFF0000, v4  }
0x45b: {  	s2 =	sshll.u32 s22, $0x3;
	[tilespmem:s13+$0xFFFFFFF0] =	vst v0;
	v63 =	vor.u32 v61, v62  }
0x45c: {  	p0 =	sne.s32 s8, $0x29;
	s2 =	sadd.s32 s5, s2;
	[tilespmem:s23+$0xFFFFFFF0] =	vst v63;
	s23 =	simm.s32 $0x19800  }
0x45d: {  	[hbm4b:s2+s3] =	stream.linear.scatter [tilespmem:s23], [sflag:$0x6], $0x1400, $0x38;
	[tilespmem:$0x1AC00] =	vst v63  }
.Ltmp3:
0x45e: {  	_ = 	snop;
	(pc) =	sbr.rel @p0 .LBB2_2-.Ltmp3, $4  }
0x45f: {  	s25 =	sadd.s32 $0x2A80, s7  }
0x460: {  	[tilespmem:s24], [sflag:$0x3] =	stream.indirect.gather [hbm4b:s1+s16], $0x80, s25, s16, $0xb8;
	[tilespmem:$0x1AC00] =	vst v63  }
0x461: {  	s31 =	sadd.s32 $0x6A80, s7;
	s7 =	smov.u32 s8  }
0x462: {  	[tilespmem:s26], [sflag:$0x3] =	stream.indirect.gather [hbm4b:s4+s16], $0x80, s31, s16, $0xb8;
	[tilespmem:$0x1AC00] =	vst v63  }
0x463: {  	_ =	swait.ge [sflag:s28], $0x2800  }
0x464: {  	[sflag:s28] =	ssyncset.done $0x0  }
0x465: {  	[sflag:s28] =	ssyncadd.s32 $0xFFFFD800  }
0x466: {  	_ =	swait.ge [sflag:s28], $0x2800  }
0x467: {  	[sflag:s28] =	ssyncset.done $0x0  }
0x468: {  	s23 =	simm.s32 $0x4;
	[sflag:s28] =	ssyncadd.s32 $0xFFFFD800  }
0x469: {  	_ =	swait.ge [sflag:s23], $0x1400  }
0x46a: {  	[sflag:s23] =	ssyncset.done $0x0  }
0x46b: {  	s19 =	simm.s32 $0x8100;
	[sflag:s23] =	ssyncadd.s32 $0xFFFFEC00  }
0x46c: {  	s8 =	simm.s32 $0xA900;
	v0 =	vld [tilespmem:s19+$0x0]  }
0x46d: {  	v1 =	vld [tilespmem:s8+$0x0]  }
0x46e: {  	v2 =	vld [tilespmem:s19+$0x40]  }
0x46f: {  	v3 =	vld [tilespmem:s8+$0x40];
	_ =	sdelay $0x4  }
0x470: {  	v0 =	vadd.f32 v1, v0;
	v1 =	vadd.f32 v3, v2  }
0x471: {  	v4 =	vld [tilespmem:s8+$0xFFFFFF00]  }
0x472: {  	v5 =	vld [tilespmem:s8+$0xFFFFFF40];
	v3 =	vshrl.u32 v0, $0x10;
	v6 =	vshrl.u32 v1, $0x10  }
0x473: {  	v7 =	vld [tilespmem:s19+$0xFFFFFF00];
	v3 =	vand.u32 $0x1, v3;
	v6 =	vand.u32 $0x1, v6  }
0x474: {  	v2 =	vld [tilespmem:s19+$0xFFFFFF40];
	v0 =	vadd.s32 v3, v0;
	v1 =	vadd.s32 v6, v1  }
0x475: {  	v0 =	vadd.s32 $0x7FFF, v0;
	v1 =	vadd.s32 $0x7FFF, v1  }
0x476: {  	v0 =	vshrl.u32 v0, $0x10;
	v1 =	vand.u32 $0xFFFF0000, v1  }
0x477: {  	s7 =	simm.s32 $0xD080;
	v0 =	vor.u32 v0, v1  }
0x478: {  	[tilespmem:s7+$0x0] =	vst v0  }
0x479: {  	v1 =	vadd.f32 v4, v7;
	v0 =	vadd.f32 v5, v2;
	v2 =	vld [tilespmem:s19+$0x10]  }
0x47a: {  	v4 =	vld [tilespmem:s8+$0x10]  }
0x47b: {  	v3 =	vshrl.u32 v1, $0x10;
	v6 =	vld [tilespmem:s19+$0x50];
	v5 =	vshrl.u32 v0, $0x10  }
0x47c: {  	v7 =	vld [tilespmem:s8+$0x50];
	v3 =	vand.u32 $0x1, v3;
	v5 =	vand.u32 $0x1, v5  }
0x47d: {  	v1 =	vadd.s32 v3, v1;
	v0 =	vadd.s32 v5, v0  }
0x47e: {  	v1 =	vadd.s32 $0x7FFF, v1;
	v0 =	vadd.s32 $0x7FFF, v0  }
0x47f: {  	v1 =	vshrl.u32 v1, $0x10;
	v0 =	vand.u32 $0xFFFF0000, v0  }
0x480: {  	v0 =	vor.u32 v1, v0  }
0x481: {  	v1 =	vadd.f32 v7, v6;
	[tilespmem:s7+$0xFFFFFF80] =	vst v0;
	v0 =	vadd.f32 v4, v2  }
0x482: {  	v2 =	vld [tilespmem:s19+$0xFFFFFF10]  }
0x483: {  	v3 =	vld [tilespmem:s8+$0xFFFFFF10];
	v5 =	vshrl.u32 v1, $0x10;
	v4 =	vshrl.u32 v0, $0x10  }
0x484: {  	v6 =	vld [tilespmem:s19+$0xFFFFFF50];
	v5 =	vand.u32 $0x1, v5;
	v4 =	vand.u32 $0x1, v4  }
0x485: {  	v7 =	vld [tilespmem:s8+$0xFFFFFF50];
	v1 =	vadd.s32 v5, v1;
	v0 =	vadd.s32 v4, v0  }
0x486: {  	v1 =	vadd.s32 $0x7FFF, v1;
	v0 =	vadd.s32 $0x7FFF, v0  }
0x487: {  	v1 =	vand.u32 $0xFFFF0000, v1;
	v0 =	vshrl.u32 v0, $0x10  }
0x488: {  	v0 =	vor.u32 v0, v1  }
0x489: {  	[tilespmem:s7+$0x10] =	vst v0  }
0x48a: {  	v1 =	vadd.f32 v3, v2;
	v0 =	vadd.f32 v7, v6;
	v2 =	vld [tilespmem:s19+$0x20]  }
0x48b: {  	v4 =	vld [tilespmem:s8+$0x20]  }
0x48c: {  	v3 =	vshrl.u32 v1, $0x10;
	v6 =	vld [tilespmem:s19+$0x60];
	v5 =	vshrl.u32 v0, $0x10  }
0x48d: {  	v7 =	vld [tilespmem:s8+$0x60];
	v3 =	vand.u32 $0x1, v3;
	v5 =	vand.u32 $0x1, v5  }
0x48e: {  	v1 =	vadd.s32 v3, v1;
	v0 =	vadd.s32 v5, v0  }
0x48f: {  	v1 =	vadd.s32 $0x7FFF, v1;
	v0 =	vadd.s32 $0x7FFF, v0  }
0x490: {  	v1 =	vshrl.u32 v1, $0x10;
	v0 =	vand.u32 $0xFFFF0000, v0  }
0x491: {  	v0 =	vor.u32 v1, v0  }
0x492: {  	v1 =	vadd.f32 v7, v6;
	[tilespmem:s7+$0xFFFFFF90] =	vst v0;
	v0 =	vadd.f32 v4, v2  }
0x493: {  	v2 =	vld [tilespmem:s19+$0xFFFFFF20]  }
0x494: {  	v3 =	vld [tilespmem:s8+$0xFFFFFF20];
	v5 =	vshrl.u32 v1, $0x10;
	v4 =	vshrl.u32 v0, $0x10  }
0x495: {  	v6 =	vld [tilespmem:s19+$0xFFFFFF60];
	v5 =	vand.u32 $0x1, v5;
	v4 =	vand.u32 $0x1, v4  }
0x496: {  	v7 =	vld [tilespmem:s8+$0xFFFFFF60];
	v1 =	vadd.s32 v5, v1;
	v0 =	vadd.s32 v4, v0  }
0x497: {  	v1 =	vadd.s32 $0x7FFF, v1;
	v0 =	vadd.s32 $0x7FFF, v0  }
0x498: {  	v1 =	vand.u32 $0xFFFF0000, v1;
	v0 =	vshrl.u32 v0, $0x10  }
0x499: {  	v0 =	vor.u32 v0, v1  }
0x49a: {  	v1 =	vadd.f32 v3, v2;
	[tilespmem:s7+$0x20] =	vst v0  }
0x49b: {  	v0 =	vadd.f32 v7, v6;
	v2 =	vld [tilespmem:s19+$0x30]  }
0x49c: {  	v3 =	vshrl.u32 v1, $0x10;
	v4 =	vld [tilespmem:s8+$0x30]  }
0x49d: {  	v6 =	vld [tilespmem:s19+$0x70];
	v5 =	vshrl.u32 v0, $0x10;
	v3 =	vand.u32 $0x1, v3  }
0x49e: {  	v5 =	vand.u32 $0x1, v5;
	v1 =	vadd.s32 v3, v1;
	v3 =	vld [tilespmem:s8+$0x70]  }
0x49f: {  	v0 =	vadd.s32 v5, v0  }
0x4a0: {  	v1 =	vadd.s32 $0x7FFF, v1;
	v0 =	vadd.s32 $0x7FFF, v0  }
0x4a1: {  	v1 =	vshrl.u32 v1, $0x10;
	v0 =	vand.u32 $0xFFFF0000, v0  }
0x4a2: {  	s13 =	simm.s32 $0x8300;
	v0 =	vor.u32 v1, v0  }
0x4a3: {  	v8 =	vld [tilespmem:s13+$0x40];
	v1 =	vadd.f32 v4, v2;
	[tilespmem:s7+$0xFFFFFFA0] =	vst v0;
	v2 =	vadd.f32 v3, v6  }
0x4a4: {  	v0 =	vld [tilespmem:s19+$0xFFFFFF30]  }
0x4a5: {  	v3 =	vld [tilespmem:s8+$0xFFFFFF30];
	v5 =	vshrl.u32 v1, $0x10;
	v6 =	vshrl.u32 v2, $0x10  }
0x4a6: {  	v4 =	vld [tilespmem:s19+$0xFFFFFF70];
	v5 =	vand.u32 $0x1, v5;
	v6 =	vand.u32 $0x1, v6  }
0x4a7: {  	v7 =	vld [tilespmem:s8+$0xFFFFFF70];
	v1 =	vadd.s32 v5, v1;
	v2 =	vadd.s32 v6, v2  }
0x4a8: {  	s12 =	simm.s32 $0xAB00;
	v5 =	vld [tilespmem:s13+$0x0];
	v1 =	vadd.s32 $0x7FFF, v1;
	v2 =	vadd.s32 $0x7FFF, v2  }
0x4a9: {  	v6 =	vld [tilespmem:s12+$0x0];
	v1 =	vshrl.u32 v1, $0x10;
	v2 =	vand.u32 $0xFFFF0000, v2  }
0x4aa: {  	v0 =	vadd.f32 v3, v0;
	v3 =	vld [tilespmem:s12+$0x40];
	v1 =	vor.u32 v1, v2  }
0x4ab: {  	[tilespmem:s7+$0x30] =	vst v1  }
0x4ac: {  	v1 =	vadd.f32 v7, v4;
	v2 =	vshrl.u32 v0, $0x10;
	v4 =	vld [tilespmem:s19+$0x80]  }
0x4ad: {  	v2 =	vand.u32 $0x1, v2;
	v7 =	vld [tilespmem:s8+$0x80]  }
0x4ae: {  	v9 =	vshrl.u32 v1, $0x10;
	v0 =	vadd.s32 v2, v0;
	v2 =	vadd.f32 v6, v5;
	v5 =	vld [tilespmem:s19+$0xC0]  }
0x4af: {  	v6 =	vand.u32 $0x1, v9;
	v0 =	vadd.s32 $0x7FFF, v0;
	v3 =	vadd.f32 v3, v8;
	v8 =	vld [tilespmem:s8+$0xC0]  }
0x4b0: {  	v1 =	vadd.s32 v6, v1;
	v0 =	vshrl.u32 v0, $0x10;
	v6 =	vshrl.u32 v2, $0x10  }
0x4b1: {  	v11 =	vld [tilespmem:s13+$0xFFFFFF40];
	v1 =	vadd.s32 $0x7FFF, v1;
	v6 =	vand.u32 $0x1, v6;
	v10 =	vshrl.u32 v3, $0x10  }
0x4b2: {  	v9 =	vld [tilespmem:s12+$0xFFFFFF00];
	v1 =	vand.u32 $0xFFFF0000, v1;
	v2 =	vadd.s32 v6, v2;
	v6 =	vand.u32 $0x1, v10  }
0x4b3: {  	v4 =	vadd.f32 v7, v4;
	v0 =	vor.u32 v0, v1;
	v1 =	vld [tilespmem:s13+$0xFFFFFF00];
	v3 =	vadd.s32 v6, v3  }
0x4b4: {  	v2 =	vadd.s32 $0x7FFF, v2;
	v6 =	vld [tilespmem:s12+$0xFFFFFF40];
	v3 =	vadd.s32 $0x7FFF, v3;
	v5 =	vadd.f32 v8, v5  }
0x4b5: {  	[tilespmem:s7+$0xFFFFFFB0] =	vst v0;
	v0 =	vshrl.u32 v2, $0x10;
	v2 =	vand.u32 $0xFFFF0000, v3  }
0x4b6: {  	s11 =	simm.s32 $0xD180;
	v3 =	vld [tilespmem:s19+$0xFFFFFF80];
	v0 =	vor.u32 v0, v2;
	v2 =	vshrl.u32 v4, $0x10;
	v7 =	vshrl.u32 v5, $0x10  }
0x4b7: {  	v8 =	vld [tilespmem:s8+$0xFFFFFF80];
	[tilespmem:s11+$0x0] =	vst v0;
	v0 =	vand.u32 $0x1, v2;
	v2 =	vand.u32 $0x1, v7  }
0x4b8: {  	v1 =	vadd.f32 v9, v1;
	v7 =	vld [tilespmem:s13+$0x10];
	v0 =	vadd.s32 v0, v4;
	v2 =	vadd.s32 v2, v5  }
0x4b9: {  	v4 =	vadd.f32 v6, v11;
	v5 =	vld [tilespmem:s12+$0x10];
	v0 =	vadd.s32 $0x7FFF, v0;
	v2 =	vadd.s32 $0x7FFF, v2  }
0x4ba: {  	v6 =	vld [tilespmem:s13+$0x50];
	v0 =	vshrl.u32 v0, $0x10;
	v2 =	vand.u32 $0xFFFF0000, v2  }
0x4bb: {  	v11 =	vld [tilespmem:s12+$0x50];
	v9 =	vshrl.u32 v1, $0x10;
	v10 =	vshrl.u32 v4, $0x10;
	v0 =	vor.u32 v0, v2  }
0x4bc: {  	v2 =	vld [tilespmem:s19+$0xFFFFFFC0];
	v9 =	vand.u32 $0x1, v9;
	v10 =	vand.u32 $0x1, v10;
	[tilespmem:s7+$0x40] =	vst v0  }
0x4bd: {  	v0 =	vadd.s32 v9, v1;
	v1 =	vadd.s32 v10, v4;
	v4 =	vld [tilespmem:s19+$0x90]  }
0x4be: {  	v0 =	vadd.s32 $0x7FFF, v0;
	v1 =	vadd.s32 $0x7FFF, v1;
	v9 =	vld [tilespmem:s8+$0x90]  }
0x4bf: {  	v5 =	vadd.f32 v5, v7;
	v7 =	vld [tilespmem:s19+$0xD0];
	v0 =	vshrl.u32 v0, $0x10;
	v1 =	vand.u32 $0xFFFF0000, v1  }
0x4c0: {  	v0 =	vor.u32 v0, v1;
	v1 =	vadd.f32 v11, v6;
	v6 =	vld [tilespmem:s8+$0xD0]  }
0x4c1: {  	v10 =	vld [tilespmem:s8+$0xFFFFFFC0];
	[tilespmem:s11+$0xFFFFFF80] =	vst v0;
	v0 =	vshrl.u32 v5, $0x10  }
0x4c2: {  	v11 =	vld [tilespmem:s13+$0xFFFFFF10];
	v0 =	vand.u32 $0x1, v0;
	v12 =	vshrl.u32 v1, $0x10  }
0x4c3: {  	v13 =	vld [tilespmem:s12+$0xFFFFFF10];
	v0 =	vadd.s32 v0, v5;
	v5 =	vand.u32 $0x1, v12  }
0x4c4: {  	v3 =	vadd.f32 v8, v3;
	v8 =	vld [tilespmem:s13+$0xFFFFFF50];
	v4 =	vadd.f32 v9, v4;
	v1 =	vadd.s32 v5, v1  }
0x4c5: {  	v0 =	vadd.s32 $0x7FFF, v0;
	v5 =	vld [tilespmem:s12+$0xFFFFFF50];
	v1 =	vadd.s32 $0x7FFF, v1;
	v6 =	vadd.f32 v6, v7  }
0x4c6: {  	v2 =	vadd.f32 v10, v2;
	v0 =	vshrl.u32 v0, $0x10;
	v1 =	vand.u32 $0xFFFF0000, v1  }
0x4c7: {  	v0 =	vor.u32 v0, v1;
	v1 =	vshrl.u32 v4, $0x10;
	v7 =	vshrl.u32 v6, $0x10  }
0x4c8: {  	v9 =	vshrl.u32 v3, $0x10;
	[tilespmem:s11+$0x10] =	vst v0;
	v0 =	vand.u32 $0x1, v1;
	v1 =	vand.u32 $0x1, v7  }
0x4c9: {  	v7 =	vadd.f32 v13, v11;
	v0 =	vadd.s32 v0, v4;
	v1 =	vadd.s32 v1, v6  }
0x4ca: {  	v10 =	vld [tilespmem:s13+$0x20];
	v4 =	vadd.f32 v5, v8;
	v0 =	vadd.s32 $0x7FFF, v0;
	v1 =	vadd.s32 $0x7FFF, v1  }
0x4cb: {  	v5 =	vld [tilespmem:s12+$0x20];
	v6 =	vshrl.u32 v2, $0x10;
	v0 =	vshrl.u32 v0, $0x10;
	v1 =	vand.u32 $0xFFFF0000, v1  }
0x4cc: {  	v8 =	vld [tilespmem:s13+$0x60];
	v11 =	vshrl.u32 v7, $0x10;
	v12 =	vshrl.u32 v4, $0x10;
	v0 =	vor.u32 v0, v1  }
0x4cd: {  	v13 =	vld [tilespmem:s12+$0x60];
	v1 =	vand.u32 $0x1, v9;
	v9 =	vand.u32 $0x1, v11;
	v11 =	vand.u32 $0x1, v12  }
0x4ce: {  	[tilespmem:s7+$0x50] =	vst v0;
	v0 =	vand.u32 $0x1, v6;
	v6 =	vadd.s32 v9, v7;
	v4 =	vadd.s32 v11, v4  }
0x4cf: {  	v1 =	vadd.s32 v1, v3;
	v7 =	vld [tilespmem:s19+$0xA0];
	v3 =	vadd.s32 $0x7FFF, v6;
	v4 =	vadd.s32 $0x7FFF, v4  }
0x4d0: {  	v6 =	vld [tilespmem:s8+$0xA0];
	v0 =	vadd.s32 v0, v2;
	v2 =	vshrl.u32 v3, $0x10;
	v3 =	vand.u32 $0xFFFF0000, v4  }
0x4d1: {  	v4 =	vld [tilespmem:s19+$0xE0];
	v2 =	vor.u32 v2, v3  }
0x4d2: {  	v3 =	vadd.f32 v5, v10;
	v5 =	vadd.f32 v13, v8;
	v8 =	vld [tilespmem:s8+$0xE0];
	[tilespmem:s11+$0xFFFFFF90] =	vst v2  }
0x4d3: {  	v1 =	vadd.s32 $0x7FFF, v1;
	v0 =	vadd.s32 $0x7FFF, v0;
	v2 =	vld [tilespmem:s13+$0xFFFFFF20]  }
0x4d4: {  	v1 =	vshrl.u32 v1, $0x10;
	v0 =	vand.u32 $0xFFFF0000, v0;
	v11 =	vld [tilespmem:s12+$0xFFFFFF20]  }
0x4d5: {  	v0 =	vor.u32 v1, v0;
	v9 =	vshrl.u32 v3, $0x10;
	v10 =	vshrl.u32 v5, $0x10;
	v1 =	vld [tilespmem:s13+$0xFFFFFF60]  }
0x4d6: {  	[tilespmem:s7+$0xFFFFFFC0] =	vst v0;
	v0 =	vld [tilespmem:s12+$0xFFFFFF60];
	v9 =	vand.u32 $0x1, v9;
	v10 =	vand.u32 $0x1, v10;
	v6 =	vadd.f32 v6, v7  }
0x4d7: {  	v3 =	vadd.s32 v9, v3;
	v5 =	vadd.s32 v10, v5;
	v4 =	vadd.f32 v8, v4  }
0x4d8: {  	v7 =	vld [tilespmem:s19+$0xFFFFFF90];
	v3 =	vadd.s32 $0x7FFF, v3;
	v5 =	vadd.s32 $0x7FFF, v5;
	v9 =	vshrl.u32 v6, $0x10  }
0x4d9: {  	s14 =	simm.s32 $0x8500;
	v8 =	vld [tilespmem:s8+$0xFFFFFF90];
	v3 =	vshrl.u32 v3, $0x10;
	v5 =	vand.u32 $0xFFFF0000, v5;
	v10 =	vshrl.u32 v4, $0x10  }
0x4da: {  	v14 =	vld [tilespmem:s14+$0x40];
	v3 =	vor.u32 v3, v5;
	v5 =	vand.u32 $0x1, v9;
	v2 =	vadd.f32 v11, v2  }
0x4db: {  	v12 =	vld [tilespmem:s19+$0xFFFFFFD0];
	v0 =	vadd.f32 v0, v1;
	v9 =	vand.u32 $0x1, v10;
	v5 =	vadd.s32 v5, v6  }
0x4dc: {  	v10 =	vld [tilespmem:s8+$0xFFFFFFD0];
	[tilespmem:s11+$0x20] =	vst v3;
	v4 =	vadd.s32 v9, v4;
	v1 =	vadd.s32 $0x7FFF, v5;
	v5 =	vshrl.u32 v2, $0x10  }
0x4dd: {  	v6 =	vld [tilespmem:s12+$0x30];
	v9 =	vshrl.u32 v0, $0x10;
	v3 =	vadd.s32 $0x7FFF, v4;
	v1 =	vshrl.u32 v1, $0x10  }
0x4de: {  	v4 =	vld [tilespmem:s13+$0x30];
	v5 =	vand.u32 $0x1, v5;
	v7 =	vadd.f32 v8, v7;
	v3 =	vand.u32 $0xFFFF0000, v3  }
0x4df: {  	v8 =	vld [tilespmem:s12+$0x70];
	v2 =	vadd.s32 v5, v2;
	v5 =	vand.u32 $0x1, v9;
	v1 =	vor.u32 v1, v3  }
0x4e0: {  	v3 =	vld [tilespmem:s13+$0x70];
	v0 =	vadd.s32 v5, v0;
	[tilespmem:s7+$0x60] =	vst v1  }
0x4e1: {  	v1 =	vadd.s32 $0x7FFF, v2;
	v2 =	vadd.f32 v10, v12;
	v0 =	vadd.s32 $0x7FFF, v0;
	v5 =	vld [tilespmem:s19+$0xB0]  }
0x4e2: {  	v9 =	vshrl.u32 v7, $0x10;
	v1 =	vshrl.u32 v1, $0x10;
	v10 =	vld [tilespmem:s8+$0xB0];
	v0 =	vand.u32 $0xFFFF0000, v0  }
0x4e3: {  	v9 =	vand.u32 $0x1, v9;
	v12 =	vld [tilespmem:s19+$0xF0];
	v11 =	vshrl.u32 v2, $0x10;
	v0 =	vor.u32 v1, v0  }
0x4e4: {  	v7 =	vadd.s32 v9, v7;
	v9 =	vld [tilespmem:s8+$0xF0];
	v1 =	vand.u32 $0x1, v11;
	[tilespmem:s11+$0xFFFFFFA0] =	vst v0  }
0x4e5: {  	v0 =	vadd.s32 v1, v2;
	v2 =	vld [tilespmem:s13+$0xFFFFFF30];
	v3 =	vadd.f32 v8, v3  }
0x4e6: {  	v4 =	vadd.f32 v6, v4;
	v1 =	vadd.s32 $0x7FFF, v7;
	v7 =	vld [tilespmem:s12+$0xFFFFFF30];
	v0 =	vadd.s32 $0x7FFF, v0  }
0x4e7: {  	v11 =	vld [tilespmem:s13+$0xFFFFFF70];
	v1 =	vshrl.u32 v1, $0x10;
	v0 =	vand.u32 $0xFFFF0000, v0;
	v8 =	vshrl.u32 v3, $0x10  }
0x4e8: {  	s15 =	simm.s32 $0xAD00;
	v0 =	vor.u32 v1, v0;
	v1 =	vld [tilespmem:s12+$0xFFFFFF70];
	v8 =	vand.u32 $0x1, v8  }
0x4e9: {  	[tilespmem:s7+$0xFFFFFFD0] =	vst v0;
	v0 =	vshrl.u32 v4, $0x10;
	v3 =	vadd.s32 v8, v3;
	v8 =	vld [tilespmem:s15+$0x0]  }
0x4ea: {  	v6 =	vld [tilespmem:s19+$0xFFFFFFA0];
	v0 =	vand.u32 $0x1, v0  }
0x4eb: {  	v13 =	vld [tilespmem:s8+$0xFFFFFFA0];
	v0 =	vadd.s32 v0, v4  }
0x4ec: {  	v3 =	vadd.s32 $0x7FFF, v3;
	v2 =	vadd.f32 v7, v2;
	v7 =	vld [tilespmem:s15+$0x40];
	v0 =	vadd.s32 $0x7FFF, v0  }
0x4ed: {  	v5 =	vadd.f32 v10, v5;
	v4 =	vld [tilespmem:s14+$0x0];
	v3 =	vand.u32 $0xFFFF0000, v3;
	v0 =	vshrl.u32 v0, $0x10  }
0x4ee: {  	v54 =	vld [tilespmem:s8+$0xFFFFFFE0];
	v0 =	vor.u32 v0, v3  }
0x4ef: {  	v10 =	vshrl.u32 v5, $0x10;
	v1 =	vadd.f32 v1, v11;
	v11 =	vshrl.u32 v2, $0x10;
	v3 =	vld [tilespmem:s19+$0xFFFFFFE0];
	[tilespmem:s11+$0x30] =	vst v0  }
0x4f0: {  	v0 =	vadd.f32 v9, v12;
	v9 =	vand.u32 $0x1, v10;
	v10 =	vand.u32 $0x1, v11;
	v15 =	vld [tilespmem:s13+$0x80]  }
0x4f1: {  	v12 =	vshrl.u32 v1, $0x10;
	v7 =	vadd.f32 v7, v14;
	v6 =	vadd.f32 v13, v6;
	v11 =	vld [tilespmem:s12+$0x80]  }
0x4f2: {  	v2 =	vadd.s32 v10, v2;
	v4 =	vadd.f32 v8, v4;
	v8 =	vld [tilespmem:s13+$0xC0];
	v10 =	vand.u32 $0x1, v12  }
0x4f3: {  	v12 =	vld [tilespmem:s12+$0xC0];
	v2 =	vadd.s32 $0x7FFF, v2;
	v1 =	vadd.s32 v10, v1;
	v17 =	vshrl.u32 v7, $0x10  }
0x4f4: {  	v56 =	vshrl.u32 v6, $0x10;
	v2 =	vshrl.u32 v2, $0x10;
	v10 =	vshrl.u32 v4, $0x10  }
0x4f5: {  	v16 =	vld [tilespmem:s14+$0xFFFFFF40];
	v1 =	vadd.s32 $0x7FFF, v1;
	v17 =	vand.u32 $0x1, v17;
	v10 =	vand.u32 $0x1, v10  }
0x4f6: {  	v14 =	vld [tilespmem:s15+$0xFFFFFF00];
	v1 =	vand.u32 $0xFFFF0000, v1;
	v7 =	vadd.s32 v17, v7;
	v3 =	vadd.f32 v54, v3  }
0x4f7: {  	v4 =	vadd.s32 v10, v4;
	v10 =	vld [tilespmem:s14+$0xFFFFFF00];
	v1 =	vor.u32 v2, v1;
	v7 =	vadd.s32 $0x7FFF, v7  }
0x4f8: {  	v2 =	vld [tilespmem:s15+$0xFFFFFF40];
	v4 =	vadd.s32 $0x7FFF, v4;
	v11 =	vadd.f32 v11, v15;
	v8 =	vadd.f32 v12, v8  }
0x4f9: {  	[tilespmem:s11+$0xFFFFFFB0] =	vst v1;
	v1 =	vadd.s32 v9, v5;
	v7 =	vand.u32 $0xFFFF0000, v7;
	v4 =	vshrl.u32 v4, $0x10  }
0x4fa: {  	v58 =	vshrl.u32 v3, $0x10;
	v5 =	vld [tilespmem:s13+$0xFFFFFF80];
	v1 =	vadd.s32 $0x7FFF, v1;
	v4 =	vor.u32 v4, v7  }
0x4fb: {  	s21 =	simm.s32 $0xD280;
	v9 =	vld [tilespmem:s12+$0xFFFFFF80];
	v7 =	vshrl.u32 v11, $0x10;
	v12 =	vshrl.u32 v8, $0x10;
	v1 =	vshrl.u32 v1, $0x10  }
0x4fc: {  	v15 =	vld [tilespmem:s13+$0xFFFFFFC0];
	[tilespmem:s21+$0x0] =	vst v4;
	v4 =	vand.u32 $0x1, v7;
	v7 =	vand.u32 $0x1, v12;
	v10 =	vadd.f32 v14, v10  }
0x4fd: {  	v2 =	vadd.f32 v2, v16;
	v12 =	vld [tilespmem:s14+$0x10];
	v4 =	vadd.s32 v4, v11;
	v7 =	vadd.s32 v7, v8  }
0x4fe: {  	v11 =	vld [tilespmem:s15+$0x10];
	v4 =	vadd.s32 $0x7FFF, v4;
	v7 =	vadd.s32 $0x7FFF, v7;
	v8 =	vshrl.u32 v10, $0x10  }
0x4ff: {  	v55 =	vld [tilespmem:s14+$0x50];
	v14 =	vshrl.u32 v2, $0x10;
	v4 =	vshrl.u32 v4, $0x10;
	v7 =	vand.u32 $0xFFFF0000, v7  }
0x500: {  	v8 =	vand.u32 $0x1, v8;
	v14 =	vand.u32 $0x1, v14;
	v4 =	vor.u32 v4, v7;
	v7 =	vld [tilespmem:s15+$0x50]  }
0x501: {  	v16 =	vand.u32 $0x1, v58;
	v8 =	vadd.s32 v8, v10;
	v2 =	vadd.s32 v14, v2;
	[tilespmem:s11+$0x40] =	vst v4;
	v4 =	vld [tilespmem:s12+$0xFFFFFFC0]  }
0x502: {  	v3 =	vadd.s32 v16, v3;
	v8 =	vadd.s32 $0x7FFF, v8;
	v2 =	vadd.s32 $0x7FFF, v2;
	v13 =	vld [tilespmem:s13+$0x90]  }
0x503: {  	v5 =	vadd.f32 v9, v5;
	v14 =	vld [tilespmem:s12+$0x90];
	v8 =	vshrl.u32 v8, $0x10;
	v2 =	vand.u32 $0xFFFF0000, v2  }
0x504: {  	v10 =	vshrl.u32 v0, $0x10;
	v11 =	vadd.f32 v11, v12;
	v12 =	vld [tilespmem:s13+$0xD0];
	v8 =	vor.u32 v8, v2  }
0x505: {  	v57 =	vld [tilespmem:s12+$0xD0];
	v2 =	vand.u32 $0x1, v10;
	v10 =	vand.u32 $0x1, v56;
	v7 =	vadd.f32 v7, v55  }
0x506: {  	v3 =	vadd.s32 $0x7FFF, v3;
	v6 =	vadd.s32 v10, v6;
	[tilespmem:s21+$0xFFFFFF80] =	vst v8;
	v8 =	vshrl.u32 v11, $0x10  }
0x507: {  	v4 =	vadd.f32 v4, v15;
	v9 =	vld [tilespmem:s14+$0xFFFFFF10];
	v8 =	vand.u32 $0x1, v8;
	v10 =	vshrl.u32 v7, $0x10  }
0x508: {  	v15 =	vshrl.u32 v5, $0x10;
	v8 =	vadd.s32 v8, v11;
	v11 =	vld [tilespmem:s15+$0xFFFFFF10];
	v10 =	vand.u32 $0x1, v10  }
0x509: {  	v15 =	vand.u32 $0x1, v15;
	v13 =	vadd.f32 v14, v13;
	v14 =	vld [tilespmem:s15+$0xFFFFFF50];
	v7 =	vadd.s32 v10, v7  }
0x50a: {  	v12 =	vadd.f32 v57, v12;
	v8 =	vadd.s32 $0x7FFF, v8;
	v10 =	vld [tilespmem:s14+$0xFFFFFF50];
	v7 =	vadd.s32 $0x7FFF, v7  }
0x50b: {  	v5 =	vadd.s32 v15, v5;
	v8 =	vshrl.u32 v8, $0x10;
	v7 =	vand.u32 $0xFFFF0000, v7  }
0x50c: {  	v15 =	vshrl.u32 v12, $0x10;
	v7 =	vor.u32 v8, v7;
	v8 =	vshrl.u32 v13, $0x10  }
0x50d: {  	v15 =	vand.u32 $0x1, v15;
	v9 =	vadd.f32 v11, v9;
	v8 =	vand.u32 $0x1, v8  }
0x50e: {  	v3 =	vand.u32 $0xFFFF0000, v3;
	[tilespmem:s21+$0x10] =	vst v7;
	v7 =	vadd.s32 v8, v13;
	v8 =	vadd.s32 v15, v12  }
0x50f: {  	v10 =	vadd.f32 v14, v10;
	v11 =	vld [tilespmem:s14+$0x20];
	v12 =	vshrl.u32 v9, $0x10;
	v7 =	vadd.s32 $0x7FFF, v7  }
0x510: {  	v13 =	vld [tilespmem:s15+$0x20];
	v8 =	vadd.s32 $0x7FFF, v8;
	v12 =	vand.u32 $0x1, v12;
	v7 =	vshrl.u32 v7, $0x10  }
0x511: {  	v15 =	vld [tilespmem:s14+$0x60];
	v8 =	vand.u32 $0xFFFF0000, v8;
	v14 =	vshrl.u32 v10, $0x10;
	v9 =	vadd.s32 v12, v9  }
0x512: {  	v12 =	vld [tilespmem:s15+$0x60];
	v7 =	vor.u32 v7, v8;
	v8 =	vshrl.u32 v4, $0x10;
	v14 =	vand.u32 $0x1, v14  }
0x513: {  	v0 =	vadd.s32 v2, v0;
	v8 =	vand.u32 $0x1, v8;
	v10 =	vadd.s32 v14, v10;
	[tilespmem:s11+$0x50] =	vst v7  }
0x514: {  	v7 =	vadd.s32 $0x7FFF, v9;
	v4 =	vadd.s32 v8, v4;
	v8 =	vadd.s32 $0x7FFF, v10;
	v9 =	vld [tilespmem:s13+$0xA0]  }
0x515: {  	v5 =	vadd.s32 $0x7FFF, v5;
	v7 =	vshrl.u32 v7, $0x10;
	v10 =	vld [tilespmem:s12+$0xA0];
	v8 =	vand.u32 $0xFFFF0000, v8  }
0x516: {  	v5 =	vshrl.u32 v5, $0x10;
	v4 =	vadd.s32 $0x7FFF, v4;
	v7 =	vor.u32 v7, v8;
	v8 =	vld [tilespmem:s13+$0xE0]  }
0x517: {  	v4 =	vand.u32 $0xFFFF0000, v4;
	[tilespmem:s21+$0xFFFFFF90] =	vst v7;
	v7 =	vadd.f32 v13, v11;
	v11 =	vadd.f32 v12, v15;
	v12 =	vld [tilespmem:s12+$0xE0]  }
0x518: {  	v0 =	vadd.s32 $0x7FFF, v0;
	v4 =	vor.u32 v5, v4;
	v5 =	vadd.s32 $0x7FFF, v6;
	v6 =	vld [tilespmem:s14+$0xFFFFFF20]  }
0x519: {  	v0 =	vand.u32 $0xFFFF0000, v0;
	v13 =	vld [tilespmem:s15+$0xFFFFFF20];
	v5 =	vshrl.u32 v5, $0x10;
	v14 =	vshrl.u32 v7, $0x10  }
0x51a: {  	v59 =	vld [tilespmem:s14+$0xFFFFFF60];
	v15 =	vshrl.u32 v11, $0x10;
	v9 =	vadd.f32 v10, v9;
	v14 =	vand.u32 $0x1, v14  }
0x51b: {  	[tilespmem:s11+$0xFFFFFFC0] =	vst v4;
	v4 =	vld [tilespmem:s15+$0xFFFFFF60];
	v3 =	vor.u32 v5, v3;
	v15 =	vand.u32 $0x1, v15;
	v7 =	vadd.s32 v14, v7  }
0x51c: {  	v10 =	vld [tilespmem:s12+$0xFFFFFF90];
	v11 =	vadd.s32 v15, v11;
	v7 =	vadd.s32 $0x7FFF, v7;
	v8 =	vadd.f32 v12, v8  }
0x51d: {  	v1 =	vor.u32 v1, v0;
	[tilespmem:s7+$0xFFFFFFE0] =	vst v3;
	v14 =	vld [tilespmem:s13+$0xFFFFFF90];
	v5 =	vshrl.u32 v7, $0x10;
	v7 =	vadd.s32 $0x7FFF, v11  }
0x51e: {  	[tilespmem:s7+$0x70] =	vst v1;
	v1 =	vld [tilespmem:s19+$0xFFFFFFF0];
	v12 =	vshrl.u32 v9, $0x10;
	v7 =	vand.u32 $0xFFFF0000, v7;
	v15 =	vshrl.u32 v8, $0x10  }
0x51f: {  	v11 =	vld [tilespmem:s13+$0xFFFFFFD0];
	v3 =	vor.u32 v5, v7;
	v7 =	vand.u32 $0x1, v12;
	v12 =	vand.u32 $0x1, v15  }
0x520: {  	v6 =	vadd.f32 v13, v6;
	v13 =	vld [tilespmem:s19+$0xFFFFFFB0];
	[tilespmem:s21+$0x20] =	vst v3;
	v3 =	vadd.s32 v7, v9;
	v7 =	vadd.s32 v12, v8  }
0x521: {  	v4 =	vadd.f32 v4, v59;
	v5 =	vld [tilespmem:s12+$0xFFFFFFD0];
	v3 =	vadd.s32 $0x7FFF, v3;
	v7 =	vadd.s32 $0x7FFF, v7  }
0x522: {  	v8 =	vshrl.u32 v6, $0x10;
	v12 =	vld [tilespmem:s14+$0x30];
	v3 =	vshrl.u32 v3, $0x10;
	v7 =	vand.u32 $0xFFFF0000, v7  }
0x523: {  	v15 =	vld [tilespmem:s15+$0x30];
	v8 =	vand.u32 $0x1, v8;
	v3 =	vor.u32 v3, v7  }
0x524: {  	v9 =	vshrl.u32 v4, $0x10;
	v60 =	vld [tilespmem:s14+$0x70];
	v6 =	vadd.s32 v8, v6;
	[tilespmem:s11+$0x60] =	vst v3  }
0x525: {  	v7 =	vand.u32 $0x1, v9;
	v3 =	vadd.s32 $0x7FFF, v6;
	v6 =	vld [tilespmem:s13+$0xB0]  }
0x526: {  	v8 =	vadd.f32 v10, v14;
	v4 =	vadd.s32 v7, v4;
	v5 =	vadd.f32 v5, v11;
	v14 =	vld [tilespmem:s13+$0xF0]  }
0x527: {  	v2 =	vshrl.u32 v3, $0x10;
	v3 =	vadd.s32 $0x7FFF, v4;
	v18 =	vld [tilespmem:s12+$0xF0]  }
0x528: {  	v7 =	vshrl.u32 v8, $0x10;
	v4 =	vld [tilespmem:s12+$0xB0];
	v3 =	vand.u32 $0xFFFF0000, v3;
	v9 =	vshrl.u32 v5, $0x10  }
0x529: {  	v61 =	vld [tilespmem:s15+$0x70];
	v7 =	vand.u32 $0x1, v7;
	v2 =	vor.u32 v2, v3;
	v3 =	vand.u32 $0x1, v9  }
0x52a: {  	v7 =	vadd.s32 v7, v8;
	[tilespmem:s21+$0xFFFFFFA0] =	vst v2;
	v2 =	vadd.s32 v3, v5;
	v3 =	vld [tilespmem:s8+$0xFFFFFFB0]  }
0x52b: {  	v15 =	vadd.f32 v15, v12;
	v5 =	vadd.s32 $0x7FFF, v7;
	v8 =	vld [tilespmem:s14+$0xFFFFFF30];
	v2 =	vadd.s32 $0x7FFF, v2  }
0x52c: {  	v5 =	vshrl.u32 v5, $0x10;
	v9 =	vld [tilespmem:s15+$0xFFFFFF30];
	v2 =	vand.u32 $0xFFFF0000, v2;
	v14 =	vadd.f32 v18, v14  }
0x52d: {  	v10 =	vld [tilespmem:s14+$0xFFFFFF70];
	v2 =	vor.u32 v5, v2;
	v5 =	vadd.f32 v4, v6;
	v6 =	vshrl.u32 v15, $0x10  }
0x52e: {  	v12 =	vadd.f32 v61, v60;
	v11 =	vld [tilespmem:s15+$0xFFFFFF70];
	[tilespmem:s11+$0xFFFFFFD0] =	vst v2;
	v62 =	vand.u32 $0x1, v6  }
0x52f: {  	v2 =	vld [tilespmem:s13+$0xFFFFFFA0];
	v0 =	vadd.f32 v3, v13;
	v7 =	vshrl.u32 v5, $0x10;
	v13 =	vshrl.u32 v14, $0x10  }
0x530: {  	v3 =	vshrl.u32 v12, $0x10;
	v4 =	vld [tilespmem:s12+$0xFFFFFFA0];
	v7 =	vand.u32 $0x1, v7;
	v63 =	vand.u32 $0x1, v13  }
0x531: {  	s20 =	simm.s32 $0x4;
	v6 =	vld [tilespmem:s13+$0xFFFFFFE0];
	v13 =	vand.u32 $0x1, v3;
	v3 =	vadd.s32 v7, v5;
	v17 =	vadd.s32 v63, v14  }
0x532: {  	s22 =	simm.s32 $0x8700;
	s2 =	simm.s32 $0xAD00;
	s19 =	simm.s32 $0xD280;
	v7 =	vld [tilespmem:s12+$0xFFFFFFE0];
	v14 =	vadd.s32 v62, v15;
	v5 =	vadd.s32 $0x7FFF, v3;
	v3 =	vadd.s32 $0x7FFF, v17  }
.LBB2_10:
0x533: {  	v15 =	vld [tilespmem:s22+$0x0];
	v12 =	vadd.s32 v13, v12;
	s15 =	sadd.s32 $0x200, s15;
	v5 =	vshrl.u32 v5, $0x10;
	v3 =	vand.u32 $0xFFFF0000, v3  }
0x534: {  	v14 =	vadd.s32 $0x7FFF, v14;
	v13 =	vld [tilespmem:s15+$0x0];
	v12 =	vadd.s32 $0x7FFF, v12;
	v3 =	vor.u32 v5, v3  }
0x535: {  	v8 =	vadd.f32 v9, v8;
	v9 =	vshrl.u32 v14, $0x10;
	v5 =	vld [tilespmem:s22+$0x40];
	v12 =	vand.u32 $0xFFFF0000, v12;
	[tilespmem:s11+$0x70] =	vst v3  }
0x536: {  	v10 =	vadd.f32 v11, v10;
	v4 =	vadd.f32 v4, v2;
	v3 =	vld [tilespmem:s15+$0x40];
	v9 =	vor.u32 v9, v12  }
0x537: {  	v2 =	vshrl.u32 v0, $0x10;
	v12 =	vshrl.u32 v8, $0x10;
	v6 =	vadd.f32 v7, v6;
	v11 =	vld [tilespmem:s15+$0xFFFFFF00];
	[tilespmem:s21+$0x30] =	vst v9  }
0x538: {  	v14 =	vshrl.u32 v4, $0x10;
	v7 =	vand.u32 $0x1, v12;
	v9 =	vshrl.u32 v10, $0x10;
	v12 =	vld [tilespmem:s14+$0x80]  }
0x539: {  	v7 =	vadd.s32 v7, v8;
	v8 =	vand.u32 $0x1, v9;
	v16 =	vshrl.u32 v6, $0x10;
	v9 =	vld [tilespmem:s2+$0x80]  }
0x53a: {  	v13 =	vadd.f32 v13, v15;
	v7 =	vadd.s32 $0x7FFF, v7;
	v8 =	vadd.s32 v8, v10;
	v10 =	vld [tilespmem:s14+$0xC0]  }
0x53b: {  	v3 =	vadd.f32 v3, v5;
	v5 =	vshrl.u32 v7, $0x10;
	v7 =	vadd.s32 $0x7FFF, v8;
	v8 =	vld [tilespmem:s2+$0xC0]  }
0x53c: {  	v14 =	vand.u32 $0x1, v14;
	v17 =	vshrl.u32 v13, $0x10;
	v15 =	vld [tilespmem:s22+$0xFFFFFF40];
	v7 =	vand.u32 $0xFFFF0000, v7  }
0x53d: {  	v17 =	vand.u32 $0x1, v17;
	v18 =	vld [tilespmem:s15+$0xFFFFFF40];
	v19 =	vshrl.u32 v3, $0x10;
	v5 =	vor.u32 v5, v7  }
0x53e: {  	v13 =	vadd.s32 v17, v13;
	v7 =	vld [tilespmem:s22+$0xFFFFFF00];
	v17 =	vand.u32 $0x1, v19;
	[tilespmem:s21+$0xFFFFFFB0] =	vst v5;
	v5 =	vand.u32 $0x1, v16  }
0x53f: {  	v13 =	vadd.s32 $0x7FFF, v13;
	v16 =	vadd.s32 v17, v3;
	v17 =	vld [tilespmem:s14+$0xFFFFFF80];
	v3 =	vadd.s32 v14, v4  }
0x540: {  	v9 =	vadd.f32 v9, v12;
	v4 =	vadd.s32 $0x7FFF, v16;
	v14 =	vld [tilespmem:s2+$0xFFFFFF80];
	v8 =	vadd.f32 v8, v10  }
0x541: {  	v5 =	vadd.s32 v5, v6;
	v10 =	vshrl.u32 v13, $0x10;
	v4 =	vand.u32 $0xFFFF0000, v4;
	v12 =	vld [tilespmem:s14+$0xFFFFFFC0]  }
0x542: {  	s21 =	sadd.s32 $0x100, s21;
	v4 =	vor.u32 v10, v4;
	v6 =	vld [tilespmem:s2+$0xFFFFFFC0];
	v10 =	vshrl.u32 v9, $0x10;
	v13 =	vshrl.u32 v8, $0x10  }
0x543: {  	v7 =	vadd.f32 v11, v7;
	[tilespmem:s21+$0x0] =	vst v4;
	v10 =	vand.u32 $0x1, v10;
	v11 =	vand.u32 $0x1, v13;
	v4 =	vld [tilespmem:s8+$0xFFFFFFF0];
	s8 =	smov.u32 s12;
	s12 =	smov.u32 s2;
	s2 =	smov.u32 s15  }
0x544: {  	v13 =	vadd.f32 v18, v15;
	v15 =	vld [tilespmem:s22+$0x10];
	v9 =	vadd.s32 v10, v9;
	v8 =	vadd.s32 v11, v8  }
0x545: {  	v10 =	vshrl.u32 v7, $0x10;
	v11 =	vld [tilespmem:s15+$0x10];
	v9 =	vadd.s32 $0x7FFF, v9;
	v8 =	vadd.s32 $0x7FFF, v8  }
0x546: {  	v16 =	vshrl.u32 v13, $0x10;
	v18 =	vld [tilespmem:s22+$0x50];
	v9 =	vshrl.u32 v9, $0x10;
	v8 =	vand.u32 $0xFFFF0000, v8  }
0x547: {  	v10 =	vand.u32 $0x1, v10;
	v16 =	vand.u32 $0x1, v16;
	v19 =	vld [tilespmem:s15+$0x50];
	v8 =	vor.u32 v9, v8  }
0x548: {  	v7 =	vadd.s32 v10, v7;
	v9 =	vadd.s32 v16, v13;
	v10 =	vadd.f32 v14, v17;
	[tilespmem:s19+$0x40] =	vst v8  }
0x549: {  	v6 =	vadd.f32 v6, v12;
	v7 =	vadd.s32 $0x7FFF, v7;
	v8 =	vadd.s32 $0x7FFF, v9;
	v9 =	vld [tilespmem:s14+$0x90]  }
0x54a: {  	v7 =	vshrl.u32 v7, $0x10;
	v8 =	vand.u32 $0xFFFF0000, v8;
	v12 =	vshrl.u32 v10, $0x10;
	v13 =	vld [tilespmem:s12+$0x90]  }
0x54b: {  	v7 =	vor.u32 v7, v8;
	v8 =	vadd.f32 v11, v15;
	v11 =	vshrl.u32 v6, $0x10;
	v14 =	vld [tilespmem:s14+$0xD0]  }
0x54c: {  	v12 =	vand.u32 $0x1, v12;
	v11 =	vand.u32 $0x1, v11;
	[tilespmem:s21+$0xFFFFFF80] =	vst v7;
	v7 =	vadd.f32 v19, v18;
	v15 =	vld [tilespmem:s12+$0xD0]  }
0x54d: {  	v10 =	vadd.s32 v12, v10;
	v17 =	vshrl.u32 v8, $0x10;
	v6 =	vadd.s32 v11, v6;
	v16 =	vld [tilespmem:s22+$0xFFFFFF10]  }
0x54e: {  	v10 =	vadd.s32 $0x7FFF, v10;
	v12 =	vand.u32 $0x1, v17;
	v11 =	vld [tilespmem:s15+$0xFFFFFF10];
	v17 =	vshrl.u32 v7, $0x10  }
0x54f: {  	v6 =	vadd.s32 $0x7FFF, v6;
	v8 =	vadd.s32 v12, v8;
	v18 =	vld [tilespmem:s22+$0xFFFFFF50];
	v12 =	vand.u32 $0x1, v17  }
0x550: {  	v10 =	vshrl.u32 v10, $0x10;
	v8 =	vadd.s32 $0x7FFF, v8;
	v17 =	vld [tilespmem:s15+$0xFFFFFF50];
	v7 =	vadd.s32 v12, v7  }
0x551: {  	v9 =	vadd.f32 v13, v9;
	v7 =	vadd.s32 $0x7FFF, v7;
	v12 =	vadd.f32 v15, v14  }
0x552: {  	s20 =	sadd.s32 $0x2, s20;
	v6 =	vand.u32 $0xFFFF0000, v6;
	v8 =	vshrl.u32 v8, $0x10;
	v7 =	vand.u32 $0xFFFF0000, v7  }
0x553: {  	p0 =	slt.u32 s20, $0x26;
	v7 =	vor.u32 v8, v7;
	v8 =	vshrl.u32 v9, $0x10;
	v13 =	vshrl.u32 v12, $0x10  }
0x554: {  	v11 =	vadd.f32 v11, v16;
	[tilespmem:s21+$0x10] =	vst v7;
	v7 =	vand.u32 $0x1, v8;
	v8 =	vand.u32 $0x1, v13  }
0x555: {  	v13 =	vadd.f32 v17, v18;
	v14 =	vld [tilespmem:s22+$0x20];
	v7 =	vadd.s32 v7, v9;
	v8 =	vadd.s32 v8, v12  }
0x556: {  	v9 =	vshrl.u32 v11, $0x10;
	v12 =	vld [tilespmem:s15+$0x20];
	v7 =	vadd.s32 $0x7FFF, v7;
	v8 =	vadd.s32 $0x7FFF, v8  }
0x557: {  	v15 =	vshrl.u32 v13, $0x10;
	v16 =	vld [tilespmem:s22+$0x60];
	v7 =	vshrl.u32 v7, $0x10;
	v8 =	vand.u32 $0xFFFF0000, v8  }
0x558: {  	v9 =	vand.u32 $0x1, v9;
	v15 =	vand.u32 $0x1, v15;
	v17 =	vld [tilespmem:s15+$0x60];
	v7 =	vor.u32 v7, v8  }
0x559: {  	v6 =	vor.u32 v10, v6;
	v8 =	vadd.s32 v9, v11;
	v9 =	vadd.s32 v15, v13;
	[tilespmem:s19+$0x50] =	vst v7  }
0x55a: {  	v3 =	vadd.s32 $0x7FFF, v3;
	v7 =	vadd.s32 $0x7FFF, v8;
	v8 =	vadd.s32 $0x7FFF, v9;
	[tilespmem:s19+$0xFFFFFFC0] =	vst v6;
	v6 =	vld [tilespmem:s14+$0xA0]  }
0x55b: {  	v5 =	vadd.s32 $0x7FFF, v5;
	v7 =	vshrl.u32 v7, $0x10;
	v8 =	vand.u32 $0xFFFF0000, v8;
	v9 =	vld [tilespmem:s12+$0xA0]  }
0x55c: {  	v3 =	vshrl.u32 v3, $0x10;
	v5 =	vand.u32 $0xFFFF0000, v5;
	v7 =	vor.u32 v7, v8;
	v8 =	vld [tilespmem:s14+$0xE0]  }
0x55d: {  	v3 =	vor.u32 v3, v5;
	[tilespmem:s21+$0xFFFFFF90] =	vst v7;
	v7 =	vadd.f32 v12, v14;
	v10 =	vadd.f32 v17, v16;
	v11 =	vld [tilespmem:s12+$0xE0]  }
0x55e: {  	v2 =	vand.u32 $0x1, v2;
	v1 =	vadd.f32 v4, v1;
	v5 =	vld [tilespmem:s22+$0xFFFFFF20];
	[tilespmem:s11+$0xFFFFFFE0] =	vst v3  }
0x55f: {  	v0 =	vadd.s32 v2, v0;
	v3 =	vld [tilespmem:s15+$0xFFFFFF20];
	v4 =	vshrl.u32 v7, $0x10;
	v12 =	vshrl.u32 v10, $0x10  }
0x560: {  	v13 =	vshrl.u32 v1, $0x10;
	v2 =	vld [tilespmem:s22+$0xFFFFFF60];
	v4 =	vand.u32 $0x1, v4;
	v12 =	vand.u32 $0x1, v12  }
0x561: {  	v14 =	vld [tilespmem:s15+$0xFFFFFF60];
	v4 =	vadd.s32 v4, v7;
	v7 =	vadd.s32 v12, v10;
	v10 =	vand.u32 $0x1, v13  }
0x562: {  	v6 =	vadd.f32 v9, v6;
	v4 =	vadd.s32 $0x7FFF, v4;
	v12 =	vld [tilespmem:s14+$0xFFFFFF90];
	v8 =	vadd.f32 v11, v8  }
0x563: {  	v7 =	vadd.s32 $0x7FFF, v7;
	v1 =	vadd.s32 v10, v1;
	v4 =	vshrl.u32 v4, $0x10;
	v9 =	vld [tilespmem:s12+$0xFFFFFF90]  }
0x564: {  	v11 =	vshrl.u32 v6, $0x10;
	v7 =	vand.u32 $0xFFFF0000, v7;
	v10 =	vld [tilespmem:s14+$0xFFFFFFD0];
	v13 =	vshrl.u32 v8, $0x10  }
0x565: {  	v11 =	vand.u32 $0x1, v11;
	v4 =	vor.u32 v4, v7;
	v7 =	vld [tilespmem:s12+$0xFFFFFFD0];
	v13 =	vand.u32 $0x1, v13  }
0x566: {  	v3 =	vadd.f32 v3, v5;
	[tilespmem:s21+$0x20] =	vst v4;
	v4 =	vadd.s32 v11, v6;
	v5 =	vadd.s32 v13, v8;
	v6 =	vld [tilespmem:s13+$0xFFFFFFB0]  }
0x567: {  	v2 =	vadd.f32 v14, v2;
	v11 =	vld [tilespmem:s22+$0x30];
	v4 =	vadd.s32 $0x7FFF, v4;
	v5 =	vadd.s32 $0x7FFF, v5  }
0x568: {  	v8 =	vshrl.u32 v3, $0x10;
	v13 =	vld [tilespmem:s15+$0x30];
	v4 =	vshrl.u32 v4, $0x10;
	v5 =	vand.u32 $0xFFFF0000, v5  }
0x569: {  	v8 =	vand.u32 $0x1, v8;
	v14 =	vshrl.u32 v2, $0x10;
	v15 =	vld [tilespmem:s22+$0x70];
	v4 =	vor.u32 v4, v5  }
0x56a: {  	v3 =	vadd.s32 v8, v3;
	v8 =	vadd.f32 v9, v12;
	v5 =	vand.u32 $0x1, v14;
	v14 =	vld [tilespmem:s15+$0x70];
	[tilespmem:s19+$0x60] =	vst v4  }
0x56b: {  	v3 =	vadd.s32 $0x7FFF, v3;
	v2 =	vadd.s32 v5, v2;
	v4 =	vadd.f32 v7, v10;
	v5 =	vld [tilespmem:s14+$0xB0]  }
0x56c: {  	v3 =	vshrl.u32 v3, $0x10;
	v7 =	vshrl.u32 v8, $0x10;
	v2 =	vadd.s32 $0x7FFF, v2;
	v16 =	vld [tilespmem:s12+$0xB0]  }
0x56d: {  	v7 =	vand.u32 $0x1, v7;
	v2 =	vand.u32 $0xFFFF0000, v2;
	v9 =	vshrl.u32 v4, $0x10;
	v17 =	vld [tilespmem:s14+$0xF0]  }
0x56e: {  	v2 =	vor.u32 v3, v2;
	v3 =	vadd.s32 v7, v8;
	v7 =	vand.u32 $0x1, v9;
	v18 =	vld [tilespmem:s12+$0xF0]  }
0x56f: {  	v0 =	vadd.s32 $0x7FFF, v0;
	[tilespmem:s21+$0xFFFFFFA0] =	vst v2;
	v2 =	vadd.s32 $0x7FFF, v3;
	v3 =	vadd.s32 v7, v4;
	v4 =	vld [tilespmem:s8+$0xFFFFFFB0]  }
0x570: {  	v1 =	vadd.s32 $0x7FFF, v1;
	v8 =	vld [tilespmem:s22+$0xFFFFFF30];
	v2 =	vshrl.u32 v2, $0x10;
	v3 =	vadd.s32 $0x7FFF, v3  }
0x571: {  	v0 =	vshrl.u32 v0, $0x10;
	v1 =	vand.u32 $0xFFFF0000, v1;
	v9 =	vld [tilespmem:s15+$0xFFFFFF30];
	v3 =	vand.u32 $0xFFFF0000, v3  }
0x572: {  	v19 =	vadd.f32 v13, v11;
	v12 =	vadd.f32 v14, v15;
	v10 =	vld [tilespmem:s22+$0xFFFFFF70];
	v2 =	vor.u32 v2, v3  }
0x573: {  	v1 =	vor.u32 v0, v1;
	v3 =	vadd.f32 v16, v5;
	v11 =	vld [tilespmem:s15+$0xFFFFFF70];
	[tilespmem:s19+$0xFFFFFFD0] =	vst v2;
	v5 =	vadd.f32 v18, v17  }
.Ltmp4:
0x574: {  	v7 =	vshrl.u32 v19, $0x10;
	v2 =	vld [tilespmem:s14+$0xFFFFFFA0];
	v0 =	vadd.f32 v4, v6;
	[tilespmem:s7+$0xFFFFFFF0] =	vst v1;
	s7 =	smov.u32 s11;
	s11 =	smov.u32 s19;
	(pc) =	sbr.rel @p0 .LBB2_10-.Ltmp4, $4  }
0x575: {  	v1 =	vshrl.u32 v12, $0x10;
	v13 =	vshrl.u32 v3, $0x10;
	s19 =	smov.u32 s21;
	v4 =	vld [tilespmem:s12+$0xFFFFFFA0];
	v14 =	vshrl.u32 v5, $0x10  }
0x576: {  	v15 =	vand.u32 $0x1, v7;
	v16 =	vand.u32 $0x1, v13;
	v6 =	vld [tilespmem:s14+$0xFFFFFFE0];
	v14 =	vand.u32 $0x1, v14  }
0x577: {  	v13 =	vand.u32 $0x1, v1;
	v1 =	vadd.s32 v16, v3;
	v7 =	vld [tilespmem:s12+$0xFFFFFFE0];
	v3 =	vadd.s32 v14, v5  }
0x578: {  	v14 =	vadd.s32 v15, v19;
	v5 =	vadd.s32 $0x7FFF, v1;
	v3 =	vadd.s32 $0x7FFF, v3;
	v1 =	vld [tilespmem:s13+$0xFFFFFFF0];
	s13 =	smov.u32 s14;
	s14 =	smov.u32 s22;
	s22 =	sadd.s32 $0x200, s22  }
0x579: {  	v12 =	vadd.s32 v13, v12  }
0x57a: {  	v13 =	vadd.s32 $0x7FFF, v14;
	v12 =	vadd.s32 $0x7FFF, v12  }
0x57b: {  	v13 =	vshrl.u32 v13, $0x10;
	v12 =	vand.u32 $0xFFFF0000, v12  }
0x57c: {  	v8 =	vadd.f32 v9, v8;
	v9 =	vadd.f32 v11, v10;
	v10 =	vor.u32 v13, v12  }
0x57d: {  	[tilespmem:s21+$0x30] =	vst v10  }
0x57e: {  	v11 =	vshrl.u32 v9, $0x10;
	v10 =	vshrl.u32 v8, $0x10;
	v12 =	vld [tilespmem:s14+$0x80]  }
0x57f: {  	v11 =	vand.u32 $0x1, v11;
	v10 =	vand.u32 $0x1, v10;
	v13 =	vld [tilespmem:s2+$0x80]  }
0x580: {  	v9 =	vadd.s32 v11, v9;
	v11 =	vld [tilespmem:s2+$0xC0];
	v8 =	vadd.s32 v10, v8  }
0x581: {  	v9 =	vadd.s32 $0x7FFF, v9;
	v10 =	vld [tilespmem:s14+$0xC0];
	v8 =	vadd.s32 $0x7FFF, v8  }
0x582: {  	v9 =	vand.u32 $0xFFFF0000, v9;
	v8 =	vshrl.u32 v8, $0x10  }
0x583: {  	v8 =	vor.u32 v8, v9  }
0x584: {  	[tilespmem:s21+$0xFFFFFFB0] =	vst v8  }
0x585: {  	v8 =	vld [tilespmem:s14+$0xFFFFFF80]  }
0x586: {  	v12 =	vadd.f32 v13, v12;
	v9 =	vld [tilespmem:s2+$0xFFFFFF80];
	v10 =	vadd.f32 v11, v10  }
0x587: {  	v11 =	vld [tilespmem:s14+$0xFFFFFFC0]  }
0x588: {  	v13 =	vld [tilespmem:s2+$0xFFFFFFC0];
	v14 =	vshrl.u32 v12, $0x10;
	v15 =	vshrl.u32 v10, $0x10  }
0x589: {  	v14 =	vand.u32 $0x1, v14;
	v15 =	vand.u32 $0x1, v15  }
0x58a: {  	v12 =	vadd.s32 v14, v12;
	v10 =	vadd.s32 v15, v10  }
0x58b: {  	v12 =	vadd.s32 $0x7FFF, v12;
	v10 =	vadd.s32 $0x7FFF, v10  }
0x58c: {  	v12 =	vshrl.u32 v12, $0x10;
	v10 =	vand.u32 $0xFFFF0000, v10  }
0x58d: {  	v8 =	vadd.f32 v9, v8;
	v9 =	vadd.f32 v13, v11;
	v10 =	vor.u32 v12, v10  }
0x58e: {  	[tilespmem:s19+$0x40] =	vst v10  }
0x58f: {  	v11 =	vshrl.u32 v8, $0x10;
	v12 =	vshrl.u32 v9, $0x10;
	v10 =	vld [tilespmem:s14+$0x90]  }
0x590: {  	v11 =	vand.u32 $0x1, v11;
	v12 =	vand.u32 $0x1, v12;
	v13 =	vld [tilespmem:s2+$0x90]  }
0x591: {  	v14 =	vld [tilespmem:s14+$0xD0];
	v8 =	vadd.s32 v11, v8;
	v9 =	vadd.s32 v12, v9  }
0x592: {  	v11 =	vld [tilespmem:s2+$0xD0];
	v8 =	vadd.s32 $0x7FFF, v8;
	v9 =	vadd.s32 $0x7FFF, v9  }
0x593: {  	v8 =	vshrl.u32 v8, $0x10;
	v9 =	vand.u32 $0xFFFF0000, v9  }
0x594: {  	v8 =	vor.u32 v8, v9  }
0x595: {  	[tilespmem:s19+$0xFFFFFFC0] =	vst v8  }
0x596: {  	v8 =	vld [tilespmem:s14+$0xFFFFFF90]  }
0x597: {  	v9 =	vadd.f32 v13, v10;
	v10 =	vadd.f32 v11, v14;
	v11 =	vld [tilespmem:s2+$0xFFFFFF90]  }
0x598: {  	v12 =	vld [tilespmem:s14+$0xFFFFFFD0]  }
0x599: {  	v15 =	vld [tilespmem:s2+$0xFFFFFFD0];
	v13 =	vshrl.u32 v9, $0x10;
	v14 =	vshrl.u32 v10, $0x10  }
0x59a: {  	v13 =	vand.u32 $0x1, v13;
	v14 =	vand.u32 $0x1, v14  }
0x59b: {  	v9 =	vadd.s32 v13, v9;
	v10 =	vadd.s32 v14, v10  }
0x59c: {  	v9 =	vadd.s32 $0x7FFF, v9;
	v10 =	vadd.s32 $0x7FFF, v10  }
0x59d: {  	v9 =	vshrl.u32 v9, $0x10;
	v10 =	vand.u32 $0xFFFF0000, v10  }
0x59e: {  	v8 =	vadd.f32 v11, v8;
	v9 =	vor.u32 v9, v10;
	v10 =	vadd.f32 v15, v12  }
0x59f: {  	[tilespmem:s19+$0x50] =	vst v9  }
0x5a0: {  	v11 =	vshrl.u32 v8, $0x10;
	v9 =	vld [tilespmem:s14+$0xA0];
	v12 =	vshrl.u32 v10, $0x10  }
0x5a1: {  	v11 =	vand.u32 $0x1, v11;
	v13 =	vld [tilespmem:s2+$0xA0];
	v12 =	vand.u32 $0x1, v12  }
0x5a2: {  	v14 =	vld [tilespmem:s14+$0xE0];
	v8 =	vadd.s32 v11, v8;
	v10 =	vadd.s32 v12, v10  }
0x5a3: {  	v2 =	vadd.f32 v4, v2;
	v11 =	vld [tilespmem:s2+$0xE0];
	v8 =	vadd.s32 $0x7FFF, v8;
	v10 =	vadd.s32 $0x7FFF, v10  }
0x5a4: {  	v4 =	vshrl.u32 v8, $0x10;
	v8 =	vand.u32 $0xFFFF0000, v10  }
0x5a5: {  	v6 =	vadd.f32 v7, v6;
	v7 =	vshrl.u32 v2, $0x10;
	v4 =	vor.u32 v4, v8  }
0x5a6: {  	v7 =	vand.u32 $0x1, v7;
	[tilespmem:s19+$0xFFFFFFD0] =	vst v4  }
0x5a7: {  	v2 =	vadd.s32 v7, v2;
	v8 =	vld [tilespmem:s14+$0xFFFFFFA0]  }
0x5a8: {  	v9 =	vadd.f32 v13, v9;
	v10 =	vadd.f32 v11, v14;
	v4 =	vshrl.u32 v6, $0x10;
	v11 =	vld [tilespmem:s2+$0xFFFFFFA0]  }
0x5a9: {  	v2 =	vadd.s32 $0x7FFF, v2;
	v4 =	vand.u32 $0x1, v4;
	v13 =	vld [tilespmem:s2+$0xFFFFFFE0]  }
0x5aa: {  	v7 =	vshrl.u32 v9, $0x10;
	v12 =	vshrl.u32 v10, $0x10;
	v4 =	vadd.s32 v4, v6;
	v6 =	vld [tilespmem:s14+$0xFFFFFFE0]  }
0x5ab: {  	v2 =	vshrl.u32 v2, $0x10;
	v7 =	vand.u32 $0x1, v7;
	v12 =	vand.u32 $0x1, v12  }
0x5ac: {  	v4 =	vadd.s32 $0x7FFF, v4;
	v7 =	vadd.s32 v7, v9;
	v9 =	vadd.s32 v12, v10  }
0x5ad: {  	v4 =	vand.u32 $0xFFFF0000, v4;
	v7 =	vadd.s32 $0x7FFF, v7;
	v9 =	vadd.s32 $0x7FFF, v9  }
0x5ae: {  	v2 =	vor.u32 v2, v4;
	v4 =	vshrl.u32 v7, $0x10;
	v7 =	vand.u32 $0xFFFF0000, v9  }
0x5af: {  	v9 =	vld [tilespmem:s8+$0xFFFFFFF0];
	[tilespmem:s11+$0xFFFFFFE0] =	vst v2;
	v2 =	vor.u32 v4, v7;
	v4 =	vadd.f32 v11, v8;
	v6 =	vadd.f32 v13, v6  }
0x5b0: {  	v7 =	vld [tilespmem:s13+$0xFFFFFFB0];
	[tilespmem:s19+$0x60] =	vst v2  }
0x5b1: {  	v5 =	vshrl.u32 v5, $0x10;
	v2 =	vld [tilespmem:s14+$0xB0];
	v8 =	vshrl.u32 v4, $0x10;
	v10 =	vshrl.u32 v6, $0x10  }
0x5b2: {  	v3 =	vand.u32 $0xFFFF0000, v3;
	v11 =	vld [tilespmem:s2+$0xB0];
	v8 =	vand.u32 $0x1, v8;
	v10 =	vand.u32 $0x1, v10  }
0x5b3: {  	v3 =	vor.u32 v5, v3;
	v12 =	vld [tilespmem:s14+$0xF0];
	v4 =	vadd.s32 v8, v4;
	v6 =	vadd.s32 v10, v6  }
0x5b4: {  	v1 =	vadd.f32 v9, v1;
	v8 =	vld [tilespmem:s2+$0xF0];
	v4 =	vadd.s32 $0x7FFF, v4;
	v6 =	vadd.s32 $0x7FFF, v6  }
0x5b5: {  	v9 =	vld [tilespmem:s12+$0xFFFFFFB0];
	v10 =	vshrl.u32 v0, $0x10;
	v4 =	vshrl.u32 v4, $0x10;
	v6 =	vand.u32 $0xFFFF0000, v6  }
0x5b6: {  	v14 =	vld [tilespmem:s13+$0xFFFFFFF0];
	v13 =	vshrl.u32 v1, $0x10;
	v5 =	vand.u32 $0x1, v10;
	v4 =	vor.u32 v4, v6  }
0x5b7: {  	v10 =	vld [tilespmem:s12+$0xFFFFFFF0];
	v0 =	vadd.s32 v5, v0;
	v6 =	vand.u32 $0x1, v13;
	[tilespmem:s19+$0xFFFFFFE0] =	vst v4  }
0x5b8: {  	v2 =	vadd.f32 v11, v2;
	v0 =	vadd.s32 $0x7FFF, v0;
	v1 =	vadd.s32 v6, v1;
	v4 =	vld [tilespmem:s14+$0xFFFFFFB0]  }
0x5b9: {  	v5 =	vadd.f32 v8, v12;
	v0 =	vshrl.u32 v0, $0x10;
	v1 =	vadd.s32 $0x7FFF, v1;
	v6 =	vld [tilespmem:s2+$0xFFFFFFB0]  }
0x5ba: {  	v8 =	vshrl.u32 v2, $0x10;
	v7 =	vadd.f32 v9, v7;
	v11 =	vld [tilespmem:s14+$0xFFFFFFF0];
	v1 =	vand.u32 $0xFFFF0000, v1  }
0x5bb: {  	v8 =	vand.u32 $0x1, v8;
	v12 =	vld [tilespmem:s2+$0xFFFFFFF0];
	v0 =	vor.u32 v0, v1;
	v1 =	vshrl.u32 v5, $0x10  }
0x5bc: {  	v2 =	vadd.s32 v8, v2;
	v8 =	vshrl.u32 v7, $0x10;
	v1 =	vand.u32 $0x1, v1  }
0x5bd: {  	v2 =	vadd.s32 $0x7FFF, v2;
	v1 =	vadd.s32 v1, v5;
	v5 =	vadd.f32 v10, v14  }
0x5be: {  	v8 =	vand.u32 $0x1, v8;
	v2 =	vshrl.u32 v2, $0x10  }
0x5bf: {  	v1 =	vadd.s32 $0x7FFF, v1;
	v4 =	vadd.f32 v6, v4;
	v9 =	vshrl.u32 v5, $0x10  }
0x5c0: {  	v6 =	vadd.f32 v12, v11;
	v1 =	vand.u32 $0xFFFF0000, v1;
	v9 =	vand.u32 $0x1, v9  }
0x5c1: {  	v1 =	vor.u32 v2, v1;
	v2 =	vadd.s32 v8, v7;
	v7 =	vshrl.u32 v4, $0x10  }
0x5c2: {  	v8 =	vshrl.u32 v6, $0x10;
	v5 =	vadd.s32 v9, v5;
	v2 =	vadd.s32 $0x7FFF, v2  }
0x5c3: {  	v7 =	vand.u32 $0x1, v7;
	v8 =	vand.u32 $0x1, v8;
	v5 =	vadd.s32 $0x7FFF, v5  }
0x5c4: {  	[tilespmem:s11+$0x70] =	vst v3;
	v2 =	vshrl.u32 v2, $0x10;
	v3 =	vadd.s32 v7, v4;
	v4 =	vadd.s32 v8, v6  }
0x5c5: {  	[tilespmem:s7+$0xFFFFFFF0] =	vst v0;
	v0 =	vand.u32 $0xFFFF0000, v5;
	v3 =	vadd.s32 $0x7FFF, v3;
	v4 =	vadd.s32 $0x7FFF, v4  }
0x5c6: {  	[tilespmem:s19+$0x70] =	vst v1;
	v0 =	vor.u32 v2, v0;
	v1 =	vshrl.u32 v3, $0x10;
	v2 =	vand.u32 $0xFFFF0000, v4  }
0x5c7: {  	[tilespmem:s11+$0xFFFFFFF0] =	vst v0;
	v0 =	vor.u32 v1, v2  }
0x5c8: {  	[tilespmem:s19+$0xFFFFFFF0] =	vst v0  }
0x5c9: {  	s21 =	rddreg [dreg:$0x5]  }
0x5ca: {  	[hbm4b:s21+s3] =	stream.linear.scatter [tilespmem:s29], [sflag:$0x4], $0x1400, $0x38;
	[tilespmem:$0x1AC00] =	vst v63  }
0x5cb: {  	s22 =	simm.s32 $0x1500  }
0x5cc: {  	[tilespmem:s17], [sflag:$0x1] =	stream.indirect.gather [hbm4b:s1+s16], $0x80, s22, s16, $0xb8;
	[tilespmem:$0x1AC00] =	vst v63  }
0x5cd: {  	s25 =	simm.s32 $0x5500  }
0x5ce: {  	[tilespmem:s18], [sflag:$0x1] =	stream.indirect.gather [hbm4b:s4+s16], $0x80, s25, s16, $0xb8;
	[tilespmem:$0x1AC00] =	vst v63  }
0x5cf: {  	_ =	swait.ge [sflag:s28], $0x2800  }
0x5d0: {  	[sflag:s28] =	ssyncset.done $0x0  }
0x5d1: {  	[sflag:s28] =	ssyncadd.s32 $0xFFFFD800  }
0x5d2: {  	_ =	swait.ge [sflag:s28], $0x2800  }
0x5d3: {  	[sflag:s28] =	ssyncset.done $0x0  }
0x5d4: {  	[sflag:s28] =	ssyncadd.s32 $0xFFFFD800  }
0x5d5: {  	_ =	swait.ge [sflag:s23], $0x1400  }
0x5d6: {  	[sflag:s23] =	ssyncset.done $0x0  }
0x5d7: {  	s31 =	simm.s32 $0x8100;
	[sflag:s23] =	ssyncadd.s32 $0xFFFFEC00  }
0x5d8: {  	s8 =	simm.s32 $0xA900;
	v0 =	vld [tilespmem:s31+$0x0]  }
0x5d9: {  	v1 =	vld [tilespmem:s8+$0x0]  }
0x5da: {  	v2 =	vld [tilespmem:s31+$0x40]  }
0x5db: {  	v3 =	vld [tilespmem:s8+$0x40];
	_ =	sdelay $0x4  }
0x5dc: {  	v0 =	vadd.f32 v1, v0;
	v1 =	vadd.f32 v3, v2  }
0x5dd: {  	v4 =	vld [tilespmem:s8+$0xFFFFFF00]  }
0x5de: {  	v5 =	vld [tilespmem:s8+$0xFFFFFF40];
	v3 =	vshrl.u32 v0, $0x10;
	v6 =	vshrl.u32 v1, $0x10  }
0x5df: {  	v7 =	vld [tilespmem:s31+$0xFFFFFF00];
	v3 =	vand.u32 $0x1, v3;
	v6 =	vand.u32 $0x1, v6  }
0x5e0: {  	v2 =	vld [tilespmem:s31+$0xFFFFFF40];
	v0 =	vadd.s32 v3, v0;
	v1 =	vadd.s32 v6, v1  }
0x5e1: {  	v0 =	vadd.s32 $0x7FFF, v0;
	v1 =	vadd.s32 $0x7FFF, v1  }
0x5e2: {  	v0 =	vshrl.u32 v0, $0x10;
	v1 =	vand.u32 $0xFFFF0000, v1  }
0x5e3: {  	s7 =	simm.s32 $0xD080;
	v0 =	vor.u32 v0, v1  }
0x5e4: {  	[tilespmem:s7+$0x0] =	vst v0  }
0x5e5: {  	v1 =	vadd.f32 v4, v7;
	v0 =	vadd.f32 v5, v2;
	v2 =	vld [tilespmem:s31+$0x10]  }
0x5e6: {  	v4 =	vld [tilespmem:s8+$0x10]  }
0x5e7: {  	v3 =	vshrl.u32 v1, $0x10;
	v6 =	vld [tilespmem:s31+$0x50];
	v5 =	vshrl.u32 v0, $0x10  }
0x5e8: {  	v7 =	vld [tilespmem:s8+$0x50];
	v3 =	vand.u32 $0x1, v3;
	v5 =	vand.u32 $0x1, v5  }
0x5e9: {  	v1 =	vadd.s32 v3, v1;
	v0 =	vadd.s32 v5, v0  }
0x5ea: {  	v1 =	vadd.s32 $0x7FFF, v1;
	v0 =	vadd.s32 $0x7FFF, v0  }
0x5eb: {  	v1 =	vshrl.u32 v1, $0x10;
	v0 =	vand.u32 $0xFFFF0000, v0  }
0x5ec: {  	v0 =	vor.u32 v1, v0  }
0x5ed: {  	v1 =	vadd.f32 v7, v6;
	[tilespmem:s7+$0xFFFFFF80] =	vst v0;
	v0 =	vadd.f32 v4, v2  }
0x5ee: {  	v2 =	vld [tilespmem:s31+$0xFFFFFF10]  }
0x5ef: {  	v3 =	vld [tilespmem:s8+$0xFFFFFF10];
	v5 =	vshrl.u32 v1, $0x10;
	v4 =	vshrl.u32 v0, $0x10  }
0x5f0: {  	v6 =	vld [tilespmem:s31+$0xFFFFFF50];
	v5 =	vand.u32 $0x1, v5;
	v4 =	vand.u32 $0x1, v4  }
0x5f1: {  	v7 =	vld [tilespmem:s8+$0xFFFFFF50];
	v1 =	vadd.s32 v5, v1;
	v0 =	vadd.s32 v4, v0  }
0x5f2: {  	v1 =	vadd.s32 $0x7FFF, v1;
	v0 =	vadd.s32 $0x7FFF, v0  }
0x5f3: {  	v1 =	vand.u32 $0xFFFF0000, v1;
	v0 =	vshrl.u32 v0, $0x10  }
0x5f4: {  	v0 =	vor.u32 v0, v1  }
0x5f5: {  	[tilespmem:s7+$0x10] =	vst v0  }
0x5f6: {  	v1 =	vadd.f32 v3, v2;
	v0 =	vadd.f32 v7, v6;
	v2 =	vld [tilespmem:s31+$0x20]  }
0x5f7: {  	v4 =	vld [tilespmem:s8+$0x20]  }
0x5f8: {  	v3 =	vshrl.u32 v1, $0x10;
	v6 =	vld [tilespmem:s31+$0x60];
	v5 =	vshrl.u32 v0, $0x10  }
0x5f9: {  	v7 =	vld [tilespmem:s8+$0x60];
	v3 =	vand.u32 $0x1, v3;
	v5 =	vand.u32 $0x1, v5  }
0x5fa: {  	v1 =	vadd.s32 v3, v1;
	v0 =	vadd.s32 v5, v0  }
0x5fb: {  	v1 =	vadd.s32 $0x7FFF, v1;
	v0 =	vadd.s32 $0x7FFF, v0  }
0x5fc: {  	v1 =	vshrl.u32 v1, $0x10;
	v0 =	vand.u32 $0xFFFF0000, v0  }
0x5fd: {  	v0 =	vor.u32 v1, v0  }
0x5fe: {  	v1 =	vadd.f32 v7, v6;
	[tilespmem:s7+$0xFFFFFF90] =	vst v0;
	v0 =	vadd.f32 v4, v2  }
0x5ff: {  	v2 =	vld [tilespmem:s31+$0xFFFFFF20]  }
0x600: {  	v3 =	vld [tilespmem:s8+$0xFFFFFF20];
	v5 =	vshrl.u32 v1, $0x10;
	v4 =	vshrl.u32 v0, $0x10  }
0x601: {  	v6 =	vld [tilespmem:s31+$0xFFFFFF60];
	v5 =	vand.u32 $0x1, v5;
	v4 =	vand.u32 $0x1, v4  }
0x602: {  	v7 =	vld [tilespmem:s8+$0xFFFFFF60];
	v1 =	vadd.s32 v5, v1;
	v0 =	vadd.s32 v4, v0  }
0x603: {  	v1 =	vadd.s32 $0x7FFF, v1;
	v0 =	vadd.s32 $0x7FFF, v0  }
0x604: {  	v1 =	vand.u32 $0xFFFF0000, v1;
	v0 =	vshrl.u32 v0, $0x10  }
0x605: {  	v0 =	vor.u32 v0, v1  }
0x606: {  	v1 =	vadd.f32 v3, v2;
	[tilespmem:s7+$0x20] =	vst v0  }
0x607: {  	v0 =	vadd.f32 v7, v6;
	v2 =	vld [tilespmem:s31+$0x30]  }
0x608: {  	v3 =	vshrl.u32 v1, $0x10;
	v4 =	vld [tilespmem:s8+$0x30]  }
0x609: {  	v6 =	vld [tilespmem:s31+$0x70];
	v5 =	vshrl.u32 v0, $0x10;
	v3 =	vand.u32 $0x1, v3  }
0x60a: {  	v5 =	vand.u32 $0x1, v5;
	v1 =	vadd.s32 v3, v1;
	v3 =	vld [tilespmem:s8+$0x70]  }
0x60b: {  	v0 =	vadd.s32 v5, v0  }
0x60c: {  	v1 =	vadd.s32 $0x7FFF, v1;
	v0 =	vadd.s32 $0x7FFF, v0  }
0x60d: {  	v1 =	vshrl.u32 v1, $0x10;
	v0 =	vand.u32 $0xFFFF0000, v0  }
0x60e: {  	s13 =	simm.s32 $0x8300;
	v0 =	vor.u32 v1, v0  }
0x60f: {  	v8 =	vld [tilespmem:s13+$0x40];
	v1 =	vadd.f32 v4, v2;
	[tilespmem:s7+$0xFFFFFFA0] =	vst v0;
	v2 =	vadd.f32 v3, v6  }
0x610: {  	v0 =	vld [tilespmem:s31+$0xFFFFFF30]  }
0x611: {  	v3 =	vld [tilespmem:s8+$0xFFFFFF30];
	v5 =	vshrl.u32 v1, $0x10;
	v6 =	vshrl.u32 v2, $0x10  }
0x612: {  	v4 =	vld [tilespmem:s31+$0xFFFFFF70];
	v5 =	vand.u32 $0x1, v5;
	v6 =	vand.u32 $0x1, v6  }
0x613: {  	v7 =	vld [tilespmem:s8+$0xFFFFFF70];
	v1 =	vadd.s32 v5, v1;
	v2 =	vadd.s32 v6, v2  }
0x614: {  	s12 =	simm.s32 $0xAB00;
	v5 =	vld [tilespmem:s13+$0x0];
	v1 =	vadd.s32 $0x7FFF, v1;
	v2 =	vadd.s32 $0x7FFF, v2  }
0x615: {  	v6 =	vld [tilespmem:s12+$0x0];
	v1 =	vshrl.u32 v1, $0x10;
	v2 =	vand.u32 $0xFFFF0000, v2  }
0x616: {  	v0 =	vadd.f32 v3, v0;
	v3 =	vld [tilespmem:s12+$0x40];
	v1 =	vor.u32 v1, v2  }
0x617: {  	[tilespmem:s7+$0x30] =	vst v1  }
0x618: {  	v1 =	vadd.f32 v7, v4;
	v2 =	vshrl.u32 v0, $0x10;
	v4 =	vld [tilespmem:s31+$0x80]  }
0x619: {  	v2 =	vand.u32 $0x1, v2;
	v7 =	vld [tilespmem:s8+$0x80]  }
0x61a: {  	v9 =	vshrl.u32 v1, $0x10;
	v0 =	vadd.s32 v2, v0;
	v2 =	vadd.f32 v6, v5;
	v5 =	vld [tilespmem:s31+$0xC0]  }
0x61b: {  	v6 =	vand.u32 $0x1, v9;
	v0 =	vadd.s32 $0x7FFF, v0;
	v3 =	vadd.f32 v3, v8;
	v8 =	vld [tilespmem:s8+$0xC0]  }
0x61c: {  	v1 =	vadd.s32 v6, v1;
	v0 =	vshrl.u32 v0, $0x10;
	v6 =	vshrl.u32 v2, $0x10  }
0x61d: {  	v11 =	vld [tilespmem:s13+$0xFFFFFF40];
	v1 =	vadd.s32 $0x7FFF, v1;
	v6 =	vand.u32 $0x1, v6;
	v10 =	vshrl.u32 v3, $0x10  }
0x61e: {  	v9 =	vld [tilespmem:s12+$0xFFFFFF00];
	v1 =	vand.u32 $0xFFFF0000, v1;
	v2 =	vadd.s32 v6, v2;
	v6 =	vand.u32 $0x1, v10  }
0x61f: {  	v4 =	vadd.f32 v7, v4;
	v0 =	vor.u32 v0, v1;
	v1 =	vld [tilespmem:s13+$0xFFFFFF00];
	v3 =	vadd.s32 v6, v3  }
0x620: {  	v2 =	vadd.s32 $0x7FFF, v2;
	v6 =	vld [tilespmem:s12+$0xFFFFFF40];
	v3 =	vadd.s32 $0x7FFF, v3;
	v5 =	vadd.f32 v8, v5  }
0x621: {  	[tilespmem:s7+$0xFFFFFFB0] =	vst v0;
	v0 =	vshrl.u32 v2, $0x10;
	v2 =	vand.u32 $0xFFFF0000, v3  }
0x622: {  	s11 =	simm.s32 $0xD180;
	v3 =	vld [tilespmem:s31+$0xFFFFFF80];
	v0 =	vor.u32 v0, v2;
	v2 =	vshrl.u32 v4, $0x10;
	v7 =	vshrl.u32 v5, $0x10  }
0x623: {  	v8 =	vld [tilespmem:s8+$0xFFFFFF80];
	[tilespmem:s11+$0x0] =	vst v0;
	v0 =	vand.u32 $0x1, v2;
	v2 =	vand.u32 $0x1, v7  }
0x624: {  	v1 =	vadd.f32 v9, v1;
	v7 =	vld [tilespmem:s13+$0x10];
	v0 =	vadd.s32 v0, v4;
	v2 =	vadd.s32 v2, v5  }
0x625: {  	v4 =	vadd.f32 v6, v11;
	v5 =	vld [tilespmem:s12+$0x10];
	v0 =	vadd.s32 $0x7FFF, v0;
	v2 =	vadd.s32 $0x7FFF, v2  }
0x626: {  	v6 =	vld [tilespmem:s13+$0x50];
	v0 =	vshrl.u32 v0, $0x10;
	v2 =	vand.u32 $0xFFFF0000, v2  }
0x627: {  	v11 =	vld [tilespmem:s12+$0x50];
	v9 =	vshrl.u32 v1, $0x10;
	v10 =	vshrl.u32 v4, $0x10;
	v0 =	vor.u32 v0, v2  }
0x628: {  	v2 =	vld [tilespmem:s31+$0xFFFFFFC0];
	v9 =	vand.u32 $0x1, v9;
	v10 =	vand.u32 $0x1, v10;
	[tilespmem:s7+$0x40] =	vst v0  }
0x629: {  	v0 =	vadd.s32 v9, v1;
	v1 =	vadd.s32 v10, v4;
	v4 =	vld [tilespmem:s31+$0x90]  }
0x62a: {  	v0 =	vadd.s32 $0x7FFF, v0;
	v1 =	vadd.s32 $0x7FFF, v1;
	v9 =	vld [tilespmem:s8+$0x90]  }
0x62b: {  	v5 =	vadd.f32 v5, v7;
	v7 =	vld [tilespmem:s31+$0xD0];
	v0 =	vshrl.u32 v0, $0x10;
	v1 =	vand.u32 $0xFFFF0000, v1  }
0x62c: {  	v0 =	vor.u32 v0, v1;
	v1 =	vadd.f32 v11, v6;
	v6 =	vld [tilespmem:s8+$0xD0]  }
0x62d: {  	v10 =	vld [tilespmem:s8+$0xFFFFFFC0];
	[tilespmem:s11+$0xFFFFFF80] =	vst v0;
	v0 =	vshrl.u32 v5, $0x10  }
0x62e: {  	v11 =	vld [tilespmem:s13+$0xFFFFFF10];
	v0 =	vand.u32 $0x1, v0;
	v12 =	vshrl.u32 v1, $0x10  }
0x62f: {  	v13 =	vld [tilespmem:s12+$0xFFFFFF10];
	v0 =	vadd.s32 v0, v5;
	v5 =	vand.u32 $0x1, v12  }
0x630: {  	v3 =	vadd.f32 v8, v3;
	v8 =	vld [tilespmem:s13+$0xFFFFFF50];
	v4 =	vadd.f32 v9, v4;
	v1 =	vadd.s32 v5, v1  }
0x631: {  	v0 =	vadd.s32 $0x7FFF, v0;
	v5 =	vld [tilespmem:s12+$0xFFFFFF50];
	v1 =	vadd.s32 $0x7FFF, v1;
	v6 =	vadd.f32 v6, v7  }
0x632: {  	v2 =	vadd.f32 v10, v2;
	v0 =	vshrl.u32 v0, $0x10;
	v1 =	vand.u32 $0xFFFF0000, v1  }
0x633: {  	v0 =	vor.u32 v0, v1;
	v1 =	vshrl.u32 v4, $0x10;
	v7 =	vshrl.u32 v6, $0x10  }
0x634: {  	v9 =	vshrl.u32 v3, $0x10;
	[tilespmem:s11+$0x10] =	vst v0;
	v0 =	vand.u32 $0x1, v1;
	v1 =	vand.u32 $0x1, v7  }
0x635: {  	v7 =	vadd.f32 v13, v11;
	v0 =	vadd.s32 v0, v4;
	v1 =	vadd.s32 v1, v6  }
0x636: {  	v10 =	vld [tilespmem:s13+$0x20];
	v4 =	vadd.f32 v5, v8;
	v0 =	vadd.s32 $0x7FFF, v0;
	v1 =	vadd.s32 $0x7FFF, v1  }
0x637: {  	v5 =	vld [tilespmem:s12+$0x20];
	v6 =	vshrl.u32 v2, $0x10;
	v0 =	vshrl.u32 v0, $0x10;
	v1 =	vand.u32 $0xFFFF0000, v1  }
0x638: {  	v8 =	vld [tilespmem:s13+$0x60];
	v11 =	vshrl.u32 v7, $0x10;
	v12 =	vshrl.u32 v4, $0x10;
	v0 =	vor.u32 v0, v1  }
0x639: {  	v13 =	vld [tilespmem:s12+$0x60];
	v1 =	vand.u32 $0x1, v9;
	v9 =	vand.u32 $0x1, v11;
	v11 =	vand.u32 $0x1, v12  }
0x63a: {  	[tilespmem:s7+$0x50] =	vst v0;
	v0 =	vand.u32 $0x1, v6;
	v6 =	vadd.s32 v9, v7;
	v4 =	vadd.s32 v11, v4  }
0x63b: {  	v1 =	vadd.s32 v1, v3;
	v7 =	vld [tilespmem:s31+$0xA0];
	v3 =	vadd.s32 $0x7FFF, v6;
	v4 =	vadd.s32 $0x7FFF, v4  }
0x63c: {  	v6 =	vld [tilespmem:s8+$0xA0];
	v0 =	vadd.s32 v0, v2;
	v2 =	vshrl.u32 v3, $0x10;
	v3 =	vand.u32 $0xFFFF0000, v4  }
0x63d: {  	v4 =	vld [tilespmem:s31+$0xE0];
	v2 =	vor.u32 v2, v3  }
0x63e: {  	v3 =	vadd.f32 v5, v10;
	v5 =	vadd.f32 v13, v8;
	v8 =	vld [tilespmem:s8+$0xE0];
	[tilespmem:s11+$0xFFFFFF90] =	vst v2  }
0x63f: {  	v1 =	vadd.s32 $0x7FFF, v1;
	v0 =	vadd.s32 $0x7FFF, v0;
	v2 =	vld [tilespmem:s13+$0xFFFFFF20]  }
0x640: {  	v1 =	vshrl.u32 v1, $0x10;
	v0 =	vand.u32 $0xFFFF0000, v0;
	v11 =	vld [tilespmem:s12+$0xFFFFFF20]  }
0x641: {  	v0 =	vor.u32 v1, v0;
	v9 =	vshrl.u32 v3, $0x10;
	v10 =	vshrl.u32 v5, $0x10;
	v1 =	vld [tilespmem:s13+$0xFFFFFF60]  }
0x642: {  	[tilespmem:s7+$0xFFFFFFC0] =	vst v0;
	v0 =	vld [tilespmem:s12+$0xFFFFFF60];
	v9 =	vand.u32 $0x1, v9;
	v10 =	vand.u32 $0x1, v10;
	v6 =	vadd.f32 v6, v7  }
0x643: {  	v3 =	vadd.s32 v9, v3;
	v5 =	vadd.s32 v10, v5;
	v4 =	vadd.f32 v8, v4  }
0x644: {  	v7 =	vld [tilespmem:s31+$0xFFFFFF90];
	v3 =	vadd.s32 $0x7FFF, v3;
	v5 =	vadd.s32 $0x7FFF, v5;
	v9 =	vshrl.u32 v6, $0x10  }
0x645: {  	s14 =	simm.s32 $0x8500;
	v8 =	vld [tilespmem:s8+$0xFFFFFF90];
	v3 =	vshrl.u32 v3, $0x10;
	v5 =	vand.u32 $0xFFFF0000, v5;
	v10 =	vshrl.u32 v4, $0x10  }
0x646: {  	v14 =	vld [tilespmem:s14+$0x40];
	v3 =	vor.u32 v3, v5;
	v5 =	vand.u32 $0x1, v9;
	v2 =	vadd.f32 v11, v2  }
0x647: {  	v12 =	vld [tilespmem:s31+$0xFFFFFFD0];
	v0 =	vadd.f32 v0, v1;
	v9 =	vand.u32 $0x1, v10;
	v5 =	vadd.s32 v5, v6  }
0x648: {  	v10 =	vld [tilespmem:s8+$0xFFFFFFD0];
	[tilespmem:s11+$0x20] =	vst v3;
	v4 =	vadd.s32 v9, v4;
	v1 =	vadd.s32 $0x7FFF, v5;
	v5 =	vshrl.u32 v2, $0x10  }
0x649: {  	v6 =	vld [tilespmem:s12+$0x30];
	v9 =	vshrl.u32 v0, $0x10;
	v3 =	vadd.s32 $0x7FFF, v4;
	v1 =	vshrl.u32 v1, $0x10  }
0x64a: {  	v4 =	vld [tilespmem:s13+$0x30];
	v5 =	vand.u32 $0x1, v5;
	v7 =	vadd.f32 v8, v7;
	v3 =	vand.u32 $0xFFFF0000, v3  }
0x64b: {  	v8 =	vld [tilespmem:s12+$0x70];
	v2 =	vadd.s32 v5, v2;
	v5 =	vand.u32 $0x1, v9;
	v1 =	vor.u32 v1, v3  }
0x64c: {  	v3 =	vld [tilespmem:s13+$0x70];
	v0 =	vadd.s32 v5, v0;
	[tilespmem:s7+$0x60] =	vst v1  }
0x64d: {  	v1 =	vadd.s32 $0x7FFF, v2;
	v2 =	vadd.f32 v10, v12;
	v0 =	vadd.s32 $0x7FFF, v0;
	v5 =	vld [tilespmem:s31+$0xB0]  }
0x64e: {  	v9 =	vshrl.u32 v7, $0x10;
	v1 =	vshrl.u32 v1, $0x10;
	v10 =	vld [tilespmem:s8+$0xB0];
	v0 =	vand.u32 $0xFFFF0000, v0  }
0x64f: {  	v9 =	vand.u32 $0x1, v9;
	v12 =	vld [tilespmem:s31+$0xF0];
	v11 =	vshrl.u32 v2, $0x10;
	v0 =	vor.u32 v1, v0  }
0x650: {  	v7 =	vadd.s32 v9, v7;
	v9 =	vld [tilespmem:s8+$0xF0];
	v1 =	vand.u32 $0x1, v11;
	[tilespmem:s11+$0xFFFFFFA0] =	vst v0  }
0x651: {  	v0 =	vadd.s32 v1, v2;
	v2 =	vld [tilespmem:s13+$0xFFFFFF30];
	v3 =	vadd.f32 v8, v3  }
0x652: {  	v4 =	vadd.f32 v6, v4;
	v1 =	vadd.s32 $0x7FFF, v7;
	v7 =	vld [tilespmem:s12+$0xFFFFFF30];
	v0 =	vadd.s32 $0x7FFF, v0  }
0x653: {  	v11 =	vld [tilespmem:s13+$0xFFFFFF70];
	v1 =	vshrl.u32 v1, $0x10;
	v0 =	vand.u32 $0xFFFF0000, v0;
	v8 =	vshrl.u32 v3, $0x10  }
0x654: {  	s15 =	simm.s32 $0xAD00;
	v0 =	vor.u32 v1, v0;
	v1 =	vld [tilespmem:s12+$0xFFFFFF70];
	v8 =	vand.u32 $0x1, v8  }
0x655: {  	[tilespmem:s7+$0xFFFFFFD0] =	vst v0;
	v0 =	vshrl.u32 v4, $0x10;
	v3 =	vadd.s32 v8, v3;
	v8 =	vld [tilespmem:s15+$0x0]  }
0x656: {  	v6 =	vld [tilespmem:s31+$0xFFFFFFA0];
	v0 =	vand.u32 $0x1, v0  }
0x657: {  	v13 =	vld [tilespmem:s8+$0xFFFFFFA0];
	v0 =	vadd.s32 v0, v4  }
0x658: {  	v3 =	vadd.s32 $0x7FFF, v3;
	v2 =	vadd.f32 v7, v2;
	v7 =	vld [tilespmem:s15+$0x40];
	v0 =	vadd.s32 $0x7FFF, v0  }
0x659: {  	v5 =	vadd.f32 v10, v5;
	v4 =	vld [tilespmem:s14+$0x0];
	v3 =	vand.u32 $0xFFFF0000, v3;
	v0 =	vshrl.u32 v0, $0x10  }
0x65a: {  	v54 =	vld [tilespmem:s8+$0xFFFFFFE0];
	v0 =	vor.u32 v0, v3  }
0x65b: {  	v10 =	vshrl.u32 v5, $0x10;
	v1 =	vadd.f32 v1, v11;
	v11 =	vshrl.u32 v2, $0x10;
	v3 =	vld [tilespmem:s31+$0xFFFFFFE0];
	[tilespmem:s11+$0x30] =	vst v0  }
0x65c: {  	v0 =	vadd.f32 v9, v12;
	v9 =	vand.u32 $0x1, v10;
	v10 =	vand.u32 $0x1, v11;
	v15 =	vld [tilespmem:s13+$0x80]  }
0x65d: {  	v12 =	vshrl.u32 v1, $0x10;
	v7 =	vadd.f32 v7, v14;
	v6 =	vadd.f32 v13, v6;
	v11 =	vld [tilespmem:s12+$0x80]  }
0x65e: {  	v2 =	vadd.s32 v10, v2;
	v4 =	vadd.f32 v8, v4;
	v8 =	vld [tilespmem:s13+$0xC0];
	v10 =	vand.u32 $0x1, v12  }
0x65f: {  	v12 =	vld [tilespmem:s12+$0xC0];
	v2 =	vadd.s32 $0x7FFF, v2;
	v1 =	vadd.s32 v10, v1;
	v17 =	vshrl.u32 v7, $0x10  }
0x660: {  	v56 =	vshrl.u32 v6, $0x10;
	v2 =	vshrl.u32 v2, $0x10;
	v10 =	vshrl.u32 v4, $0x10  }
0x661: {  	v16 =	vld [tilespmem:s14+$0xFFFFFF40];
	v1 =	vadd.s32 $0x7FFF, v1;
	v17 =	vand.u32 $0x1, v17;
	v10 =	vand.u32 $0x1, v10  }
0x662: {  	v14 =	vld [tilespmem:s15+$0xFFFFFF00];
	v1 =	vand.u32 $0xFFFF0000, v1;
	v7 =	vadd.s32 v17, v7;
	v3 =	vadd.f32 v54, v3  }
0x663: {  	v4 =	vadd.s32 v10, v4;
	v10 =	vld [tilespmem:s14+$0xFFFFFF00];
	v1 =	vor.u32 v2, v1;
	v7 =	vadd.s32 $0x7FFF, v7  }
0x664: {  	v2 =	vld [tilespmem:s15+$0xFFFFFF40];
	v4 =	vadd.s32 $0x7FFF, v4;
	v11 =	vadd.f32 v11, v15;
	v8 =	vadd.f32 v12, v8  }
0x665: {  	[tilespmem:s11+$0xFFFFFFB0] =	vst v1;
	v1 =	vadd.s32 v9, v5;
	v7 =	vand.u32 $0xFFFF0000, v7;
	v4 =	vshrl.u32 v4, $0x10  }
0x666: {  	v58 =	vshrl.u32 v3, $0x10;
	v5 =	vld [tilespmem:s13+$0xFFFFFF80];
	v1 =	vadd.s32 $0x7FFF, v1;
	v4 =	vor.u32 v4, v7  }
0x667: {  	s21 =	simm.s32 $0xD280;
	v9 =	vld [tilespmem:s12+$0xFFFFFF80];
	v7 =	vshrl.u32 v11, $0x10;
	v12 =	vshrl.u32 v8, $0x10;
	v1 =	vshrl.u32 v1, $0x10  }
0x668: {  	v15 =	vld [tilespmem:s13+$0xFFFFFFC0];
	[tilespmem:s21+$0x0] =	vst v4;
	v4 =	vand.u32 $0x1, v7;
	v7 =	vand.u32 $0x1, v12;
	v10 =	vadd.f32 v14, v10  }
0x669: {  	v2 =	vadd.f32 v2, v16;
	v12 =	vld [tilespmem:s14+$0x10];
	v4 =	vadd.s32 v4, v11;
	v7 =	vadd.s32 v7, v8  }
0x66a: {  	v11 =	vld [tilespmem:s15+$0x10];
	v4 =	vadd.s32 $0x7FFF, v4;
	v7 =	vadd.s32 $0x7FFF, v7;
	v8 =	vshrl.u32 v10, $0x10  }
0x66b: {  	v55 =	vld [tilespmem:s14+$0x50];
	v14 =	vshrl.u32 v2, $0x10;
	v4 =	vshrl.u32 v4, $0x10;
	v7 =	vand.u32 $0xFFFF0000, v7  }
0x66c: {  	v8 =	vand.u32 $0x1, v8;
	v14 =	vand.u32 $0x1, v14;
	v4 =	vor.u32 v4, v7;
	v7 =	vld [tilespmem:s15+$0x50]  }
0x66d: {  	v16 =	vand.u32 $0x1, v58;
	v8 =	vadd.s32 v8, v10;
	v2 =	vadd.s32 v14, v2;
	[tilespmem:s11+$0x40] =	vst v4;
	v4 =	vld [tilespmem:s12+$0xFFFFFFC0]  }
0x66e: {  	v3 =	vadd.s32 v16, v3;
	v8 =	vadd.s32 $0x7FFF, v8;
	v2 =	vadd.s32 $0x7FFF, v2;
	v13 =	vld [tilespmem:s13+$0x90]  }
0x66f: {  	v5 =	vadd.f32 v9, v5;
	v14 =	vld [tilespmem:s12+$0x90];
	v8 =	vshrl.u32 v8, $0x10;
	v2 =	vand.u32 $0xFFFF0000, v2  }
0x670: {  	v10 =	vshrl.u32 v0, $0x10;
	v11 =	vadd.f32 v11, v12;
	v12 =	vld [tilespmem:s13+$0xD0];
	v8 =	vor.u32 v8, v2  }
0x671: {  	v57 =	vld [tilespmem:s12+$0xD0];
	v2 =	vand.u32 $0x1, v10;
	v10 =	vand.u32 $0x1, v56;
	v7 =	vadd.f32 v7, v55  }
0x672: {  	v3 =	vadd.s32 $0x7FFF, v3;
	v6 =	vadd.s32 v10, v6;
	[tilespmem:s21+$0xFFFFFF80] =	vst v8;
	v8 =	vshrl.u32 v11, $0x10  }
0x673: {  	v4 =	vadd.f32 v4, v15;
	v9 =	vld [tilespmem:s14+$0xFFFFFF10];
	v8 =	vand.u32 $0x1, v8;
	v10 =	vshrl.u32 v7, $0x10  }
0x674: {  	v15 =	vshrl.u32 v5, $0x10;
	v8 =	vadd.s32 v8, v11;
	v11 =	vld [tilespmem:s15+$0xFFFFFF10];
	v10 =	vand.u32 $0x1, v10  }
0x675: {  	v15 =	vand.u32 $0x1, v15;
	v13 =	vadd.f32 v14, v13;
	v14 =	vld [tilespmem:s15+$0xFFFFFF50];
	v7 =	vadd.s32 v10, v7  }
0x676: {  	v12 =	vadd.f32 v57, v12;
	v8 =	vadd.s32 $0x7FFF, v8;
	v10 =	vld [tilespmem:s14+$0xFFFFFF50];
	v7 =	vadd.s32 $0x7FFF, v7  }
0x677: {  	v5 =	vadd.s32 v15, v5;
	v8 =	vshrl.u32 v8, $0x10;
	v7 =	vand.u32 $0xFFFF0000, v7  }
0x678: {  	v15 =	vshrl.u32 v12, $0x10;
	v7 =	vor.u32 v8, v7;
	v8 =	vshrl.u32 v13, $0x10  }
0x679: {  	v15 =	vand.u32 $0x1, v15;
	v9 =	vadd.f32 v11, v9;
	v8 =	vand.u32 $0x1, v8  }
0x67a: {  	v3 =	vand.u32 $0xFFFF0000, v3;
	[tilespmem:s21+$0x10] =	vst v7;
	v7 =	vadd.s32 v8, v13;
	v8 =	vadd.s32 v15, v12  }
0x67b: {  	v10 =	vadd.f32 v14, v10;
	v11 =	vld [tilespmem:s14+$0x20];
	v12 =	vshrl.u32 v9, $0x10;
	v7 =	vadd.s32 $0x7FFF, v7  }
0x67c: {  	v13 =	vld [tilespmem:s15+$0x20];
	v8 =	vadd.s32 $0x7FFF, v8;
	v12 =	vand.u32 $0x1, v12;
	v7 =	vshrl.u32 v7, $0x10  }
0x67d: {  	v15 =	vld [tilespmem:s14+$0x60];
	v8 =	vand.u32 $0xFFFF0000, v8;
	v14 =	vshrl.u32 v10, $0x10;
	v9 =	vadd.s32 v12, v9  }
0x67e: {  	v12 =	vld [tilespmem:s15+$0x60];
	v7 =	vor.u32 v7, v8;
	v8 =	vshrl.u32 v4, $0x10;
	v14 =	vand.u32 $0x1, v14  }
0x67f: {  	v0 =	vadd.s32 v2, v0;
	v8 =	vand.u32 $0x1, v8;
	v10 =	vadd.s32 v14, v10;
	[tilespmem:s11+$0x50] =	vst v7  }
0x680: {  	v7 =	vadd.s32 $0x7FFF, v9;
	v4 =	vadd.s32 v8, v4;
	v8 =	vadd.s32 $0x7FFF, v10;
	v9 =	vld [tilespmem:s13+$0xA0]  }
0x681: {  	v5 =	vadd.s32 $0x7FFF, v5;
	v7 =	vshrl.u32 v7, $0x10;
	v10 =	vld [tilespmem:s12+$0xA0];
	v8 =	vand.u32 $0xFFFF0000, v8  }
0x682: {  	v5 =	vshrl.u32 v5, $0x10;
	v4 =	vadd.s32 $0x7FFF, v4;
	v7 =	vor.u32 v7, v8;
	v8 =	vld [tilespmem:s13+$0xE0]  }
0x683: {  	v4 =	vand.u32 $0xFFFF0000, v4;
	[tilespmem:s21+$0xFFFFFF90] =	vst v7;
	v7 =	vadd.f32 v13, v11;
	v11 =	vadd.f32 v12, v15;
	v12 =	vld [tilespmem:s12+$0xE0]  }
0x684: {  	v0 =	vadd.s32 $0x7FFF, v0;
	v4 =	vor.u32 v5, v4;
	v5 =	vadd.s32 $0x7FFF, v6;
	v6 =	vld [tilespmem:s14+$0xFFFFFF20]  }
0x685: {  	v0 =	vand.u32 $0xFFFF0000, v0;
	v13 =	vld [tilespmem:s15+$0xFFFFFF20];
	v5 =	vshrl.u32 v5, $0x10;
	v14 =	vshrl.u32 v7, $0x10  }
0x686: {  	v59 =	vld [tilespmem:s14+$0xFFFFFF60];
	v15 =	vshrl.u32 v11, $0x10;
	v9 =	vadd.f32 v10, v9;
	v14 =	vand.u32 $0x1, v14  }
0x687: {  	[tilespmem:s11+$0xFFFFFFC0] =	vst v4;
	v4 =	vld [tilespmem:s15+$0xFFFFFF60];
	v3 =	vor.u32 v5, v3;
	v15 =	vand.u32 $0x1, v15;
	v7 =	vadd.s32 v14, v7  }
0x688: {  	v10 =	vld [tilespmem:s12+$0xFFFFFF90];
	v11 =	vadd.s32 v15, v11;
	v7 =	vadd.s32 $0x7FFF, v7;
	v8 =	vadd.f32 v12, v8  }
0x689: {  	v1 =	vor.u32 v1, v0;
	[tilespmem:s7+$0xFFFFFFE0] =	vst v3;
	v14 =	vld [tilespmem:s13+$0xFFFFFF90];
	v5 =	vshrl.u32 v7, $0x10;
	v7 =	vadd.s32 $0x7FFF, v11  }
0x68a: {  	[tilespmem:s7+$0x70] =	vst v1;
	v1 =	vld [tilespmem:s31+$0xFFFFFFF0];
	v12 =	vshrl.u32 v9, $0x10;
	v7 =	vand.u32 $0xFFFF0000, v7;
	v15 =	vshrl.u32 v8, $0x10  }
0x68b: {  	v11 =	vld [tilespmem:s13+$0xFFFFFFD0];
	v3 =	vor.u32 v5, v7;
	v7 =	vand.u32 $0x1, v12;
	v12 =	vand.u32 $0x1, v15  }
0x68c: {  	v6 =	vadd.f32 v13, v6;
	v13 =	vld [tilespmem:s31+$0xFFFFFFB0];
	[tilespmem:s21+$0x20] =	vst v3;
	v3 =	vadd.s32 v7, v9;
	v7 =	vadd.s32 v12, v8  }
0x68d: {  	v4 =	vadd.f32 v4, v59;
	v5 =	vld [tilespmem:s12+$0xFFFFFFD0];
	v3 =	vadd.s32 $0x7FFF, v3;
	v7 =	vadd.s32 $0x7FFF, v7  }
0x68e: {  	v8 =	vshrl.u32 v6, $0x10;
	v12 =	vld [tilespmem:s14+$0x30];
	v3 =	vshrl.u32 v3, $0x10;
	v7 =	vand.u32 $0xFFFF0000, v7  }
0x68f: {  	v15 =	vld [tilespmem:s15+$0x30];
	v8 =	vand.u32 $0x1, v8;
	v3 =	vor.u32 v3, v7  }
0x690: {  	v9 =	vshrl.u32 v4, $0x10;
	v60 =	vld [tilespmem:s14+$0x70];
	v6 =	vadd.s32 v8, v6;
	[tilespmem:s11+$0x60] =	vst v3  }
0x691: {  	v7 =	vand.u32 $0x1, v9;
	v3 =	vadd.s32 $0x7FFF, v6;
	v6 =	vld [tilespmem:s13+$0xB0]  }
0x692: {  	v8 =	vadd.f32 v10, v14;
	v4 =	vadd.s32 v7, v4;
	v5 =	vadd.f32 v5, v11;
	v14 =	vld [tilespmem:s13+$0xF0]  }
0x693: {  	v2 =	vshrl.u32 v3, $0x10;
	v3 =	vadd.s32 $0x7FFF, v4;
	v18 =	vld [tilespmem:s12+$0xF0]  }
0x694: {  	v7 =	vshrl.u32 v8, $0x10;
	v4 =	vld [tilespmem:s12+$0xB0];
	v3 =	vand.u32 $0xFFFF0000, v3;
	v9 =	vshrl.u32 v5, $0x10  }
0x695: {  	v61 =	vld [tilespmem:s15+$0x70];
	v7 =	vand.u32 $0x1, v7;
	v2 =	vor.u32 v2, v3;
	v3 =	vand.u32 $0x1, v9  }
0x696: {  	v7 =	vadd.s32 v7, v8;
	[tilespmem:s21+$0xFFFFFFA0] =	vst v2;
	v2 =	vadd.s32 v3, v5;
	v3 =	vld [tilespmem:s8+$0xFFFFFFB0]  }
0x697: {  	v15 =	vadd.f32 v15, v12;
	v5 =	vadd.s32 $0x7FFF, v7;
	v8 =	vld [tilespmem:s14+$0xFFFFFF30];
	v2 =	vadd.s32 $0x7FFF, v2  }
0x698: {  	v5 =	vshrl.u32 v5, $0x10;
	v9 =	vld [tilespmem:s15+$0xFFFFFF30];
	v2 =	vand.u32 $0xFFFF0000, v2;
	v14 =	vadd.f32 v18, v14  }
0x699: {  	v10 =	vld [tilespmem:s14+$0xFFFFFF70];
	v2 =	vor.u32 v5, v2;
	v5 =	vadd.f32 v4, v6;
	v6 =	vshrl.u32 v15, $0x10  }
0x69a: {  	v12 =	vadd.f32 v61, v60;
	v11 =	vld [tilespmem:s15+$0xFFFFFF70];
	[tilespmem:s11+$0xFFFFFFD0] =	vst v2;
	v62 =	vand.u32 $0x1, v6  }
0x69b: {  	v2 =	vld [tilespmem:s13+$0xFFFFFFA0];
	v0 =	vadd.f32 v3, v13;
	v7 =	vshrl.u32 v5, $0x10;
	v13 =	vshrl.u32 v14, $0x10  }
0x69c: {  	v3 =	vshrl.u32 v12, $0x10;
	v4 =	vld [tilespmem:s12+$0xFFFFFFA0];
	v7 =	vand.u32 $0x1, v7;
	v63 =	vand.u32 $0x1, v13  }
0x69d: {  	s20 =	simm.s32 $0x4;
	v6 =	vld [tilespmem:s13+$0xFFFFFFE0];
	v13 =	vand.u32 $0x1, v3;
	v3 =	vadd.s32 v7, v5;
	v17 =	vadd.s32 v63, v14  }
0x69e: {  	s2 =	simm.s32 $0xAD00;
	s19 =	simm.s32 $0xD280;
	s22 =	simm.s32 $0x8700;
	v7 =	vld [tilespmem:s12+$0xFFFFFFE0];
	v14 =	vadd.s32 v62, v15;
	v5 =	vadd.s32 $0x7FFF, v3;
	v3 =	vadd.s32 $0x7FFF, v17  }
.LBB2_12:
0x69f: {  	v15 =	vld [tilespmem:s22+$0x0];
	v12 =	vadd.s32 v13, v12;
	s15 =	sadd.s32 $0x200, s15;
	v5 =	vshrl.u32 v5, $0x10;
	v3 =	vand.u32 $0xFFFF0000, v3  }
0x6a0: {  	v14 =	vadd.s32 $0x7FFF, v14;
	v13 =	vld [tilespmem:s15+$0x0];
	v12 =	vadd.s32 $0x7FFF, v12;
	v3 =	vor.u32 v5, v3  }
0x6a1: {  	v8 =	vadd.f32 v9, v8;
	v9 =	vshrl.u32 v14, $0x10;
	v5 =	vld [tilespmem:s22+$0x40];
	v12 =	vand.u32 $0xFFFF0000, v12;
	[tilespmem:s11+$0x70] =	vst v3  }
0x6a2: {  	v10 =	vadd.f32 v11, v10;
	v4 =	vadd.f32 v4, v2;
	v3 =	vld [tilespmem:s15+$0x40];
	v9 =	vor.u32 v9, v12  }
0x6a3: {  	v2 =	vshrl.u32 v0, $0x10;
	v12 =	vshrl.u32 v8, $0x10;
	v6 =	vadd.f32 v7, v6;
	v11 =	vld [tilespmem:s15+$0xFFFFFF00];
	[tilespmem:s21+$0x30] =	vst v9  }
0x6a4: {  	v14 =	vshrl.u32 v4, $0x10;
	v7 =	vand.u32 $0x1, v12;
	v9 =	vshrl.u32 v10, $0x10;
	v12 =	vld [tilespmem:s14+$0x80]  }
0x6a5: {  	v7 =	vadd.s32 v7, v8;
	v8 =	vand.u32 $0x1, v9;
	v16 =	vshrl.u32 v6, $0x10;
	v9 =	vld [tilespmem:s2+$0x80]  }
0x6a6: {  	v13 =	vadd.f32 v13, v15;
	v7 =	vadd.s32 $0x7FFF, v7;
	v8 =	vadd.s32 v8, v10;
	v10 =	vld [tilespmem:s14+$0xC0]  }
0x6a7: {  	v3 =	vadd.f32 v3, v5;
	v5 =	vshrl.u32 v7, $0x10;
	v7 =	vadd.s32 $0x7FFF, v8;
	v8 =	vld [tilespmem:s2+$0xC0]  }
0x6a8: {  	v14 =	vand.u32 $0x1, v14;
	v17 =	vshrl.u32 v13, $0x10;
	v15 =	vld [tilespmem:s22+$0xFFFFFF40];
	v7 =	vand.u32 $0xFFFF0000, v7  }
0x6a9: {  	v17 =	vand.u32 $0x1, v17;
	v18 =	vld [tilespmem:s15+$0xFFFFFF40];
	v19 =	vshrl.u32 v3, $0x10;
	v5 =	vor.u32 v5, v7  }
0x6aa: {  	v13 =	vadd.s32 v17, v13;
	v7 =	vld [tilespmem:s22+$0xFFFFFF00];
	v17 =	vand.u32 $0x1, v19;
	[tilespmem:s21+$0xFFFFFFB0] =	vst v5;
	v5 =	vand.u32 $0x1, v16  }
0x6ab: {  	v13 =	vadd.s32 $0x7FFF, v13;
	v16 =	vadd.s32 v17, v3;
	v17 =	vld [tilespmem:s14+$0xFFFFFF80];
	v3 =	vadd.s32 v14, v4  }
0x6ac: {  	v9 =	vadd.f32 v9, v12;
	v4 =	vadd.s32 $0x7FFF, v16;
	v14 =	vld [tilespmem:s2+$0xFFFFFF80];
	v8 =	vadd.f32 v8, v10  }
0x6ad: {  	v5 =	vadd.s32 v5, v6;
	v10 =	vshrl.u32 v13, $0x10;
	v4 =	vand.u32 $0xFFFF0000, v4;
	v12 =	vld [tilespmem:s14+$0xFFFFFFC0]  }
0x6ae: {  	s21 =	sadd.s32 $0x100, s21;
	v4 =	vor.u32 v10, v4;
	v6 =	vld [tilespmem:s2+$0xFFFFFFC0];
	v10 =	vshrl.u32 v9, $0x10;
	v13 =	vshrl.u32 v8, $0x10  }
0x6af: {  	v7 =	vadd.f32 v11, v7;
	[tilespmem:s21+$0x0] =	vst v4;
	v10 =	vand.u32 $0x1, v10;
	v11 =	vand.u32 $0x1, v13;
	v4 =	vld [tilespmem:s8+$0xFFFFFFF0];
	s8 =	smov.u32 s12;
	s12 =	smov.u32 s2;
	s2 =	smov.u32 s15  }
0x6b0: {  	v13 =	vadd.f32 v18, v15;
	v15 =	vld [tilespmem:s22+$0x10];
	v9 =	vadd.s32 v10, v9;
	v8 =	vadd.s32 v11, v8  }
0x6b1: {  	v10 =	vshrl.u32 v7, $0x10;
	v11 =	vld [tilespmem:s15+$0x10];
	v9 =	vadd.s32 $0x7FFF, v9;
	v8 =	vadd.s32 $0x7FFF, v8  }
0x6b2: {  	v16 =	vshrl.u32 v13, $0x10;
	v18 =	vld [tilespmem:s22+$0x50];
	v9 =	vshrl.u32 v9, $0x10;
	v8 =	vand.u32 $0xFFFF0000, v8  }
0x6b3: {  	v10 =	vand.u32 $0x1, v10;
	v16 =	vand.u32 $0x1, v16;
	v19 =	vld [tilespmem:s15+$0x50];
	v8 =	vor.u32 v9, v8  }
0x6b4: {  	v7 =	vadd.s32 v10, v7;
	v9 =	vadd.s32 v16, v13;
	v10 =	vadd.f32 v14, v17;
	[tilespmem:s19+$0x40] =	vst v8  }
0x6b5: {  	v6 =	vadd.f32 v6, v12;
	v7 =	vadd.s32 $0x7FFF, v7;
	v8 =	vadd.s32 $0x7FFF, v9;
	v9 =	vld [tilespmem:s14+$0x90]  }
0x6b6: {  	v7 =	vshrl.u32 v7, $0x10;
	v8 =	vand.u32 $0xFFFF0000, v8;
	v12 =	vshrl.u32 v10, $0x10;
	v13 =	vld [tilespmem:s12+$0x90]  }
0x6b7: {  	v7 =	vor.u32 v7, v8;
	v8 =	vadd.f32 v11, v15;
	v11 =	vshrl.u32 v6, $0x10;
	v14 =	vld [tilespmem:s14+$0xD0]  }
0x6b8: {  	v12 =	vand.u32 $0x1, v12;
	v11 =	vand.u32 $0x1, v11;
	[tilespmem:s21+$0xFFFFFF80] =	vst v7;
	v7 =	vadd.f32 v19, v18;
	v15 =	vld [tilespmem:s12+$0xD0]  }
0x6b9: {  	v10 =	vadd.s32 v12, v10;
	v17 =	vshrl.u32 v8, $0x10;
	v6 =	vadd.s32 v11, v6;
	v16 =	vld [tilespmem:s22+$0xFFFFFF10]  }
0x6ba: {  	v10 =	vadd.s32 $0x7FFF, v10;
	v12 =	vand.u32 $0x1, v17;
	v11 =	vld [tilespmem:s15+$0xFFFFFF10];
	v17 =	vshrl.u32 v7, $0x10  }
0x6bb: {  	v6 =	vadd.s32 $0x7FFF, v6;
	v8 =	vadd.s32 v12, v8;
	v18 =	vld [tilespmem:s22+$0xFFFFFF50];
	v12 =	vand.u32 $0x1, v17  }
0x6bc: {  	v10 =	vshrl.u32 v10, $0x10;
	v8 =	vadd.s32 $0x7FFF, v8;
	v17 =	vld [tilespmem:s15+$0xFFFFFF50];
	v7 =	vadd.s32 v12, v7  }
0x6bd: {  	v9 =	vadd.f32 v13, v9;
	v7 =	vadd.s32 $0x7FFF, v7;
	v12 =	vadd.f32 v15, v14  }
0x6be: {  	s20 =	sadd.s32 $0x2, s20;
	v6 =	vand.u32 $0xFFFF0000, v6;
	v8 =	vshrl.u32 v8, $0x10;
	v7 =	vand.u32 $0xFFFF0000, v7  }
0x6bf: {  	p0 =	slt.u32 s20, $0x26;
	v7 =	vor.u32 v8, v7;
	v8 =	vshrl.u32 v9, $0x10;
	v13 =	vshrl.u32 v12, $0x10  }
0x6c0: {  	v11 =	vadd.f32 v11, v16;
	[tilespmem:s21+$0x10] =	vst v7;
	v7 =	vand.u32 $0x1, v8;
	v8 =	vand.u32 $0x1, v13  }
0x6c1: {  	v13 =	vadd.f32 v17, v18;
	v14 =	vld [tilespmem:s22+$0x20];
	v7 =	vadd.s32 v7, v9;
	v8 =	vadd.s32 v8, v12  }
0x6c2: {  	v9 =	vshrl.u32 v11, $0x10;
	v12 =	vld [tilespmem:s15+$0x20];
	v7 =	vadd.s32 $0x7FFF, v7;
	v8 =	vadd.s32 $0x7FFF, v8  }
0x6c3: {  	v15 =	vshrl.u32 v13, $0x10;
	v16 =	vld [tilespmem:s22+$0x60];
	v7 =	vshrl.u32 v7, $0x10;
	v8 =	vand.u32 $0xFFFF0000, v8  }
0x6c4: {  	v9 =	vand.u32 $0x1, v9;
	v15 =	vand.u32 $0x1, v15;
	v17 =	vld [tilespmem:s15+$0x60];
	v7 =	vor.u32 v7, v8  }
0x6c5: {  	v6 =	vor.u32 v10, v6;
	v8 =	vadd.s32 v9, v11;
	v9 =	vadd.s32 v15, v13;
	[tilespmem:s19+$0x50] =	vst v7  }
0x6c6: {  	v3 =	vadd.s32 $0x7FFF, v3;
	v7 =	vadd.s32 $0x7FFF, v8;
	v8 =	vadd.s32 $0x7FFF, v9;
	[tilespmem:s19+$0xFFFFFFC0] =	vst v6;
	v6 =	vld [tilespmem:s14+$0xA0]  }
0x6c7: {  	v5 =	vadd.s32 $0x7FFF, v5;
	v7 =	vshrl.u32 v7, $0x10;
	v8 =	vand.u32 $0xFFFF0000, v8;
	v9 =	vld [tilespmem:s12+$0xA0]  }
0x6c8: {  	v3 =	vshrl.u32 v3, $0x10;
	v5 =	vand.u32 $0xFFFF0000, v5;
	v7 =	vor.u32 v7, v8;
	v8 =	vld [tilespmem:s14+$0xE0]  }
0x6c9: {  	v3 =	vor.u32 v3, v5;
	[tilespmem:s21+$0xFFFFFF90] =	vst v7;
	v7 =	vadd.f32 v12, v14;
	v10 =	vadd.f32 v17, v16;
	v11 =	vld [tilespmem:s12+$0xE0]  }
0x6ca: {  	v2 =	vand.u32 $0x1, v2;
	v1 =	vadd.f32 v4, v1;
	v5 =	vld [tilespmem:s22+$0xFFFFFF20];
	[tilespmem:s11+$0xFFFFFFE0] =	vst v3  }
0x6cb: {  	v0 =	vadd.s32 v2, v0;
	v3 =	vld [tilespmem:s15+$0xFFFFFF20];
	v4 =	vshrl.u32 v7, $0x10;
	v12 =	vshrl.u32 v10, $0x10  }
0x6cc: {  	v13 =	vshrl.u32 v1, $0x10;
	v2 =	vld [tilespmem:s22+$0xFFFFFF60];
	v4 =	vand.u32 $0x1, v4;
	v12 =	vand.u32 $0x1, v12  }
0x6cd: {  	v14 =	vld [tilespmem:s15+$0xFFFFFF60];
	v4 =	vadd.s32 v4, v7;
	v7 =	vadd.s32 v12, v10;
	v10 =	vand.u32 $0x1, v13  }
0x6ce: {  	v6 =	vadd.f32 v9, v6;
	v4 =	vadd.s32 $0x7FFF, v4;
	v12 =	vld [tilespmem:s14+$0xFFFFFF90];
	v8 =	vadd.f32 v11, v8  }
0x6cf: {  	v7 =	vadd.s32 $0x7FFF, v7;
	v1 =	vadd.s32 v10, v1;
	v4 =	vshrl.u32 v4, $0x10;
	v9 =	vld [tilespmem:s12+$0xFFFFFF90]  }
0x6d0: {  	v11 =	vshrl.u32 v6, $0x10;
	v7 =	vand.u32 $0xFFFF0000, v7;
	v10 =	vld [tilespmem:s14+$0xFFFFFFD0];
	v13 =	vshrl.u32 v8, $0x10  }
0x6d1: {  	v11 =	vand.u32 $0x1, v11;
	v4 =	vor.u32 v4, v7;
	v7 =	vld [tilespmem:s12+$0xFFFFFFD0];
	v13 =	vand.u32 $0x1, v13  }
0x6d2: {  	v3 =	vadd.f32 v3, v5;
	[tilespmem:s21+$0x20] =	vst v4;
	v4 =	vadd.s32 v11, v6;
	v5 =	vadd.s32 v13, v8;
	v6 =	vld [tilespmem:s13+$0xFFFFFFB0]  }
0x6d3: {  	v2 =	vadd.f32 v14, v2;
	v11 =	vld [tilespmem:s22+$0x30];
	v4 =	vadd.s32 $0x7FFF, v4;
	v5 =	vadd.s32 $0x7FFF, v5  }
0x6d4: {  	v8 =	vshrl.u32 v3, $0x10;
	v13 =	vld [tilespmem:s15+$0x30];
	v4 =	vshrl.u32 v4, $0x10;
	v5 =	vand.u32 $0xFFFF0000, v5  }
0x6d5: {  	v8 =	vand.u32 $0x1, v8;
	v14 =	vshrl.u32 v2, $0x10;
	v15 =	vld [tilespmem:s22+$0x70];
	v4 =	vor.u32 v4, v5  }
0x6d6: {  	v3 =	vadd.s32 v8, v3;
	v8 =	vadd.f32 v9, v12;
	v5 =	vand.u32 $0x1, v14;
	v14 =	vld [tilespmem:s15+$0x70];
	[tilespmem:s19+$0x60] =	vst v4  }
0x6d7: {  	v3 =	vadd.s32 $0x7FFF, v3;
	v2 =	vadd.s32 v5, v2;
	v4 =	vadd.f32 v7, v10;
	v5 =	vld [tilespmem:s14+$0xB0]  }
0x6d8: {  	v3 =	vshrl.u32 v3, $0x10;
	v7 =	vshrl.u32 v8, $0x10;
	v2 =	vadd.s32 $0x7FFF, v2;
	v16 =	vld [tilespmem:s12+$0xB0]  }
0x6d9: {  	v7 =	vand.u32 $0x1, v7;
	v2 =	vand.u32 $0xFFFF0000, v2;
	v9 =	vshrl.u32 v4, $0x10;
	v17 =	vld [tilespmem:s14+$0xF0]  }
0x6da: {  	v2 =	vor.u32 v3, v2;
	v3 =	vadd.s32 v7, v8;
	v7 =	vand.u32 $0x1, v9;
	v18 =	vld [tilespmem:s12+$0xF0]  }
0x6db: {  	v0 =	vadd.s32 $0x7FFF, v0;
	[tilespmem:s21+$0xFFFFFFA0] =	vst v2;
	v2 =	vadd.s32 $0x7FFF, v3;
	v3 =	vadd.s32 v7, v4;
	v4 =	vld [tilespmem:s8+$0xFFFFFFB0]  }
0x6dc: {  	v1 =	vadd.s32 $0x7FFF, v1;
	v8 =	vld [tilespmem:s22+$0xFFFFFF30];
	v2 =	vshrl.u32 v2, $0x10;
	v3 =	vadd.s32 $0x7FFF, v3  }
0x6dd: {  	v0 =	vshrl.u32 v0, $0x10;
	v1 =	vand.u32 $0xFFFF0000, v1;
	v9 =	vld [tilespmem:s15+$0xFFFFFF30];
	v3 =	vand.u32 $0xFFFF0000, v3  }
0x6de: {  	v19 =	vadd.f32 v13, v11;
	v12 =	vadd.f32 v14, v15;
	v10 =	vld [tilespmem:s22+$0xFFFFFF70];
	v2 =	vor.u32 v2, v3  }
0x6df: {  	v1 =	vor.u32 v0, v1;
	v3 =	vadd.f32 v16, v5;
	v11 =	vld [tilespmem:s15+$0xFFFFFF70];
	[tilespmem:s19+$0xFFFFFFD0] =	vst v2;
	v5 =	vadd.f32 v18, v17  }
.Ltmp5:
0x6e0: {  	v7 =	vshrl.u32 v19, $0x10;
	v2 =	vld [tilespmem:s14+$0xFFFFFFA0];
	v0 =	vadd.f32 v4, v6;
	[tilespmem:s7+$0xFFFFFFF0] =	vst v1;
	s7 =	smov.u32 s11;
	s11 =	smov.u32 s19;
	(pc) =	sbr.rel @p0 .LBB2_12-.Ltmp5, $4  }
0x6e1: {  	v1 =	vshrl.u32 v12, $0x10;
	v13 =	vshrl.u32 v3, $0x10;
	s19 =	smov.u32 s21;
	v4 =	vld [tilespmem:s12+$0xFFFFFFA0];
	v14 =	vshrl.u32 v5, $0x10  }
0x6e2: {  	v15 =	vand.u32 $0x1, v7;
	v16 =	vand.u32 $0x1, v13;
	v6 =	vld [tilespmem:s14+$0xFFFFFFE0];
	v14 =	vand.u32 $0x1, v14  }
0x6e3: {  	v13 =	vand.u32 $0x1, v1;
	v1 =	vadd.s32 v16, v3;
	v7 =	vld [tilespmem:s12+$0xFFFFFFE0];
	v3 =	vadd.s32 v14, v5  }
0x6e4: {  	v14 =	vadd.s32 v15, v19;
	v5 =	vadd.s32 $0x7FFF, v1;
	v3 =	vadd.s32 $0x7FFF, v3;
	v1 =	vld [tilespmem:s13+$0xFFFFFFF0];
	s13 =	smov.u32 s14;
	s14 =	smov.u32 s22;
	s22 =	sadd.s32 $0x200, s22  }
0x6e5: {  	v12 =	vadd.s32 v13, v12;
	v38 =	vadd.s32 $0x7FFF, v14  }
0x6e6: {  	v8 =	vadd.f32 v9, v8;
	v39 =	vadd.f32 v11, v10;
	v12 =	vadd.s32 $0x7FFF, v12  }
0x6e7: {  	v13 =	vshrl.u32 v38, $0x10;
	v12 =	vand.u32 $0xFFFF0000, v12  }
0x6e8: {  	v41 =	vshrl.u32 v8, $0x10;
	v11 =	vshrl.u32 v39, $0x10;
	v40 =	vor.u32 v13, v12  }
0x6e9: {  	v10 =	vand.u32 $0x1, v41;
	v11 =	vand.u32 $0x1, v11;
	[tilespmem:s21+$0x30] =	vst v40  }
0x6ea: {  	v8 =	vadd.s32 v10, v8;
	v9 =	vadd.s32 v11, v39;
	v42 =	vld [tilespmem:s14+$0x80]  }
0x6eb: {  	v43 =	vld [tilespmem:s2+$0x80];
	v8 =	vadd.s32 $0x7FFF, v8;
	v9 =	vadd.s32 $0x7FFF, v9  }
0x6ec: {  	v44 =	vld [tilespmem:s14+$0xC0];
	v8 =	vshrl.u32 v8, $0x10;
	v9 =	vand.u32 $0xFFFF0000, v9  }
0x6ed: {  	v45 =	vld [tilespmem:s2+$0xC0];
	v8 =	vor.u32 v8, v9  }
0x6ee: {  	[tilespmem:s21+$0xFFFFFFB0] =	vst v8  }
0x6ef: {  	v8 =	vld [tilespmem:s14+$0xFFFFFF80]  }
0x6f0: {  	v46 =	vld [tilespmem:s2+$0xFFFFFF80]  }
0x6f1: {  	v47 =	vld [tilespmem:s14+$0xFFFFFFC0]  }
0x6f2: {  	v48 =	vld [tilespmem:s2+$0xFFFFFFC0];
	v12 =	vadd.f32 v43, v42;
	v10 =	vadd.f32 v45, v44;
	_ =	sdelay $0x1  }
0x6f3: {  	v49 =	vshrl.u32 v12, $0x10;
	v15 =	vshrl.u32 v10, $0x10  }
0x6f4: {  	v14 =	vand.u32 $0x1, v49;
	v15 =	vand.u32 $0x1, v15  }
0x6f5: {  	v12 =	vadd.s32 v14, v12;
	v10 =	vadd.s32 v15, v10;
	v8 =	vadd.f32 v46, v8  }
0x6f6: {  	v50 =	vadd.f32 v48, v47;
	v12 =	vadd.s32 $0x7FFF, v12;
	v10 =	vadd.s32 $0x7FFF, v10  }
0x6f7: {  	v12 =	vshrl.u32 v12, $0x10;
	v10 =	vand.u32 $0xFFFF0000, v10  }
0x6f8: {  	v51 =	vshrl.u32 v8, $0x10;
	v52 =	vshrl.u32 v50, $0x10;
	v10 =	vor.u32 v12, v10  }
0x6f9: {  	v11 =	vand.u32 $0x1, v51;
	v12 =	vand.u32 $0x1, v52;
	[tilespmem:s19+$0x40] =	vst v10  }
0x6fa: {  	v8 =	vadd.s32 v11, v8;
	v9 =	vadd.s32 v12, v50;
	v10 =	vld [tilespmem:s14+$0x90]  }
0x6fb: {  	v53 =	vld [tilespmem:s2+$0x90];
	v8 =	vadd.s32 $0x7FFF, v8;
	v9 =	vadd.s32 $0x7FFF, v9  }
0x6fc: {  	v54 =	vld [tilespmem:s14+$0xD0];
	v8 =	vshrl.u32 v8, $0x10;
	v9 =	vand.u32 $0xFFFF0000, v9  }
0x6fd: {  	v55 =	vld [tilespmem:s2+$0xD0];
	v8 =	vor.u32 v8, v9  }
0x6fe: {  	[tilespmem:s19+$0xFFFFFFC0] =	vst v8  }
0x6ff: {  	v8 =	vld [tilespmem:s14+$0xFFFFFF90]  }
0x700: {  	v58 =	vld [tilespmem:s2+$0xFFFFFF90]  }
0x701: {  	v59 =	vld [tilespmem:s14+$0xFFFFFFD0]  }
0x702: {  	v60 =	vld [tilespmem:s2+$0xFFFFFFD0];
	v56 =	vadd.f32 v53, v10;
	v57 =	vadd.f32 v55, v54;
	_ =	sdelay $0x1  }
0x703: {  	v13 =	vshrl.u32 v56, $0x10;
	v14 =	vshrl.u32 v57, $0x10  }
0x704: {  	v13 =	vand.u32 $0x1, v13;
	v14 =	vand.u32 $0x1, v14  }
0x705: {  	v9 =	vadd.s32 v13, v56;
	v10 =	vadd.s32 v14, v57;
	v8 =	vadd.f32 v58, v8  }
0x706: {  	v61 =	vadd.f32 v60, v59;
	v9 =	vadd.s32 $0x7FFF, v9;
	v10 =	vadd.s32 $0x7FFF, v10  }
0x707: {  	v9 =	vshrl.u32 v9, $0x10;
	v10 =	vand.u32 $0xFFFF0000, v10  }
0x708: {  	v11 =	vshrl.u32 v8, $0x10;
	v12 =	vshrl.u32 v61, $0x10;
	v9 =	vor.u32 v9, v10  }
0x709: {  	v11 =	vand.u32 $0x1, v11;
	v12 =	vand.u32 $0x1, v12;
	[tilespmem:s19+$0x50] =	vst v9  }
0x70a: {  	v8 =	vadd.s32 v11, v8;
	v10 =	vadd.s32 v12, v61;
	v9 =	vld [tilespmem:s14+$0xA0]  }
0x70b: {  	v62 =	vld [tilespmem:s2+$0xA0];
	v8 =	vadd.s32 $0x7FFF, v8;
	v10 =	vadd.s32 $0x7FFF, v10  }
0x70c: {  	v2 =	vadd.f32 v4, v2;
	v63 =	vld [tilespmem:s14+$0xE0];
	v15 =	vshrl.u32 v8, $0x10;
	v16 =	vand.u32 $0xFFFF0000, v10  }
0x70d: {  	v12 =	vld [tilespmem:s2+$0xE0];
	v4 =	vor.u32 v15, v16  }
0x70e: {  	v6 =	vadd.f32 v7, v6;
	v17 =	vshrl.u32 v2, $0x10;
	[tilespmem:s19+$0xFFFFFFD0] =	vst v4  }
0x70f: {  	v7 =	vand.u32 $0x1, v17;
	v19 =	vld [tilespmem:s14+$0xFFFFFFA0]  }
0x710: {  	v18 =	vshrl.u32 v6, $0x10;
	v2 =	vadd.s32 v7, v2;
	v21 =	vld [tilespmem:s2+$0xFFFFFFA0]  }
0x711: {  	v2 =	vadd.s32 $0x7FFF, v2;
	v4 =	vand.u32 $0x1, v18;
	v22 =	vld [tilespmem:s14+$0xFFFFFFE0]  }
0x712: {  	v4 =	vadd.s32 v4, v6;
	v25 =	vld [tilespmem:s2+$0xFFFFFFE0];
	v9 =	vadd.f32 v62, v9;
	v20 =	vadd.f32 v12, v63  }
0x713: {  	v2 =	vshrl.u32 v2, $0x10;
	v4 =	vadd.s32 $0x7FFF, v4  }
0x714: {  	v4 =	vand.u32 $0xFFFF0000, v4;
	v23 =	vshrl.u32 v9, $0x10;
	v24 =	vshrl.u32 v20, $0x10  }
0x715: {  	v2 =	vor.u32 v2, v4;
	v7 =	vand.u32 $0x1, v23;
	v12 =	vand.u32 $0x1, v24  }
0x716: {  	v29 =	vld [tilespmem:s8+$0xFFFFFFF0];
	[tilespmem:s11+$0xFFFFFFE0] =	vst v2;
	v7 =	vadd.s32 v7, v9;
	v26 =	vadd.s32 v12, v20;
	v31 =	vadd.f32 v21, v19  }
0x717: {  	v6 =	vadd.f32 v25, v22;
	v32 =	vld [tilespmem:s13+$0xFFFFFFB0];
	v7 =	vadd.s32 $0x7FFF, v7;
	v9 =	vadd.s32 $0x7FFF, v26  }
0x718: {  	v37 =	vld [tilespmem:s12+$0xFFFFFFB0];
	v27 =	vshrl.u32 v7, $0x10;
	v28 =	vand.u32 $0xFFFF0000, v9  }
0x719: {  	v40 =	vld [tilespmem:s13+$0xFFFFFFF0];
	v8 =	vshrl.u32 v31, $0x10;
	v33 =	vshrl.u32 v6, $0x10;
	v30 =	vor.u32 v27, v28  }
0x71a: {  	v43 =	vld [tilespmem:s12+$0xFFFFFFF0];
	v8 =	vand.u32 $0x1, v8;
	v10 =	vand.u32 $0x1, v33;
	[tilespmem:s19+$0x60] =	vst v30  }
0x71b: {  	v5 =	vshrl.u32 v5, $0x10;
	v4 =	vadd.s32 v8, v31;
	v6 =	vadd.s32 v10, v6;
	v2 =	vld [tilespmem:s14+$0xB0]  }
0x71c: {  	v1 =	vadd.f32 v29, v1;
	v34 =	vld [tilespmem:s2+$0xB0];
	v4 =	vadd.s32 $0x7FFF, v4;
	v6 =	vadd.s32 $0x7FFF, v6  }
0x71d: {  	v38 =	vshrl.u32 v0, $0x10;
	v35 =	vld [tilespmem:s14+$0xF0];
	v4 =	vshrl.u32 v4, $0x10;
	v6 =	vand.u32 $0xFFFF0000, v6  }
0x71e: {  	v41 =	vand.u32 $0x1, v38;
	v39 =	vshrl.u32 v1, $0x10;
	v36 =	vld [tilespmem:s2+$0xF0];
	v4 =	vor.u32 v4, v6  }
0x71f: {  	v3 =	vand.u32 $0xFFFF0000, v3;
	v42 =	vand.u32 $0x1, v39;
	v44 =	vadd.s32 v41, v0;
	[tilespmem:s19+$0xFFFFFFE0] =	vst v4  }
0x720: {  	v1 =	vadd.s32 v42, v1;
	v0 =	vadd.s32 $0x7FFF, v44;
	v51 =	vadd.f32 v43, v40;
	v4 =	vld [tilespmem:s14+$0xFFFFFFB0]  }
0x721: {  	v3 =	vor.u32 v5, v3;
	v1 =	vadd.s32 $0x7FFF, v1;
	v0 =	vshrl.u32 v0, $0x10;
	v46 =	vld [tilespmem:s2+$0xFFFFFFB0]  }
0x722: {  	v1 =	vand.u32 $0xFFFF0000, v1;
	v7 =	vadd.f32 v37, v32;
	v53 =	vshrl.u32 v51, $0x10;
	v48 =	vld [tilespmem:s14+$0xFFFFFFF0]  }
0x723: {  	v9 =	vand.u32 $0x1, v53;
	v50 =	vld [tilespmem:s2+$0xFFFFFFF0];
	v2 =	vadd.f32 v34, v2;
	v45 =	vadd.f32 v36, v35  }
0x724: {  	v0 =	vor.u32 v0, v1;
	v52 =	vshrl.u32 v7, $0x10;
	v5 =	vadd.s32 v9, v51  }
0x725: {  	v5 =	vadd.s32 $0x7FFF, v5;
	v47 =	vshrl.u32 v2, $0x10;
	v49 =	vshrl.u32 v45, $0x10  }
0x726: {  	v60 =	vand.u32 $0xFFFF0000, v5;
	v8 =	vand.u32 $0x1, v47;
	v1 =	vand.u32 $0x1, v49  }
0x727: {  	v2 =	vadd.s32 v8, v2;
	v1 =	vadd.s32 v1, v45;
	v8 =	vand.u32 $0x1, v52  }
0x728: {  	v4 =	vadd.f32 v46, v4;
	v54 =	vadd.f32 v50, v48;
	v2 =	vadd.s32 $0x7FFF, v2  }
0x729: {  	v1 =	vadd.s32 $0x7FFF, v1;
	v55 =	vadd.s32 v8, v7;
	v2 =	vshrl.u32 v2, $0x10  }
0x72a: {  	v1 =	vand.u32 $0xFFFF0000, v1;
	v56 =	vshrl.u32 v4, $0x10;
	v57 =	vshrl.u32 v54, $0x10  }
0x72b: {  	v1 =	vor.u32 v2, v1;
	v7 =	vand.u32 $0x1, v56;
	v8 =	vand.u32 $0x1, v57  }
0x72c: {  	[tilespmem:s11+$0x70] =	vst v3;
	v2 =	vadd.s32 $0x7FFF, v55;
	v58 =	vadd.s32 v7, v4;
	v59 =	vadd.s32 v8, v54  }
0x72d: {  	[tilespmem:s7+$0xFFFFFFF0] =	vst v0;
	v2 =	vshrl.u32 v2, $0x10;
	v3 =	vadd.s32 $0x7FFF, v58;
	v4 =	vadd.s32 $0x7FFF, v59  }
0x72e: {  	[tilespmem:s19+$0x70] =	vst v1;
	v0 =	vor.u32 v2, v60;
	v61 =	vshrl.u32 v3, $0x10;
	v62 =	vand.u32 $0xFFFF0000, v4  }
0x72f: {  	[tilespmem:s11+$0xFFFFFFF0] =	vst v0;
	v63 =	vor.u32 v61, v62  }
0x730: {  	[tilespmem:s19+$0xFFFFFFF0] =	vst v63  }
0x731: {  	s21 =	rddreg [dreg:$0x6]  }
0x732: {  	[hbm4b:s21+s3] =	stream.linear.scatter [tilespmem:s29], [sflag:$0x4], $0x1400, $0x38;
	[tilespmem:$0x1AC00] =	vst v63  }
0x733: {  	_ =	swait.ge [sflag:s23], $0x1400  }
0x734: {  	[sflag:s23] =	ssyncset.done $0x0  }
0x735: {  	[sflag:s23] =	ssyncadd.s32 $0xFFFFEC00  }
0x736: {  	_ =	swait.ge [sflag:s30], $0x2800  }
0x737: {  	[sflag:s30] =	ssyncset.done $0x0  }
0x738: {  	[sflag:s30] =	ssyncadd.s32 $0xFFFFD800  }
0x739: {  	_ =	swait.ge [sflag:s30], $0x2800  }
0x73a: {  	[sflag:s30] =	ssyncset.done $0x0  }
0x73b: {  	s22 =	simm.s32 $0x5;
	[sflag:s30] =	ssyncadd.s32 $0xFFFFD800  }
0x73c: {  	_ =	swait.ge [sflag:s22], $0x1400  }
0x73d: {  	[sflag:s22] =	ssyncset.done $0x0  }
0x73e: {  	[sflag:s22] =	ssyncadd.s32 $0xFFFFEC00  }
0x73f: {  	_ =	swait.ge [sflag:s0], $0x2800  }
0x740: {  	[sflag:s0] =	ssyncset.done $0x0  }
0x741: {  	[sflag:s0] =	ssyncadd.s32 $0xFFFFD800  }
0x742: {  	_ =	swait.ge [sflag:s0], $0x2800  }
0x743: {  	[sflag:s0] =	ssyncset.done $0x0  }
0x744: {  	s23 =	simm.s32 $0x6;
	[sflag:s0] =	ssyncadd.s32 $0xFFFFD800  }
0x745: {  	_ =	swait.ge [sflag:s23], $0x1400  }
0x746: {  	s25 =	rddreg [dreg:$0x8]  }
0x747: {  	s31 =	rddreg [dreg:$0x7];
	s8 =	sadd.s32 $0x1, s25  }
0x748: {  	p0 =	sne.s32 s8, s31  }
.Ltmp6:
0x749: {  	_ = 	snop;
	(pc) =	sbr.rel @p0 .LBB2_1-.Ltmp6, $3  }
0x74a: {  	_ =	sdelay $0x1  }
0x74b: {  	[sflag:s23] =	ssyncset.done $0x0  }
0x74c: {  	[sflag:s23] =	ssyncadd.s32 $0xFFFFEC00  }
0x74d: {  	_ =	sfence.sel $0x180000  }
0x74e: {  	[bflag:$0x0] =	sbarrier.arrive $0xFFFF  }
0x74f: {  	_ =	strace $0x90000047  }
0x750: {  	s0 =	stileid.u32;
	[bflag:$0x2] =	sbarrier.arrive $0xFFFF  }
0x751: {  	p0 =	sne.s32 s0, $0x0;
	s0 =	rddreg [dreg:$0x2]  }
0x752: {  	s0 =	sadd.s32 @!p0 $0x100000, s0  }
0x753: {  	[sflag:s0] =	ssyncadd.tile.s32 @!p0 $0x1;
	_ =	shalt  }
.Lfunc_end2:
_tile_overlayer_lowered:
.L_overlay_start_2:
0x754: {  	(tag) =	ssettag $0x2  }
0x755: {  	s0 =	rddreg [dreg:$0x0];
	s2 =	stileid.u32  }
0x756: {  	s1 =	rddreg [dreg:$0x1];
	p0 =	sne.s32 s2, $0x0  }
0x757: {  	s3 =	rddreg [dreg:$0x2];
	[bflag:$0x3] =	sbarrier.arrive $0xFFFF;
	s2 =	simm.s32 @!p0 $0x1C07  }
0x758: {  	[timem:s3], [sflag:s2] =	dma.local @!p0 [hbm:s0], s1  }
0x759: {  	s0 =	simm.s32 @!p0 $0x7  }
0x75a: {  	_ =	swait.ge @!p0 [sflag:s0], s1  }
0x75b: {  	s1 =	ssub.s32 @!p0 $0x0, s1;
	[sflag:s0] =	ssyncset.done @!p0 $0x0  }
0x75c: {  	[sflag:s0] =	ssyncadd.s32 @!p0 s1  }
0x75d: {  	[bflag:$0x3] =	sbarrier.arrive $0xFFFF  }
0x75e: {  	_ =	shalt  }

</sc_bundles>
